<compile_context>
chip_gen: v7x
topology: tpu7x:2x2x1
jax: 0.10.2.dev20260603
libtpu: 0.0.44.dev20260713+nightly
codegen_flags: <defaults>
</compile_context>

<pallas_src>
import functools

import jax
import jax.numpy as jnp
from jax import lax
from jax.experimental import pallas as pl
from jax.experimental.pallas import tpu as pltpu
from jax.experimental.pallas import tpu_sc as plsc

_NC = 2
_NS = 16
_NW = _NC * _NS
_LANES = 16


@functools.partial(jax.jit, static_argnums=(2, 3))
def _sc_pos_add(x, pos_weight, t_lo, ts):
    B, T, D = x.shape
    t_per = ts // _NW
    CH = min(16, t_per)
    n_ch = t_per // CH
    n_vec_row = D // _LANES
    UNROLL = 8
    n_steps = n_ch * B
    n_g = n_steps // 2

    mesh = plsc.VectorSubcoreMesh(core_axis_name="c", subcore_axis_name="s")

    @functools.partial(
        pl.kernel,
        mesh=mesh,
        compiler_params=pltpu.CompilerParams(skip_device_barrier=True),
        out_type=jax.ShapeDtypeStruct((B, ts, D), jnp.float32),
        scratch_types=[
            pltpu.VMEM((CH, D), jnp.float32),
            pltpu.VMEM((CH, D), jnp.float32),
            pltpu.VMEM((CH, D), jnp.float32),
            pltpu.VMEM((CH, D), jnp.float32),
            pltpu.VMEM((CH, D), jnp.float32),
            pltpu.SemaphoreType.DMA,
            pltpu.SemaphoreType.DMA,
            pltpu.SemaphoreType.DMA,
            pltpu.SemaphoreType.DMA,
        ],
    )
    def k(x_hbm, pos_hbm, out_hbm, pos_v, x0, x1, o0, o1, sx0, sx1, so0, so1):
        w = lax.axis_index("s") * _NC + lax.axis_index("c")
        t0 = w * t_per
        xbufs, obufs = (x0, x1), (o0, o1)
        sxs, sos = (sx0, sx1), (so0, so1)

        def coords(s):
            c = s // B
            b = s - c * B
            return b, t0 + c * CH

        for u in (0, 1):
            b, r = coords(u)
            pltpu.async_copy(x_hbm.at[b, pl.ds(t_lo + r, CH)], xbufs[u], sxs[u])

        def g_body(g, _):
            for u in (0, 1):
                s = g * 2 + u
                b, row0 = coords(s)
                xv, ov = xbufs[u], obufs[u]
                sx, so = sxs[u], sos[u]

                @pl.when(b == 0)
                def _():
                    pltpu.sync_copy(
                        pos_hbm.at[pl.ds(t_lo + row0, CH)], pos_v
                    )

                pltpu.make_async_copy(x_hbm.at[0, pl.ds(0, CH)], xv, sx).wait()

                @pl.when(g > 0)
                def _():
                    pltpu.make_async_copy(
                        ov, out_hbm.at[0, pl.ds(0, CH)], so
                    ).wait()

                def add_body(j, _):
                    base = j * (_LANES * UNROLL)
                    for r in range(CH):
                        for uu in range(UNROLL):
                            off = base + uu * _LANES
                            ov[r, pl.ds(off, _LANES)] = (
                                xv[r, pl.ds(off, _LANES)]
                                + pos_v[r, pl.ds(off, _LANES)]
                            )
                    return 0

                lax.fori_loop(
                    0, n_vec_row // UNROLL, add_body, 0, unroll=False
                )

                pltpu.async_copy(ov, out_hbm.at[b, pl.ds(row0, CH)], so)

                @pl.when(g < n_g - 1)
                def _():
                    b2, row2 = coords(s + 2)
                    pltpu.async_copy(
                        x_hbm.at[b2, pl.ds(t_lo + row2, CH)], xv, sx
                    )
            return 0

        lax.fori_loop(0, n_g, g_body, 0, unroll=False)
        pltpu.make_async_copy(o0, out_hbm.at[0, pl.ds(0, CH)], so0).wait()
        pltpu.make_async_copy(o1, out_hbm.at[0, pl.ds(0, CH)], so1).wait()

    return k(x, pos_weight)


def _tc_add_body(x_ref, p_ref, o_ref):
    o_ref[...] = x_ref[...] + p_ref[...]


def _tc_pos_add(x, pos_weight, n_t, BLK):
    B, T, D = x.shape
    return pl.pallas_call(
        _tc_add_body,
        grid=(n_t // BLK,),
        in_specs=[
            pl.BlockSpec((B, BLK, D), lambda t: (0, t, 0)),
            pl.BlockSpec((BLK, D), lambda t: (t, 0)),
        ],
        out_specs=pl.BlockSpec((B, BLK, D), lambda t: (0, t, 0)),
        out_shape=jax.ShapeDtypeStruct((B, T, D), x.dtype),
    )(x, pos_weight)


def kernel(x, pos_weight):
    B, T, D = x.shape
    TS = T // 32
    n_t = T - TS
    BLK = next(b for b in (512, 496, 384, 256, 128, 64, 8) if n_t % b == 0)
    tc_out = _tc_pos_add(x, pos_weight, n_t, BLK)
    sc_out = _sc_pos_add(x, pos_weight, T - TS, TS)
    return lax.dynamic_update_slice(tc_out, sc_out, (0, T - TS, 0))

# --- scband reference (transcript-rebuilt; emitter-appended) ---
"""Pipeline reference for scband-learned-positional-embedding-21139829031810 (READ-ONLY COPY).

The authoritative reference and input builder live on the scoring server;
editing this copy changes nothing except your own understanding.
"""

import jax, jax.numpy as jnp
import numpy as np

N_CTX = 8192
D_MODEL = 1024

def setup_inputs(seed: int = 0) -> dict:
    key = jax.random.key(seed)
    k1, k2 = jax.random.split(key)
    x = jax.random.normal(k1, (4, 8192, D_MODEL), dtype=jnp.float32)
    pos_weight = jax.random.normal(k2, (N_CTX, D_MODEL), dtype=jnp.float32) * 0.02
    return {"x": x, "pos_weight": pos_weight}

def reference(x, pos_weight):
    B, T, D = x.shape
    pos = jnp.arange(T)
    P = jnp.take(pos_weight, pos, axis=0)[None, :, :]
    return x + P

if __name__ == "__main__":
    import jax
    _d = setup_inputs()
    print(jax.jit(kernel)(*tuple(_d.values())))

</pallas_src>

<mosaic_0001>
#map = affine_map<(d0, d1) -> (0, 0, 0)>
#map1 = affine_map<(d0, d1) -> (0, 0)>
module attributes {stable_mosaic.version = 14 : i64} {
  func.func @k(%arg0: i32, %arg1: i32, %arg2: memref<4x8192x1024xf32, #tpu.memory_space<hbm>>, %arg3: memref<8192x1024xf32, #tpu.memory_space<hbm>>, %arg4: memref<4x256x1024xf32, #tpu.memory_space<hbm>>, %arg5: memref<8x1024xf32, #tpu.memory_space<vmem>>, %arg6: memref<8x1024xf32, #tpu.memory_space<vmem>>, %arg7: memref<8x1024xf32, #tpu.memory_space<vmem>>, %arg8: memref<8x1024xf32, #tpu.memory_space<vmem>>, %arg9: memref<8x1024xf32, #tpu.memory_space<vmem>>, %arg10: memref<!tpu.dma_semaphore, #tpu.memory_space<semaphore_mem>>, %arg11: memref<!tpu.dma_semaphore, #tpu.memory_space<semaphore_mem>>, %arg12: memref<!tpu.dma_semaphore, #tpu.memory_space<semaphore_mem>>, %arg13: memref<!tpu.dma_semaphore, #tpu.memory_space<semaphore_mem>>) attributes {dimension_semantics = [#tpu.dimension_semantics<core_parallel>, #tpu.dimension_semantics<subcore_parallel>], iteration_bounds = array<i64: 2, 16>, scalar_prefetch = 0 : i64, scratch_operands = 9 : i64, tpu.core_type = #tpu.core_type<sc_vector_subcore>, window_params = [{transform_indices = #map}, {transform_indices = #map1}, {transform_indices = #map}]} {
    %mul3A = arith.constant 2 : i32
    %mul3A_0 = arith.muli %arg1, %mul3A : i32
    %add3A = arith.addi %mul3A_0, %arg0 : i32
    %mul3A_1 = arith.constant 8 : i32
    %mul3A_2 = arith.muli %add3A, %mul3A_1 : i32
    %add3A_3 = arith.constant 0 : i32
    %add3A_4 = arith.addi %mul3A_2, %add3A_3 : i32
    %add3A_5 = arith.constant 7936 : i32
    %add3A_6 = arith.addi %add3A_5, %add3A_4 : i32
    %dma_start3A = arith.constant 0 : i32
    %dma_start3A_7 = arith.constant 0 : i32
    %dma_start3A_8 = tpu.memref_slice %arg2[%dma_start3A, %add3A_6, %dma_start3A_7] : memref<4x8192x1024xf32, #tpu.memory_space<hbm>> -> memref<1x8x1024xf32, #tpu.memory_space<hbm>>
    %dma_start3A_9 = tpu.memref_squeeze %dma_start3A_8 : memref<1x8x1024xf32, #tpu.memory_space<hbm>> -> memref<8x1024xf32, #tpu.memory_space<hbm>>
    %dma_start3A_10 = arith.constant 0 : i32
    %dma_start3A_11 = tpu.memref_slice %arg2[%dma_start3A, %add3A_6, %dma_start3A_10] : memref<4x8192x1024xf32, #tpu.memory_space<hbm>> -> memref<1x8x1024xf32, #tpu.memory_space<hbm>>
    %dma_start3A_12 = tpu.memref_squeeze %dma_start3A_11 : memref<1x8x1024xf32, #tpu.memory_space<hbm>> -> memref<8x1024xf32, #tpu.memory_space<hbm>>
    tpu.enqueue_dma source(%dma_start3A_12 : memref<8x1024xf32, #tpu.memory_space<hbm>>) target(%arg6 : memref<8x1024xf32, #tpu.memory_space<vmem>>) target_semaphore(%arg10 : memref<!tpu.dma_semaphore, #tpu.memory_space<semaphore_mem>>)
    %add3A_13 = arith.constant 0 : i32
    %add3A_14 = arith.addi %mul3A_2, %add3A_13 : i32
    %add3A_15 = arith.constant 7936 : i32
    %add3A_16 = arith.addi %add3A_15, %add3A_14 : i32
    %dma_start3A_17 = arith.constant 1 : i32
    %dma_start3A_18 = arith.constant 0 : i32
    %dma_start3A_19 = tpu.memref_slice %arg2[%dma_start3A_17, %add3A_16, %dma_start3A_18] : memref<4x8192x1024xf32, #tpu.memory_space<hbm>> -> memref<1x8x1024xf32, #tpu.memory_space<hbm>>
    %dma_start3A_20 = tpu.memref_squeeze %dma_start3A_19 : memref<1x8x1024xf32, #tpu.memory_space<hbm>> -> memref<8x1024xf32, #tpu.memory_space<hbm>>
    %dma_start3A_21 = arith.constant 0 : i32
    %dma_start3A_22 = tpu.memref_slice %arg2[%dma_start3A_17, %add3A_16, %dma_start3A_21] : memref<4x8192x1024xf32, #tpu.memory_space<hbm>> -> memref<1x8x1024xf32, #tpu.memory_space<hbm>>
    %dma_start3A_23 = tpu.memref_squeeze %dma_start3A_22 : memref<1x8x1024xf32, #tpu.memory_space<hbm>> -> memref<8x1024xf32, #tpu.memory_space<hbm>>
    tpu.enqueue_dma source(%dma_start3A_23 : memref<8x1024xf32, #tpu.memory_space<hbm>>) target(%arg7 : memref<8x1024xf32, #tpu.memory_space<vmem>>) target_semaphore(%arg11 : memref<!tpu.dma_semaphore, #tpu.memory_space<semaphore_mem>>)
    %scan3A = arith.constant 0 : i32
    %scan3A_24 = arith.constant 0 : i32
    %scan3A_25 = arith.constant 2 : i32
    %scan3A_26 = arith.addi %scan3A_24, %scan3A_25 : i32
    %scan3A_27 = arith.constant 1 : i32
    %scan3A_28 = scf.for %scan3A_47 = %scan3A_24 to %scan3A_26 step %scan3A_27 iter_args(%scan3A_48 = %scan3A) -> (i32)  : i32 {
      %mul3A_49 = arith.constant 2 : i32
      %mul3A_50 = arith.muli %scan3A_47, %mul3A_49 : i32
      %add3A_51 = arith.constant 0 : i32
      %add3A_52 = arith.addi %mul3A_50, %add3A_51 : i32
      %jit3A = arith.constant 4 : i32
      %div3A = arith.divsi %add3A_52, %jit3A : i32
      %sign3A = arith.constant 0 : i32
      %sign3A_53 = arith.cmpi sgt, %add3A_52, %sign3A : i32
      %sign3A_54 = arith.extui %sign3A_53 : i1 to i32
      %sign3A_55 = arith.constant 0 : i32
      %sign3A_56 = arith.cmpi slt, %add3A_52, %sign3A_55 : i32
      %sign3A_57 = arith.extui %sign3A_56 : i1 to i32
      %sign3A_58 = arith.subi %sign3A_54, %sign3A_57 : i32
      %sign3A_59 = arith.constant 0 : i32
      %sign3A_60 = arith.cmpi sgt, %jit3A, %sign3A_59 : i32
      %sign3A_61 = arith.extui %sign3A_60 : i1 to i32
      %sign3A_62 = arith.constant 0 : i32
      %sign3A_63 = arith.cmpi slt, %jit3A, %sign3A_62 : i32
      %sign3A_64 = arith.extui %sign3A_63 : i1 to i32
      %sign3A_65 = arith.subi %sign3A_61, %sign3A_64 : i32
      %ne3A = arith.cmpi ne, %sign3A_58, %sign3A_65 : i32
      %rem3A = arith.remsi %add3A_52, %jit3A : i32
      %ne3A_66 = arith.constant 0 : i32
      %ne3A_67 = arith.cmpi ne, %rem3A, %ne3A_66 : i32
      %and3A = arith.andi %ne3A, %ne3A_67 : i1
      %sub3A = arith.constant 1 : i32
      %sub3A_68 = arith.subi %div3A, %sub3A : i32
      %select_n3A = arith.select %and3A, %sub3A_68, %div3A : i32
      %mul3A_69 = arith.constant 4 : i32
      %mul3A_70 = arith.muli %select_n3A, %mul3A_69 : i32
      %sub3A_71 = arith.subi %add3A_52, %mul3A_70 : i32
      %mul3A_72 = arith.constant 8 : i32
      %mul3A_73 = arith.muli %select_n3A, %mul3A_72 : i32
      %add3A_74 = arith.addi %mul3A_2, %mul3A_73 : i32
      %eq3A = arith.constant 0 : i32
      %eq3A_75 = arith.cmpi eq, %sub3A_71, %eq3A : i32
      %convert_element_type3A = arith.extui %eq3A_75 : i1 to i32
      %cond3A = arith.constant 0 : i32
      %cond3A_76 = arith.cmpi ne, %convert_element_type3A, %cond3A : i32
      scf.if %cond3A_76 {
        %add3A_179 = arith.constant 7936 : i32
        %add3A_180 = arith.addi %add3A_179, %add3A_74 : i32
        "tpu.region"() ({
          %run_scoped3A = tpu.sem_alloc : memref<!tpu.dma_semaphore, #tpu.memory_space<semaphore_mem>>
          %dma_start3A_181 = arith.constant 0 : i32
          %dma_start3A_182 = tpu.memref_slice %arg3[%add3A_180, %dma_start3A_181] : memref<8192x1024xf32, #tpu.memory_space<hbm>> -> memref<8x1024xf32, #tpu.memory_space<hbm>>
          %dma_start3A_183 = arith.constant 0 : i32
          %dma_start3A_184 = tpu.memref_slice %arg3[%add3A_180, %dma_start3A_183] : memref<8192x1024xf32, #tpu.memory_space<hbm>> -> memref<8x1024xf32, #tpu.memory_space<hbm>>
          tpu.enqueue_dma source(%dma_start3A_184 : memref<8x1024xf32, #tpu.memory_space<hbm>>) target(%arg5 : memref<8x1024xf32, #tpu.memory_space<vmem>>) target_semaphore(%run_scoped3A : memref<!tpu.dma_semaphore, #tpu.memory_space<semaphore_mem>>)
          %dma_wait3A_185 = arith.constant 0 : i32
          %dma_wait3A_186 = tpu.memref_slice %arg3[%add3A_180, %dma_wait3A_185] : memref<8192x1024xf32, #tpu.memory_space<hbm>> -> memref<8x1024xf32, #tpu.memory_space<hbm>>
          %dma_wait3A_187 = arith.constant 0 : i32
          %dma_wait3A_188 = tpu.memref_slice %arg3[%add3A_180, %dma_wait3A_187] : memref<8192x1024xf32, #tpu.memory_space<hbm>> -> memref<8x1024xf32, #tpu.memory_space<hbm>>
          tpu.wait_dma2 semaphore(%run_scoped3A : memref<!tpu.dma_semaphore, #tpu.memory_space<semaphore_mem>>) src(%dma_wait3A_188 : memref<8x1024xf32, #tpu.memory_space<hbm>>) dst(%arg5 : memref<8x1024xf32, #tpu.memory_space<vmem>>)
          tpu.yield
        }) : () -> ()
      } else {
      }
      %dma_wait3A_77 = arith.constant 0 : i32
      %dma_wait3A_78 = arith.constant 0 : i32
      %dma_wait3A_79 = arith.constant 0 : i32
      %dma_wait3A_80 = tpu.memref_slice %arg2[%dma_wait3A_77, %dma_wait3A_78, %dma_wait3A_79] : memref<4x8192x1024xf32, #tpu.memory_space<hbm>> -> memref<1x8x1024xf32, #tpu.memory_space<hbm>>
      %dma_wait3A_81 = tpu.memref_squeeze %dma_wait3A_80 : memref<1x8x1024xf32, #tpu.memory_space<hbm>> -> memref<8x1024xf32, #tpu.memory_space<hbm>>
      %dma_wait3A_82 = arith.constant 0 : i32
      %dma_wait3A_83 = arith.constant 0 : i32
      %dma_wait3A_84 = tpu.memref_slice %arg2[%dma_wait3A_77, %dma_wait3A_82, %dma_wait3A_83] : memref<4x8192x1024xf32, #tpu.memory_space<hbm>> -> memref<1x8x1024xf32, #tpu.memory_space<hbm>>
      %dma_wait3A_85 = tpu.memref_squeeze %dma_wait3A_84 : memref<1x8x1024xf32, #tpu.memory_space<hbm>> -> memref<8x1024xf32, #tpu.memory_space<hbm>>
      tpu.wait_dma2 semaphore(%arg10 : memref<!tpu.dma_semaphore, #tpu.memory_space<semaphore_mem>>) src(%dma_wait3A_85 : memref<8x1024xf32, #tpu.memory_space<hbm>>) dst(%arg6 : memref<8x1024xf32, #tpu.memory_space<vmem>>)
      %gt3A = arith.constant 0 : i32
      %gt3A_86 = arith.cmpi sgt, %scan3A_47, %gt3A : i32
      %convert_element_type3A_87 = arith.extui %gt3A_86 : i1 to i32
      %cond3A_88 = arith.constant 0 : i32
      %cond3A_89 = arith.cmpi ne, %convert_element_type3A_87, %cond3A_88 : i32
      scf.if %cond3A_89 {
        %dma_wait3A_179 = arith.constant 0 : i32
        %dma_wait3A_180 = arith.constant 0 : i32
        %dma_wait3A_181 = arith.constant 0 : i32
        %dma_wait3A_182 = tpu.memref_slice %arg4[%dma_wait3A_179, %dma_wait3A_180, %dma_wait3A_181] : memref<4x256x1024xf32, #tpu.memory_space<hbm>> -> memref<1x8x1024xf32, #tpu.memory_space<hbm>>
        %dma_wait3A_183 = tpu.memref_squeeze %dma_wait3A_182 : memref<1x8x1024xf32, #tpu.memory_space<hbm>> -> memref<8x1024xf32, #tpu.memory_space<hbm>>
        %dma_wait3A_184 = arith.constant 0 : i32
        %dma_wait3A_185 = arith.constant 0 : i32
        %dma_wait3A_186 = tpu.memref_slice %arg4[%dma_wait3A_179, %dma_wait3A_184, %dma_wait3A_185] : memref<4x256x1024xf32, #tpu.memory_space<hbm>> -> memref<1x8x1024xf32, #tpu.memory_space<hbm>>
        %dma_wait3A_187 = tpu.memref_squeeze %dma_wait3A_186 : memref<1x8x1024xf32, #tpu.memory_space<hbm>> -> memref<8x1024xf32, #tpu.memory_space<hbm>>
        tpu.wait_dma2 semaphore(%arg12 : memref<!tpu.dma_semaphore, #tpu.memory_space<semaphore_mem>>) src(%arg8 : memref<8x1024xf32, #tpu.memory_space<vmem>>) dst(%dma_wait3A_187 : memref<8x1024xf32, #tpu.memory_space<hbm>>)
      } else {
      }
      %scan3A_90 = arith.constant 0 : i32
      %scan3A_91 = arith.constant 0 : i32
      %scan3A_92 = arith.constant 8 : i32
      %scan3A_93 = arith.addi %scan3A_91, %scan3A_92 : i32
      %scan3A_94 = arith.constant 1 : i32
      %scan3A_95 = scf.for %scan3A_179 = %scan3A_91 to %scan3A_93 step %scan3A_94 iter_args(%scan3A_180 = %scan3A_90) -> (i32)  : i32 {
        %mul3A_181 = arith.constant 128 : i32
        %mul3A_182 = arith.muli %scan3A_179, %mul3A_181 : i32
        %add3A_183 = arith.constant 0 : i32
        %add3A_184 = arith.addi %mul3A_182, %add3A_183 : i32
        %get3A = arith.constant 0 : i32
        %get3A_185 = arith.index_cast %get3A : i32 to index
        %get3A_186 = arith.index_cast %add3A_184 : i32 to index
        %get3A_187 = tpu.vector_load %arg6[%get3A_185, %get3A_186] {strides = array<i32>} : memref<8x1024xf32, #tpu.memory_space<vmem>>, vector<1x16xf32>,
        %get3A_188 = vector.shape_cast %get3A_187 : vector<1x16xf32> to vector<16xf32>
        %get3A_189 = arith.constant 0 : i32
        %get3A_190 = arith.index_cast %get3A_189 : i32 to index
        %get3A_191 = arith.index_cast %add3A_184 : i32 to index
        %get3A_192 = tpu.vector_load %arg5[%get3A_190, %get3A_191] {strides = array<i32>} : memref<8x1024xf32, #tpu.memory_space<vmem>>, vector<1x16xf32>,
        %get3A_193 = vector.shape_cast %get3A_192 : vector<1x16xf32> to vector<16xf32>
        %add3A_194 = arith.addf %get3A_188, %get3A_193 : vector<16xf32>
        %swap3A = arith.constant 0 : i32
        %swap3A_195 = arith.index_cast %swap3A : i32 to index
        %swap3A_196 = arith.index_cast %add3A_184 : i32 to index
        %swap3A_197 = tpu.vector_load %arg8[%swap3A_195, %swap3A_196] {strides = array<i32>} : memref<8x1024xf32, #tpu.memory_space<vmem>>, vector<1x16xf32>,
        %swap3A_198 = vector.shape_cast %swap3A_197 : vector<1x16xf32> to vector<16xf32>
        %swap3A_199 = vector.shape_cast %add3A_194 : vector<16xf32> to vector<1x16xf32>
        tpu.vector_store %arg8[%swap3A_195, %swap3A_196], %swap3A_199 {strides = array<i32>} : memref<8x1024xf32, #tpu.memory_space<vmem>>, vector<1x16xf32>,
        %add3A_200 = arith.constant 16 : i32
        %add3A_201 = arith.addi %mul3A_182, %add3A_200 : i32
        %get3A_202 = arith.constant 0 : i32
        %get3A_203 = arith.index_cast %get3A_202 : i32 to index
        %get3A_204 = arith.index_cast %add3A_201 : i32 to index
        %get3A_205 = tpu.vector_load %arg6[%get3A_203, %get3A_204] {strides = array<i32>} : memref<8x1024xf32, #tpu.memory_space<vmem>>, vector<1x16xf32>,
        %get3A_206 = vector.shape_cast %get3A_205 : vector<1x16xf32> to vector<16xf32>
        %get3A_207 = arith.constant 0 : i32
        %get3A_208 = arith.index_cast %get3A_207 : i32 to index
        %get3A_209 = arith.index_cast %add3A_201 : i32 to index
        %get3A_210 = tpu.vector_load %arg5[%get3A_208, %get3A_209] {strides = array<i32>} : memref<8x1024xf32, #tpu.memory_space<vmem>>, vector<1x16xf32>,
        %get3A_211 = vector.shape_cast %get3A_210 : vector<1x16xf32> to vector<16xf32>
        %add3A_212 = arith.addf %get3A_206, %get3A_211 : vector<16xf32>
        %swap3A_213 = arith.constant 0 : i32
        %swap3A_214 = arith.index_cast %swap3A_213 : i32 to index
        %swap3A_215 = arith.index_cast %add3A_201 : i32 to index
        %swap3A_216 = tpu.vector_load %arg8[%swap3A_214, %swap3A_215] {strides = array<i32>} : memref<8x1024xf32, #tpu.memory_space<vmem>>, vector<1x16xf32>,
        %swap3A_217 = vector.shape_cast %swap3A_216 : vector<1x16xf32> to vector<16xf32>
        %swap3A_218 = vector.shape_cast %add3A_212 : vector<16xf32> to vector<1x16xf32>
        tpu.vector_store %arg8[%swap3A_214, %swap3A_215], %swap3A_218 {strides = array<i32>} : memref<8x1024xf32, #tpu.memory_space<vmem>>, vector<1x16xf32>,
        %add3A_219 = arith.constant 32 : i32
        %add3A_220 = arith.addi %mul3A_182, %add3A_219 : i32
        %get3A_221 = arith.constant 0 : i32
        %get3A_222 = arith.index_cast %get3A_221 : i32 to index
        %get3A_223 = arith.index_cast %add3A_220 : i32 to index
        %get3A_224 = tpu.vector_load %arg6[%get3A_222, %get3A_223] {strides = array<i32>} : memref<8x1024xf32, #tpu.memory_space<vmem>>, vector<1x16xf32>,
        %get3A_225 = vector.shape_cast %get3A_224 : vector<1x16xf32> to vector<16xf32>
        %get3A_226 = arith.constant 0 : i32
        %get3A_227 = arith.index_cast %get3A_226 : i32 to index
        %get3A_228 = arith.index_cast %add3A_220 : i32 to index
        %get3A_229 = tpu.vector_load %arg5[%get3A_227, %get3A_228] {strides = array<i32>} : memref<8x1024xf32, #tpu.memory_space<vmem>>, vector<1x16xf32>,
        %get3A_230 = vector.shape_cast %get3A_229 : vector<1x16xf32> to vector<16xf32>
        %add3A_231 = arith.addf %get3A_225, %get3A_230 : vector<16xf32>
        %swap3A_232 = arith.constant 0 : i32
        %swap3A_233 = arith.index_cast %swap3A_232 : i32 to index
        %swap3A_234 = arith.index_cast %add3A_220 : i32 to index
        %swap3A_235 = tpu.vector_load %arg8[%swap3A_233, %swap3A_234] {strides = array<i32>} : memref<8x1024xf32, #tpu.memory_space<vmem>>, vector<1x16xf32>,
        %swap3A_236 = vector.shape_cast %swap3A_235 : vector<1x16xf32> to vector<16xf32>
        %swap3A_237 = vector.shape_cast %add3A_231 : vector<16xf32> to vector<1x16xf32>
        tpu.vector_store %arg8[%swap3A_233, %swap3A_234], %swap3A_237 {strides = array<i32>} : memref<8x1024xf32, #tpu.memory_space<vmem>>, vector<1x16xf32>,
        %add3A_238 = arith.constant 48 : i32
        %add3A_239 = arith.addi %mul3A_182, %add3A_238 : i32
        %get3A_240 = arith.constant 0 : i32
        %get3A_241 = arith.index_cast %get3A_240 : i32 to index
        %get3A_242 = arith.index_cast %add3A_239 : i32 to index
        %get3A_243 = tpu.vector_load %arg6[%get3A_241, %get3A_242] {strides = array<i32>} : memref<8x1024xf32, #tpu.memory_space<vmem>>, vector<1x16xf32>,
        %get3A_244 = vector.shape_cast %get3A_243 : vector<1x16xf32> to vector<16xf32>
        %get3A_245 = arith.constant 0 : i32
        %get3A_246 = arith.index_cast %get3A_245 : i32 to index
        %get3A_247 = arith.index_cast %add3A_239 : i32 to index
        %get3A_248 = tpu.vector_load %arg5[%get3A_246, %get3A_247] {strides = array<i32>} : memref<8x1024xf32, #tpu.memory_space<vmem>>, vector<1x16xf32>,
        %get3A_249 = vector.shape_cast %get3A_248 : vector<1x16xf32> to vector<16xf32>
        %add3A_250 = arith.addf %get3A_244, %get3A_249 : vector<16xf32>
        %swap3A_251 = arith.constant 0 : i32
        %swap3A_252 = arith.index_cast %swap3A_251 : i32 to index
        %swap3A_253 = arith.index_cast %add3A_239 : i32 to index
        %swap3A_254 = tpu.vector_load %arg8[%swap3A_252, %swap3A_253] {strides = array<i32>} : memref<8x1024xf32, #tpu.memory_space<vmem>>, vector<1x16xf32>,
        %swap3A_255 = vector.shape_cast %swap3A_254 : vector<1x16xf32> to vector<16xf32>
        %swap3A_256 = vector.shape_cast %add3A_250 : vector<16xf32> to vector<1x16xf32>
        tpu.vector_store %arg8[%swap3A_252, %swap3A_253], %swap3A_256 {strides = array<i32>} : memref<8x1024xf32, #tpu.memory_space<vmem>>, vector<1x16xf32>,
        %add3A_257 = arith.constant 64 : i32
        %add3A_258 = arith.addi %mul3A_182, %add3A_257 : i32
        %get3A_259 = arith.constant 0 : i32
        %get3A_260 = arith.index_cast %get3A_259 : i32 to index
        %get3A_261 = arith.index_cast %add3A_258 : i32 to index
        %get3A_262 = tpu.vector_load %arg6[%get3A_260, %get3A_261] {strides = array<i32>} : memref<8x1024xf32, #tpu.memory_space<vmem>>, vector<1x16xf32>,
        %get3A_263 = vector.shape_cast %get3A_262 : vector<1x16xf32> to vector<16xf32>
        %get3A_264 = arith.constant 0 : i32
        %get3A_265 = arith.index_cast %get3A_264 : i32 to index
        %get3A_266 = arith.index_cast %add3A_258 : i32 to index
        %get3A_267 = tpu.vector_load %arg5[%get3A_265, %get3A_266] {strides = array<i32>} : memref<8x1024xf32, #tpu.memory_space<vmem>>, vector<1x16xf32>,
        %get3A_268 = vector.shape_cast %get3A_267 : vector<1x16xf32> to vector<16xf32>
        %add3A_269 = arith.addf %get3A_263, %get3A_268 : vector<16xf32>
        %swap3A_270 = arith.constant 0 : i32
        %swap3A_271 = arith.index_cast %swap3A_270 : i32 to index
        %swap3A_272 = arith.index_cast %add3A_258 : i32 to index
        %swap3A_273 = tpu.vector_load %arg8[%swap3A_271, %swap3A_272] {strides = array<i32>} : memref<8x1024xf32, #tpu.memory_space<vmem>>, vector<1x16xf32>,
        %swap3A_274 = vector.shape_cast %swap3A_273 : vector<1x16xf32> to vector<16xf32>
        %swap3A_275 = vector.shape_cast %add3A_269 : vector<16xf32> to vector<1x16xf32>
        tpu.vector_store %arg8[%swap3A_271, %swap3A_272], %swap3A_275 {strides = array<i32>} : memref<8x1024xf32, #tpu.memory_space<vmem>>, vector<1x16xf32>,
        %add3A_276 = arith.constant 80 : i32
        %add3A_277 = arith.addi %mul3A_182, %add3A_276 : i32
        %get3A_278 = arith.constant 0 : i32
        %get3A_279 = arith.index_cast %get3A_278 : i32 to index
        %get3A_280 = arith.index_cast %add3A_277 : i32 to index
        %get3A_281 = tpu.vector_load %arg6[%get3A_279, %get3A_280] {strides = array<i32>} : memref<8x1024xf32, #tpu.memory_space<vmem>>, vector<1x16xf32>,
        %get3A_282 = vector.shape_cast %get3A_281 : vector<1x16xf32> to vector<16xf32>
        %get3A_283 = arith.constant 0 : i32
        %get3A_284 = arith.index_cast %get3A_283 : i32 to index
        %get3A_285 = arith.index_cast %add3A_277 : i32 to index
        %get3A_286 = tpu.vector_load %arg5[%get3A_284, %get3A_285] {strides = array<i32>} : memref<8x1024xf32, #tpu.memory_space<vmem>>, vector<1x16xf32>,
        %get3A_287 = vector.shape_cast %get3A_286 : vector<1x16xf32> to vector<16xf32>
        %add3A_288 = arith.addf %get3A_282, %get3A_287 : vector<16xf32>
        %swap3A_289 = arith.constant 0 : i32
        %swap3A_290 = arith.index_cast %swap3A_289 : i32 to index
        %swap3A_291 = arith.index_cast %add3A_277 : i32 to index
        %swap3A_292 = tpu.vector_load %arg8[%swap3A_290, %swap3A_291] {strides = array<i32>} : memref<8x1024xf32, #tpu.memory_space<vmem>>, vector<1x16xf32>,
        %swap3A_293 = vector.shape_cast %swap3A_292 : vector<1x16xf32> to vector<16xf32>
        %swap3A_294 = vector.shape_cast %add3A_288 : vector<16xf32> to vector<1x16xf32>
        tpu.vector_store %arg8[%swap3A_290, %swap3A_291], %swap3A_294 {strides = array<i32>} : memref<8x1024xf32, #tpu.memory_space<vmem>>, vector<1x16xf32>,
        %add3A_295 = arith.constant 96 : i32
        %add3A_296 = arith.addi %mul3A_182, %add3A_295 : i32
        %get3A_297 = arith.constant 0 : i32
        %get3A_298 = arith.index_cast %get3A_297 : i32 to index
        %get3A_299 = arith.index_cast %add3A_296 : i32 to index
        %get3A_300 = tpu.vector_load %arg6[%get3A_298, %get3A_299] {strides = array<i32>} : memref<8x1024xf32, #tpu.memory_space<vmem>>, vector<1x16xf32>,
        %get3A_301 = vector.shape_cast %get3A_300 : vector<1x16xf32> to vector<16xf32>
        %get3A_302 = arith.constant 0 : i32
        %get3A_303 = arith.index_cast %get3A_302 : i32 to index
        %get3A_304 = arith.index_cast %add3A_296 : i32 to index
        %get3A_305 = tpu.vector_load %arg5[%get3A_303, %get3A_304] {strides = array<i32>} : memref<8x1024xf32, #tpu.memory_space<vmem>>, vector<1x16xf32>,
        %get3A_306 = vector.shape_cast %get3A_305 : vector<1x16xf32> to vector<16xf32>
        %add3A_307 = arith.addf %get3A_301, %get3A_306 : vector<16xf32>
        %swap3A_308 = arith.constant 0 : i32
        %swap3A_309 = arith.index_cast %swap3A_308 : i32 to index
        %swap3A_310 = arith.index_cast %add3A_296 : i32 to index
        %swap3A_311 = tpu.vector_load %arg8[%swap3A_309, %swap3A_310] {strides = array<i32>} : memref<8x1024xf32, #tpu.memory_space<vmem>>, vector<1x16xf32>,
        %swap3A_312 = vector.shape_cast %swap3A_311 : vector<1x16xf32> to vector<16xf32>
        %swap3A_313 = vector.shape_cast %add3A_307 : vector<16xf32> to vector<1x16xf32>
        tpu.vector_store %arg8[%swap3A_309, %swap3A_310], %swap3A_313 {strides = array<i32>} : memref<8x1024xf32, #tpu.memory_space<vmem>>, vector<1x16xf32>,
        %add3A_314 = arith.constant 112 : i32
        %add3A_315 = arith.addi %mul3A_182, %add3A_314 : i32
        %get3A_316 = arith.constant 0 : i32
        %get3A_317 = arith.index_cast %get3A_316 : i32 to index
        %get3A_318 = arith.index_cast %add3A_315 : i32 to index
        %get3A_319 = tpu.vector_load %arg6[%get3A_317, %get3A_318] {strides = array<i32>} : memref<8x1024xf32, #tpu.memory_space<vmem>>, vector<1x16xf32>,
        %get3A_320 = vector.shape_cast %get3A_319 : vector<1x16xf32> to vector<16xf32>
        %get3A_321 = arith.constant 0 : i32
        %get3A_322 = arith.index_cast %get3A_321 : i32 to index
        %get3A_323 = arith.index_cast %add3A_315 : i32 to index
        %get3A_324 = tpu.vector_load %arg5[%get3A_322, %get3A_323] {strides = array<i32>} : memref<8x1024xf32, #tpu.memory_space<vmem>>, vector<1x16xf32>,
        %get3A_325 = vector.shape_cast %get3A_324 : vector<1x16xf32> to vector<16xf32>
        %add3A_326 = arith.addf %get3A_320, %get3A_325 : vector<16xf32>
        %swap3A_327 = arith.constant 0 : i32
        %swap3A_328 = arith.index_cast %swap3A_327 : i32 to index
        %swap3A_329 = arith.index_cast %add3A_315 : i32 to index
        %swap3A_330 = tpu.vector_load %arg8[%swap3A_328, %swap3A_329] {strides = array<i32>} : memref<8x1024xf32, #tpu.memory_space<vmem>>, vector<1x16xf32>,
        %swap3A_331 = vector.shape_cast %swap3A_330 : vector<1x16xf32> to vector<16xf32>
        %swap3A_332 = vector.shape_cast %add3A_326 : vector<16xf32> to vector<1x16xf32>
        tpu.vector_store %arg8[%swap3A_328, %swap3A_329], %swap3A_332 {strides = array<i32>} : memref<8x1024xf32, #tpu.memory_space<vmem>>, vector<1x16xf32>,
        %add3A_333 = arith.constant 0 : i32
        %add3A_334 = arith.addi %mul3A_182, %add3A_333 : i32
        %get3A_335 = arith.constant 1 : i32
        %get3A_336 = arith.index_cast %get3A_335 : i32 to index
        %get3A_337 = arith.index_cast %add3A_334 : i32 to index
        %get3A_338 = tpu.vector_load %arg6[%get3A_336, %get3A_337] {strides = array<i32>} : memref<8x1024xf32, #tpu.memory_space<vmem>>, vector<1x16xf32>,
        %get3A_339 = vector.shape_cast %get3A_338 : vector<1x16xf32> to vector<16xf32>
        %get3A_340 = arith.constant 1 : i32
        %get3A_341 = arith.index_cast %get3A_340 : i32 to index
        %get3A_342 = arith.index_cast %add3A_334 : i32 to index
        %get3A_343 = tpu.vector_load %arg5[%get3A_341, %get3A_342] {strides = array<i32>} : memref<8x1024xf32, #tpu.memory_space<vmem>>, vector<1x16xf32>,
        %get3A_344 = vector.shape_cast %get3A_343 : vector<1x16xf32> to vector<16xf32>
        %add3A_345 = arith.addf %get3A_339, %get3A_344 : vector<16xf32>
        %swap3A_346 = arith.constant 1 : i32
        %swap3A_347 = arith.index_cast %swap3A_346 : i32 to index
        %swap3A_348 = arith.index_cast %add3A_334 : i32 to index
        %swap3A_349 = tpu.vector_load %arg8[%swap3A_347, %swap3A_348] {strides = array<i32>} : memref<8x1024xf32, #tpu.memory_space<vmem>>, vector<1x16xf32>,
        %swap3A_350 = vector.shape_cast %swap3A_349 : vector<1x16xf32> to vector<16xf32>
        %swap3A_351 = vector.shape_cast %add3A_345 : vector<16xf32> to vector<1x16xf32>
        tpu.vector_store %arg8[%swap3A_347, %swap3A_348], %swap3A_351 {strides = array<i32>} : memref<8x1024xf32, #tpu.memory_space<vmem>>, vector<1x16xf32>,
        %add3A_352 = arith.constant 16 : i32
        %add3A_353 = arith.addi %mul3A_182, %add3A_352 : i32
        %get3A_354 = arith.constant 1 : i32
        %get3A_355 = arith.index_cast %get3A_354 : i32 to index
        %get3A_356 = arith.index_cast %add3A_353 : i32 to index
        %get3A_357 = tpu.vector_load %arg6[%get3A_355, %get3A_356] {strides = array<i32>} : memref<8x1024xf32, #tpu.memory_space<vmem>>, vector<1x16xf32>,
        %get3A_358 = vector.shape_cast %get3A_357 : vector<1x16xf32> to vector<16xf32>
        %get3A_359 = arith.constant 1 : i32
        %get3A_360 = arith.index_cast %get3A_359 : i32 to index
        %get3A_361 = arith.index_cast %add3A_353 : i32 to index
        %get3A_362 = tpu.vector_load %arg5[%get3A_360, %get3A_361] {strides = array<i32>} : memref<8x1024xf32, #tpu.memory_space<vmem>>, vector<1x16xf32>,
        %get3A_363 = vector.shape_cast %get3A_362 : vector<1x16xf32> to vector<16xf32>
        %add3A_364 = arith.addf %get3A_358, %get3A_363 : vector<16xf32>
        %swap3A_365 = arith.constant 1 : i32
        %swap3A_366 = arith.index_cast %swap3A_365 : i32 to index
        %swap3A_367 = arith.index_cast %add3A_353 : i32 to index
        %swap3A_368 = tpu.vector_load %arg8[%swap3A_366, %swap3A_367] {strides = array<i32>} : memref<8x1024xf32, #tpu.memory_space<vmem>>, vector<1x16xf32>,
        %swap3A_369 = vector.shape_cast %swap3A_368 : vector<1x16xf32> to vector<16xf32>
        %swap3A_370 = vector.shape_cast %add3A_364 : vector<16xf32> to vector<1x16xf32>
        tpu.vector_store %arg8[%swap3A_366, %swap3A_367], %swap3A_370 {strides = array<i32>} : memref<8x1024xf32, #tpu.memory_space<vmem>>, vector<1x16xf32>,
        %add3A_371 = arith.constant 32 : i32
        %add3A_372 = arith.addi %mul3A_182, %add3A_371 : i32
        %get3A_373 = arith.constant 1 : i32
        %get3A_374 = arith.index_cast %get3A_373 : i32 to index
        %get3A_375 = arith.index_cast %add3A_372 : i32 to index
        %get3A_376 = tpu.vector_load %arg6[%get3A_374, %get3A_375] {strides = array<i32>} : memref<8x1024xf32, #tpu.memory_space<vmem>>, vector<1x16xf32>,
        %get3A_377 = vector.shape_cast %get3A_376 : vector<1x16xf32> to vector<16xf32>
        %get3A_378 = arith.constant 1 : i32
        %get3A_379 = arith.index_cast %get3A_378 : i32 to index
        %get3A_380 = arith.index_cast %add3A_372 : i32 to index
        %get3A_381 = tpu.vector_load %arg5[%get3A_379, %get3A_380] {strides = array<i32>} : memref<8x1024xf32, #tpu.memory_space<vmem>>, vector<1x16xf32>,
        %get3A_382 = vector.shape_cast %get3A_381 : vector<1x16xf32> to vector<16xf32>
        %add3A_383 = arith.addf %get3A_377, %get3A_382 : vector<16xf32>
        %swap3A_384 = arith.constant 1 : i32
        %swap3A_385 = arith.index_cast %swap3A_384 : i32 to index
        %swap3A_386 = arith.index_cast %add3A_372 : i32 to index
        %swap3A_387 = tpu.vector_load %arg8[%swap3A_385, %swap3A_386] {strides = array<i32>} : memref<8x1024xf32, #tpu.memory_space<vmem>>, vector<1x16xf32>,
        %swap3A_388 = vector.shape_cast %swap3A_387 : vector<1x16xf32> to vector<16xf32>
        %swap3A_389 = vector.shape_cast %add3A_383 : vector<16xf32> to vector<1x16xf32>
        tpu.vector_store %arg8[%swap3A_385, %swap3A_386], %swap3A_389 {strides = array<i32>} : memref<8x1024xf32, #tpu.memory_space<vmem>>, vector<1x16xf32>,
        %add3A_390 = arith.constant 48 : i32
        %add3A_391 = arith.addi %mul3A_182, %add3A_390 : i32
        %get3A_392 = arith.constant 1 : i32
        %get3A_393 = arith.index_cast %get3A_392 : i32 to index
        %get3A_394 = arith.index_cast %add3A_391 : i32 to index
        %get3A_395 = tpu.vector_load %arg6[%get3A_393, %get3A_394] {strides = array<i32>} : memref<8x1024xf32, #tpu.memory_space<vmem>>, vector<1x16xf32>,
        %get3A_396 = vector.shape_cast %get3A_395 : vector<1x16xf32> to vector<16xf32>
        %get3A_397 = arith.constant 1 : i32
        %get3A_398 = arith.index_cast %get3A_397 : i32 to index
        %get3A_399 = arith.index_cast %add3A_391 : i32 to index
        %get3A_400 = tpu.vector_load %arg5[%get3A_398, %get3A_399] {strides = array<i32>} : memref<8x1024xf32, #tpu.memory_space<vmem>>, vector<1x16xf32>,
        %get3A_401 = vector.shape_cast %get3A_400 : vector<1x16xf32> to vector<16xf32>
        %add3A_402 = arith.addf %get3A_396, %get3A_401 : vector<16xf32>
        %swap3A_403 = arith.constant 1 : i32
        %swap3A_404 = arith.index_cast %swap3A_403 : i32 to index
        %swap3A_405 = arith.index_cast %add3A_391 : i32 to index
        %swap3A_406 = tpu.vector_load %arg8[%swap3A_404, %swap3A_405] {strides = array<i32>} : memref<8x1024xf32, #tpu.memory_space<vmem>>, vector<1x16xf32>,
        %swap3A_407 = vector.shape_cast %swap3A_406 : vector<1x16xf32> to vector<16xf32>
        %swap3A_408 = vector.shape_cast %add3A_402 : vector<16xf32> to vector<1x16xf32>
        tpu.vector_store %arg8[%swap3A_404, %swap3A_405], %swap3A_408 {strides = array<i32>} : memref<8x1024xf32, #tpu.memory_space<vmem>>, vector<1x16xf32>,
        %add3A_409 = arith.constant 64 : i32
        %add3A_410 = arith.addi %mul3A_182, %add3A_409 : i32
        %get3A_411 = arith.constant 1 : i32
        %get3A_412 = arith.index_cast %get3A_411 : i32 to index
        %get3A_413 = arith.index_cast %add3A_410 : i32 to index
        %get3A_414 = tpu.vector_load %arg6[%get3A_412, %get3A_413] {strides = array<i32>} : memref<8x1024xf32, #tpu.memory_space<vmem>>, vector<1x16xf32>,
        %get3A_415 = vector.shape_cast %get3A_414 : vector<1x16xf32> to vector<16xf32>
        %get3A_416 = arith.constant 1 : i32
        %get3A_417 = arith.index_cast %get3A_416 : i32 to index
        %get3A_418 = arith.index_cast %add3A_410 : i32 to index
        %get3A_419 = tpu.vector_load %arg5[%get3A_417, %get3A_418] {strides = array<i32>} : memref<8x1024xf32, #tpu.memory_space<vmem>>, vector<1x16xf32>,
        %get3A_420 = vector.shape_cast %get3A_419 : vector<1x16xf32> to vector<16xf32>
        %add3A_421 = arith.addf %get3A_415, %get3A_420 : vector<16xf32>
        %swap3A_422 = arith.constant 1 : i32
        %swap3A_423 = arith.index_cast %swap3A_422 : i32 to index
        %swap3A_424 = arith.index_cast %add3A_410 : i32 to index
        %swap3A_425 = tpu.vector_load %arg8[%swap3A_423, %swap3A_424] {strides = array<i32>} : memref<8x1024xf32, #tpu.memory_space<vmem>>, vector<1x16xf32>,
        %swap3A_426 = vector.shape_cast %swap3A_425 : vector<1x16xf32> to vector<16xf32>
        %swap3A_427 = vector.shape_cast %add3A_421 : vector<16xf32> to vector<1x16xf32>
        tpu.vector_store %arg8[%swap3A_423, %swap3A_424], %swap3A_427 {strides = array<i32>} : memref<8x1024xf32, #tpu.memory_space<vmem>>, vector<1x16xf32>,
        %add3A_428 = arith.constant 80 : i32
        %add3A_429 = arith.addi %mul3A_182, %add3A_428 : i32
        %get3A_430 = arith.constant 1 : i32
        %get3A_431 = arith.index_cast %get3A_430 : i32 to index
        %get3A_432 = arith.index_cast %add3A_429 : i32 to index
        %get3A_433 = tpu.vector_load %arg6[%get3A_431, %get3A_432] {strides = array<i32>} : memref<8x1024xf32, #tpu.memory_space<vmem>>, vector<1x16xf32>,
        %get3A_434 = vector.shape_cast %get3A_433 : vector<1x16xf32> to vector<16xf32>
        %get3A_435 = arith.constant 1 : i32
        %get3A_436 = arith.index_cast %get3A_435 : i32 to index
        %get3A_437 = arith.index_cast %add3A_429 : i32 to index
        %get3A_438 = tpu.vector_load %arg5[%get3A_436, %get3A_437] {strides = array<i32>} : memref<8x1024xf32, #tpu.memory_space<vmem>>, vector<1x16xf32>,
        %get3A_439 = vector.shape_cast %get3A_438 : vector<1x16xf32> to vector<16xf32>
        %add3A_440 = arith.addf %get3A_434, %get3A_439 : vector<16xf32>
        %swap3A_441 = arith.constant 1 : i32
        %swap3A_442 = arith.index_cast %swap3A_441 : i32 to index
        %swap3A_443 = arith.index_cast %add3A_429 : i32 to index
        %swap3A_444 = tpu.vector_load %arg8[%swap3A_442, %swap3A_443] {strides = array<i32>} : memref<8x1024xf32, #tpu.memory_space<vmem>>, vector<1x16xf32>,
        %swap3A_445 = vector.shape_cast %swap3A_444 : vector<1x16xf32> to vector<16xf32>
        %swap3A_446 = vector.shape_cast %add3A_440 : vector<16xf32> to vector<1x16xf32>
        tpu.vector_store %arg8[%swap3A_442, %swap3A_443], %swap3A_446 {strides = array<i32>} : memref<8x1024xf32, #tpu.memory_space<vmem>>, vector<1x16xf32>,
        %add3A_447 = arith.constant 96 : i32
        %add3A_448 = arith.addi %mul3A_182, %add3A_447 : i32
        %get3A_449 = arith.constant 1 : i32
        %get3A_450 = arith.index_cast %get3A_449 : i32 to index
        %get3A_451 = arith.index_cast %add3A_448 : i32 to index
        %get3A_452 = tpu.vector_load %arg6[%get3A_450, %get3A_451] {strides = array<i32>} : memref<8x1024xf32, #tpu.memory_space<vmem>>, vector<1x16xf32>,
        %get3A_453 = vector.shape_cast %get3A_452 : vector<1x16xf32> to vector<16xf32>
        %get3A_454 = arith.constant 1 : i32
        %get3A_455 = arith.index_cast %get3A_454 : i32 to index
        %get3A_456 = arith.index_cast %add3A_448 : i32 to index
        %get3A_457 = tpu.vector_load %arg5[%get3A_455, %get3A_456] {strides = array<i32>} : memref<8x1024xf32, #tpu.memory_space<vmem>>, vector<1x16xf32>,
        %get3A_458 = vector.shape_cast %get3A_457 : vector<1x16xf32> to vector<16xf32>
        %add3A_459 = arith.addf %get3A_453, %get3A_458 : vector<16xf32>
        %swap3A_460 = arith.constant 1 : i32
        %swap3A_461 = arith.index_cast %swap3A_460 : i32 to index
        %swap3A_462 = arith.index_cast %add3A_448 : i32 to index
        %swap3A_463 = tpu.vector_load %arg8[%swap3A_461, %swap3A_462] {strides = array<i32>} : memref<8x1024xf32, #tpu.memory_space<vmem>>, vector<1x16xf32>,
        %swap3A_464 = vector.shape_cast %swap3A_463 : vector<1x16xf32> to vector<16xf32>
        %swap3A_465 = vector.shape_cast %add3A_459 : vector<16xf32> to vector<1x16xf32>
        tpu.vector_store %arg8[%swap3A_461, %swap3A_462], %swap3A_465 {strides = array<i32>} : memref<8x1024xf32, #tpu.memory_space<vmem>>, vector<1x16xf32>,
        %add3A_466 = arith.constant 112 : i32
        %add3A_467 = arith.addi %mul3A_182, %add3A_466 : i32
        %get3A_468 = arith.constant 1 : i32
        %get3A_469 = arith.index_cast %get3A_468 : i32 to index
        %get3A_470 = arith.index_cast %add3A_467 : i32 to index
        %get3A_471 = tpu.vector_load %arg6[%get3A_469, %get3A_470] {strides = array<i32>} : memref<8x1024xf32, #tpu.memory_space<vmem>>, vector<1x16xf32>,
        %get3A_472 = vector.shape_cast %get3A_471 : vector<1x16xf32> to vector<16xf32>
        %get3A_473 = arith.constant 1 : i32
        %get3A_474 = arith.index_cast %get3A_473 : i32 to index
        %get3A_475 = arith.index_cast %add3A_467 : i32 to index
        %get3A_476 = tpu.vector_load %arg5[%get3A_474, %get3A_475] {strides = array<i32>} : memref<8x1024xf32, #tpu.memory_space<vmem>>, vector<1x16xf32>,
        %get3A_477 = vector.shape_cast %get3A_476 : vector<1x16xf32> to vector<16xf32>
        %add3A_478 = arith.addf %get3A_472, %get3A_477 : vector<16xf32>
        %swap3A_479 = arith.constant 1 : i32
        %swap3A_480 = arith.index_cast %swap3A_479 : i32 to index
        %swap3A_481 = arith.index_cast %add3A_467 : i32 to index
        %swap3A_482 = tpu.vector_load %arg8[%swap3A_480, %swap3A_481] {strides = array<i32>} : memref<8x1024xf32, #tpu.memory_space<vmem>>, vector<1x16xf32>,
        %swap3A_483 = vector.shape_cast %swap3A_482 : vector<1x16xf32> to vector<16xf32>
        %swap3A_484 = vector.shape_cast %add3A_478 : vector<16xf32> to vector<1x16xf32>
        tpu.vector_store %arg8[%swap3A_480, %swap3A_481], %swap3A_484 {strides = array<i32>} : memref<8x1024xf32, #tpu.memory_space<vmem>>, vector<1x16xf32>,
        %add3A_485 = arith.constant 0 : i32
        %add3A_486 = arith.addi %mul3A_182, %add3A_485 : i32
        %get3A_487 = arith.constant 2 : i32
        %get3A_488 = arith.index_cast %get3A_487 : i32 to index
        %get3A_489 = arith.index_cast %add3A_486 : i32 to index
        %get3A_490 = tpu.vector_load %arg6[%get3A_488, %get3A_489] {strides = array<i32>} : memref<8x1024xf32, #tpu.memory_space<vmem>>, vector<1x16xf32>,
        %get3A_491 = vector.shape_cast %get3A_490 : vector<1x16xf32> to vector<16xf32>
        %get3A_492 = arith.constant 2 : i32
        %get3A_493 = arith.index_cast %get3A_492 : i32 to index
        %get3A_494 = arith.index_cast %add3A_486 : i32 to index
        %get3A_495 = tpu.vector_load %arg5[%get3A_493, %get3A_494] {strides = array<i32>} : memref<8x1024xf32, #tpu.memory_space<vmem>>, vector<1x16xf32>,
        %get3A_496 = vector.shape_cast %get3A_495 : vector<1x16xf32> to vector<16xf32>
        %add3A_497 = arith.addf %get3A_491, %get3A_496 : vector<16xf32>
        %swap3A_498 = arith.constant 2 : i32
        %swap3A_499 = arith.index_cast %swap3A_498 : i32 to index
        %swap3A_500 = arith.index_cast %add3A_486 : i32 to index
        %swap3A_501 = tpu.vector_load %arg8[%swap3A_499, %swap3A_500] {strides = array<i32>} : memref<8x1024xf32, #tpu.memory_space<vmem>>, vector<1x16xf32>,
        %swap3A_502 = vector.shape_cast %swap3A_501 : vector<1x16xf32> to vector<16xf32>
        %swap3A_503 = vector.shape_cast %add3A_497 : vector<16xf32> to vector<1x16xf32>
        tpu.vector_store %arg8[%swap3A_499, %swap3A_500], %swap3A_503 {strides = array<i32>} : memref<8x1024xf32, #tpu.memory_space<vmem>>, vector<1x16xf32>,
        %add3A_504 = arith.constant 16 : i32
        %add3A_505 = arith.addi %mul3A_182, %add3A_504 : i32
        %get3A_506 = arith.constant 2 : i32
        %get3A_507 = arith.index_cast %get3A_506 : i32 to index
        %get3A_508 = arith.index_cast %add3A_505 : i32 to index
        %get3A_509 = tpu.vector_load %arg6[%get3A_507, %get3A_508] {strides = array<i32>} : memref<8x1024xf32, #tpu.memory_space<vmem>>, vector<1x16xf32>,
        %get3A_510 = vector.shape_cast %get3A_509 : vector<1x16xf32> to vector<16xf32>
        %get3A_511 = arith.constant 2 : i32
        %get3A_512 = arith.index_cast %get3A_511 : i32 to index
        %get3A_513 = arith.index_cast %add3A_505 : i32 to index
        %get3A_514 = tpu.vector_load %arg5[%get3A_512, %get3A_513] {strides = array<i32>} : memref<8x1024xf32, #tpu.memory_space<vmem>>, vector<1x16xf32>,
        %get3A_515 = vector.shape_cast %get3A_514 : vector<1x16xf32> to vector<16xf32>
        %add3A_516 = arith.addf %get3A_510, %get3A_515 : vector<16xf32>
        %swap3A_517 = arith.constant 2 : i32
        %swap3A_518 = arith.index_cast %swap3A_517 : i32 to index
        %swap3A_519 = arith.index_cast %add3A_505 : i32 to index
        %swap3A_520 = tpu.vector_load %arg8[%swap3A_518, %swap3A_519] {strides = array<i32>} : memref<8x1024xf32, #tpu.memory_space<vmem>>, vector<1x16xf32>,
        %swap3A_521 = vector.shape_cast %swap3A_520 : vector<1x16xf32> to vector<16xf32>
        %swap3A_522 = vector.shape_cast %add3A_516 : vector<16xf32> to vector<1x16xf32>
        tpu.vector_store %arg8[%swap3A_518, %swap3A_519], %swap3A_522 {strides = array<i32>} : memref<8x1024xf32, #tpu.memory_space<vmem>>, vector<1x16xf32>,
        %add3A_523 = arith.constant 32 : i32
        %add3A_524 = arith.addi %mul3A_182, %add3A_523 : i32
        %get3A_525 = arith.constant 2 : i32
        %get3A_526 = arith.index_cast %get3A_525 : i32 to index
        %get3A_527 = arith.index_cast %add3A_524 : i32 to index
        %get3A_528 = tpu.vector_load %arg6[%get3A_526, %get3A_527] {strides = array<i32>} : memref<8x1024xf32, #tpu.memory_space<vmem>>, vector<1x16xf32>,
        %get3A_529 = vector.shape_cast %get3A_528 : vector<1x16xf32> to vector<16xf32>
        %get3A_530 = arith.constant 2 : i32
        %get3A_531 = arith.index_cast %get3A_530 : i32 to index
        %get3A_532 = arith.index_cast %add3A_524 : i32 to index
        %get3A_533 = tpu.vector_load %arg5[%get3A_531, %get3A_532] {strides = array<i32>} : memref<8x1024xf32, #tpu.memory_space<vmem>>, vector<1x16xf32>,
        %get3A_534 = vector.shape_cast %get3A_533 : vector<1x16xf32> to vector<16xf32>
        %add3A_535 = arith.addf %get3A_529, %get3A_534 : vector<16xf32>
        %swap3A_536 = arith.constant 2 : i32
        %swap3A_537 = arith.index_cast %swap3A_536 : i32 to index
        %swap3A_538 = arith.index_cast %add3A_524 : i32 to index
        %swap3A_539 = tpu.vector_load %arg8[%swap3A_537, %swap3A_538] {strides = array<i32>} : memref<8x1024xf32, #tpu.memory_space<vmem>>, vector<1x16xf32>,
        %swap3A_540 = vector.shape_cast %swap3A_539 : vector<1x16xf32> to vector<16xf32>
        %swap3A_541 = vector.shape_cast %add3A_535 : vector<16xf32> to vector<1x16xf32>
        tpu.vector_store %arg8[%swap3A_537, %swap3A_538], %swap3A_541 {strides = array<i32>} : memref<8x1024xf32, #tpu.memory_space<vmem>>, vector<1x16xf32>,
        %add3A_542 = arith.constant 48 : i32
        %add3A_543 = arith.addi %mul3A_182, %add3A_542 : i32
        %get3A_544 = arith.constant 2 : i32
        %get3A_545 = arith.index_cast %get3A_544 : i32 to index
        %get3A_546 = arith.index_cast %add3A_543 : i32 to index
        %get3A_547 = tpu.vector_load %arg6[%get3A_545, %get3A_546] {strides = array<i32>} : memref<8x1024xf32, #tpu.memory_space<vmem>>, vector<1x16xf32>,
        %get3A_548 = vector.shape_cast %get3A_547 : vector<1x16xf32> to vector<16xf32>
        %get3A_549 = arith.constant 2 : i32
        %get3A_550 = arith.index_cast %get3A_549 : i32 to index
        %get3A_551 = arith.index_cast %add3A_543 : i32 to index
        %get3A_552 = tpu.vector_load %arg5[%get3A_550, %get3A_551] {strides = array<i32>} : memref<8x1024xf32, #tpu.memory_space<vmem>>, vector<1x16xf32>,
        %get3A_553 = vector.shape_cast %get3A_552 : vector<1x16xf32> to vector<16xf32>
        %add3A_554 = arith.addf %get3A_548, %get3A_553 : vector<16xf32>
        %swap3A_555 = arith.constant 2 : i32
        %swap3A_556 = arith.index_cast %swap3A_555 : i32 to index
        %swap3A_557 = arith.index_cast %add3A_543 : i32 to index
        %swap3A_558 = tpu.vector_load %arg8[%swap3A_556, %swap3A_557] {strides = array<i32>} : memref<8x1024xf32, #tpu.memory_space<vmem>>, vector<1x16xf32>,
        %swap3A_559 = vector.shape_cast %swap3A_558 : vector<1x16xf32> to vector<16xf32>
        %swap3A_560 = vector.shape_cast %add3A_554 : vector<16xf32> to vector<1x16xf32>
        tpu.vector_store %arg8[%swap3A_556, %swap3A_557], %swap3A_560 {strides = array<i32>} : memref<8x1024xf32, #tpu.memory_space<vmem>>, vector<1x16xf32>,
        %add3A_561 = arith.constant 64 : i32
        %add3A_562 = arith.addi %mul3A_182, %add3A_561 : i32
        %get3A_563 = arith.constant 2 : i32
        %get3A_564 = arith.index_cast %get3A_563 : i32 to index
        %get3A_565 = arith.index_cast %add3A_562 : i32 to index
        %get3A_566 = tpu.vector_load %arg6[%get3A_564, %get3A_565] {strides = array<i32>} : memref<8x1024xf32, #tpu.memory_space<vmem>>, vector<1x16xf32>,
        %get3A_567 = vector.shape_cast %get3A_566 : vector<1x16xf32> to vector<16xf32>
        %get3A_568 = arith.constant 2 : i32
        %get3A_569 = arith.index_cast %get3A_568 : i32 to index
        %get3A_570 = arith.index_cast %add3A_562 : i32 to index
        %get3A_571 = tpu.vector_load %arg5[%get3A_569, %get3A_570] {strides = array<i32>} : memref<8x1024xf32, #tpu.memory_space<vmem>>, vector<1x16xf32>,
        %get3A_572 = vector.shape_cast %get3A_571 : vector<1x16xf32> to vector<16xf32>
        %add3A_573 = arith.addf %get3A_567, %get3A_572 : vector<16xf32>
        %swap3A_574 = arith.constant 2 : i32
        %swap3A_575 = arith.index_cast %swap3A_574 : i32 to index
        %swap3A_576 = arith.index_cast %add3A_562 : i32 to index
        %swap3A_577 = tpu.vector_load %arg8[%swap3A_575, %swap3A_576] {strides = array<i32>} : memref<8x1024xf32, #tpu.memory_space<vmem>>, vector<1x16xf32>,
        %swap3A_578 = vector.shape_cast %swap3A_577 : vector<1x16xf32> to vector<16xf32>
        %swap3A_579 = vector.shape_cast %add3A_573 : vector<16xf32> to vector<1x16xf32>
        tpu.vector_store %arg8[%swap3A_575, %swap3A_576], %swap3A_579 {strides = array<i32>} : memref<8x1024xf32, #tpu.memory_space<vmem>>, vector<1x16xf32>,
        %add3A_580 = arith.constant 80 : i32
        %add3A_581 = arith.addi %mul3A_182, %add3A_580 : i32
        %get3A_582 = arith.constant 2 : i32
        %get3A_583 = arith.index_cast %get3A_582 : i32 to index
        %get3A_584 = arith.index_cast %add3A_581 : i32 to index
        %get3A_585 = tpu.vector_load %arg6[%get3A_583, %get3A_584] {strides = array<i32>} : memref<8x1024xf32, #tpu.memory_space<vmem>>, vector<1x16xf32>,
        %get3A_586 = vector.shape_cast %get3A_585 : vector<1x16xf32> to vector<16xf32>
        %get3A_587 = arith.constant 2 : i32
        %get3A_588 = arith.index_cast %get3A_587 : i32 to index
        %get3A_589 = arith.index_cast %add3A_581 : i32 to index
        %get3A_590 = tpu.vector_load %arg5[%get3A_588, %get3A_589] {strides = array<i32>} : memref<8x1024xf32, #tpu.memory_space<vmem>>, vector<1x16xf32>,
        %get3A_591 = vector.shape_cast %get3A_590 : vector<1x16xf32> to vector<16xf32>
        %add3A_592 = arith.addf %get3A_586, %get3A_591 : vector<16xf32>
        %swap3A_593 = arith.constant 2 : i32
        %swap3A_594 = arith.index_cast %swap3A_593 : i32 to index
        %swap3A_595 = arith.index_cast %add3A_581 : i32 to index
        %swap3A_596 = tpu.vector_load %arg8[%swap3A_594, %swap3A_595] {strides = array<i32>} : memref<8x1024xf32, #tpu.memory_space<vmem>>, vector<1x16xf32>,
        %swap3A_597 = vector.shape_cast %swap3A_596 : vector<1x16xf32> to vector<16xf32>
        %swap3A_598 = vector.shape_cast %add3A_592 : vector<16xf32> to vector<1x16xf32>
        tpu.vector_store %arg8[%swap3A_594, %swap3A_595], %swap3A_598 {strides = array<i32>} : memref<8x1024xf32, #tpu.memory_space<vmem>>, vector<1x16xf32>,
        %add3A_599 = arith.constant 96 : i32
        %add3A_600 = arith.addi %mul3A_182, %add3A_599 : i32
        %get3A_601 = arith.constant 2 : i32
        %get3A_602 = arith.index_cast %get3A_601 : i32 to index
        %get3A_603 = arith.index_cast %add3A_600 : i32 to index
        %get3A_604 = tpu.vector_load %arg6[%get3A_602, %get3A_603] {strides = array<i32>} : memref<8x1024xf32, #tpu.memory_space<vmem>>, vector<1x16xf32>,
        %get3A_605 = vector.shape_cast %get3A_604 : vector<1x16xf32> to vector<16xf32>
        %get3A_606 = arith.constant 2 : i32
        %get3A_607 = arith.index_cast %get3A_606 : i32 to index
        %get3A_608 = arith.index_cast %add3A_600 : i32 to index
        %get3A_609 = tpu.vector_load %arg5[%get3A_607, %get3A_608] {strides = array<i32>} : memref<8x1024xf32, #tpu.memory_space<vmem>>, vector<1x16xf32>,
        %get3A_610 = vector.shape_cast %get3A_609 : vector<1x16xf32> to vector<16xf32>
        %add3A_611 = arith.addf %get3A_605, %get3A_610 : vector<16xf32>
        %swap3A_612 = arith.constant 2 : i32
        %swap3A_613 = arith.index_cast %swap3A_612 : i32 to index
        %swap3A_614 = arith.index_cast %add3A_600 : i32 to index
        %swap3A_615 = tpu.vector_load %arg8[%swap3A_613, %swap3A_614] {strides = array<i32>} : memref<8x1024xf32, #tpu.memory_space<vmem>>, vector<1x16xf32>,
        %swap3A_616 = vector.shape_cast %swap3A_615 : vector<1x16xf32> to vector<16xf32>
        %swap3A_617 = vector.shape_cast %add3A_611 : vector<16xf32> to vector<1x16xf32>
        tpu.vector_store %arg8[%swap3A_613, %swap3A_614], %swap3A_617 {strides = array<i32>} : memref<8x1024xf32, #tpu.memory_space<vmem>>, vector<1x16xf32>,
        %add3A_618 = arith.constant 112 : i32
        %add3A_619 = arith.addi %mul3A_182, %add3A_618 : i32
        %get3A_620 = arith.constant 2 : i32
        %get3A_621 = arith.index_cast %get3A_620 : i32 to index
        %get3A_622 = arith.index_cast %add3A_619 : i32 to index
        %get3A_623 = tpu.vector_load %arg6[%get3A_621, %get3A_622] {strides = array<i32>} : memref<8x1024xf32, #tpu.memory_space<vmem>>, vector<1x16xf32>,
        %get3A_624 = vector.shape_cast %get3A_623 : vector<1x16xf32> to vector<16xf32>
        %get3A_625 = arith.constant 2 : i32
        %get3A_626 = arith.index_cast %get3A_625 : i32 to index
        %get3A_627 = arith.index_cast %add3A_619 : i32 to index
        %get3A_628 = tpu.vector_load %arg5[%get3A_626, %get3A_627] {strides = array<i32>} : memref<8x1024xf32, #tpu.memory_space<vmem>>, vector<1x16xf32>,
        %get3A_629 = vector.shape_cast %get3A_628 : vector<1x16xf32> to vector<16xf32>
        %add3A_630 = arith.addf %get3A_624, %get3A_629 : vector<16xf32>
        %swap3A_631 = arith.constant 2 : i32
        %swap3A_632 = arith.index_cast %swap3A_631 : i32 to index
        %swap3A_633 = arith.index_cast %add3A_619 : i32 to index
        %swap3A_634 = tpu.vector_load %arg8[%swap3A_632, %swap3A_633] {strides = array<i32>} : memref<8x1024xf32, #tpu.memory_space<vmem>>, vector<1x16xf32>,
        %swap3A_635 = vector.shape_cast %swap3A_634 : vector<1x16xf32> to vector<16xf32>
        %swap3A_636 = vector.shape_cast %add3A_630 : vector<16xf32> to vector<1x16xf32>
        tpu.vector_store %arg8[%swap3A_632, %swap3A_633], %swap3A_636 {strides = array<i32>} : memref<8x1024xf32, #tpu.memory_space<vmem>>, vector<1x16xf32>,
        %add3A_637 = arith.constant 0 : i32
        %add3A_638 = arith.addi %mul3A_182, %add3A_637 : i32
        %get3A_639 = arith.constant 3 : i32
        %get3A_640 = arith.index_cast %get3A_639 : i32 to index
        %get3A_641 = arith.index_cast %add3A_638 : i32 to index
        %get3A_642 = tpu.vector_load %arg6[%get3A_640, %get3A_641] {strides = array<i32>} : memref<8x1024xf32, #tpu.memory_space<vmem>>, vector<1x16xf32>,
        %get3A_643 = vector.shape_cast %get3A_642 : vector<1x16xf32> to vector<16xf32>
        %get3A_644 = arith.constant 3 : i32
        %get3A_645 = arith.index_cast %get3A_644 : i32 to index
        %get3A_646 = arith.index_cast %add3A_638 : i32 to index
        %get3A_647 = tpu.vector_load %arg5[%get3A_645, %get3A_646] {strides = array<i32>} : memref<8x1024xf32, #tpu.memory_space<vmem>>, vector<1x16xf32>,
        %get3A_648 = vector.shape_cast %get3A_647 : vector<1x16xf32> to vector<16xf32>
        %add3A_649 = arith.addf %get3A_643, %get3A_648 : vector<16xf32>
        %swap3A_650 = arith.constant 3 : i32
        %swap3A_651 = arith.index_cast %swap3A_650 : i32 to index
        %swap3A_652 = arith.index_cast %add3A_638 : i32 to index
        %swap3A_653 = tpu.vector_load %arg8[%swap3A_651, %swap3A_652] {strides = array<i32>} : memref<8x1024xf32, #tpu.memory_space<vmem>>, vector<1x16xf32>,
        %swap3A_654 = vector.shape_cast %swap3A_653 : vector<1x16xf32> to vector<16xf32>
        %swap3A_655 = vector.shape_cast %add3A_649 : vector<16xf32> to vector<1x16xf32>
        tpu.vector_store %arg8[%swap3A_651, %swap3A_652], %swap3A_655 {strides = array<i32>} : memref<8x1024xf32, #tpu.memory_space<vmem>>, vector<1x16xf32>,
        %add3A_656 = arith.constant 16 : i32
        %add3A_657 = arith.addi %mul3A_182, %add3A_656 : i32
        %get3A_658 = arith.constant 3 : i32
        %get3A_659 = arith.index_cast %get3A_658 : i32 to index
        %get3A_660 = arith.index_cast %add3A_657 : i32 to index
        %get3A_661 = tpu.vector_load %arg6[%get3A_659, %get3A_660] {strides = array<i32>} : memref<8x1024xf32, #tpu.memory_space<vmem>>, vector<1x16xf32>,
        %get3A_662 = vector.shape_cast %get3A_661 : vector<1x16xf32> to vector<16xf32>
        %get3A_663 = arith.constant 3 : i32
        %get3A_664 = arith.index_cast %get3A_663 : i32 to index
        %get3A_665 = arith.index_cast %add3A_657 : i32 to index
        %get3A_666 = tpu.vector_load %arg5[%get3A_664, %get3A_665] {strides = array<i32>} : memref<8x1024xf32, #tpu.memory_space<vmem>>, vector<1x16xf32>,
        %get3A_667 = vector.shape_cast %get3A_666 : vector<1x16xf32> to vector<16xf32>
        %add3A_668 = arith.addf %get3A_662, %get3A_667 : vector<16xf32>
        %swap3A_669 = arith.constant 3 : i32
        %swap3A_670 = arith.index_cast %swap3A_669 : i32 to index
        %swap3A_671 = arith.index_cast %add3A_657 : i32 to index
        %swap3A_672 = tpu.vector_load %arg8[%swap3A_670, %swap3A_671] {strides = array<i32>} : memref<8x1024xf32, #tpu.memory_space<vmem>>, vector<1x16xf32>,
        %swap3A_673 = vector.shape_cast %swap3A_672 : vector<1x16xf32> to vector<16xf32>
        %swap3A_674 = vector.shape_cast %add3A_668 : vector<16xf32> to vector<1x16xf32>
        tpu.vector_store %arg8[%swap3A_670, %swap3A_671], %swap3A_674 {strides = array<i32>} : memref<8x1024xf32, #tpu.memory_space<vmem>>, vector<1x16xf32>,
        %add3A_675 = arith.constant 32 : i32
        %add3A_676 = arith.addi %mul3A_182, %add3A_675 : i32
        %get3A_677 = arith.constant 3 : i32
        %get3A_678 = arith.index_cast %get3A_677 : i32 to index
        %get3A_679 = arith.index_cast %add3A_676 : i32 to index
        %get3A_680 = tpu.vector_load %arg6[%get3A_678, %get3A_679] {strides = array<i32>} : memref<8x1024xf32, #tpu.memory_space<vmem>>, vector<1x16xf32>,
        %get3A_681 = vector.shape_cast %get3A_680 : vector<1x16xf32> to vector<16xf32>
        %get3A_682 = arith.constant 3 : i32
        %get3A_683 = arith.index_cast %get3A_682 : i32 to index
        %get3A_684 = arith.index_cast %add3A_676 : i32 to index
        %get3A_685 = tpu.vector_load %arg5[%get3A_683, %get3A_684] {strides = array<i32>} : memref<8x1024xf32, #tpu.memory_space<vmem>>, vector<1x16xf32>,
        %get3A_686 = vector.shape_cast %get3A_685 : vector<1x16xf32> to vector<16xf32>
        %add3A_687 = arith.addf %get3A_681, %get3A_686 : vector<16xf32>
        %swap3A_688 = arith.constant 3 : i32
        %swap3A_689 = arith.index_cast %swap3A_688 : i32 to index
        %swap3A_690 = arith.index_cast %add3A_676 : i32 to index
        %swap3A_691 = tpu.vector_load %arg8[%swap3A_689, %swap3A_690] {strides = array<i32>} : memref<8x1024xf32, #tpu.memory_space<vmem>>, vector<1x16xf32>,
        %swap3A_692 = vector.shape_cast %swap3A_691 : vector<1x16xf32> to vector<16xf32>
        %swap3A_693 = vector.shape_cast %add3A_687 : vector<16xf32> to vector<1x16xf32>
        tpu.vector_store %arg8[%swap3A_689, %swap3A_690], %swap3A_693 {strides = array<i32>} : memref<8x1024xf32, #tpu.memory_space<vmem>>, vector<1x16xf32>,
        %add3A_694 = arith.constant 48 : i32
        %add3A_695 = arith.addi %mul3A_182, %add3A_694 : i32
        %get3A_696 = arith.constant 3 : i32
        %get3A_697 = arith.index_cast %get3A_696 : i32 to index
        %get3A_698 = arith.index_cast %add3A_695 : i32 to index
        %get3A_699 = tpu.vector_load %arg6[%get3A_697, %get3A_698] {strides = array<i32>} : memref<8x1024xf32, #tpu.memory_space<vmem>>, vector<1x16xf32>,
        %get3A_700 = vector.shape_cast %get3A_699 : vector<1x16xf32> to vector<16xf32>
        %get3A_701 = arith.constant 3 : i32
        %get3A_702 = arith.index_cast %get3A_701 : i32 to index
        %get3A_703 = arith.index_cast %add3A_695 : i32 to index
        %get3A_704 = tpu.vector_load %arg5[%get3A_702, %get3A_703] {strides = array<i32>} : memref<8x1024xf32, #tpu.memory_space<vmem>>, vector<1x16xf32>,
        %get3A_705 = vector.shape_cast %get3A_704 : vector<1x16xf32> to vector<16xf32>
        %add3A_706 = arith.addf %get3A_700, %get3A_705 : vector<16xf32>
        %swap3A_707 = arith.constant 3 : i32
        %swap3A_708 = arith.index_cast %swap3A_707 : i32 to index
        %swap3A_709 = arith.index_cast %add3A_695 : i32 to index
        %swap3A_710 = tpu.vector_load %arg8[%swap3A_708, %swap3A_709] {strides = array<i32>} : memref<8x1024xf32, #tpu.memory_space<vmem>>, vector<1x16xf32>,
        %swap3A_711 = vector.shape_cast %swap3A_710 : vector<1x16xf32> to vector<16xf32>
        %swap3A_712 = vector.shape_cast %add3A_706 : vector<16xf32> to vector<1x16xf32>
        tpu.vector_store %arg8[%swap3A_708, %swap3A_709], %swap3A_712 {strides = array<i32>} : memref<8x1024xf32, #tpu.memory_space<vmem>>, vector<1x16xf32>,
        %add3A_713 = arith.constant 64 : i32
        %add3A_714 = arith.addi %mul3A_182, %add3A_713 : i32
        %get3A_715 = arith.constant 3 : i32
        %get3A_716 = arith.index_cast %get3A_715 : i32 to index
        %get3A_717 = arith.index_cast %add3A_714 : i32 to index
        %get3A_718 = tpu.vector_load %arg6[%get3A_716, %get3A_717] {strides = array<i32>} : memref<8x1024xf32, #tpu.memory_space<vmem>>, vector<1x16xf32>,
        %get3A_719 = vector.shape_cast %get3A_718 : vector<1x16xf32> to vector<16xf32>
        %get3A_720 = arith.constant 3 : i32
        %get3A_721 = arith.index_cast %get3A_720 : i32 to index
        %get3A_722 = arith.index_cast %add3A_714 : i32 to index
        %get3A_723 = tpu.vector_load %arg5[%get3A_721, %get3A_722] {strides = array<i32>} : memref<8x1024xf32, #tpu.memory_space<vmem>>, vector<1x16xf32>,
        %get3A_724 = vector.shape_cast %get3A_723 : vector<1x16xf32> to vector<16xf32>
        %add3A_725 = arith.addf %get3A_719, %get3A_724 : vector<16xf32>
        %swap3A_726 = arith.constant 3 : i32
        %swap3A_727 = arith.index_cast %swap3A_726 : i32 to index
        %swap3A_728 = arith.index_cast %add3A_714 : i32 to index
        %swap3A_729 = tpu.vector_load %arg8[%swap3A_727, %swap3A_728] {strides = array<i32>} : memref<8x1024xf32, #tpu.memory_space<vmem>>, vector<1x16xf32>,
        %swap3A_730 = vector.shape_cast %swap3A_729 : vector<1x16xf32> to vector<16xf32>
        %swap3A_731 = vector.shape_cast %add3A_725 : vector<16xf32> to vector<1x16xf32>
        tpu.vector_store %arg8[%swap3A_727, %swap3A_728], %swap3A_731 {strides = array<i32>} : memref<8x1024xf32, #tpu.memory_space<vmem>>, vector<1x16xf32>,
        %add3A_732 = arith.constant 80 : i32
        %add3A_733 = arith.addi %mul3A_182, %add3A_732 : i32
        %get3A_734 = arith.constant 3 : i32
        %get3A_735 = arith.index_cast %get3A_734 : i32 to index
        %get3A_736 = arith.index_cast %add3A_733 : i32 to index
        %get3A_737 = tpu.vector_load %arg6[%get3A_735, %get3A_736] {strides = array<i32>} : memref<8x1024xf32, #tpu.memory_space<vmem>>, vector<1x16xf32>,
        %get3A_738 = vector.shape_cast %get3A_737 : vector<1x16xf32> to vector<16xf32>
        %get3A_739 = arith.constant 3 : i32
        %get3A_740 = arith.index_cast %get3A_739 : i32 to index
        %get3A_741 = arith.index_cast %add3A_733 : i32 to index
        %get3A_742 = tpu.vector_load %arg5[%get3A_740, %get3A_741] {strides = array<i32>} : memref<8x1024xf32, #tpu.memory_space<vmem>>, vector<1x16xf32>,
        %get3A_743 = vector.shape_cast %get3A_742 : vector<1x16xf32> to vector<16xf32>
        %add3A_744 = arith.addf %get3A_738, %get3A_743 : vector<16xf32>
        %swap3A_745 = arith.constant 3 : i32
        %swap3A_746 = arith.index_cast %swap3A_745 : i32 to index
        %swap3A_747 = arith.index_cast %add3A_733 : i32 to index
        %swap3A_748 = tpu.vector_load %arg8[%swap3A_746, %swap3A_747] {strides = array<i32>} : memref<8x1024xf32, #tpu.memory_space<vmem>>, vector<1x16xf32>,
        %swap3A_749 = vector.shape_cast %swap3A_748 : vector<1x16xf32> to vector<16xf32>
        %swap3A_750 = vector.shape_cast %add3A_744 : vector<16xf32> to vector<1x16xf32>
        tpu.vector_store %arg8[%swap3A_746, %swap3A_747], %swap3A_750 {strides = array<i32>} : memref<8x1024xf32, #tpu.memory_space<vmem>>, vector<1x16xf32>,
        %add3A_751 = arith.constant 96 : i32
        %add3A_752 = arith.addi %mul3A_182, %add3A_751 : i32
        %get3A_753 = arith.constant 3 : i32
        %get3A_754 = arith.index_cast %get3A_753 : i32 to index
        %get3A_755 = arith.index_cast %add3A_752 : i32 to index
        %get3A_756 = tpu.vector_load %arg6[%get3A_754, %get3A_755] {strides = array<i32>} : memref<8x1024xf32, #tpu.memory_space<vmem>>, vector<1x16xf32>,
        %get3A_757 = vector.shape_cast %get3A_756 : vector<1x16xf32> to vector<16xf32>
        %get3A_758 = arith.constant 3 : i32
        %get3A_759 = arith.index_cast %get3A_758 : i32 to index
        %get3A_760 = arith.index_cast %add3A_752 : i32 to index
        %get3A_761 = tpu.vector_load %arg5[%get3A_759, %get3A_760] {strides = array<i32>} : memref<8x1024xf32, #tpu.memory_space<vmem>>, vector<1x16xf32>,
        %get3A_762 = vector.shape_cast %get3A_761 : vector<1x16xf32> to vector<16xf32>
        %add3A_763 = arith.addf %get3A_757, %get3A_762 : vector<16xf32>
        %swap3A_764 = arith.constant 3 : i32
        %swap3A_765 = arith.index_cast %swap3A_764 : i32 to index
        %swap3A_766 = arith.index_cast %add3A_752 : i32 to index
        %swap3A_767 = tpu.vector_load %arg8[%swap3A_765, %swap3A_766] {strides = array<i32>} : memref<8x1024xf32, #tpu.memory_space<vmem>>, vector<1x16xf32>,
        %swap3A_768 = vector.shape_cast %swap3A_767 : vector<1x16xf32> to vector<16xf32>
        %swap3A_769 = vector.shape_cast %add3A_763 : vector<16xf32> to vector<1x16xf32>
        tpu.vector_store %arg8[%swap3A_765, %swap3A_766], %swap3A_769 {strides = array<i32>} : memref<8x1024xf32, #tpu.memory_space<vmem>>, vector<1x16xf32>,
        %add3A_770 = arith.constant 112 : i32
        %add3A_771 = arith.addi %mul3A_182, %add3A_770 : i32
        %get3A_772 = arith.constant 3 : i32
        %get3A_773 = arith.index_cast %get3A_772 : i32 to index
        %get3A_774 = arith.index_cast %add3A_771 : i32 to index
        %get3A_775 = tpu.vector_load %arg6[%get3A_773, %get3A_774] {strides = array<i32>} : memref<8x1024xf32, #tpu.memory_space<vmem>>, vector<1x16xf32>,
        %get3A_776 = vector.shape_cast %get3A_775 : vector<1x16xf32> to vector<16xf32>
        %get3A_777 = arith.constant 3 : i32
        %get3A_778 = arith.index_cast %get3A_777 : i32 to index
        %get3A_779 = arith.index_cast %add3A_771 : i32 to index
        %get3A_780 = tpu.vector_load %arg5[%get3A_778, %get3A_779] {strides = array<i32>} : memref<8x1024xf32, #tpu.memory_space<vmem>>, vector<1x16xf32>,
        %get3A_781 = vector.shape_cast %get3A_780 : vector<1x16xf32> to vector<16xf32>
        %add3A_782 = arith.addf %get3A_776, %get3A_781 : vector<16xf32>
        %swap3A_783 = arith.constant 3 : i32
        %swap3A_784 = arith.index_cast %swap3A_783 : i32 to index
        %swap3A_785 = arith.index_cast %add3A_771 : i32 to index
        %swap3A_786 = tpu.vector_load %arg8[%swap3A_784, %swap3A_785] {strides = array<i32>} : memref<8x1024xf32, #tpu.memory_space<vmem>>, vector<1x16xf32>,
        %swap3A_787 = vector.shape_cast %swap3A_786 : vector<1x16xf32> to vector<16xf32>
        %swap3A_788 = vector.shape_cast %add3A_782 : vector<16xf32> to vector<1x16xf32>
        tpu.vector_store %arg8[%swap3A_784, %swap3A_785], %swap3A_788 {strides = array<i32>} : memref<8x1024xf32, #tpu.memory_space<vmem>>, vector<1x16xf32>,
        %add3A_789 = arith.constant 0 : i32
        %add3A_790 = arith.addi %mul3A_182, %add3A_789 : i32
        %get3A_791 = arith.constant 4 : i32
        %get3A_792 = arith.index_cast %get3A_791 : i32 to index
        %get3A_793 = arith.index_cast %add3A_790 : i32 to index
        %get3A_794 = tpu.vector_load %arg6[%get3A_792, %get3A_793] {strides = array<i32>} : memref<8x1024xf32, #tpu.memory_space<vmem>>, vector<1x16xf32>,
        %get3A_795 = vector.shape_cast %get3A_794 : vector<1x16xf32> to vector<16xf32>
        %get3A_796 = arith.constant 4 : i32
        %get3A_797 = arith.index_cast %get3A_796 : i32 to index
        %get3A_798 = arith.index_cast %add3A_790 : i32 to index
        %get3A_799 = tpu.vector_load %arg5[%get3A_797, %get3A_798] {strides = array<i32>} : memref<8x1024xf32, #tpu.memory_space<vmem>>, vector<1x16xf32>,
        %get3A_800 = vector.shape_cast %get3A_799 : vector<1x16xf32> to vector<16xf32>
        %add3A_801 = arith.addf %get3A_795, %get3A_800 : vector<16xf32>
        %swap3A_802 = arith.constant 4 : i32
        %swap3A_803 = arith.index_cast %swap3A_802 : i32 to index
        %swap3A_804 = arith.index_cast %add3A_790 : i32 to index
        %swap3A_805 = tpu.vector_load %arg8[%swap3A_803, %swap3A_804] {strides = array<i32>} : memref<8x1024xf32, #tpu.memory_space<vmem>>, vector<1x16xf32>,
        %swap3A_806 = vector.shape_cast %swap3A_805 : vector<1x16xf32> to vector<16xf32>
        %swap3A_807 = vector.shape_cast %add3A_801 : vector<16xf32> to vector<1x16xf32>
        tpu.vector_store %arg8[%swap3A_803, %swap3A_804], %swap3A_807 {strides = array<i32>} : memref<8x1024xf32, #tpu.memory_space<vmem>>, vector<1x16xf32>,
        %add3A_808 = arith.constant 16 : i32
        %add3A_809 = arith.addi %mul3A_182, %add3A_808 : i32
        %get3A_810 = arith.constant 4 : i32
        %get3A_811 = arith.index_cast %get3A_810 : i32 to index
        %get3A_812 = arith.index_cast %add3A_809 : i32 to index
        %get3A_813 = tpu.vector_load %arg6[%get3A_811, %get3A_812] {strides = array<i32>} : memref<8x1024xf32, #tpu.memory_space<vmem>>, vector<1x16xf32>,
        %get3A_814 = vector.shape_cast %get3A_813 : vector<1x16xf32> to vector<16xf32>
        %get3A_815 = arith.constant 4 : i32
        %get3A_816 = arith.index_cast %get3A_815 : i32 to index
        %get3A_817 = arith.index_cast %add3A_809 : i32 to index
        %get3A_818 = tpu.vector_load %arg5[%get3A_816, %get3A_817] {strides = array<i32>} : memref<8x1024xf32, #tpu.memory_space<vmem>>, vector<1x16xf32>,
        %get3A_819 = vector.shape_cast %get3A_818 : vector<1x16xf32> to vector<16xf32>
        %add3A_820 = arith.addf %get3A_814, %get3A_819 : vector<16xf32>
        %swap3A_821 = arith.constant 4 : i32
        %swap3A_822 = arith.index_cast %swap3A_821 : i32 to index
        %swap3A_823 = arith.index_cast %add3A_809 : i32 to index
        %swap3A_824 = tpu.vector_load %arg8[%swap3A_822, %swap3A_823] {strides = array<i32>} : memref<8x1024xf32, #tpu.memory_space<vmem>>, vector<1x16xf32>,
        %swap3A_825 = vector.shape_cast %swap3A_824 : vector<1x16xf32> to vector<16xf32>
        %swap3A_826 = vector.shape_cast %add3A_820 : vector<16xf32> to vector<1x16xf32>
        tpu.vector_store %arg8[%swap3A_822, %swap3A_823], %swap3A_826 {strides = array<i32>} : memref<8x1024xf32, #tpu.memory_space<vmem>>, vector<1x16xf32>,
        %add3A_827 = arith.constant 32 : i32
        %add3A_828 = arith.addi %mul3A_182, %add3A_827 : i32
        %get3A_829 = arith.constant 4 : i32
        %get3A_830 = arith.index_cast %get3A_829 : i32 to index
        %get3A_831 = arith.index_cast %add3A_828 : i32 to index
        %get3A_832 = tpu.vector_load %arg6[%get3A_830, %get3A_831] {strides = array<i32>} : memref<8x1024xf32, #tpu.memory_space<vmem>>, vector<1x16xf32>,
        %get3A_833 = vector.shape_cast %get3A_832 : vector<1x16xf32> to vector<16xf32>
        %get3A_834 = arith.constant 4 : i32
        %get3A_835 = arith.index_cast %get3A_834 : i32 to index
        %get3A_836 = arith.index_cast %add3A_828 : i32 to index
        %get3A_837 = tpu.vector_load %arg5[%get3A_835, %get3A_836] {strides = array<i32>} : memref<8x1024xf32, #tpu.memory_space<vmem>>, vector<1x16xf32>,
        %get3A_838 = vector.shape_cast %get3A_837 : vector<1x16xf32> to vector<16xf32>
        %add3A_839 = arith.addf %get3A_833, %get3A_838 : vector<16xf32>
        %swap3A_840 = arith.constant 4 : i32
        %swap3A_841 = arith.index_cast %swap3A_840 : i32 to index
        %swap3A_842 = arith.index_cast %add3A_828 : i32 to index
        %swap3A_843 = tpu.vector_load %arg8[%swap3A_841, %swap3A_842] {strides = array<i32>} : memref<8x1024xf32, #tpu.memory_space<vmem>>, vector<1x16xf32>,
        %swap3A_844 = vector.shape_cast %swap3A_843 : vector<1x16xf32> to vector<16xf32>
        %swap3A_845 = vector.shape_cast %add3A_839 : vector<16xf32> to vector<1x16xf32>
        tpu.vector_store %arg8[%swap3A_841, %swap3A_842], %swap3A_845 {strides = array<i32>} : memref<8x1024xf32, #tpu.memory_space<vmem>>, vector<1x16xf32>,
        %add3A_846 = arith.constant 48 : i32
        %add3A_847 = arith.addi %mul3A_182, %add3A_846 : i32
        %get3A_848 = arith.constant 4 : i32
        %get3A_849 = arith.index_cast %get3A_848 : i32 to index
        %get3A_850 = arith.index_cast %add3A_847 : i32 to index
        %get3A_851 = tpu.vector_load %arg6[%get3A_849, %get3A_850] {strides = array<i32>} : memref<8x1024xf32, #tpu.memory_space<vmem>>, vector<1x16xf32>,
        %get3A_852 = vector.shape_cast %get3A_851 : vector<1x16xf32> to vector<16xf32>
        %get3A_853 = arith.constant 4 : i32
        %get3A_854 = arith.index_cast %get3A_853 : i32 to index
        %get3A_855 = arith.index_cast %add3A_847 : i32 to index
        %get3A_856 = tpu.vector_load %arg5[%get3A_854, %get3A_855] {strides = array<i32>} : memref<8x1024xf32, #tpu.memory_space<vmem>>, vector<1x16xf32>,
        %get3A_857 = vector.shape_cast %get3A_856 : vector<1x16xf32> to vector<16xf32>
        %add3A_858 = arith.addf %get3A_852, %get3A_857 : vector<16xf32>
        %swap3A_859 = arith.constant 4 : i32
        %swap3A_860 = arith.index_cast %swap3A_859 : i32 to index
        %swap3A_861 = arith.index_cast %add3A_847 : i32 to index
        %swap3A_862 = tpu.vector_load %arg8[%swap3A_860, %swap3A_861] {strides = array<i32>} : memref<8x1024xf32, #tpu.memory_space<vmem>>, vector<1x16xf32>,
        %swap3A_863 = vector.shape_cast %swap3A_862 : vector<1x16xf32> to vector<16xf32>
        %swap3A_864 = vector.shape_cast %add3A_858 : vector<16xf32> to vector<1x16xf32>
        tpu.vector_store %arg8[%swap3A_860, %swap3A_861], %swap3A_864 {strides = array<i32>} : memref<8x1024xf32, #tpu.memory_space<vmem>>, vector<1x16xf32>,
        %add3A_865 = arith.constant 64 : i32
        %add3A_866 = arith.addi %mul3A_182, %add3A_865 : i32
        %get3A_867 = arith.constant 4 : i32
        %get3A_868 = arith.index_cast %get3A_867 : i32 to index
        %get3A_869 = arith.index_cast %add3A_866 : i32 to index
        %get3A_870 = tpu.vector_load %arg6[%get3A_868, %get3A_869] {strides = array<i32>} : memref<8x1024xf32, #tpu.memory_space<vmem>>, vector<1x16xf32>,
        %get3A_871 = vector.shape_cast %get3A_870 : vector<1x16xf32> to vector<16xf32>
        %get3A_872 = arith.constant 4 : i32
        %get3A_873 = arith.index_cast %get3A_872 : i32 to index
        %get3A_874 = arith.index_cast %add3A_866 : i32 to index
        %get3A_875 = tpu.vector_load %arg5[%get3A_873, %get3A_874] {strides = array<i32>} : memref<8x1024xf32, #tpu.memory_space<vmem>>, vector<1x16xf32>,
        %get3A_876 = vector.shape_cast %get3A_875 : vector<1x16xf32> to vector<16xf32>
        %add3A_877 = arith.addf %get3A_871, %get3A_876 : vector<16xf32>
        %swap3A_878 = arith.constant 4 : i32
        %swap3A_879 = arith.index_cast %swap3A_878 : i32 to index
        %swap3A_880 = arith.index_cast %add3A_866 : i32 to index
        %swap3A_881 = tpu.vector_load %arg8[%swap3A_879, %swap3A_880] {strides = array<i32>} : memref<8x1024xf32, #tpu.memory_space<vmem>>, vector<1x16xf32>,
        %swap3A_882 = vector.shape_cast %swap3A_881 : vector<1x16xf32> to vector<16xf32>
        %swap3A_883 = vector.shape_cast %add3A_877 : vector<16xf32> to vector<1x16xf32>
        tpu.vector_store %arg8[%swap3A_879, %swap3A_880], %swap3A_883 {strides = array<i32>} : memref<8x1024xf32, #tpu.memory_space<vmem>>, vector<1x16xf32>,
        %add3A_884 = arith.constant 80 : i32
        %add3A_885 = arith.addi %mul3A_182, %add3A_884 : i32
        %get3A_886 = arith.constant 4 : i32
        %get3A_887 = arith.index_cast %get3A_886 : i32 to index
        %get3A_888 = arith.index_cast %add3A_885 : i32 to index
        %get3A_889 = tpu.vector_load %arg6[%get3A_887, %get3A_888] {strides = array<i32>} : memref<8x1024xf32, #tpu.memory_space<vmem>>, vector<1x16xf32>,
        %get3A_890 = vector.shape_cast %get3A_889 : vector<1x16xf32> to vector<16xf32>
        %get3A_891 = arith.constant 4 : i32
        %get3A_892 = arith.index_cast %get3A_891 : i32 to index
        %get3A_893 = arith.index_cast %add3A_885 : i32 to index
        %get3A_894 = tpu.vector_load %arg5[%get3A_892, %get3A_893] {strides = array<i32>} : memref<8x1024xf32, #tpu.memory_space<vmem>>, vector<1x16xf32>,
        %get3A_895 = vector.shape_cast %get3A_894 : vector<1x16xf32> to vector<16xf32>
        %add3A_896 = arith.addf %get3A_890, %get3A_895 : vector<16xf32>
        %swap3A_897 = arith.constant 4 : i32
        %swap3A_898 = arith.index_cast %swap3A_897 : i32 to index
        %swap3A_899 = arith.index_cast %add3A_885 : i32 to index
        %swap3A_900 = tpu.vector_load %arg8[%swap3A_898, %swap3A_899] {strides = array<i32>} : memref<8x1024xf32, #tpu.memory_space<vmem>>, vector<1x16xf32>,
        %swap3A_901 = vector.shape_cast %swap3A_900 : vector<1x16xf32> to vector<16xf32>
        %swap3A_902 = vector.shape_cast %add3A_896 : vector<16xf32> to vector<1x16xf32>
        tpu.vector_store %arg8[%swap3A_898, %swap3A_899], %swap3A_902 {strides = array<i32>} : memref<8x1024xf32, #tpu.memory_space<vmem>>, vector<1x16xf32>,
        %add3A_903 = arith.constant 96 : i32
        %add3A_904 = arith.addi %mul3A_182, %add3A_903 : i32
        %get3A_905 = arith.constant 4 : i32
        %get3A_906 = arith.index_cast %get3A_905 : i32 to index
        %get3A_907 = arith.index_cast %add3A_904 : i32 to index
        %get3A_908 = tpu.vector_load %arg6[%get3A_906, %get3A_907] {strides = array<i32>} : memref<8x1024xf32, #tpu.memory_space<vmem>>, vector<1x16xf32>,
        %get3A_909 = vector.shape_cast %get3A_908 : vector<1x16xf32> to vector<16xf32>
        %get3A_910 = arith.constant 4 : i32
        %get3A_911 = arith.index_cast %get3A_910 : i32 to index
        %get3A_912 = arith.index_cast %add3A_904 : i32 to index
        %get3A_913 = tpu.vector_load %arg5[%get3A_911, %get3A_912] {strides = array<i32>} : memref<8x1024xf32, #tpu.memory_space<vmem>>, vector<1x16xf32>,
        %get3A_914 = vector.shape_cast %get3A_913 : vector<1x16xf32> to vector<16xf32>
        %add3A_915 = arith.addf %get3A_909, %get3A_914 : vector<16xf32>
        %swap3A_916 = arith.constant 4 : i32
        %swap3A_917 = arith.index_cast %swap3A_916 : i32 to index
        %swap3A_918 = arith.index_cast %add3A_904 : i32 to index
        %swap3A_919 = tpu.vector_load %arg8[%swap3A_917, %swap3A_918] {strides = array<i32>} : memref<8x1024xf32, #tpu.memory_space<vmem>>, vector<1x16xf32>,
        %swap3A_920 = vector.shape_cast %swap3A_919 : vector<1x16xf32> to vector<16xf32>
        %swap3A_921 = vector.shape_cast %add3A_915 : vector<16xf32> to vector<1x16xf32>
        tpu.vector_store %arg8[%swap3A_917, %swap3A_918], %swap3A_921 {strides = array<i32>} : memref<8x1024xf32, #tpu.memory_space<vmem>>, vector<1x16xf32>,
        %add3A_922 = arith.constant 112 : i32
        %add3A_923 = arith.addi %mul3A_182, %add3A_922 : i32
        %get3A_924 = arith.constant 4 : i32
        %get3A_925 = arith.index_cast %get3A_924 : i32 to index
        %get3A_926 = arith.index_cast %add3A_923 : i32 to index
        %get3A_927 = tpu.vector_load %arg6[%get3A_925, %get3A_926] {strides = array<i32>} : memref<8x1024xf32, #tpu.memory_space<vmem>>, vector<1x16xf32>,
        %get3A_928 = vector.shape_cast %get3A_927 : vector<1x16xf32> to vector<16xf32>
        %get3A_929 = arith.constant 4 : i32
        %get3A_930 = arith.index_cast %get3A_929 : i32 to index
        %get3A_931 = arith.index_cast %add3A_923 : i32 to index
        %get3A_932 = tpu.vector_load %arg5[%get3A_930, %get3A_931] {strides = array<i32>} : memref<8x1024xf32, #tpu.memory_space<vmem>>, vector<1x16xf32>,
        %get3A_933 = vector.shape_cast %get3A_932 : vector<1x16xf32> to vector<16xf32>
        %add3A_934 = arith.addf %get3A_928, %get3A_933 : vector<16xf32>
        %swap3A_935 = arith.constant 4 : i32
        %swap3A_936 = arith.index_cast %swap3A_935 : i32 to index
        %swap3A_937 = arith.index_cast %add3A_923 : i32 to index
        %swap3A_938 = tpu.vector_load %arg8[%swap3A_936, %swap3A_937] {strides = array<i32>} : memref<8x1024xf32, #tpu.memory_space<vmem>>, vector<1x16xf32>,
        %swap3A_939 = vector.shape_cast %swap3A_938 : vector<1x16xf32> to vector<16xf32>
        %swap3A_940 = vector.shape_cast %add3A_934 : vector<16xf32> to vector<1x16xf32>
        tpu.vector_store %arg8[%swap3A_936, %swap3A_937], %swap3A_940 {strides = array<i32>} : memref<8x1024xf32, #tpu.memory_space<vmem>>, vector<1x16xf32>,
        %add3A_941 = arith.constant 0 : i32
        %add3A_942 = arith.addi %mul3A_182, %add3A_941 : i32
        %get3A_943 = arith.constant 5 : i32
        %get3A_944 = arith.index_cast %get3A_943 : i32 to index
        %get3A_945 = arith.index_cast %add3A_942 : i32 to index
        %get3A_946 = tpu.vector_load %arg6[%get3A_944, %get3A_945] {strides = array<i32>} : memref<8x1024xf32, #tpu.memory_space<vmem>>, vector<1x16xf32>,
        %get3A_947 = vector.shape_cast %get3A_946 : vector<1x16xf32> to vector<16xf32>
        %get3A_948 = arith.constant 5 : i32
        %get3A_949 = arith.index_cast %get3A_948 : i32 to index
        %get3A_950 = arith.index_cast %add3A_942 : i32 to index
        %get3A_951 = tpu.vector_load %arg5[%get3A_949, %get3A_950] {strides = array<i32>} : memref<8x1024xf32, #tpu.memory_space<vmem>>, vector<1x16xf32>,
        %get3A_952 = vector.shape_cast %get3A_951 : vector<1x16xf32> to vector<16xf32>
        %add3A_953 = arith.addf %get3A_947, %get3A_952 : vector<16xf32>
        %swap3A_954 = arith.constant 5 : i32
        %swap3A_955 = arith.index_cast %swap3A_954 : i32 to index
        %swap3A_956 = arith.index_cast %add3A_942 : i32 to index
        %swap3A_957 = tpu.vector_load %arg8[%swap3A_955, %swap3A_956] {strides = array<i32>} : memref<8x1024xf32, #tpu.memory_space<vmem>>, vector<1x16xf32>,
        %swap3A_958 = vector.shape_cast %swap3A_957 : vector<1x16xf32> to vector<16xf32>
        %swap3A_959 = vector.shape_cast %add3A_953 : vector<16xf32> to vector<1x16xf32>
        tpu.vector_store %arg8[%swap3A_955, %swap3A_956], %swap3A_959 {strides = array<i32>} : memref<8x1024xf32, #tpu.memory_space<vmem>>, vector<1x16xf32>,
        %add3A_960 = arith.constant 16 : i32
        %add3A_961 = arith.addi %mul3A_182, %add3A_960 : i32
        %get3A_962 = arith.constant 5 : i32
        %get3A_963 = arith.index_cast %get3A_962 : i32 to index
        %get3A_964 = arith.index_cast %add3A_961 : i32 to index
        %get3A_965 = tpu.vector_load %arg6[%get3A_963, %get3A_964] {strides = array<i32>} : memref<8x1024xf32, #tpu.memory_space<vmem>>, vector<1x16xf32>,
        %get3A_966 = vector.shape_cast %get3A_965 : vector<1x16xf32> to vector<16xf32>
        %get3A_967 = arith.constant 5 : i32
        %get3A_968 = arith.index_cast %get3A_967 : i32 to index
        %get3A_969 = arith.index_cast %add3A_961 : i32 to index
        %get3A_970 = tpu.vector_load %arg5[%get3A_968, %get3A_969] {strides = array<i32>} : memref<8x1024xf32, #tpu.memory_space<vmem>>, vector<1x16xf32>,
        %get3A_971 = vector.shape_cast %get3A_970 : vector<1x16xf32> to vector<16xf32>
        %add3A_972 = arith.addf %get3A_966, %get3A_971 : vector<16xf32>
        %swap3A_973 = arith.constant 5 : i32
        %swap3A_974 = arith.index_cast %swap3A_973 : i32 to index
        %swap3A_975 = arith.index_cast %add3A_961 : i32 to index
        %swap3A_976 = tpu.vector_load %arg8[%swap3A_974, %swap3A_975] {strides = array<i32>} : memref<8x1024xf32, #tpu.memory_space<vmem>>, vector<1x16xf32>,
        %swap3A_977 = vector.shape_cast %swap3A_976 : vector<1x16xf32> to vector<16xf32>
        %swap3A_978 = vector.shape_cast %add3A_972 : vector<16xf32> to vector<1x16xf32>
        tpu.vector_store %arg8[%swap3A_974, %swap3A_975], %swap3A_978 {strides = array<i32>} : memref<8x1024xf32, #tpu.memory_space<vmem>>, vector<1x16xf32>,
        %add3A_979 = arith.constant 32 : i32
        %add3A_980 = arith.addi %mul3A_182, %add3A_979 : i32
        %get3A_981 = arith.constant 5 : i32
        %get3A_982 = arith.index_cast %get3A_981 : i32 to index
        %get3A_983 = arith.index_cast %add3A_980 : i32 to index
        %get3A_984 = tpu.vector_load %arg6[%get3A_982, %get3A_983] {strides = array<i32>} : memref<8x1024xf32, #tpu.memory_space<vmem>>, vector<1x16xf32>,
        %get3A_985 = vector.shape_cast %get3A_984 : vector<1x16xf32> to vector<16xf32>
        %get3A_986 = arith.constant 5 : i32
        %get3A_987 = arith.index_cast %get3A_986 : i32 to index
        %get3A_988 = arith.index_cast %add3A_980 : i32 to index
        %get3A_989 = tpu.vector_load %arg5[%get3A_987, %get3A_988] {strides = array<i32>} : memref<8x1024xf32, #tpu.memory_space<vmem>>, vector<1x16xf32>,
        %get3A_990 = vector.shape_cast %get3A_989 : vector<1x16xf32> to vector<16xf32>
        %add3A_991 = arith.addf %get3A_985, %get3A_990 : vector<16xf32>
        %swap3A_992 = arith.constant 5 : i32
        %swap3A_993 = arith.index_cast %swap3A_992 : i32 to index
        %swap3A_994 = arith.index_cast %add3A_980 : i32 to index
        %swap3A_995 = tpu.vector_load %arg8[%swap3A_993, %swap3A_994] {strides = array<i32>} : memref<8x1024xf32, #tpu.memory_space<vmem>>, vector<1x16xf32>,
        %swap3A_996 = vector.shape_cast %swap3A_995 : vector<1x16xf32> to vector<16xf32>
        %swap3A_997 = vector.shape_cast %add3A_991 : vector<16xf32> to vector<1x16xf32>
        tpu.vector_store %arg8[%swap3A_993, %swap3A_994], %swap3A_997 {strides = array<i32>} : memref<8x1024xf32, #tpu.memory_space<vmem>>, vector<1x16xf32>,
        %add3A_998 = arith.constant 48 : i32
        %add3A_999 = arith.addi %mul3A_182, %add3A_998 : i32
        %get3A_1000 = arith.constant 5 : i32
        %get3A_1001 = arith.index_cast %get3A_1000 : i32 to index
        %get3A_1002 = arith.index_cast %add3A_999 : i32 to index
        %get3A_1003 = tpu.vector_load %arg6[%get3A_1001, %get3A_1002] {strides = array<i32>} : memref<8x1024xf32, #tpu.memory_space<vmem>>, vector<1x16xf32>,
        %get3A_1004 = vector.shape_cast %get3A_1003 : vector<1x16xf32> to vector<16xf32>
        %get3A_1005 = arith.constant 5 : i32
        %get3A_1006 = arith.index_cast %get3A_1005 : i32 to index
        %get3A_1007 = arith.index_cast %add3A_999 : i32 to index
        %get3A_1008 = tpu.vector_load %arg5[%get3A_1006, %get3A_1007] {strides = array<i32>} : memref<8x1024xf32, #tpu.memory_space<vmem>>, vector<1x16xf32>,
        %get3A_1009 = vector.shape_cast %get3A_1008 : vector<1x16xf32> to vector<16xf32>
        %add3A_1010 = arith.addf %get3A_1004, %get3A_1009 : vector<16xf32>
        %swap3A_1011 = arith.constant 5 : i32
        %swap3A_1012 = arith.index_cast %swap3A_1011 : i32 to index
        %swap3A_1013 = arith.index_cast %add3A_999 : i32 to index
        %swap3A_1014 = tpu.vector_load %arg8[%swap3A_1012, %swap3A_1013] {strides = array<i32>} : memref<8x1024xf32, #tpu.memory_space<vmem>>, vector<1x16xf32>,
        %swap3A_1015 = vector.shape_cast %swap3A_1014 : vector<1x16xf32> to vector<16xf32>
        %swap3A_1016 = vector.shape_cast %add3A_1010 : vector<16xf32> to vector<1x16xf32>
        tpu.vector_store %arg8[%swap3A_1012, %swap3A_1013], %swap3A_1016 {strides = array<i32>} : memref<8x1024xf32, #tpu.memory_space<vmem>>, vector<1x16xf32>,
        %add3A_1017 = arith.constant 64 : i32
        %add3A_1018 = arith.addi %mul3A_182, %add3A_1017 : i32
        %get3A_1019 = arith.constant 5 : i32
        %get3A_1020 = arith.index_cast %get3A_1019 : i32 to index
        %get3A_1021 = arith.index_cast %add3A_1018 : i32 to index
        %get3A_1022 = tpu.vector_load %arg6[%get3A_1020, %get3A_1021] {strides = array<i32>} : memref<8x1024xf32, #tpu.memory_space<vmem>>, vector<1x16xf32>,
        %get3A_1023 = vector.shape_cast %get3A_1022 : vector<1x16xf32> to vector<16xf32>
        %get3A_1024 = arith.constant 5 : i32
        %get3A_1025 = arith.index_cast %get3A_1024 : i32 to index
        %get3A_1026 = arith.index_cast %add3A_1018 : i32 to index
        %get3A_1027 = tpu.vector_load %arg5[%get3A_1025, %get3A_1026] {strides = array<i32>} : memref<8x1024xf32, #tpu.memory_space<vmem>>, vector<1x16xf32>,
        %get3A_1028 = vector.shape_cast %get3A_1027 : vector<1x16xf32> to vector<16xf32>
        %add3A_1029 = arith.addf %get3A_1023, %get3A_1028 : vector<16xf32>
        %swap3A_1030 = arith.constant 5 : i32
        %swap3A_1031 = arith.index_cast %swap3A_1030 : i32 to index
        %swap3A_1032 = arith.index_cast %add3A_1018 : i32 to index
        %swap3A_1033 = tpu.vector_load %arg8[%swap3A_1031, %swap3A_1032] {strides = array<i32>} : memref<8x1024xf32, #tpu.memory_space<vmem>>, vector<1x16xf32>,
        %swap3A_1034 = vector.shape_cast %swap3A_1033 : vector<1x16xf32> to vector<16xf32>
        %swap3A_1035 = vector.shape_cast %add3A_1029 : vector<16xf32> to vector<1x16xf32>
        tpu.vector_store %arg8[%swap3A_1031, %swap3A_1032], %swap3A_1035 {strides = array<i32>} : memref<8x1024xf32, #tpu.memory_space<vmem>>, vector<1x16xf32>,
        %add3A_1036 = arith.constant 80 : i32
        %add3A_1037 = arith.addi %mul3A_182, %add3A_1036 : i32
        %get3A_1038 = arith.constant 5 : i32
        %get3A_1039 = arith.index_cast %get3A_1038 : i32 to index
        %get3A_1040 = arith.index_cast %add3A_1037 : i32 to index
        %get3A_1041 = tpu.vector_load %arg6[%get3A_1039, %get3A_1040] {strides = array<i32>} : memref<8x1024xf32, #tpu.memory_space<vmem>>, vector<1x16xf32>,
        %get3A_1042 = vector.shape_cast %get3A_1041 : vector<1x16xf32> to vector<16xf32>
        %get3A_1043 = arith.constant 5 : i32
        %get3A_1044 = arith.index_cast %get3A_1043 : i32 to index
        %get3A_1045 = arith.index_cast %add3A_1037 : i32 to index
        %get3A_1046 = tpu.vector_load %arg5[%get3A_1044, %get3A_1045] {strides = array<i32>} : memref<8x1024xf32, #tpu.memory_space<vmem>>, vector<1x16xf32>,
        %get3A_1047 = vector.shape_cast %get3A_1046 : vector<1x16xf32> to vector<16xf32>
        %add3A_1048 = arith.addf %get3A_1042, %get3A_1047 : vector<16xf32>
        %swap3A_1049 = arith.constant 5 : i32
        %swap3A_1050 = arith.index_cast %swap3A_1049 : i32 to index
        %swap3A_1051 = arith.index_cast %add3A_1037 : i32 to index
        %swap3A_1052 = tpu.vector_load %arg8[%swap3A_1050, %swap3A_1051] {strides = array<i32>} : memref<8x1024xf32, #tpu.memory_space<vmem>>, vector<1x16xf32>,
        %swap3A_1053 = vector.shape_cast %swap3A_1052 : vector<1x16xf32> to vector<16xf32>
        %swap3A_1054 = vector.shape_cast %add3A_1048 : vector<16xf32> to vector<1x16xf32>
        tpu.vector_store %arg8[%swap3A_1050, %swap3A_1051], %swap3A_1054 {strides = array<i32>} : memref<8x1024xf32, #tpu.memory_space<vmem>>, vector<1x16xf32>,
        %add3A_1055 = arith.constant 96 : i32
        %add3A_1056 = arith.addi %mul3A_182, %add3A_1055 : i32
        %get3A_1057 = arith.constant 5 : i32
        %get3A_1058 = arith.index_cast %get3A_1057 : i32 to index
        %get3A_1059 = arith.index_cast %add3A_1056 : i32 to index
        %get3A_1060 = tpu.vector_load %arg6[%get3A_1058, %get3A_1059] {strides = array<i32>} : memref<8x1024xf32, #tpu.memory_space<vmem>>, vector<1x16xf32>,
        %get3A_1061 = vector.shape_cast %get3A_1060 : vector<1x16xf32> to vector<16xf32>
        %get3A_1062 = arith.constant 5 : i32
        %get3A_1063 = arith.index_cast %get3A_1062 : i32 to index
        %get3A_1064 = arith.index_cast %add3A_1056 : i32 to index
        %get3A_1065 = tpu.vector_load %arg5[%get3A_1063, %get3A_1064] {strides = array<i32>} : memref<8x1024xf32, #tpu.memory_space<vmem>>, vector<1x16xf32>,
        %get3A_1066 = vector.shape_cast %get3A_1065 : vector<1x16xf32> to vector<16xf32>
        %add3A_1067 = arith.addf %get3A_1061, %get3A_1066 : vector<16xf32>
        %swap3A_1068 = arith.constant 5 : i32
        %swap3A_1069 = arith.index_cast %swap3A_1068 : i32 to index
        %swap3A_1070 = arith.index_cast %add3A_1056 : i32 to index
        %swap3A_1071 = tpu.vector_load %arg8[%swap3A_1069, %swap3A_1070] {strides = array<i32>} : memref<8x1024xf32, #tpu.memory_space<vmem>>, vector<1x16xf32>,
        %swap3A_1072 = vector.shape_cast %swap3A_1071 : vector<1x16xf32> to vector<16xf32>
        %swap3A_1073 = vector.shape_cast %add3A_1067 : vector<16xf32> to vector<1x16xf32>
        tpu.vector_store %arg8[%swap3A_1069, %swap3A_1070], %swap3A_1073 {strides = array<i32>} : memref<8x1024xf32, #tpu.memory_space<vmem>>, vector<1x16xf32>,
        %add3A_1074 = arith.constant 112 : i32
        %add3A_1075 = arith.addi %mul3A_182, %add3A_1074 : i32
        %get3A_1076 = arith.constant 5 : i32
        %get3A_1077 = arith.index_cast %get3A_1076 : i32 to index
        %get3A_1078 = arith.index_cast %add3A_1075 : i32 to index
        %get3A_1079 = tpu.vector_load %arg6[%get3A_1077, %get3A_1078] {strides = array<i32>} : memref<8x1024xf32, #tpu.memory_space<vmem>>, vector<1x16xf32>,
        %get3A_1080 = vector.shape_cast %get3A_1079 : vector<1x16xf32> to vector<16xf32>
        %get3A_1081 = arith.constant 5 : i32
        %get3A_1082 = arith.index_cast %get3A_1081 : i32 to index
        %get3A_1083 = arith.index_cast %add3A_1075 : i32 to index
        %get3A_1084 = tpu.vector_load %arg5[%get3A_1082, %get3A_1083] {strides = array<i32>} : memref<8x1024xf32, #tpu.memory_space<vmem>>, vector<1x16xf32>,
        %get3A_1085 = vector.shape_cast %get3A_1084 : vector<1x16xf32> to vector<16xf32>
        %add3A_1086 = arith.addf %get3A_1080, %get3A_1085 : vector<16xf32>
        %swap3A_1087 = arith.constant 5 : i32
        %swap3A_1088 = arith.index_cast %swap3A_1087 : i32 to index
        %swap3A_1089 = arith.index_cast %add3A_1075 : i32 to index
        %swap3A_1090 = tpu.vector_load %arg8[%swap3A_1088, %swap3A_1089] {strides = array<i32>} : memref<8x1024xf32, #tpu.memory_space<vmem>>, vector<1x16xf32>,
        %swap3A_1091 = vector.shape_cast %swap3A_1090 : vector<1x16xf32> to vector<16xf32>
        %swap3A_1092 = vector.shape_cast %add3A_1086 : vector<16xf32> to vector<1x16xf32>
        tpu.vector_store %arg8[%swap3A_1088, %swap3A_1089], %swap3A_1092 {strides = array<i32>} : memref<8x1024xf32, #tpu.memory_space<vmem>>, vector<1x16xf32>,
        %add3A_1093 = arith.constant 0 : i32
        %add3A_1094 = arith.addi %mul3A_182, %add3A_1093 : i32
        %get3A_1095 = arith.constant 6 : i32
        %get3A_1096 = arith.index_cast %get3A_1095 : i32 to index
        %get3A_1097 = arith.index_cast %add3A_1094 : i32 to index
        %get3A_1098 = tpu.vector_load %arg6[%get3A_1096, %get3A_1097] {strides = array<i32>} : memref<8x1024xf32, #tpu.memory_space<vmem>>, vector<1x16xf32>,
        %get3A_1099 = vector.shape_cast %get3A_1098 : vector<1x16xf32> to vector<16xf32>
        %get3A_1100 = arith.constant 6 : i32
        %get3A_1101 = arith.index_cast %get3A_1100 : i32 to index
        %get3A_1102 = arith.index_cast %add3A_1094 : i32 to index
        %get3A_1103 = tpu.vector_load %arg5[%get3A_1101, %get3A_1102] {strides = array<i32>} : memref<8x1024xf32, #tpu.memory_space<vmem>>, vector<1x16xf32>,
        %get3A_1104 = vector.shape_cast %get3A_1103 : vector<1x16xf32> to vector<16xf32>
        %add3A_1105 = arith.addf %get3A_1099, %get3A_1104 : vector<16xf32>
        %swap3A_1106 = arith.constant 6 : i32
        %swap3A_1107 = arith.index_cast %swap3A_1106 : i32 to index
        %swap3A_1108 = arith.index_cast %add3A_1094 : i32 to index
        %swap3A_1109 = tpu.vector_load %arg8[%swap3A_1107, %swap3A_1108] {strides = array<i32>} : memref<8x1024xf32, #tpu.memory_space<vmem>>, vector<1x16xf32>,
        %swap3A_1110 = vector.shape_cast %swap3A_1109 : vector<1x16xf32> to vector<16xf32>
        %swap3A_1111 = vector.shape_cast %add3A_1105 : vector<16xf32> to vector<1x16xf32>
        tpu.vector_store %arg8[%swap3A_1107, %swap3A_1108], %swap3A_1111 {strides = array<i32>} : memref<8x1024xf32, #tpu.memory_space<vmem>>, vector<1x16xf32>,
        %add3A_1112 = arith.constant 16 : i32
        %add3A_1113 = arith.addi %mul3A_182, %add3A_1112 : i32
        %get3A_1114 = arith.constant 6 : i32
        %get3A_1115 = arith.index_cast %get3A_1114 : i32 to index
        %get3A_1116 = arith.index_cast %add3A_1113 : i32 to index
        %get3A_1117 = tpu.vector_load %arg6[%get3A_1115, %get3A_1116] {strides = array<i32>} : memref<8x1024xf32, #tpu.memory_space<vmem>>, vector<1x16xf32>,
        %get3A_1118 = vector.shape_cast %get3A_1117 : vector<1x16xf32> to vector<16xf32>
        %get3A_1119 = arith.constant 6 : i32
        %get3A_1120 = arith.index_cast %get3A_1119 : i32 to index
        %get3A_1121 = arith.index_cast %add3A_1113 : i32 to index
        %get3A_1122 = tpu.vector_load %arg5[%get3A_1120, %get3A_1121] {strides = array<i32>} : memref<8x1024xf32, #tpu.memory_space<vmem>>, vector<1x16xf32>,
        %get3A_1123 = vector.shape_cast %get3A_1122 : vector<1x16xf32> to vector<16xf32>
        %add3A_1124 = arith.addf %get3A_1118, %get3A_1123 : vector<16xf32>
        %swap3A_1125 = arith.constant 6 : i32
        %swap3A_1126 = arith.index_cast %swap3A_1125 : i32 to index
        %swap3A_1127 = arith.index_cast %add3A_1113 : i32 to index
        %swap3A_1128 = tpu.vector_load %arg8[%swap3A_1126, %swap3A_1127] {strides = array<i32>} : memref<8x1024xf32, #tpu.memory_space<vmem>>, vector<1x16xf32>,
        %swap3A_1129 = vector.shape_cast %swap3A_1128 : vector<1x16xf32> to vector<16xf32>
        %swap3A_1130 = vector.shape_cast %add3A_1124 : vector<16xf32> to vector<1x16xf32>
        tpu.vector_store %arg8[%swap3A_1126, %swap3A_1127], %swap3A_1130 {strides = array<i32>} : memref<8x1024xf32, #tpu.memory_space<vmem>>, vector<1x16xf32>,
        %add3A_1131 = arith.constant 32 : i32
        %add3A_1132 = arith.addi %mul3A_182, %add3A_1131 : i32
        %get3A_1133 = arith.constant 6 : i32
        %get3A_1134 = arith.index_cast %get3A_1133 : i32 to index
        %get3A_1135 = arith.index_cast %add3A_1132 : i32 to index
        %get3A_1136 = tpu.vector_load %arg6[%get3A_1134, %get3A_1135] {strides = array<i32>} : memref<8x1024xf32, #tpu.memory_space<vmem>>, vector<1x16xf32>,
        %get3A_1137 = vector.shape_cast %get3A_1136 : vector<1x16xf32> to vector<16xf32>
        %get3A_1138 = arith.constant 6 : i32
        %get3A_1139 = arith.index_cast %get3A_1138 : i32 to index
        %get3A_1140 = arith.index_cast %add3A_1132 : i32 to index
        %get3A_1141 = tpu.vector_load %arg5[%get3A_1139, %get3A_1140] {strides = array<i32>} : memref<8x1024xf32, #tpu.memory_space<vmem>>, vector<1x16xf32>,
        %get3A_1142 = vector.shape_cast %get3A_1141 : vector<1x16xf32> to vector<16xf32>
        %add3A_1143 = arith.addf %get3A_1137, %get3A_1142 : vector<16xf32>
        %swap3A_1144 = arith.constant 6 : i32
        %swap3A_1145 = arith.index_cast %swap3A_1144 : i32 to index
        %swap3A_1146 = arith.index_cast %add3A_1132 : i32 to index
        %swap3A_1147 = tpu.vector_load %arg8[%swap3A_1145, %swap3A_1146] {strides = array<i32>} : memref<8x1024xf32, #tpu.memory_space<vmem>>, vector<1x16xf32>,
        %swap3A_1148 = vector.shape_cast %swap3A_1147 : vector<1x16xf32> to vector<16xf32>
        %swap3A_1149 = vector.shape_cast %add3A_1143 : vector<16xf32> to vector<1x16xf32>
        tpu.vector_store %arg8[%swap3A_1145, %swap3A_1146], %swap3A_1149 {strides = array<i32>} : memref<8x1024xf32, #tpu.memory_space<vmem>>, vector<1x16xf32>,
        %add3A_1150 = arith.constant 48 : i32
        %add3A_1151 = arith.addi %mul3A_182, %add3A_1150 : i32
        %get3A_1152 = arith.constant 6 : i32
        %get3A_1153 = arith.index_cast %get3A_1152 : i32 to index
        %get3A_1154 = arith.index_cast %add3A_1151 : i32 to index
        %get3A_1155 = tpu.vector_load %arg6[%get3A_1153, %get3A_1154] {strides = array<i32>} : memref<8x1024xf32, #tpu.memory_space<vmem>>, vector<1x16xf32>,
        %get3A_1156 = vector.shape_cast %get3A_1155 : vector<1x16xf32> to vector<16xf32>
        %get3A_1157 = arith.constant 6 : i32
        %get3A_1158 = arith.index_cast %get3A_1157 : i32 to index
        %get3A_1159 = arith.index_cast %add3A_1151 : i32 to index
        %get3A_1160 = tpu.vector_load %arg5[%get3A_1158, %get3A_1159] {strides = array<i32>} : memref<8x1024xf32, #tpu.memory_space<vmem>>, vector<1x16xf32>,
        %get3A_1161 = vector.shape_cast %get3A_1160 : vector<1x16xf32> to vector<16xf32>
        %add3A_1162 = arith.addf %get3A_1156, %get3A_1161 : vector<16xf32>
        %swap3A_1163 = arith.constant 6 : i32
        %swap3A_1164 = arith.index_cast %swap3A_1163 : i32 to index
        %swap3A_1165 = arith.index_cast %add3A_1151 : i32 to index
        %swap3A_1166 = tpu.vector_load %arg8[%swap3A_1164, %swap3A_1165] {strides = array<i32>} : memref<8x1024xf32, #tpu.memory_space<vmem>>, vector<1x16xf32>,
        %swap3A_1167 = vector.shape_cast %swap3A_1166 : vector<1x16xf32> to vector<16xf32>
        %swap3A_1168 = vector.shape_cast %add3A_1162 : vector<16xf32> to vector<1x16xf32>
        tpu.vector_store %arg8[%swap3A_1164, %swap3A_1165], %swap3A_1168 {strides = array<i32>} : memref<8x1024xf32, #tpu.memory_space<vmem>>, vector<1x16xf32>,
        %add3A_1169 = arith.constant 64 : i32
        %add3A_1170 = arith.addi %mul3A_182, %add3A_1169 : i32
        %get3A_1171 = arith.constant 6 : i32
        %get3A_1172 = arith.index_cast %get3A_1171 : i32 to index
        %get3A_1173 = arith.index_cast %add3A_1170 : i32 to index
        %get3A_1174 = tpu.vector_load %arg6[%get3A_1172, %get3A_1173] {strides = array<i32>} : memref<8x1024xf32, #tpu.memory_space<vmem>>, vector<1x16xf32>,
        %get3A_1175 = vector.shape_cast %get3A_1174 : vector<1x16xf32> to vector<16xf32>
        %get3A_1176 = arith.constant 6 : i32
        %get3A_1177 = arith.index_cast %get3A_1176 : i32 to index
        %get3A_1178 = arith.index_cast %add3A_1170 : i32 to index
        %get3A_1179 = tpu.vector_load %arg5[%get3A_1177, %get3A_1178] {strides = array<i32>} : memref<8x1024xf32, #tpu.memory_space<vmem>>, vector<1x16xf32>,
        %get3A_1180 = vector.shape_cast %get3A_1179 : vector<1x16xf32> to vector<16xf32>
        %add3A_1181 = arith.addf %get3A_1175, %get3A_1180 : vector<16xf32>
        %swap3A_1182 = arith.constant 6 : i32
        %swap3A_1183 = arith.index_cast %swap3A_1182 : i32 to index
        %swap3A_1184 = arith.index_cast %add3A_1170 : i32 to index
        %swap3A_1185 = tpu.vector_load %arg8[%swap3A_1183, %swap3A_1184] {strides = array<i32>} : memref<8x1024xf32, #tpu.memory_space<vmem>>, vector<1x16xf32>,
        %swap3A_1186 = vector.shape_cast %swap3A_1185 : vector<1x16xf32> to vector<16xf32>
        %swap3A_1187 = vector.shape_cast %add3A_1181 : vector<16xf32> to vector<1x16xf32>
        tpu.vector_store %arg8[%swap3A_1183, %swap3A_1184], %swap3A_1187 {strides = array<i32>} : memref<8x1024xf32, #tpu.memory_space<vmem>>, vector<1x16xf32>,
        %add3A_1188 = arith.constant 80 : i32
        %add3A_1189 = arith.addi %mul3A_182, %add3A_1188 : i32
        %get3A_1190 = arith.constant 6 : i32
        %get3A_1191 = arith.index_cast %get3A_1190 : i32 to index
        %get3A_1192 = arith.index_cast %add3A_1189 : i32 to index
        %get3A_1193 = tpu.vector_load %arg6[%get3A_1191, %get3A_1192] {strides = array<i32>} : memref<8x1024xf32, #tpu.memory_space<vmem>>, vector<1x16xf32>,
        %get3A_1194 = vector.shape_cast %get3A_1193 : vector<1x16xf32> to vector<16xf32>
        %get3A_1195 = arith.constant 6 : i32
        %get3A_1196 = arith.index_cast %get3A_1195 : i32 to index
        %get3A_1197 = arith.index_cast %add3A_1189 : i32 to index
        %get3A_1198 = tpu.vector_load %arg5[%get3A_1196, %get3A_1197] {strides = array<i32>} : memref<8x1024xf32, #tpu.memory_space<vmem>>, vector<1x16xf32>,
        %get3A_1199 = vector.shape_cast %get3A_1198 : vector<1x16xf32> to vector<16xf32>
        %add3A_1200 = arith.addf %get3A_1194, %get3A_1199 : vector<16xf32>
        %swap3A_1201 = arith.constant 6 : i32
        %swap3A_1202 = arith.index_cast %swap3A_1201 : i32 to index
        %swap3A_1203 = arith.index_cast %add3A_1189 : i32 to index
        %swap3A_1204 = tpu.vector_load %arg8[%swap3A_1202, %swap3A_1203] {strides = array<i32>} : memref<8x1024xf32, #tpu.memory_space<vmem>>, vector<1x16xf32>,
        %swap3A_1205 = vector.shape_cast %swap3A_1204 : vector<1x16xf32> to vector<16xf32>
        %swap3A_1206 = vector.shape_cast %add3A_1200 : vector<16xf32> to vector<1x16xf32>
        tpu.vector_store %arg8[%swap3A_1202, %swap3A_1203], %swap3A_1206 {strides = array<i32>} : memref<8x1024xf32, #tpu.memory_space<vmem>>, vector<1x16xf32>,
        %add3A_1207 = arith.constant 96 : i32
        %add3A_1208 = arith.addi %mul3A_182, %add3A_1207 : i32
        %get3A_1209 = arith.constant 6 : i32
        %get3A_1210 = arith.index_cast %get3A_1209 : i32 to index
        %get3A_1211 = arith.index_cast %add3A_1208 : i32 to index
        %get3A_1212 = tpu.vector_load %arg6[%get3A_1210, %get3A_1211] {strides = array<i32>} : memref<8x1024xf32, #tpu.memory_space<vmem>>, vector<1x16xf32>,
        %get3A_1213 = vector.shape_cast %get3A_1212 : vector<1x16xf32> to vector<16xf32>
        %get3A_1214 = arith.constant 6 : i32
        %get3A_1215 = arith.index_cast %get3A_1214 : i32 to index
        %get3A_1216 = arith.index_cast %add3A_1208 : i32 to index
        %get3A_1217 = tpu.vector_load %arg5[%get3A_1215, %get3A_1216] {strides = array<i32>} : memref<8x1024xf32, #tpu.memory_space<vmem>>, vector<1x16xf32>,
        %get3A_1218 = vector.shape_cast %get3A_1217 : vector<1x16xf32> to vector<16xf32>
        %add3A_1219 = arith.addf %get3A_1213, %get3A_1218 : vector<16xf32>
        %swap3A_1220 = arith.constant 6 : i32
        %swap3A_1221 = arith.index_cast %swap3A_1220 : i32 to index
        %swap3A_1222 = arith.index_cast %add3A_1208 : i32 to index
        %swap3A_1223 = tpu.vector_load %arg8[%swap3A_1221, %swap3A_1222] {strides = array<i32>} : memref<8x1024xf32, #tpu.memory_space<vmem>>, vector<1x16xf32>,
        %swap3A_1224 = vector.shape_cast %swap3A_1223 : vector<1x16xf32> to vector<16xf32>
        %swap3A_1225 = vector.shape_cast %add3A_1219 : vector<16xf32> to vector<1x16xf32>
        tpu.vector_store %arg8[%swap3A_1221, %swap3A_1222], %swap3A_1225 {strides = array<i32>} : memref<8x1024xf32, #tpu.memory_space<vmem>>, vector<1x16xf32>,
        %add3A_1226 = arith.constant 112 : i32
        %add3A_1227 = arith.addi %mul3A_182, %add3A_1226 : i32
        %get3A_1228 = arith.constant 6 : i32
        %get3A_1229 = arith.index_cast %get3A_1228 : i32 to index
        %get3A_1230 = arith.index_cast %add3A_1227 : i32 to index
        %get3A_1231 = tpu.vector_load %arg6[%get3A_1229, %get3A_1230] {strides = array<i32>} : memref<8x1024xf32, #tpu.memory_space<vmem>>, vector<1x16xf32>,
        %get3A_1232 = vector.shape_cast %get3A_1231 : vector<1x16xf32> to vector<16xf32>
        %get3A_1233 = arith.constant 6 : i32
        %get3A_1234 = arith.index_cast %get3A_1233 : i32 to index
        %get3A_1235 = arith.index_cast %add3A_1227 : i32 to index
        %get3A_1236 = tpu.vector_load %arg5[%get3A_1234, %get3A_1235] {strides = array<i32>} : memref<8x1024xf32, #tpu.memory_space<vmem>>, vector<1x16xf32>,
        %get3A_1237 = vector.shape_cast %get3A_1236 : vector<1x16xf32> to vector<16xf32>
        %add3A_1238 = arith.addf %get3A_1232, %get3A_1237 : vector<16xf32>
        %swap3A_1239 = arith.constant 6 : i32
        %swap3A_1240 = arith.index_cast %swap3A_1239 : i32 to index
        %swap3A_1241 = arith.index_cast %add3A_1227 : i32 to index
        %swap3A_1242 = tpu.vector_load %arg8[%swap3A_1240, %swap3A_1241] {strides = array<i32>} : memref<8x1024xf32, #tpu.memory_space<vmem>>, vector<1x16xf32>,
        %swap3A_1243 = vector.shape_cast %swap3A_1242 : vector<1x16xf32> to vector<16xf32>
        %swap3A_1244 = vector.shape_cast %add3A_1238 : vector<16xf32> to vector<1x16xf32>
        tpu.vector_store %arg8[%swap3A_1240, %swap3A_1241], %swap3A_1244 {strides = array<i32>} : memref<8x1024xf32, #tpu.memory_space<vmem>>, vector<1x16xf32>,
        %add3A_1245 = arith.constant 0 : i32
        %add3A_1246 = arith.addi %mul3A_182, %add3A_1245 : i32
        %get3A_1247 = arith.constant 7 : i32
        %get3A_1248 = arith.index_cast %get3A_1247 : i32 to index
        %get3A_1249 = arith.index_cast %add3A_1246 : i32 to index
        %get3A_1250 = tpu.vector_load %arg6[%get3A_1248, %get3A_1249] {strides = array<i32>} : memref<8x1024xf32, #tpu.memory_space<vmem>>, vector<1x16xf32>,
        %get3A_1251 = vector.shape_cast %get3A_1250 : vector<1x16xf32> to vector<16xf32>
        %get3A_1252 = arith.constant 7 : i32
        %get3A_1253 = arith.index_cast %get3A_1252 : i32 to index
        %get3A_1254 = arith.index_cast %add3A_1246 : i32 to index
        %get3A_1255 = tpu.vector_load %arg5[%get3A_1253, %get3A_1254] {strides = array<i32>} : memref<8x1024xf32, #tpu.memory_space<vmem>>, vector<1x16xf32>,
        %get3A_1256 = vector.shape_cast %get3A_1255 : vector<1x16xf32> to vector<16xf32>
        %add3A_1257 = arith.addf %get3A_1251, %get3A_1256 : vector<16xf32>
        %swap3A_1258 = arith.constant 7 : i32
        %swap3A_1259 = arith.index_cast %swap3A_1258 : i32 to index
        %swap3A_1260 = arith.index_cast %add3A_1246 : i32 to index
        %swap3A_1261 = tpu.vector_load %arg8[%swap3A_1259, %swap3A_1260] {strides = array<i32>} : memref<8x1024xf32, #tpu.memory_space<vmem>>, vector<1x16xf32>,
        %swap3A_1262 = vector.shape_cast %swap3A_1261 : vector<1x16xf32> to vector<16xf32>
        %swap3A_1263 = vector.shape_cast %add3A_1257 : vector<16xf32> to vector<1x16xf32>
        tpu.vector_store %arg8[%swap3A_1259, %swap3A_1260], %swap3A_1263 {strides = array<i32>} : memref<8x1024xf32, #tpu.memory_space<vmem>>, vector<1x16xf32>,
        %add3A_1264 = arith.constant 16 : i32
        %add3A_1265 = arith.addi %mul3A_182, %add3A_1264 : i32
        %get3A_1266 = arith.constant 7 : i32
        %get3A_1267 = arith.index_cast %get3A_1266 : i32 to index
        %get3A_1268 = arith.index_cast %add3A_1265 : i32 to index
        %get3A_1269 = tpu.vector_load %arg6[%get3A_1267, %get3A_1268] {strides = array<i32>} : memref<8x1024xf32, #tpu.memory_space<vmem>>, vector<1x16xf32>,
        %get3A_1270 = vector.shape_cast %get3A_1269 : vector<1x16xf32> to vector<16xf32>
        %get3A_1271 = arith.constant 7 : i32
        %get3A_1272 = arith.index_cast %get3A_1271 : i32 to index
        %get3A_1273 = arith.index_cast %add3A_1265 : i32 to index
        %get3A_1274 = tpu.vector_load %arg5[%get3A_1272, %get3A_1273] {strides = array<i32>} : memref<8x1024xf32, #tpu.memory_space<vmem>>, vector<1x16xf32>,
        %get3A_1275 = vector.shape_cast %get3A_1274 : vector<1x16xf32> to vector<16xf32>
        %add3A_1276 = arith.addf %get3A_1270, %get3A_1275 : vector<16xf32>
        %swap3A_1277 = arith.constant 7 : i32
        %swap3A_1278 = arith.index_cast %swap3A_1277 : i32 to index
        %swap3A_1279 = arith.index_cast %add3A_1265 : i32 to index
        %swap3A_1280 = tpu.vector_load %arg8[%swap3A_1278, %swap3A_1279] {strides = array<i32>} : memref<8x1024xf32, #tpu.memory_space<vmem>>, vector<1x16xf32>,
        %swap3A_1281 = vector.shape_cast %swap3A_1280 : vector<1x16xf32> to vector<16xf32>
        %swap3A_1282 = vector.shape_cast %add3A_1276 : vector<16xf32> to vector<1x16xf32>
        tpu.vector_store %arg8[%swap3A_1278, %swap3A_1279], %swap3A_1282 {strides = array<i32>} : memref<8x1024xf32, #tpu.memory_space<vmem>>, vector<1x16xf32>,
        %add3A_1283 = arith.constant 32 : i32
        %add3A_1284 = arith.addi %mul3A_182, %add3A_1283 : i32
        %get3A_1285 = arith.constant 7 : i32
        %get3A_1286 = arith.index_cast %get3A_1285 : i32 to index
        %get3A_1287 = arith.index_cast %add3A_1284 : i32 to index
        %get3A_1288 = tpu.vector_load %arg6[%get3A_1286, %get3A_1287] {strides = array<i32>} : memref<8x1024xf32, #tpu.memory_space<vmem>>, vector<1x16xf32>,
        %get3A_1289 = vector.shape_cast %get3A_1288 : vector<1x16xf32> to vector<16xf32>
        %get3A_1290 = arith.constant 7 : i32
        %get3A_1291 = arith.index_cast %get3A_1290 : i32 to index
        %get3A_1292 = arith.index_cast %add3A_1284 : i32 to index
        %get3A_1293 = tpu.vector_load %arg5[%get3A_1291, %get3A_1292] {strides = array<i32>} : memref<8x1024xf32, #tpu.memory_space<vmem>>, vector<1x16xf32>,
        %get3A_1294 = vector.shape_cast %get3A_1293 : vector<1x16xf32> to vector<16xf32>
        %add3A_1295 = arith.addf %get3A_1289, %get3A_1294 : vector<16xf32>
        %swap3A_1296 = arith.constant 7 : i32
        %swap3A_1297 = arith.index_cast %swap3A_1296 : i32 to index
        %swap3A_1298 = arith.index_cast %add3A_1284 : i32 to index
        %swap3A_1299 = tpu.vector_load %arg8[%swap3A_1297, %swap3A_1298] {strides = array<i32>} : memref<8x1024xf32, #tpu.memory_space<vmem>>, vector<1x16xf32>,
        %swap3A_1300 = vector.shape_cast %swap3A_1299 : vector<1x16xf32> to vector<16xf32>
        %swap3A_1301 = vector.shape_cast %add3A_1295 : vector<16xf32> to vector<1x16xf32>
        tpu.vector_store %arg8[%swap3A_1297, %swap3A_1298], %swap3A_1301 {strides = array<i32>} : memref<8x1024xf32, #tpu.memory_space<vmem>>, vector<1x16xf32>,
        %add3A_1302 = arith.constant 48 : i32
        %add3A_1303 = arith.addi %mul3A_182, %add3A_1302 : i32
        %get3A_1304 = arith.constant 7 : i32
        %get3A_1305 = arith.index_cast %get3A_1304 : i32 to index
        %get3A_1306 = arith.index_cast %add3A_1303 : i32 to index
        %get3A_1307 = tpu.vector_load %arg6[%get3A_1305, %get3A_1306] {strides = array<i32>} : memref<8x1024xf32, #tpu.memory_space<vmem>>, vector<1x16xf32>,
        %get3A_1308 = vector.shape_cast %get3A_1307 : vector<1x16xf32> to vector<16xf32>
        %get3A_1309 = arith.constant 7 : i32
        %get3A_1310 = arith.index_cast %get3A_1309 : i32 to index
        %get3A_1311 = arith.index_cast %add3A_1303 : i32 to index
        %get3A_1312 = tpu.vector_load %arg5[%get3A_1310, %get3A_1311] {strides = array<i32>} : memref<8x1024xf32, #tpu.memory_space<vmem>>, vector<1x16xf32>,
        %get3A_1313 = vector.shape_cast %get3A_1312 : vector<1x16xf32> to vector<16xf32>
        %add3A_1314 = arith.addf %get3A_1308, %get3A_1313 : vector<16xf32>
        %swap3A_1315 = arith.constant 7 : i32
        %swap3A_1316 = arith.index_cast %swap3A_1315 : i32 to index
        %swap3A_1317 = arith.index_cast %add3A_1303 : i32 to index
        %swap3A_1318 = tpu.vector_load %arg8[%swap3A_1316, %swap3A_1317] {strides = array<i32>} : memref<8x1024xf32, #tpu.memory_space<vmem>>, vector<1x16xf32>,
        %swap3A_1319 = vector.shape_cast %swap3A_1318 : vector<1x16xf32> to vector<16xf32>
        %swap3A_1320 = vector.shape_cast %add3A_1314 : vector<16xf32> to vector<1x16xf32>
        tpu.vector_store %arg8[%swap3A_1316, %swap3A_1317], %swap3A_1320 {strides = array<i32>} : memref<8x1024xf32, #tpu.memory_space<vmem>>, vector<1x16xf32>,
        %add3A_1321 = arith.constant 64 : i32
        %add3A_1322 = arith.addi %mul3A_182, %add3A_1321 : i32
        %get3A_1323 = arith.constant 7 : i32
        %get3A_1324 = arith.index_cast %get3A_1323 : i32 to index
        %get3A_1325 = arith.index_cast %add3A_1322 : i32 to index
        %get3A_1326 = tpu.vector_load %arg6[%get3A_1324, %get3A_1325] {strides = array<i32>} : memref<8x1024xf32, #tpu.memory_space<vmem>>, vector<1x16xf32>,
        %get3A_1327 = vector.shape_cast %get3A_1326 : vector<1x16xf32> to vector<16xf32>
        %get3A_1328 = arith.constant 7 : i32
        %get3A_1329 = arith.index_cast %get3A_1328 : i32 to index
        %get3A_1330 = arith.index_cast %add3A_1322 : i32 to index
        %get3A_1331 = tpu.vector_load %arg5[%get3A_1329, %get3A_1330] {strides = array<i32>} : memref<8x1024xf32, #tpu.memory_space<vmem>>, vector<1x16xf32>,
        %get3A_1332 = vector.shape_cast %get3A_1331 : vector<1x16xf32> to vector<16xf32>
        %add3A_1333 = arith.addf %get3A_1327, %get3A_1332 : vector<16xf32>
        %swap3A_1334 = arith.constant 7 : i32
        %swap3A_1335 = arith.index_cast %swap3A_1334 : i32 to index
        %swap3A_1336 = arith.index_cast %add3A_1322 : i32 to index
        %swap3A_1337 = tpu.vector_load %arg8[%swap3A_1335, %swap3A_1336] {strides = array<i32>} : memref<8x1024xf32, #tpu.memory_space<vmem>>, vector<1x16xf32>,
        %swap3A_1338 = vector.shape_cast %swap3A_1337 : vector<1x16xf32> to vector<16xf32>
        %swap3A_1339 = vector.shape_cast %add3A_1333 : vector<16xf32> to vector<1x16xf32>
        tpu.vector_store %arg8[%swap3A_1335, %swap3A_1336], %swap3A_1339 {strides = array<i32>} : memref<8x1024xf32, #tpu.memory_space<vmem>>, vector<1x16xf32>,
        %add3A_1340 = arith.constant 80 : i32
        %add3A_1341 = arith.addi %mul3A_182, %add3A_1340 : i32
        %get3A_1342 = arith.constant 7 : i32
        %get3A_1343 = arith.index_cast %get3A_1342 : i32 to index
        %get3A_1344 = arith.index_cast %add3A_1341 : i32 to index
        %get3A_1345 = tpu.vector_load %arg6[%get3A_1343, %get3A_1344] {strides = array<i32>} : memref<8x1024xf32, #tpu.memory_space<vmem>>, vector<1x16xf32>,
        %get3A_1346 = vector.shape_cast %get3A_1345 : vector<1x16xf32> to vector<16xf32>
        %get3A_1347 = arith.constant 7 : i32
        %get3A_1348 = arith.index_cast %get3A_1347 : i32 to index
        %get3A_1349 = arith.index_cast %add3A_1341 : i32 to index
        %get3A_1350 = tpu.vector_load %arg5[%get3A_1348, %get3A_1349] {strides = array<i32>} : memref<8x1024xf32, #tpu.memory_space<vmem>>, vector<1x16xf32>,
        %get3A_1351 = vector.shape_cast %get3A_1350 : vector<1x16xf32> to vector<16xf32>
        %add3A_1352 = arith.addf %get3A_1346, %get3A_1351 : vector<16xf32>
        %swap3A_1353 = arith.constant 7 : i32
        %swap3A_1354 = arith.index_cast %swap3A_1353 : i32 to index
        %swap3A_1355 = arith.index_cast %add3A_1341 : i32 to index
        %swap3A_1356 = tpu.vector_load %arg8[%swap3A_1354, %swap3A_1355] {strides = array<i32>} : memref<8x1024xf32, #tpu.memory_space<vmem>>, vector<1x16xf32>,
        %swap3A_1357 = vector.shape_cast %swap3A_1356 : vector<1x16xf32> to vector<16xf32>
        %swap3A_1358 = vector.shape_cast %add3A_1352 : vector<16xf32> to vector<1x16xf32>
        tpu.vector_store %arg8[%swap3A_1354, %swap3A_1355], %swap3A_1358 {strides = array<i32>} : memref<8x1024xf32, #tpu.memory_space<vmem>>, vector<1x16xf32>,
        %add3A_1359 = arith.constant 96 : i32
        %add3A_1360 = arith.addi %mul3A_182, %add3A_1359 : i32
        %get3A_1361 = arith.constant 7 : i32
        %get3A_1362 = arith.index_cast %get3A_1361 : i32 to index
        %get3A_1363 = arith.index_cast %add3A_1360 : i32 to index
        %get3A_1364 = tpu.vector_load %arg6[%get3A_1362, %get3A_1363] {strides = array<i32>} : memref<8x1024xf32, #tpu.memory_space<vmem>>, vector<1x16xf32>,
        %get3A_1365 = vector.shape_cast %get3A_1364 : vector<1x16xf32> to vector<16xf32>
        %get3A_1366 = arith.constant 7 : i32
        %get3A_1367 = arith.index_cast %get3A_1366 : i32 to index
        %get3A_1368 = arith.index_cast %add3A_1360 : i32 to index
        %get3A_1369 = tpu.vector_load %arg5[%get3A_1367, %get3A_1368] {strides = array<i32>} : memref<8x1024xf32, #tpu.memory_space<vmem>>, vector<1x16xf32>,
        %get3A_1370 = vector.shape_cast %get3A_1369 : vector<1x16xf32> to vector<16xf32>
        %add3A_1371 = arith.addf %get3A_1365, %get3A_1370 : vector<16xf32>
        %swap3A_1372 = arith.constant 7 : i32
        %swap3A_1373 = arith.index_cast %swap3A_1372 : i32 to index
        %swap3A_1374 = arith.index_cast %add3A_1360 : i32 to index
        %swap3A_1375 = tpu.vector_load %arg8[%swap3A_1373, %swap3A_1374] {strides = array<i32>} : memref<8x1024xf32, #tpu.memory_space<vmem>>, vector<1x16xf32>,
        %swap3A_1376 = vector.shape_cast %swap3A_1375 : vector<1x16xf32> to vector<16xf32>
        %swap3A_1377 = vector.shape_cast %add3A_1371 : vector<16xf32> to vector<1x16xf32>
        tpu.vector_store %arg8[%swap3A_1373, %swap3A_1374], %swap3A_1377 {strides = array<i32>} : memref<8x1024xf32, #tpu.memory_space<vmem>>, vector<1x16xf32>,
        %add3A_1378 = arith.constant 112 : i32
        %add3A_1379 = arith.addi %mul3A_182, %add3A_1378 : i32
        %get3A_1380 = arith.constant 7 : i32
        %get3A_1381 = arith.index_cast %get3A_1380 : i32 to index
        %get3A_1382 = arith.index_cast %add3A_1379 : i32 to index
        %get3A_1383 = tpu.vector_load %arg6[%get3A_1381, %get3A_1382] {strides = array<i32>} : memref<8x1024xf32, #tpu.memory_space<vmem>>, vector<1x16xf32>,
        %get3A_1384 = vector.shape_cast %get3A_1383 : vector<1x16xf32> to vector<16xf32>
        %get3A_1385 = arith.constant 7 : i32
        %get3A_1386 = arith.index_cast %get3A_1385 : i32 to index
        %get3A_1387 = arith.index_cast %add3A_1379 : i32 to index
        %get3A_1388 = tpu.vector_load %arg5[%get3A_1386, %get3A_1387] {strides = array<i32>} : memref<8x1024xf32, #tpu.memory_space<vmem>>, vector<1x16xf32>,
        %get3A_1389 = vector.shape_cast %get3A_1388 : vector<1x16xf32> to vector<16xf32>
        %add3A_1390 = arith.addf %get3A_1384, %get3A_1389 : vector<16xf32>
        %swap3A_1391 = arith.constant 7 : i32
        %swap3A_1392 = arith.index_cast %swap3A_1391 : i32 to index
        %swap3A_1393 = arith.index_cast %add3A_1379 : i32 to index
        %swap3A_1394 = tpu.vector_load %arg8[%swap3A_1392, %swap3A_1393] {strides = array<i32>} : memref<8x1024xf32, #tpu.memory_space<vmem>>, vector<1x16xf32>,
        %swap3A_1395 = vector.shape_cast %swap3A_1394 : vector<1x16xf32> to vector<16xf32>
        %swap3A_1396 = vector.shape_cast %add3A_1390 : vector<16xf32> to vector<1x16xf32>
        tpu.vector_store %arg8[%swap3A_1392, %swap3A_1393], %swap3A_1396 {strides = array<i32>} : memref<8x1024xf32, #tpu.memory_space<vmem>>, vector<1x16xf32>,
        %scan3A_1397 = arith.constant 0 : i32
        scf.yield %scan3A_1397 : i32
      }
      %scan3A_96 = arith.constant 8 : i32
      %dma_start3A_97 = arith.constant 0 : i32
      %dma_start3A_98 = tpu.memref_slice %arg4[%sub3A_71, %add3A_74, %dma_start3A_97] : memref<4x256x1024xf32, #tpu.memory_space<hbm>> -> memref<1x8x1024xf32, #tpu.memory_space<hbm>>
      %dma_start3A_99 = tpu.memref_squeeze %dma_start3A_98 : memref<1x8x1024xf32, #tpu.memory_space<hbm>> -> memref<8x1024xf32, #tpu.memory_space<hbm>>
      %dma_start3A_100 = arith.constant 0 : i32
      %dma_start3A_101 = tpu.memref_slice %arg4[%sub3A_71, %add3A_74, %dma_start3A_100] : memref<4x256x1024xf32, #tpu.memory_space<hbm>> -> memref<1x8x1024xf32, #tpu.memory_space<hbm>>
      %dma_start3A_102 = tpu.memref_squeeze %dma_start3A_101 : memref<1x8x1024xf32, #tpu.memory_space<hbm>> -> memref<8x1024xf32, #tpu.memory_space<hbm>>
      tpu.enqueue_dma source(%arg8 : memref<8x1024xf32, #tpu.memory_space<vmem>>) target(%dma_start3A_102 : memref<8x1024xf32, #tpu.memory_space<hbm>>) target_semaphore(%arg12 : memref<!tpu.dma_semaphore, #tpu.memory_space<semaphore_mem>>)
      %lt3A = arith.constant 1 : i32
      %lt3A_103 = arith.cmpi slt, %scan3A_47, %lt3A : i32
      %convert_element_type3A_104 = arith.extui %lt3A_103 : i1 to i32
      %cond3A_105 = arith.constant 0 : i32
      %cond3A_106 = arith.cmpi ne, %convert_element_type3A_104, %cond3A_105 : i32
      scf.if %cond3A_106 {
        %add3A_179 = arith.constant 2 : i32
        %add3A_180 = arith.addi %add3A_52, %add3A_179 : i32
        %jit3A_181 = arith.constant 4 : i32
        %div3A_182 = arith.divsi %add3A_180, %jit3A_181 : i32
        %sign3A_183 = arith.constant 0 : i32
        %sign3A_184 = arith.cmpi sgt, %add3A_180, %sign3A_183 : i32
        %sign3A_185 = arith.extui %sign3A_184 : i1 to i32
        %sign3A_186 = arith.constant 0 : i32
        %sign3A_187 = arith.cmpi slt, %add3A_180, %sign3A_186 : i32
        %sign3A_188 = arith.extui %sign3A_187 : i1 to i32
        %sign3A_189 = arith.subi %sign3A_185, %sign3A_188 : i32
        %sign3A_190 = arith.constant 0 : i32
        %sign3A_191 = arith.cmpi sgt, %jit3A_181, %sign3A_190 : i32
        %sign3A_192 = arith.extui %sign3A_191 : i1 to i32
        %sign3A_193 = arith.constant 0 : i32
        %sign3A_194 = arith.cmpi slt, %jit3A_181, %sign3A_193 : i32
        %sign3A_195 = arith.extui %sign3A_194 : i1 to i32
        %sign3A_196 = arith.subi %sign3A_192, %sign3A_195 : i32
        %ne3A_197 = arith.cmpi ne, %sign3A_189, %sign3A_196 : i32
        %rem3A_198 = arith.remsi %add3A_180, %jit3A_181 : i32
        %ne3A_199 = arith.constant 0 : i32
        %ne3A_200 = arith.cmpi ne, %rem3A_198, %ne3A_199 : i32
        %and3A_201 = arith.andi %ne3A_197, %ne3A_200 : i1
        %sub3A_202 = arith.constant 1 : i32
        %sub3A_203 = arith.subi %div3A_182, %sub3A_202 : i32
        %select_n3A_204 = arith.select %and3A_201, %sub3A_203, %div3A_182 : i32
        %mul3A_205 = arith.constant 4 : i32
        %mul3A_206 = arith.muli %select_n3A_204, %mul3A_205 : i32
        %sub3A_207 = arith.subi %add3A_180, %mul3A_206 : i32
        %mul3A_208 = arith.constant 8 : i32
        %mul3A_209 = arith.muli %select_n3A_204, %mul3A_208 : i32
        %add3A_210 = arith.addi %mul3A_2, %mul3A_209 : i32
        %add3A_211 = arith.constant 7936 : i32
        %add3A_212 = arith.addi %add3A_211, %add3A_210 : i32
        %dma_start3A_213 = arith.constant 0 : i32
        %dma_start3A_214 = tpu.memref_slice %arg2[%sub3A_207, %add3A_212, %dma_start3A_213] : memref<4x8192x1024xf32, #tpu.memory_space<hbm>> -> memref<1x8x1024xf32, #tpu.memory_space<hbm>>
        %dma_start3A_215 = tpu.memref_squeeze %dma_start3A_214 : memref<1x8x1024xf32, #tpu.memory_space<hbm>> -> memref<8x1024xf32, #tpu.memory_space<hbm>>
        %dma_start3A_216 = arith.constant 0 : i32
        %dma_start3A_217 = tpu.memref_slice %arg2[%sub3A_207, %add3A_212, %dma_start3A_216] : memref<4x8192x1024xf32, #tpu.memory_space<hbm>> -> memref<1x8x1024xf32, #tpu.memory_space<hbm>>
        %dma_start3A_218 = tpu.memref_squeeze %dma_start3A_217 : memref<1x8x1024xf32, #tpu.memory_space<hbm>> -> memref<8x1024xf32, #tpu.memory_space<hbm>>
        tpu.enqueue_dma source(%dma_start3A_218 : memref<8x1024xf32, #tpu.memory_space<hbm>>) target(%arg6 : memref<8x1024xf32, #tpu.memory_space<vmem>>) target_semaphore(%arg10 : memref<!tpu.dma_semaphore, #tpu.memory_space<semaphore_mem>>)
      } else {
      }
      %mul3A_107 = arith.constant 2 : i32
      %mul3A_108 = arith.muli %scan3A_47, %mul3A_107 : i32
      %add3A_109 = arith.constant 1 : i32
      %add3A_110 = arith.addi %mul3A_108, %add3A_109 : i32
      %jit3A_111 = arith.constant 4 : i32
      %div3A_112 = arith.divsi %add3A_110, %jit3A_111 : i32
      %sign3A_113 = arith.constant 0 : i32
      %sign3A_114 = arith.cmpi sgt, %add3A_110, %sign3A_113 : i32
      %sign3A_115 = arith.extui %sign3A_114 : i1 to i32
      %sign3A_116 = arith.constant 0 : i32
      %sign3A_117 = arith.cmpi slt, %add3A_110, %sign3A_116 : i32
      %sign3A_118 = arith.extui %sign3A_117 : i1 to i32
      %sign3A_119 = arith.subi %sign3A_115, %sign3A_118 : i32
      %sign3A_120 = arith.constant 0 : i32
      %sign3A_121 = arith.cmpi sgt, %jit3A_111, %sign3A_120 : i32
      %sign3A_122 = arith.extui %sign3A_121 : i1 to i32
      %sign3A_123 = arith.constant 0 : i32
      %sign3A_124 = arith.cmpi slt, %jit3A_111, %sign3A_123 : i32
      %sign3A_125 = arith.extui %sign3A_124 : i1 to i32
      %sign3A_126 = arith.subi %sign3A_122, %sign3A_125 : i32
      %ne3A_127 = arith.cmpi ne, %sign3A_119, %sign3A_126 : i32
      %rem3A_128 = arith.remsi %add3A_110, %jit3A_111 : i32
      %ne3A_129 = arith.constant 0 : i32
      %ne3A_130 = arith.cmpi ne, %rem3A_128, %ne3A_129 : i32
      %and3A_131 = arith.andi %ne3A_127, %ne3A_130 : i1
      %sub3A_132 = arith.constant 1 : i32
      %sub3A_133 = arith.subi %div3A_112, %sub3A_132 : i32
      %select_n3A_134 = arith.select %and3A_131, %sub3A_133, %div3A_112 : i32
      %mul3A_135 = arith.constant 4 : i32
      %mul3A_136 = arith.muli %select_n3A_134, %mul3A_135 : i32
      %sub3A_137 = arith.subi %add3A_110, %mul3A_136 : i32
      %mul3A_138 = arith.constant 8 : i32
      %mul3A_139 = arith.muli %select_n3A_134, %mul3A_138 : i32
      %add3A_140 = arith.addi %mul3A_2, %mul3A_139 : i32
      %eq3A_141 = arith.constant 0 : i32
      %eq3A_142 = arith.cmpi eq, %sub3A_137, %eq3A_141 : i32
      %convert_element_type3A_143 = arith.extui %eq3A_142 : i1 to i32
      %cond3A_144 = arith.constant 0 : i32
      %cond3A_145 = arith.cmpi ne, %convert_element_type3A_143, %cond3A_144 : i32
      scf.if %cond3A_145 {
        %add3A_179 = arith.constant 7936 : i32
        %add3A_180 = arith.addi %add3A_179, %add3A_140 : i32
        "tpu.region"() ({
          %run_scoped3A = tpu.sem_alloc : memref<!tpu.dma_semaphore, #tpu.memory_space<semaphore_mem>>
          %dma_start3A_181 = arith.constant 0 : i32
          %dma_start3A_182 = tpu.memref_slice %arg3[%add3A_180, %dma_start3A_181] : memref<8192x1024xf32, #tpu.memory_space<hbm>> -> memref<8x1024xf32, #tpu.memory_space<hbm>>
          %dma_start3A_183 = arith.constant 0 : i32
          %dma_start3A_184 = tpu.memref_slice %arg3[%add3A_180, %dma_start3A_183] : memref<8192x1024xf32, #tpu.memory_space<hbm>> -> memref<8x1024xf32, #tpu.memory_space<hbm>>
          tpu.enqueue_dma source(%dma_start3A_184 : memref<8x1024xf32, #tpu.memory_space<hbm>>) target(%arg5 : memref<8x1024xf32, #tpu.memory_space<vmem>>) target_semaphore(%run_scoped3A : memref<!tpu.dma_semaphore, #tpu.memory_space<semaphore_mem>>)
          %dma_wait3A_185 = arith.constant 0 : i32
          %dma_wait3A_186 = tpu.memref_slice %arg3[%add3A_180, %dma_wait3A_185] : memref<8192x1024xf32, #tpu.memory_space<hbm>> -> memref<8x1024xf32, #tpu.memory_space<hbm>>
          %dma_wait3A_187 = arith.constant 0 : i32
          %dma_wait3A_188 = tpu.memref_slice %arg3[%add3A_180, %dma_wait3A_187] : memref<8192x1024xf32, #tpu.memory_space<hbm>> -> memref<8x1024xf32, #tpu.memory_space<hbm>>
          tpu.wait_dma2 semaphore(%run_scoped3A : memref<!tpu.dma_semaphore, #tpu.memory_space<semaphore_mem>>) src(%dma_wait3A_188 : memref<8x1024xf32, #tpu.memory_space<hbm>>) dst(%arg5 : memref<8x1024xf32, #tpu.memory_space<vmem>>)
          tpu.yield
        }) : () -> ()
      } else {
      }
      %dma_wait3A_146 = arith.constant 0 : i32
      %dma_wait3A_147 = arith.constant 0 : i32
      %dma_wait3A_148 = arith.constant 0 : i32
      %dma_wait3A_149 = tpu.memref_slice %arg2[%dma_wait3A_146, %dma_wait3A_147, %dma_wait3A_148] : memref<4x8192x1024xf32, #tpu.memory_space<hbm>> -> memref<1x8x1024xf32, #tpu.memory_space<hbm>>
      %dma_wait3A_150 = tpu.memref_squeeze %dma_wait3A_149 : memref<1x8x1024xf32, #tpu.memory_space<hbm>> -> memref<8x1024xf32, #tpu.memory_space<hbm>>
      %dma_wait3A_151 = arith.constant 0 : i32
      %dma_wait3A_152 = arith.constant 0 : i32
      %dma_wait3A_153 = tpu.memref_slice %arg2[%dma_wait3A_146, %dma_wait3A_151, %dma_wait3A_152] : memref<4x8192x1024xf32, #tpu.memory_space<hbm>> -> memref<1x8x1024xf32, #tpu.memory_space<hbm>>
      %dma_wait3A_154 = tpu.memref_squeeze %dma_wait3A_153 : memref<1x8x1024xf32, #tpu.memory_space<hbm>> -> memref<8x1024xf32, #tpu.memory_space<hbm>>
      tpu.wait_dma2 semaphore(%arg11 : memref<!tpu.dma_semaphore, #tpu.memory_space<semaphore_mem>>) src(%dma_wait3A_154 : memref<8x1024xf32, #tpu.memory_space<hbm>>) dst(%arg7 : memref<8x1024xf32, #tpu.memory_space<vmem>>)
      %gt3A_155 = arith.constant 0 : i32
      %gt3A_156 = arith.cmpi sgt, %scan3A_47, %gt3A_155 : i32
      %convert_element_type3A_157 = arith.extui %gt3A_156 : i1 to i32
      %cond3A_158 = arith.constant 0 : i32
      %cond3A_159 = arith.cmpi ne, %convert_element_type3A_157, %cond3A_158 : i32
      scf.if %cond3A_159 {
        %dma_wait3A_179 = arith.constant 0 : i32
        %dma_wait3A_180 = arith.constant 0 : i32
        %dma_wait3A_181 = arith.constant 0 : i32
        %dma_wait3A_182 = tpu.memref_slice %arg4[%dma_wait3A_179, %dma_wait3A_180, %dma_wait3A_181] : memref<4x256x1024xf32, #tpu.memory_space<hbm>> -> memref<1x8x1024xf32, #tpu.memory_space<hbm>>
        %dma_wait3A_183 = tpu.memref_squeeze %dma_wait3A_182 : memref<1x8x1024xf32, #tpu.memory_space<hbm>> -> memref<8x1024xf32, #tpu.memory_space<hbm>>
        %dma_wait3A_184 = arith.constant 0 : i32
        %dma_wait3A_185 = arith.constant 0 : i32
        %dma_wait3A_186 = tpu.memref_slice %arg4[%dma_wait3A_179, %dma_wait3A_184, %dma_wait3A_185] : memref<4x256x1024xf32, #tpu.memory_space<hbm>> -> memref<1x8x1024xf32, #tpu.memory_space<hbm>>
        %dma_wait3A_187 = tpu.memref_squeeze %dma_wait3A_186 : memref<1x8x1024xf32, #tpu.memory_space<hbm>> -> memref<8x1024xf32, #tpu.memory_space<hbm>>
        tpu.wait_dma2 semaphore(%arg13 : memref<!tpu.dma_semaphore, #tpu.memory_space<semaphore_mem>>) src(%arg9 : memref<8x1024xf32, #tpu.memory_space<vmem>>) dst(%dma_wait3A_187 : memref<8x1024xf32, #tpu.memory_space<hbm>>)
      } else {
      }
      %scan3A_160 = arith.constant 0 : i32
      %scan3A_161 = arith.constant 0 : i32
      %scan3A_162 = arith.constant 8 : i32
      %scan3A_163 = arith.addi %scan3A_161, %scan3A_162 : i32
      %scan3A_164 = arith.constant 1 : i32
      %scan3A_165 = scf.for %scan3A_179 = %scan3A_161 to %scan3A_163 step %scan3A_164 iter_args(%scan3A_180 = %scan3A_160) -> (i32)  : i32 {
        %mul3A_181 = arith.constant 128 : i32
        %mul3A_182 = arith.muli %scan3A_179, %mul3A_181 : i32
        %add3A_183 = arith.constant 0 : i32
        %add3A_184 = arith.addi %mul3A_182, %add3A_183 : i32
        %get3A = arith.constant 0 : i32
        %get3A_185 = arith.index_cast %get3A : i32 to index
        %get3A_186 = arith.index_cast %add3A_184 : i32 to index
        %get3A_187 = tpu.vector_load %arg7[%get3A_185, %get3A_186] {strides = array<i32>} : memref<8x1024xf32, #tpu.memory_space<vmem>>, vector<1x16xf32>,
        %get3A_188 = vector.shape_cast %get3A_187 : vector<1x16xf32> to vector<16xf32>
        %get3A_189 = arith.constant 0 : i32
        %get3A_190 = arith.index_cast %get3A_189 : i32 to index
        %get3A_191 = arith.index_cast %add3A_184 : i32 to index
        %get3A_192 = tpu.vector_load %arg5[%get3A_190, %get3A_191] {strides = array<i32>} : memref<8x1024xf32, #tpu.memory_space<vmem>>, vector<1x16xf32>,
        %get3A_193 = vector.shape_cast %get3A_192 : vector<1x16xf32> to vector<16xf32>
        %add3A_194 = arith.addf %get3A_188, %get3A_193 : vector<16xf32>
        %swap3A = arith.constant 0 : i32
        %swap3A_195 = arith.index_cast %swap3A : i32 to index
        %swap3A_196 = arith.index_cast %add3A_184 : i32 to index
        %swap3A_197 = tpu.vector_load %arg9[%swap3A_195, %swap3A_196] {strides = array<i32>} : memref<8x1024xf32, #tpu.memory_space<vmem>>, vector<1x16xf32>,
        %swap3A_198 = vector.shape_cast %swap3A_197 : vector<1x16xf32> to vector<16xf32>
        %swap3A_199 = vector.shape_cast %add3A_194 : vector<16xf32> to vector<1x16xf32>
        tpu.vector_store %arg9[%swap3A_195, %swap3A_196], %swap3A_199 {strides = array<i32>} : memref<8x1024xf32, #tpu.memory_space<vmem>>, vector<1x16xf32>,
        %add3A_200 = arith.constant 16 : i32
        %add3A_201 = arith.addi %mul3A_182, %add3A_200 : i32
        %get3A_202 = arith.constant 0 : i32
        %get3A_203 = arith.index_cast %get3A_202 : i32 to index
        %get3A_204 = arith.index_cast %add3A_201 : i32 to index
        %get3A_205 = tpu.vector_load %arg7[%get3A_203, %get3A_204] {strides = array<i32>} : memref<8x1024xf32, #tpu.memory_space<vmem>>, vector<1x16xf32>,
        %get3A_206 = vector.shape_cast %get3A_205 : vector<1x16xf32> to vector<16xf32>
        %get3A_207 = arith.constant 0 : i32
        %get3A_208 = arith.index_cast %get3A_207 : i32 to index
        %get3A_209 = arith.index_cast %add3A_201 : i32 to index
        %get3A_210 = tpu.vector_load %arg5[%get3A_208, %get3A_209] {strides = array<i32>} : memref<8x1024xf32, #tpu.memory_space<vmem>>, vector<1x16xf32>,
        %get3A_211 = vector.shape_cast %get3A_210 : vector<1x16xf32> to vector<16xf32>
        %add3A_212 = arith.addf %get3A_206, %get3A_211 : vector<16xf32>
        %swap3A_213 = arith.constant 0 : i32
        %swap3A_214 = arith.index_cast %swap3A_213 : i32 to index
        %swap3A_215 = arith.index_cast %add3A_201 : i32 to index
        %swap3A_216 = tpu.vector_load %arg9[%swap3A_214, %swap3A_215] {strides = array<i32>} : memref<8x1024xf32, #tpu.memory_space<vmem>>, vector<1x16xf32>,
        %swap3A_217 = vector.shape_cast %swap3A_216 : vector<1x16xf32> to vector<16xf32>
        %swap3A_218 = vector.shape_cast %add3A_212 : vector<16xf32> to vector<1x16xf32>
        tpu.vector_store %arg9[%swap3A_214, %swap3A_215], %swap3A_218 {strides = array<i32>} : memref<8x1024xf32, #tpu.memory_space<vmem>>, vector<1x16xf32>,
        %add3A_219 = arith.constant 32 : i32
        %add3A_220 = arith.addi %mul3A_182, %add3A_219 : i32
        %get3A_221 = arith.constant 0 : i32
        %get3A_222 = arith.index_cast %get3A_221 : i32 to index
        %get3A_223 = arith.index_cast %add3A_220 : i32 to index
        %get3A_224 = tpu.vector_load %arg7[%get3A_222, %get3A_223] {strides = array<i32>} : memref<8x1024xf32, #tpu.memory_space<vmem>>, vector<1x16xf32>,
        %get3A_225 = vector.shape_cast %get3A_224 : vector<1x16xf32> to vector<16xf32>
        %get3A_226 = arith.constant 0 : i32
        %get3A_227 = arith.index_cast %get3A_226 : i32 to index
        %get3A_228 = arith.index_cast %add3A_220 : i32 to index
        %get3A_229 = tpu.vector_load %arg5[%get3A_227, %get3A_228] {strides = array<i32>} : memref<8x1024xf32, #tpu.memory_space<vmem>>, vector<1x16xf32>,
        %get3A_230 = vector.shape_cast %get3A_229 : vector<1x16xf32> to vector<16xf32>
        %add3A_231 = arith.addf %get3A_225, %get3A_230 : vector<16xf32>
        %swap3A_232 = arith.constant 0 : i32
        %swap3A_233 = arith.index_cast %swap3A_232 : i32 to index
        %swap3A_234 = arith.index_cast %add3A_220 : i32 to index
        %swap3A_235 = tpu.vector_load %arg9[%swap3A_233, %swap3A_234] {strides = array<i32>} : memref<8x1024xf32, #tpu.memory_space<vmem>>, vector<1x16xf32>,
        %swap3A_236 = vector.shape_cast %swap3A_235 : vector<1x16xf32> to vector<16xf32>
        %swap3A_237 = vector.shape_cast %add3A_231 : vector<16xf32> to vector<1x16xf32>
        tpu.vector_store %arg9[%swap3A_233, %swap3A_234], %swap3A_237 {strides = array<i32>} : memref<8x1024xf32, #tpu.memory_space<vmem>>, vector<1x16xf32>,
        %add3A_238 = arith.constant 48 : i32
        %add3A_239 = arith.addi %mul3A_182, %add3A_238 : i32
        %get3A_240 = arith.constant 0 : i32
        %get3A_241 = arith.index_cast %get3A_240 : i32 to index
        %get3A_242 = arith.index_cast %add3A_239 : i32 to index
        %get3A_243 = tpu.vector_load %arg7[%get3A_241, %get3A_242] {strides = array<i32>} : memref<8x1024xf32, #tpu.memory_space<vmem>>, vector<1x16xf32>,
        %get3A_244 = vector.shape_cast %get3A_243 : vector<1x16xf32> to vector<16xf32>
        %get3A_245 = arith.constant 0 : i32
        %get3A_246 = arith.index_cast %get3A_245 : i32 to index
        %get3A_247 = arith.index_cast %add3A_239 : i32 to index
        %get3A_248 = tpu.vector_load %arg5[%get3A_246, %get3A_247] {strides = array<i32>} : memref<8x1024xf32, #tpu.memory_space<vmem>>, vector<1x16xf32>,
        %get3A_249 = vector.shape_cast %get3A_248 : vector<1x16xf32> to vector<16xf32>
        %add3A_250 = arith.addf %get3A_244, %get3A_249 : vector<16xf32>
        %swap3A_251 = arith.constant 0 : i32
        %swap3A_252 = arith.index_cast %swap3A_251 : i32 to index
        %swap3A_253 = arith.index_cast %add3A_239 : i32 to index
        %swap3A_254 = tpu.vector_load %arg9[%swap3A_252, %swap3A_253] {strides = array<i32>} : memref<8x1024xf32, #tpu.memory_space<vmem>>, vector<1x16xf32>,
        %swap3A_255 = vector.shape_cast %swap3A_254 : vector<1x16xf32> to vector<16xf32>
        %swap3A_256 = vector.shape_cast %add3A_250 : vector<16xf32> to vector<1x16xf32>
        tpu.vector_store %arg9[%swap3A_252, %swap3A_253], %swap3A_256 {strides = array<i32>} : memref<8x1024xf32, #tpu.memory_space<vmem>>, vector<1x16xf32>,
        %add3A_257 = arith.constant 64 : i32
        %add3A_258 = arith.addi %mul3A_182, %add3A_257 : i32
        %get3A_259 = arith.constant 0 : i32
        %get3A_260 = arith.index_cast %get3A_259 : i32 to index
        %get3A_261 = arith.index_cast %add3A_258 : i32 to index
        %get3A_262 = tpu.vector_load %arg7[%get3A_260, %get3A_261] {strides = array<i32>} : memref<8x1024xf32, #tpu.memory_space<vmem>>, vector<1x16xf32>,
        %get3A_263 = vector.shape_cast %get3A_262 : vector<1x16xf32> to vector<16xf32>
        %get3A_264 = arith.constant 0 : i32
        %get3A_265 = arith.index_cast %get3A_264 : i32 to index
        %get3A_266 = arith.index_cast %add3A_258 : i32 to index
        %get3A_267 = tpu.vector_load %arg5[%get3A_265, %get3A_266] {strides = array<i32>} : memref<8x1024xf32, #tpu.memory_space<vmem>>, vector<1x16xf32>,
        %get3A_268 = vector.shape_cast %get3A_267 : vector<1x16xf32> to vector<16xf32>
        %add3A_269 = arith.addf %get3A_263, %get3A_268 : vector<16xf32>
        %swap3A_270 = arith.constant 0 : i32
        %swap3A_271 = arith.index_cast %swap3A_270 : i32 to index
        %swap3A_272 = arith.index_cast %add3A_258 : i32 to index
        %swap3A_273 = tpu.vector_load %arg9[%swap3A_271, %swap3A_272] {strides = array<i32>} : memref<8x1024xf32, #tpu.memory_space<vmem>>, vector<1x16xf32>,
        %swap3A_274 = vector.shape_cast %swap3A_273 : vector<1x16xf32> to vector<16xf32>
        %swap3A_275 = vector.shape_cast %add3A_269 : vector<16xf32> to vector<1x16xf32>
        tpu.vector_store %arg9[%swap3A_271, %swap3A_272], %swap3A_275 {strides = array<i32>} : memref<8x1024xf32, #tpu.memory_space<vmem>>, vector<1x16xf32>,
        %add3A_276 = arith.constant 80 : i32
        %add3A_277 = arith.addi %mul3A_182, %add3A_276 : i32
        %get3A_278 = arith.constant 0 : i32
        %get3A_279 = arith.index_cast %get3A_278 : i32 to index
        %get3A_280 = arith.index_cast %add3A_277 : i32 to index
        %get3A_281 = tpu.vector_load %arg7[%get3A_279, %get3A_280] {strides = array<i32>} : memref<8x1024xf32, #tpu.memory_space<vmem>>, vector<1x16xf32>,
        %get3A_282 = vector.shape_cast %get3A_281 : vector<1x16xf32> to vector<16xf32>
        %get3A_283 = arith.constant 0 : i32
        %get3A_284 = arith.index_cast %get3A_283 : i32 to index
        %get3A_285 = arith.index_cast %add3A_277 : i32 to index
        %get3A_286 = tpu.vector_load %arg5[%get3A_284, %get3A_285] {strides = array<i32>} : memref<8x1024xf32, #tpu.memory_space<vmem>>, vector<1x16xf32>,
        %get3A_287 = vector.shape_cast %get3A_286 : vector<1x16xf32> to vector<16xf32>
        %add3A_288 = arith.addf %get3A_282, %get3A_287 : vector<16xf32>
        %swap3A_289 = arith.constant 0 : i32
        %swap3A_290 = arith.index_cast %swap3A_289 : i32 to index
        %swap3A_291 = arith.index_cast %add3A_277 : i32 to index
        %swap3A_292 = tpu.vector_load %arg9[%swap3A_290, %swap3A_291] {strides = array<i32>} : memref<8x1024xf32, #tpu.memory_space<vmem>>, vector<1x16xf32>,
        %swap3A_293 = vector.shape_cast %swap3A_292 : vector<1x16xf32> to vector<16xf32>
        %swap3A_294 = vector.shape_cast %add3A_288 : vector<16xf32> to vector<1x16xf32>
        tpu.vector_store %arg9[%swap3A_290, %swap3A_291], %swap3A_294 {strides = array<i32>} : memref<8x1024xf32, #tpu.memory_space<vmem>>, vector<1x16xf32>,
        %add3A_295 = arith.constant 96 : i32
        %add3A_296 = arith.addi %mul3A_182, %add3A_295 : i32
        %get3A_297 = arith.constant 0 : i32
        %get3A_298 = arith.index_cast %get3A_297 : i32 to index
        %get3A_299 = arith.index_cast %add3A_296 : i32 to index
        %get3A_300 = tpu.vector_load %arg7[%get3A_298, %get3A_299] {strides = array<i32>} : memref<8x1024xf32, #tpu.memory_space<vmem>>, vector<1x16xf32>,
        %get3A_301 = vector.shape_cast %get3A_300 : vector<1x16xf32> to vector<16xf32>
        %get3A_302 = arith.constant 0 : i32
        %get3A_303 = arith.index_cast %get3A_302 : i32 to index
        %get3A_304 = arith.index_cast %add3A_296 : i32 to index
        %get3A_305 = tpu.vector_load %arg5[%get3A_303, %get3A_304] {strides = array<i32>} : memref<8x1024xf32, #tpu.memory_space<vmem>>, vector<1x16xf32>,
        %get3A_306 = vector.shape_cast %get3A_305 : vector<1x16xf32> to vector<16xf32>
        %add3A_307 = arith.addf %get3A_301, %get3A_306 : vector<16xf32>
        %swap3A_308 = arith.constant 0 : i32
        %swap3A_309 = arith.index_cast %swap3A_308 : i32 to index
        %swap3A_310 = arith.index_cast %add3A_296 : i32 to index
        %swap3A_311 = tpu.vector_load %arg9[%swap3A_309, %swap3A_310] {strides = array<i32>} : memref<8x1024xf32, #tpu.memory_space<vmem>>, vector<1x16xf32>,
        %swap3A_312 = vector.shape_cast %swap3A_311 : vector<1x16xf32> to vector<16xf32>
        %swap3A_313 = vector.shape_cast %add3A_307 : vector<16xf32> to vector<1x16xf32>
        tpu.vector_store %arg9[%swap3A_309, %swap3A_310], %swap3A_313 {strides = array<i32>} : memref<8x1024xf32, #tpu.memory_space<vmem>>, vector<1x16xf32>,
        %add3A_314 = arith.constant 112 : i32
        %add3A_315 = arith.addi %mul3A_182, %add3A_314 : i32
        %get3A_316 = arith.constant 0 : i32
        %get3A_317 = arith.index_cast %get3A_316 : i32 to index
        %get3A_318 = arith.index_cast %add3A_315 : i32 to index
        %get3A_319 = tpu.vector_load %arg7[%get3A_317, %get3A_318] {strides = array<i32>} : memref<8x1024xf32, #tpu.memory_space<vmem>>, vector<1x16xf32>,
        %get3A_320 = vector.shape_cast %get3A_319 : vector<1x16xf32> to vector<16xf32>
        %get3A_321 = arith.constant 0 : i32
        %get3A_322 = arith.index_cast %get3A_321 : i32 to index
        %get3A_323 = arith.index_cast %add3A_315 : i32 to index
        %get3A_324 = tpu.vector_load %arg5[%get3A_322, %get3A_323] {strides = array<i32>} : memref<8x1024xf32, #tpu.memory_space<vmem>>, vector<1x16xf32>,
        %get3A_325 = vector.shape_cast %get3A_324 : vector<1x16xf32> to vector<16xf32>
        %add3A_326 = arith.addf %get3A_320, %get3A_325 : vector<16xf32>
        %swap3A_327 = arith.constant 0 : i32
        %swap3A_328 = arith.index_cast %swap3A_327 : i32 to index
        %swap3A_329 = arith.index_cast %add3A_315 : i32 to index
        %swap3A_330 = tpu.vector_load %arg9[%swap3A_328, %swap3A_329] {strides = array<i32>} : memref<8x1024xf32, #tpu.memory_space<vmem>>, vector<1x16xf32>,
        %swap3A_331 = vector.shape_cast %swap3A_330 : vector<1x16xf32> to vector<16xf32>
        %swap3A_332 = vector.shape_cast %add3A_326 : vector<16xf32> to vector<1x16xf32>
        tpu.vector_store %arg9[%swap3A_328, %swap3A_329], %swap3A_332 {strides = array<i32>} : memref<8x1024xf32, #tpu.memory_space<vmem>>, vector<1x16xf32>,
        %add3A_333 = arith.constant 0 : i32
        %add3A_334 = arith.addi %mul3A_182, %add3A_333 : i32
        %get3A_335 = arith.constant 1 : i32
        %get3A_336 = arith.index_cast %get3A_335 : i32 to index
        %get3A_337 = arith.index_cast %add3A_334 : i32 to index
        %get3A_338 = tpu.vector_load %arg7[%get3A_336, %get3A_337] {strides = array<i32>} : memref<8x1024xf32, #tpu.memory_space<vmem>>, vector<1x16xf32>,
        %get3A_339 = vector.shape_cast %get3A_338 : vector<1x16xf32> to vector<16xf32>
        %get3A_340 = arith.constant 1 : i32
        %get3A_341 = arith.index_cast %get3A_340 : i32 to index
        %get3A_342 = arith.index_cast %add3A_334 : i32 to index
        %get3A_343 = tpu.vector_load %arg5[%get3A_341, %get3A_342] {strides = array<i32>} : memref<8x1024xf32, #tpu.memory_space<vmem>>, vector<1x16xf32>,
        %get3A_344 = vector.shape_cast %get3A_343 : vector<1x16xf32> to vector<16xf32>
        %add3A_345 = arith.addf %get3A_339, %get3A_344 : vector<16xf32>
        %swap3A_346 = arith.constant 1 : i32
        %swap3A_347 = arith.index_cast %swap3A_346 : i32 to index
        %swap3A_348 = arith.index_cast %add3A_334 : i32 to index
        %swap3A_349 = tpu.vector_load %arg9[%swap3A_347, %swap3A_348] {strides = array<i32>} : memref<8x1024xf32, #tpu.memory_space<vmem>>, vector<1x16xf32>,
        %swap3A_350 = vector.shape_cast %swap3A_349 : vector<1x16xf32> to vector<16xf32>
        %swap3A_351 = vector.shape_cast %add3A_345 : vector<16xf32> to vector<1x16xf32>
        tpu.vector_store %arg9[%swap3A_347, %swap3A_348], %swap3A_351 {strides = array<i32>} : memref<8x1024xf32, #tpu.memory_space<vmem>>, vector<1x16xf32>,
        %add3A_352 = arith.constant 16 : i32
        %add3A_353 = arith.addi %mul3A_182, %add3A_352 : i32
        %get3A_354 = arith.constant 1 : i32
        %get3A_355 = arith.index_cast %get3A_354 : i32 to index
        %get3A_356 = arith.index_cast %add3A_353 : i32 to index
        %get3A_357 = tpu.vector_load %arg7[%get3A_355, %get3A_356] {strides = array<i32>} : memref<8x1024xf32, #tpu.memory_space<vmem>>, vector<1x16xf32>,
        %get3A_358 = vector.shape_cast %get3A_357 : vector<1x16xf32> to vector<16xf32>
        %get3A_359 = arith.constant 1 : i32
        %get3A_360 = arith.index_cast %get3A_359 : i32 to index
        %get3A_361 = arith.index_cast %add3A_353 : i32 to index
        %get3A_362 = tpu.vector_load %arg5[%get3A_360, %get3A_361] {strides = array<i32>} : memref<8x1024xf32, #tpu.memory_space<vmem>>, vector<1x16xf32>,
        %get3A_363 = vector.shape_cast %get3A_362 : vector<1x16xf32> to vector<16xf32>
        %add3A_364 = arith.addf %get3A_358, %get3A_363 : vector<16xf32>
        %swap3A_365 = arith.constant 1 : i32
        %swap3A_366 = arith.index_cast %swap3A_365 : i32 to index
        %swap3A_367 = arith.index_cast %add3A_353 : i32 to index
        %swap3A_368 = tpu.vector_load %arg9[%swap3A_366, %swap3A_367] {strides = array<i32>} : memref<8x1024xf32, #tpu.memory_space<vmem>>, vector<1x16xf32>,
        %swap3A_369 = vector.shape_cast %swap3A_368 : vector<1x16xf32> to vector<16xf32>
        %swap3A_370 = vector.shape_cast %add3A_364 : vector<16xf32> to vector<1x16xf32>
        tpu.vector_store %arg9[%swap3A_366, %swap3A_367], %swap3A_370 {strides = array<i32>} : memref<8x1024xf32, #tpu.memory_space<vmem>>, vector<1x16xf32>,
        %add3A_371 = arith.constant 32 : i32
        %add3A_372 = arith.addi %mul3A_182, %add3A_371 : i32
        %get3A_373 = arith.constant 1 : i32
        %get3A_374 = arith.index_cast %get3A_373 : i32 to index
        %get3A_375 = arith.index_cast %add3A_372 : i32 to index
        %get3A_376 = tpu.vector_load %arg7[%get3A_374, %get3A_375] {strides = array<i32>} : memref<8x1024xf32, #tpu.memory_space<vmem>>, vector<1x16xf32>,
        %get3A_377 = vector.shape_cast %get3A_376 : vector<1x16xf32> to vector<16xf32>
        %get3A_378 = arith.constant 1 : i32
        %get3A_379 = arith.index_cast %get3A_378 : i32 to index
        %get3A_380 = arith.index_cast %add3A_372 : i32 to index
        %get3A_381 = tpu.vector_load %arg5[%get3A_379, %get3A_380] {strides = array<i32>} : memref<8x1024xf32, #tpu.memory_space<vmem>>, vector<1x16xf32>,
        %get3A_382 = vector.shape_cast %get3A_381 : vector<1x16xf32> to vector<16xf32>
        %add3A_383 = arith.addf %get3A_377, %get3A_382 : vector<16xf32>
        %swap3A_384 = arith.constant 1 : i32
        %swap3A_385 = arith.index_cast %swap3A_384 : i32 to index
        %swap3A_386 = arith.index_cast %add3A_372 : i32 to index
        %swap3A_387 = tpu.vector_load %arg9[%swap3A_385, %swap3A_386] {strides = array<i32>} : memref<8x1024xf32, #tpu.memory_space<vmem>>, vector<1x16xf32>,
        %swap3A_388 = vector.shape_cast %swap3A_387 : vector<1x16xf32> to vector<16xf32>
        %swap3A_389 = vector.shape_cast %add3A_383 : vector<16xf32> to vector<1x16xf32>
        tpu.vector_store %arg9[%swap3A_385, %swap3A_386], %swap3A_389 {strides = array<i32>} : memref<8x1024xf32, #tpu.memory_space<vmem>>, vector<1x16xf32>,
        %add3A_390 = arith.constant 48 : i32
        %add3A_391 = arith.addi %mul3A_182, %add3A_390 : i32
        %get3A_392 = arith.constant 1 : i32
        %get3A_393 = arith.index_cast %get3A_392 : i32 to index
        %get3A_394 = arith.index_cast %add3A_391 : i32 to index
        %get3A_395 = tpu.vector_load %arg7[%get3A_393, %get3A_394] {strides = array<i32>} : memref<8x1024xf32, #tpu.memory_space<vmem>>, vector<1x16xf32>,
        %get3A_396 = vector.shape_cast %get3A_395 : vector<1x16xf32> to vector<16xf32>
        %get3A_397 = arith.constant 1 : i32
        %get3A_398 = arith.index_cast %get3A_397 : i32 to index
        %get3A_399 = arith.index_cast %add3A_391 : i32 to index
        %get3A_400 = tpu.vector_load %arg5[%get3A_398, %get3A_399] {strides = array<i32>} : memref<8x1024xf32, #tpu.memory_space<vmem>>, vector<1x16xf32>,
        %get3A_401 = vector.shape_cast %get3A_400 : vector<1x16xf32> to vector<16xf32>
        %add3A_402 = arith.addf %get3A_396, %get3A_401 : vector<16xf32>
        %swap3A_403 = arith.constant 1 : i32
        %swap3A_404 = arith.index_cast %swap3A_403 : i32 to index
        %swap3A_405 = arith.index_cast %add3A_391 : i32 to index
        %swap3A_406 = tpu.vector_load %arg9[%swap3A_404, %swap3A_405] {strides = array<i32>} : memref<8x1024xf32, #tpu.memory_space<vmem>>, vector<1x16xf32>,
        %swap3A_407 = vector.shape_cast %swap3A_406 : vector<1x16xf32> to vector<16xf32>
        %swap3A_408 = vector.shape_cast %add3A_402 : vector<16xf32> to vector<1x16xf32>
        tpu.vector_store %arg9[%swap3A_404, %swap3A_405], %swap3A_408 {strides = array<i32>} : memref<8x1024xf32, #tpu.memory_space<vmem>>, vector<1x16xf32>,
        %add3A_409 = arith.constant 64 : i32
        %add3A_410 = arith.addi %mul3A_182, %add3A_409 : i32
        %get3A_411 = arith.constant 1 : i32
        %get3A_412 = arith.index_cast %get3A_411 : i32 to index
        %get3A_413 = arith.index_cast %add3A_410 : i32 to index
        %get3A_414 = tpu.vector_load %arg7[%get3A_412, %get3A_413] {strides = array<i32>} : memref<8x1024xf32, #tpu.memory_space<vmem>>, vector<1x16xf32>,
        %get3A_415 = vector.shape_cast %get3A_414 : vector<1x16xf32> to vector<16xf32>
        %get3A_416 = arith.constant 1 : i32
        %get3A_417 = arith.index_cast %get3A_416 : i32 to index
        %get3A_418 = arith.index_cast %add3A_410 : i32 to index
        %get3A_419 = tpu.vector_load %arg5[%get3A_417, %get3A_418] {strides = array<i32>} : memref<8x1024xf32, #tpu.memory_space<vmem>>, vector<1x16xf32>,
        %get3A_420 = vector.shape_cast %get3A_419 : vector<1x16xf32> to vector<16xf32>
        %add3A_421 = arith.addf %get3A_415, %get3A_420 : vector<16xf32>
        %swap3A_422 = arith.constant 1 : i32
        %swap3A_423 = arith.index_cast %swap3A_422 : i32 to index
        %swap3A_424 = arith.index_cast %add3A_410 : i32 to index
        %swap3A_425 = tpu.vector_load %arg9[%swap3A_423, %swap3A_424] {strides = array<i32>} : memref<8x1024xf32, #tpu.memory_space<vmem>>, vector<1x16xf32>,
        %swap3A_426 = vector.shape_cast %swap3A_425 : vector<1x16xf32> to vector<16xf32>
        %swap3A_427 = vector.shape_cast %add3A_421 : vector<16xf32> to vector<1x16xf32>
        tpu.vector_store %arg9[%swap3A_423, %swap3A_424], %swap3A_427 {strides = array<i32>} : memref<8x1024xf32, #tpu.memory_space<vmem>>, vector<1x16xf32>,
        %add3A_428 = arith.constant 80 : i32
        %add3A_429 = arith.addi %mul3A_182, %add3A_428 : i32
        %get3A_430 = arith.constant 1 : i32
        %get3A_431 = arith.index_cast %get3A_430 : i32 to index
        %get3A_432 = arith.index_cast %add3A_429 : i32 to index
        %get3A_433 = tpu.vector_load %arg7[%get3A_431, %get3A_432] {strides = array<i32>} : memref<8x1024xf32, #tpu.memory_space<vmem>>, vector<1x16xf32>,
        %get3A_434 = vector.shape_cast %get3A_433 : vector<1x16xf32> to vector<16xf32>
        %get3A_435 = arith.constant 1 : i32
        %get3A_436 = arith.index_cast %get3A_435 : i32 to index
        %get3A_437 = arith.index_cast %add3A_429 : i32 to index
        %get3A_438 = tpu.vector_load %arg5[%get3A_436, %get3A_437] {strides = array<i32>} : memref<8x1024xf32, #tpu.memory_space<vmem>>, vector<1x16xf32>,
        %get3A_439 = vector.shape_cast %get3A_438 : vector<1x16xf32> to vector<16xf32>
        %add3A_440 = arith.addf %get3A_434, %get3A_439 : vector<16xf32>
        %swap3A_441 = arith.constant 1 : i32
        %swap3A_442 = arith.index_cast %swap3A_441 : i32 to index
        %swap3A_443 = arith.index_cast %add3A_429 : i32 to index
        %swap3A_444 = tpu.vector_load %arg9[%swap3A_442, %swap3A_443] {strides = array<i32>} : memref<8x1024xf32, #tpu.memory_space<vmem>>, vector<1x16xf32>,
        %swap3A_445 = vector.shape_cast %swap3A_444 : vector<1x16xf32> to vector<16xf32>
        %swap3A_446 = vector.shape_cast %add3A_440 : vector<16xf32> to vector<1x16xf32>
        tpu.vector_store %arg9[%swap3A_442, %swap3A_443], %swap3A_446 {strides = array<i32>} : memref<8x1024xf32, #tpu.memory_space<vmem>>, vector<1x16xf32>,
        %add3A_447 = arith.constant 96 : i32
        %add3A_448 = arith.addi %mul3A_182, %add3A_447 : i32
        %get3A_449 = arith.constant 1 : i32
        %get3A_450 = arith.index_cast %get3A_449 : i32 to index
        %get3A_451 = arith.index_cast %add3A_448 : i32 to index
        %get3A_452 = tpu.vector_load %arg7[%get3A_450, %get3A_451] {strides = array<i32>} : memref<8x1024xf32, #tpu.memory_space<vmem>>, vector<1x16xf32>,
        %get3A_453 = vector.shape_cast %get3A_452 : vector<1x16xf32> to vector<16xf32>
        %get3A_454 = arith.constant 1 : i32
        %get3A_455 = arith.index_cast %get3A_454 : i32 to index
        %get3A_456 = arith.index_cast %add3A_448 : i32 to index
        %get3A_457 = tpu.vector_load %arg5[%get3A_455, %get3A_456] {strides = array<i32>} : memref<8x1024xf32, #tpu.memory_space<vmem>>, vector<1x16xf32>,
        %get3A_458 = vector.shape_cast %get3A_457 : vector<1x16xf32> to vector<16xf32>
        %add3A_459 = arith.addf %get3A_453, %get3A_458 : vector<16xf32>
        %swap3A_460 = arith.constant 1 : i32
        %swap3A_461 = arith.index_cast %swap3A_460 : i32 to index
        %swap3A_462 = arith.index_cast %add3A_448 : i32 to index
        %swap3A_463 = tpu.vector_load %arg9[%swap3A_461, %swap3A_462] {strides = array<i32>} : memref<8x1024xf32, #tpu.memory_space<vmem>>, vector<1x16xf32>,
        %swap3A_464 = vector.shape_cast %swap3A_463 : vector<1x16xf32> to vector<16xf32>
        %swap3A_465 = vector.shape_cast %add3A_459 : vector<16xf32> to vector<1x16xf32>
        tpu.vector_store %arg9[%swap3A_461, %swap3A_462], %swap3A_465 {strides = array<i32>} : memref<8x1024xf32, #tpu.memory_space<vmem>>, vector<1x16xf32>,
        %add3A_466 = arith.constant 112 : i32
        %add3A_467 = arith.addi %mul3A_182, %add3A_466 : i32
        %get3A_468 = arith.constant 1 : i32
        %get3A_469 = arith.index_cast %get3A_468 : i32 to index
        %get3A_470 = arith.index_cast %add3A_467 : i32 to index
        %get3A_471 = tpu.vector_load %arg7[%get3A_469, %get3A_470] {strides = array<i32>} : memref<8x1024xf32, #tpu.memory_space<vmem>>, vector<1x16xf32>,
        %get3A_472 = vector.shape_cast %get3A_471 : vector<1x16xf32> to vector<16xf32>
        %get3A_473 = arith.constant 1 : i32
        %get3A_474 = arith.index_cast %get3A_473 : i32 to index
        %get3A_475 = arith.index_cast %add3A_467 : i32 to index
        %get3A_476 = tpu.vector_load %arg5[%get3A_474, %get3A_475] {strides = array<i32>} : memref<8x1024xf32, #tpu.memory_space<vmem>>, vector<1x16xf32>,
        %get3A_477 = vector.shape_cast %get3A_476 : vector<1x16xf32> to vector<16xf32>
        %add3A_478 = arith.addf %get3A_472, %get3A_477 : vector<16xf32>
        %swap3A_479 = arith.constant 1 : i32
        %swap3A_480 = arith.index_cast %swap3A_479 : i32 to index
        %swap3A_481 = arith.index_cast %add3A_467 : i32 to index
        %swap3A_482 = tpu.vector_load %arg9[%swap3A_480, %swap3A_481] {strides = array<i32>} : memref<8x1024xf32, #tpu.memory_space<vmem>>, vector<1x16xf32>,
        %swap3A_483 = vector.shape_cast %swap3A_482 : vector<1x16xf32> to vector<16xf32>
        %swap3A_484 = vector.shape_cast %add3A_478 : vector<16xf32> to vector<1x16xf32>
        tpu.vector_store %arg9[%swap3A_480, %swap3A_481], %swap3A_484 {strides = array<i32>} : memref<8x1024xf32, #tpu.memory_space<vmem>>, vector<1x16xf32>,
        %add3A_485 = arith.constant 0 : i32
        %add3A_486 = arith.addi %mul3A_182, %add3A_485 : i32
        %get3A_487 = arith.constant 2 : i32
        %get3A_488 = arith.index_cast %get3A_487 : i32 to index
        %get3A_489 = arith.index_cast %add3A_486 : i32 to index
        %get3A_490 = tpu.vector_load %arg7[%get3A_488, %get3A_489] {strides = array<i32>} : memref<8x1024xf32, #tpu.memory_space<vmem>>, vector<1x16xf32>,
        %get3A_491 = vector.shape_cast %get3A_490 : vector<1x16xf32> to vector<16xf32>
        %get3A_492 = arith.constant 2 : i32
        %get3A_493 = arith.index_cast %get3A_492 : i32 to index
        %get3A_494 = arith.index_cast %add3A_486 : i32 to index
        %get3A_495 = tpu.vector_load %arg5[%get3A_493, %get3A_494] {strides = array<i32>} : memref<8x1024xf32, #tpu.memory_space<vmem>>, vector<1x16xf32>,
        %get3A_496 = vector.shape_cast %get3A_495 : vector<1x16xf32> to vector<16xf32>
        %add3A_497 = arith.addf %get3A_491, %get3A_496 : vector<16xf32>
        %swap3A_498 = arith.constant 2 : i32
        %swap3A_499 = arith.index_cast %swap3A_498 : i32 to index
        %swap3A_500 = arith.index_cast %add3A_486 : i32 to index
        %swap3A_501 = tpu.vector_load %arg9[%swap3A_499, %swap3A_500] {strides = array<i32>} : memref<8x1024xf32, #tpu.memory_space<vmem>>, vector<1x16xf32>,
        %swap3A_502 = vector.shape_cast %swap3A_501 : vector<1x16xf32> to vector<16xf32>
        %swap3A_503 = vector.shape_cast %add3A_497 : vector<16xf32> to vector<1x16xf32>
        tpu.vector_store %arg9[%swap3A_499, %swap3A_500], %swap3A_503 {strides = array<i32>} : memref<8x1024xf32, #tpu.memory_space<vmem>>, vector<1x16xf32>,
        %add3A_504 = arith.constant 16 : i32
        %add3A_505 = arith.addi %mul3A_182, %add3A_504 : i32
        %get3A_506 = arith.constant 2 : i32
        %get3A_507 = arith.index_cast %get3A_506 : i32 to index
        %get3A_508 = arith.index_cast %add3A_505 : i32 to index
        %get3A_509 = tpu.vector_load %arg7[%get3A_507, %get3A_508] {strides = array<i32>} : memref<8x1024xf32, #tpu.memory_space<vmem>>, vector<1x16xf32>,
        %get3A_510 = vector.shape_cast %get3A_509 : vector<1x16xf32> to vector<16xf32>
        %get3A_511 = arith.constant 2 : i32
        %get3A_512 = arith.index_cast %get3A_511 : i32 to index
        %get3A_513 = arith.index_cast %add3A_505 : i32 to index
        %get3A_514 = tpu.vector_load %arg5[%get3A_512, %get3A_513] {strides = array<i32>} : memref<8x1024xf32, #tpu.memory_space<vmem>>, vector<1x16xf32>,
        %get3A_515 = vector.shape_cast %get3A_514 : vector<1x16xf32> to vector<16xf32>
        %add3A_516 = arith.addf %get3A_510, %get3A_515 : vector<16xf32>
        %swap3A_517 = arith.constant 2 : i32
        %swap3A_518 = arith.index_cast %swap3A_517 : i32 to index
        %swap3A_519 = arith.index_cast %add3A_505 : i32 to index
        %swap3A_520 = tpu.vector_load %arg9[%swap3A_518, %swap3A_519] {strides = array<i32>} : memref<8x1024xf32, #tpu.memory_space<vmem>>, vector<1x16xf32>,
        %swap3A_521 = vector.shape_cast %swap3A_520 : vector<1x16xf32> to vector<16xf32>
        %swap3A_522 = vector.shape_cast %add3A_516 : vector<16xf32> to vector<1x16xf32>
        tpu.vector_store %arg9[%swap3A_518, %swap3A_519], %swap3A_522 {strides = array<i32>} : memref<8x1024xf32, #tpu.memory_space<vmem>>, vector<1x16xf32>,
        %add3A_523 = arith.constant 32 : i32
        %add3A_524 = arith.addi %mul3A_182, %add3A_523 : i32
        %get3A_525 = arith.constant 2 : i32
        %get3A_526 = arith.index_cast %get3A_525 : i32 to index
        %get3A_527 = arith.index_cast %add3A_524 : i32 to index
        %get3A_528 = tpu.vector_load %arg7[%get3A_526, %get3A_527] {strides = array<i32>} : memref<8x1024xf32, #tpu.memory_space<vmem>>, vector<1x16xf32>,
        %get3A_529 = vector.shape_cast %get3A_528 : vector<1x16xf32> to vector<16xf32>
        %get3A_530 = arith.constant 2 : i32
        %get3A_531 = arith.index_cast %get3A_530 : i32 to index
        %get3A_532 = arith.index_cast %add3A_524 : i32 to index
        %get3A_533 = tpu.vector_load %arg5[%get3A_531, %get3A_532] {strides = array<i32>} : memref<8x1024xf32, #tpu.memory_space<vmem>>, vector<1x16xf32>,
        %get3A_534 = vector.shape_cast %get3A_533 : vector<1x16xf32> to vector<16xf32>
        %add3A_535 = arith.addf %get3A_529, %get3A_534 : vector<16xf32>
        %swap3A_536 = arith.constant 2 : i32
        %swap3A_537 = arith.index_cast %swap3A_536 : i32 to index
        %swap3A_538 = arith.index_cast %add3A_524 : i32 to index
        %swap3A_539 = tpu.vector_load %arg9[%swap3A_537, %swap3A_538] {strides = array<i32>} : memref<8x1024xf32, #tpu.memory_space<vmem>>, vector<1x16xf32>,
        %swap3A_540 = vector.shape_cast %swap3A_539 : vector<1x16xf32> to vector<16xf32>
        %swap3A_541 = vector.shape_cast %add3A_535 : vector<16xf32> to vector<1x16xf32>
        tpu.vector_store %arg9[%swap3A_537, %swap3A_538], %swap3A_541 {strides = array<i32>} : memref<8x1024xf32, #tpu.memory_space<vmem>>, vector<1x16xf32>,
        %add3A_542 = arith.constant 48 : i32
        %add3A_543 = arith.addi %mul3A_182, %add3A_542 : i32
        %get3A_544 = arith.constant 2 : i32
        %get3A_545 = arith.index_cast %get3A_544 : i32 to index
        %get3A_546 = arith.index_cast %add3A_543 : i32 to index
        %get3A_547 = tpu.vector_load %arg7[%get3A_545, %get3A_546] {strides = array<i32>} : memref<8x1024xf32, #tpu.memory_space<vmem>>, vector<1x16xf32>,
        %get3A_548 = vector.shape_cast %get3A_547 : vector<1x16xf32> to vector<16xf32>
        %get3A_549 = arith.constant 2 : i32
        %get3A_550 = arith.index_cast %get3A_549 : i32 to index
        %get3A_551 = arith.index_cast %add3A_543 : i32 to index
        %get3A_552 = tpu.vector_load %arg5[%get3A_550, %get3A_551] {strides = array<i32>} : memref<8x1024xf32, #tpu.memory_space<vmem>>, vector<1x16xf32>,
        %get3A_553 = vector.shape_cast %get3A_552 : vector<1x16xf32> to vector<16xf32>
        %add3A_554 = arith.addf %get3A_548, %get3A_553 : vector<16xf32>
        %swap3A_555 = arith.constant 2 : i32
        %swap3A_556 = arith.index_cast %swap3A_555 : i32 to index
        %swap3A_557 = arith.index_cast %add3A_543 : i32 to index
        %swap3A_558 = tpu.vector_load %arg9[%swap3A_556, %swap3A_557] {strides = array<i32>} : memref<8x1024xf32, #tpu.memory_space<vmem>>, vector<1x16xf32>,
        %swap3A_559 = vector.shape_cast %swap3A_558 : vector<1x16xf32> to vector<16xf32>
        %swap3A_560 = vector.shape_cast %add3A_554 : vector<16xf32> to vector<1x16xf32>
        tpu.vector_store %arg9[%swap3A_556, %swap3A_557], %swap3A_560 {strides = array<i32>} : memref<8x1024xf32, #tpu.memory_space<vmem>>, vector<1x16xf32>,
        %add3A_561 = arith.constant 64 : i32
        %add3A_562 = arith.addi %mul3A_182, %add3A_561 : i32
        %get3A_563 = arith.constant 2 : i32
        %get3A_564 = arith.index_cast %get3A_563 : i32 to index
        %get3A_565 = arith.index_cast %add3A_562 : i32 to index
        %get3A_566 = tpu.vector_load %arg7[%get3A_564, %get3A_565] {strides = array<i32>} : memref<8x1024xf32, #tpu.memory_space<vmem>>, vector<1x16xf32>,
        %get3A_567 = vector.shape_cast %get3A_566 : vector<1x16xf32> to vector<16xf32>
        %get3A_568 = arith.constant 2 : i32
        %get3A_569 = arith.index_cast %get3A_568 : i32 to index
        %get3A_570 = arith.index_cast %add3A_562 : i32 to index
        %get3A_571 = tpu.vector_load %arg5[%get3A_569, %get3A_570] {strides = array<i32>} : memref<8x1024xf32, #tpu.memory_space<vmem>>, vector<1x16xf32>,
        %get3A_572 = vector.shape_cast %get3A_571 : vector<1x16xf32> to vector<16xf32>
        %add3A_573 = arith.addf %get3A_567, %get3A_572 : vector<16xf32>
        %swap3A_574 = arith.constant 2 : i32
        %swap3A_575 = arith.index_cast %swap3A_574 : i32 to index
        %swap3A_576 = arith.index_cast %add3A_562 : i32 to index
        %swap3A_577 = tpu.vector_load %arg9[%swap3A_575, %swap3A_576] {strides = array<i32>} : memref<8x1024xf32, #tpu.memory_space<vmem>>, vector<1x16xf32>,
        %swap3A_578 = vector.shape_cast %swap3A_577 : vector<1x16xf32> to vector<16xf32>
        %swap3A_579 = vector.shape_cast %add3A_573 : vector<16xf32> to vector<1x16xf32>
        tpu.vector_store %arg9[%swap3A_575, %swap3A_576], %swap3A_579 {strides = array<i32>} : memref<8x1024xf32, #tpu.memory_space<vmem>>, vector<1x16xf32>,
        %add3A_580 = arith.constant 80 : i32
        %add3A_581 = arith.addi %mul3A_182, %add3A_580 : i32
        %get3A_582 = arith.constant 2 : i32
        %get3A_583 = arith.index_cast %get3A_582 : i32 to index
        %get3A_584 = arith.index_cast %add3A_581 : i32 to index
        %get3A_585 = tpu.vector_load %arg7[%get3A_583, %get3A_584] {strides = array<i32>} : memref<8x1024xf32, #tpu.memory_space<vmem>>, vector<1x16xf32>,
        %get3A_586 = vector.shape_cast %get3A_585 : vector<1x16xf32> to vector<16xf32>
        %get3A_587 = arith.constant 2 : i32
        %get3A_588 = arith.index_cast %get3A_587 : i32 to index
        %get3A_589 = arith.index_cast %add3A_581 : i32 to index
        %get3A_590 = tpu.vector_load %arg5[%get3A_588, %get3A_589] {strides = array<i32>} : memref<8x1024xf32, #tpu.memory_space<vmem>>, vector<1x16xf32>,
        %get3A_591 = vector.shape_cast %get3A_590 : vector<1x16xf32> to vector<16xf32>
        %add3A_592 = arith.addf %get3A_586, %get3A_591 : vector<16xf32>
        %swap3A_593 = arith.constant 2 : i32
        %swap3A_594 = arith.index_cast %swap3A_593 : i32 to index
        %swap3A_595 = arith.index_cast %add3A_581 : i32 to index
        %swap3A_596 = tpu.vector_load %arg9[%swap3A_594, %swap3A_595] {strides = array<i32>} : memref<8x1024xf32, #tpu.memory_space<vmem>>, vector<1x16xf32>,
        %swap3A_597 = vector.shape_cast %swap3A_596 : vector<1x16xf32> to vector<16xf32>
        %swap3A_598 = vector.shape_cast %add3A_592 : vector<16xf32> to vector<1x16xf32>
        tpu.vector_store %arg9[%swap3A_594, %swap3A_595], %swap3A_598 {strides = array<i32>} : memref<8x1024xf32, #tpu.memory_space<vmem>>, vector<1x16xf32>,
        %add3A_599 = arith.constant 96 : i32
        %add3A_600 = arith.addi %mul3A_182, %add3A_599 : i32
        %get3A_601 = arith.constant 2 : i32
        %get3A_602 = arith.index_cast %get3A_601 : i32 to index
        %get3A_603 = arith.index_cast %add3A_600 : i32 to index
        %get3A_604 = tpu.vector_load %arg7[%get3A_602, %get3A_603] {strides = array<i32>} : memref<8x1024xf32, #tpu.memory_space<vmem>>, vector<1x16xf32>,
        %get3A_605 = vector.shape_cast %get3A_604 : vector<1x16xf32> to vector<16xf32>
        %get3A_606 = arith.constant 2 : i32
        %get3A_607 = arith.index_cast %get3A_606 : i32 to index
        %get3A_608 = arith.index_cast %add3A_600 : i32 to index
        %get3A_609 = tpu.vector_load %arg5[%get3A_607, %get3A_608] {strides = array<i32>} : memref<8x1024xf32, #tpu.memory_space<vmem>>, vector<1x16xf32>,
        %get3A_610 = vector.shape_cast %get3A_609 : vector<1x16xf32> to vector<16xf32>
        %add3A_611 = arith.addf %get3A_605, %get3A_610 : vector<16xf32>
        %swap3A_612 = arith.constant 2 : i32
        %swap3A_613 = arith.index_cast %swap3A_612 : i32 to index
        %swap3A_614 = arith.index_cast %add3A_600 : i32 to index
        %swap3A_615 = tpu.vector_load %arg9[%swap3A_613, %swap3A_614] {strides = array<i32>} : memref<8x1024xf32, #tpu.memory_space<vmem>>, vector<1x16xf32>,
        %swap3A_616 = vector.shape_cast %swap3A_615 : vector<1x16xf32> to vector<16xf32>
        %swap3A_617 = vector.shape_cast %add3A_611 : vector<16xf32> to vector<1x16xf32>
        tpu.vector_store %arg9[%swap3A_613, %swap3A_614], %swap3A_617 {strides = array<i32>} : memref<8x1024xf32, #tpu.memory_space<vmem>>, vector<1x16xf32>,
        %add3A_618 = arith.constant 112 : i32
        %add3A_619 = arith.addi %mul3A_182, %add3A_618 : i32
        %get3A_620 = arith.constant 2 : i32
        %get3A_621 = arith.index_cast %get3A_620 : i32 to index
        %get3A_622 = arith.index_cast %add3A_619 : i32 to index
        %get3A_623 = tpu.vector_load %arg7[%get3A_621, %get3A_622] {strides = array<i32>} : memref<8x1024xf32, #tpu.memory_space<vmem>>, vector<1x16xf32>,
        %get3A_624 = vector.shape_cast %get3A_623 : vector<1x16xf32> to vector<16xf32>
        %get3A_625 = arith.constant 2 : i32
        %get3A_626 = arith.index_cast %get3A_625 : i32 to index
        %get3A_627 = arith.index_cast %add3A_619 : i32 to index
        %get3A_628 = tpu.vector_load %arg5[%get3A_626, %get3A_627] {strides = array<i32>} : memref<8x1024xf32, #tpu.memory_space<vmem>>, vector<1x16xf32>,
        %get3A_629 = vector.shape_cast %get3A_628 : vector<1x16xf32> to vector<16xf32>
        %add3A_630 = arith.addf %get3A_624, %get3A_629 : vector<16xf32>
        %swap3A_631 = arith.constant 2 : i32
        %swap3A_632 = arith.index_cast %swap3A_631 : i32 to index
        %swap3A_633 = arith.index_cast %add3A_619 : i32 to index
        %swap3A_634 = tpu.vector_load %arg9[%swap3A_632, %swap3A_633] {strides = array<i32>} : memref<8x1024xf32, #tpu.memory_space<vmem>>, vector<1x16xf32>,
        %swap3A_635 = vector.shape_cast %swap3A_634 : vector<1x16xf32> to vector<16xf32>
        %swap3A_636 = vector.shape_cast %add3A_630 : vector<16xf32> to vector<1x16xf32>
        tpu.vector_store %arg9[%swap3A_632, %swap3A_633], %swap3A_636 {strides = array<i32>} : memref<8x1024xf32, #tpu.memory_space<vmem>>, vector<1x16xf32>,
        %add3A_637 = arith.constant 0 : i32
        %add3A_638 = arith.addi %mul3A_182, %add3A_637 : i32
        %get3A_639 = arith.constant 3 : i32
        %get3A_640 = arith.index_cast %get3A_639 : i32 to index
        %get3A_641 = arith.index_cast %add3A_638 : i32 to index
        %get3A_642 = tpu.vector_load %arg7[%get3A_640, %get3A_641] {strides = array<i32>} : memref<8x1024xf32, #tpu.memory_space<vmem>>, vector<1x16xf32>,
        %get3A_643 = vector.shape_cast %get3A_642 : vector<1x16xf32> to vector<16xf32>
        %get3A_644 = arith.constant 3 : i32
        %get3A_645 = arith.index_cast %get3A_644 : i32 to index
        %get3A_646 = arith.index_cast %add3A_638 : i32 to index
        %get3A_647 = tpu.vector_load %arg5[%get3A_645, %get3A_646] {strides = array<i32>} : memref<8x1024xf32, #tpu.memory_space<vmem>>, vector<1x16xf32>,
        %get3A_648 = vector.shape_cast %get3A_647 : vector<1x16xf32> to vector<16xf32>
        %add3A_649 = arith.addf %get3A_643, %get3A_648 : vector<16xf32>
        %swap3A_650 = arith.constant 3 : i32
        %swap3A_651 = arith.index_cast %swap3A_650 : i32 to index
        %swap3A_652 = arith.index_cast %add3A_638 : i32 to index
        %swap3A_653 = tpu.vector_load %arg9[%swap3A_651, %swap3A_652] {strides = array<i32>} : memref<8x1024xf32, #tpu.memory_space<vmem>>, vector<1x16xf32>,
        %swap3A_654 = vector.shape_cast %swap3A_653 : vector<1x16xf32> to vector<16xf32>
        %swap3A_655 = vector.shape_cast %add3A_649 : vector<16xf32> to vector<1x16xf32>
        tpu.vector_store %arg9[%swap3A_651, %swap3A_652], %swap3A_655 {strides = array<i32>} : memref<8x1024xf32, #tpu.memory_space<vmem>>, vector<1x16xf32>,
        %add3A_656 = arith.constant 16 : i32
        %add3A_657 = arith.addi %mul3A_182, %add3A_656 : i32
        %get3A_658 = arith.constant 3 : i32
        %get3A_659 = arith.index_cast %get3A_658 : i32 to index
        %get3A_660 = arith.index_cast %add3A_657 : i32 to index
        %get3A_661 = tpu.vector_load %arg7[%get3A_659, %get3A_660] {strides = array<i32>} : memref<8x1024xf32, #tpu.memory_space<vmem>>, vector<1x16xf32>,
        %get3A_662 = vector.shape_cast %get3A_661 : vector<1x16xf32> to vector<16xf32>
        %get3A_663 = arith.constant 3 : i32
        %get3A_664 = arith.index_cast %get3A_663 : i32 to index
        %get3A_665 = arith.index_cast %add3A_657 : i32 to index
        %get3A_666 = tpu.vector_load %arg5[%get3A_664, %get3A_665] {strides = array<i32>} : memref<8x1024xf32, #tpu.memory_space<vmem>>, vector<1x16xf32>,
        %get3A_667 = vector.shape_cast %get3A_666 : vector<1x16xf32> to vector<16xf32>
        %add3A_668 = arith.addf %get3A_662, %get3A_667 : vector<16xf32>
        %swap3A_669 = arith.constant 3 : i32
        %swap3A_670 = arith.index_cast %swap3A_669 : i32 to index
        %swap3A_671 = arith.index_cast %add3A_657 : i32 to index
        %swap3A_672 = tpu.vector_load %arg9[%swap3A_670, %swap3A_671] {strides = array<i32>} : memref<8x1024xf32, #tpu.memory_space<vmem>>, vector<1x16xf32>,
        %swap3A_673 = vector.shape_cast %swap3A_672 : vector<1x16xf32> to vector<16xf32>
        %swap3A_674 = vector.shape_cast %add3A_668 : vector<16xf32> to vector<1x16xf32>
        tpu.vector_store %arg9[%swap3A_670, %swap3A_671], %swap3A_674 {strides = array<i32>} : memref<8x1024xf32, #tpu.memory_space<vmem>>, vector<1x16xf32>,
        %add3A_675 = arith.constant 32 : i32
        %add3A_676 = arith.addi %mul3A_182, %add3A_675 : i32
        %get3A_677 = arith.constant 3 : i32
        %get3A_678 = arith.index_cast %get3A_677 : i32 to index
        %get3A_679 = arith.index_cast %add3A_676 : i32 to index
        %get3A_680 = tpu.vector_load %arg7[%get3A_678, %get3A_679] {strides = array<i32>} : memref<8x1024xf32, #tpu.memory_space<vmem>>, vector<1x16xf32>,
        %get3A_681 = vector.shape_cast %get3A_680 : vector<1x16xf32> to vector<16xf32>
        %get3A_682 = arith.constant 3 : i32
        %get3A_683 = arith.index_cast %get3A_682 : i32 to index
        %get3A_684 = arith.index_cast %add3A_676 : i32 to index
        %get3A_685 = tpu.vector_load %arg5[%get3A_683, %get3A_684] {strides = array<i32>} : memref<8x1024xf32, #tpu.memory_space<vmem>>, vector<1x16xf32>,
        %get3A_686 = vector.shape_cast %get3A_685 : vector<1x16xf32> to vector<16xf32>
        %add3A_687 = arith.addf %get3A_681, %get3A_686 : vector<16xf32>
        %swap3A_688 = arith.constant 3 : i32
        %swap3A_689 = arith.index_cast %swap3A_688 : i32 to index
        %swap3A_690 = arith.index_cast %add3A_676 : i32 to index
        %swap3A_691 = tpu.vector_load %arg9[%swap3A_689, %swap3A_690] {strides = array<i32>} : memref<8x1024xf32, #tpu.memory_space<vmem>>, vector<1x16xf32>,
        %swap3A_692 = vector.shape_cast %swap3A_691 : vector<1x16xf32> to vector<16xf32>
        %swap3A_693 = vector.shape_cast %add3A_687 : vector<16xf32> to vector<1x16xf32>
        tpu.vector_store %arg9[%swap3A_689, %swap3A_690], %swap3A_693 {strides = array<i32>} : memref<8x1024xf32, #tpu.memory_space<vmem>>, vector<1x16xf32>,
        %add3A_694 = arith.constant 48 : i32
        %add3A_695 = arith.addi %mul3A_182, %add3A_694 : i32
        %get3A_696 = arith.constant 3 : i32
        %get3A_697 = arith.index_cast %get3A_696 : i32 to index
        %get3A_698 = arith.index_cast %add3A_695 : i32 to index
        %get3A_699 = tpu.vector_load %arg7[%get3A_697, %get3A_698] {strides = array<i32>} : memref<8x1024xf32, #tpu.memory_space<vmem>>, vector<1x16xf32>,
        %get3A_700 = vector.shape_cast %get3A_699 : vector<1x16xf32> to vector<16xf32>
        %get3A_701 = arith.constant 3 : i32
        %get3A_702 = arith.index_cast %get3A_701 : i32 to index
        %get3A_703 = arith.index_cast %add3A_695 : i32 to index
        %get3A_704 = tpu.vector_load %arg5[%get3A_702, %get3A_703] {strides = array<i32>} : memref<8x1024xf32, #tpu.memory_space<vmem>>, vector<1x16xf32>,
        %get3A_705 = vector.shape_cast %get3A_704 : vector<1x16xf32> to vector<16xf32>
        %add3A_706 = arith.addf %get3A_700, %get3A_705 : vector<16xf32>
        %swap3A_707 = arith.constant 3 : i32
        %swap3A_708 = arith.index_cast %swap3A_707 : i32 to index
        %swap3A_709 = arith.index_cast %add3A_695 : i32 to index
        %swap3A_710 = tpu.vector_load %arg9[%swap3A_708, %swap3A_709] {strides = array<i32>} : memref<8x1024xf32, #tpu.memory_space<vmem>>, vector<1x16xf32>,
        %swap3A_711 = vector.shape_cast %swap3A_710 : vector<1x16xf32> to vector<16xf32>
        %swap3A_712 = vector.shape_cast %add3A_706 : vector<16xf32> to vector<1x16xf32>
        tpu.vector_store %arg9[%swap3A_708, %swap3A_709], %swap3A_712 {strides = array<i32>} : memref<8x1024xf32, #tpu.memory_space<vmem>>, vector<1x16xf32>,
        %add3A_713 = arith.constant 64 : i32
        %add3A_714 = arith.addi %mul3A_182, %add3A_713 : i32
        %get3A_715 = arith.constant 3 : i32
        %get3A_716 = arith.index_cast %get3A_715 : i32 to index
        %get3A_717 = arith.index_cast %add3A_714 : i32 to index
        %get3A_718 = tpu.vector_load %arg7[%get3A_716, %get3A_717] {strides = array<i32>} : memref<8x1024xf32, #tpu.memory_space<vmem>>, vector<1x16xf32>,
        %get3A_719 = vector.shape_cast %get3A_718 : vector<1x16xf32> to vector<16xf32>
        %get3A_720 = arith.constant 3 : i32
        %get3A_721 = arith.index_cast %get3A_720 : i32 to index
        %get3A_722 = arith.index_cast %add3A_714 : i32 to index
        %get3A_723 = tpu.vector_load %arg5[%get3A_721, %get3A_722] {strides = array<i32>} : memref<8x1024xf32, #tpu.memory_space<vmem>>, vector<1x16xf32>,
        %get3A_724 = vector.shape_cast %get3A_723 : vector<1x16xf32> to vector<16xf32>
        %add3A_725 = arith.addf %get3A_719, %get3A_724 : vector<16xf32>
        %swap3A_726 = arith.constant 3 : i32
        %swap3A_727 = arith.index_cast %swap3A_726 : i32 to index
        %swap3A_728 = arith.index_cast %add3A_714 : i32 to index
        %swap3A_729 = tpu.vector_load %arg9[%swap3A_727, %swap3A_728] {strides = array<i32>} : memref<8x1024xf32, #tpu.memory_space<vmem>>, vector<1x16xf32>,
        %swap3A_730 = vector.shape_cast %swap3A_729 : vector<1x16xf32> to vector<16xf32>
        %swap3A_731 = vector.shape_cast %add3A_725 : vector<16xf32> to vector<1x16xf32>
        tpu.vector_store %arg9[%swap3A_727, %swap3A_728], %swap3A_731 {strides = array<i32>} : memref<8x1024xf32, #tpu.memory_space<vmem>>, vector<1x16xf32>,
        %add3A_732 = arith.constant 80 : i32
        %add3A_733 = arith.addi %mul3A_182, %add3A_732 : i32
        %get3A_734 = arith.constant 3 : i32
        %get3A_735 = arith.index_cast %get3A_734 : i32 to index
        %get3A_736 = arith.index_cast %add3A_733 : i32 to index
        %get3A_737 = tpu.vector_load %arg7[%get3A_735, %get3A_736] {strides = array<i32>} : memref<8x1024xf32, #tpu.memory_space<vmem>>, vector<1x16xf32>,
        %get3A_738 = vector.shape_cast %get3A_737 : vector<1x16xf32> to vector<16xf32>
        %get3A_739 = arith.constant 3 : i32
        %get3A_740 = arith.index_cast %get3A_739 : i32 to index
        %get3A_741 = arith.index_cast %add3A_733 : i32 to index
        %get3A_742 = tpu.vector_load %arg5[%get3A_740, %get3A_741] {strides = array<i32>} : memref<8x1024xf32, #tpu.memory_space<vmem>>, vector<1x16xf32>,
        %get3A_743 = vector.shape_cast %get3A_742 : vector<1x16xf32> to vector<16xf32>
        %add3A_744 = arith.addf %get3A_738, %get3A_743 : vector<16xf32>
        %swap3A_745 = arith.constant 3 : i32
        %swap3A_746 = arith.index_cast %swap3A_745 : i32 to index
        %swap3A_747 = arith.index_cast %add3A_733 : i32 to index
        %swap3A_748 = tpu.vector_load %arg9[%swap3A_746, %swap3A_747] {strides = array<i32>} : memref<8x1024xf32, #tpu.memory_space<vmem>>, vector<1x16xf32>,
        %swap3A_749 = vector.shape_cast %swap3A_748 : vector<1x16xf32> to vector<16xf32>
        %swap3A_750 = vector.shape_cast %add3A_744 : vector<16xf32> to vector<1x16xf32>
        tpu.vector_store %arg9[%swap3A_746, %swap3A_747], %swap3A_750 {strides = array<i32>} : memref<8x1024xf32, #tpu.memory_space<vmem>>, vector<1x16xf32>,
        %add3A_751 = arith.constant 96 : i32
        %add3A_752 = arith.addi %mul3A_182, %add3A_751 : i32
        %get3A_753 = arith.constant 3 : i32
        %get3A_754 = arith.index_cast %get3A_753 : i32 to index
        %get3A_755 = arith.index_cast %add3A_752 : i32 to index
        %get3A_756 = tpu.vector_load %arg7[%get3A_754, %get3A_755] {strides = array<i32>} : memref<8x1024xf32, #tpu.memory_space<vmem>>, vector<1x16xf32>,
        %get3A_757 = vector.shape_cast %get3A_756 : vector<1x16xf32> to vector<16xf32>
        %get3A_758 = arith.constant 3 : i32
        %get3A_759 = arith.index_cast %get3A_758 : i32 to index
        %get3A_760 = arith.index_cast %add3A_752 : i32 to index
        %get3A_761 = tpu.vector_load %arg5[%get3A_759, %get3A_760] {strides = array<i32>} : memref<8x1024xf32, #tpu.memory_space<vmem>>, vector<1x16xf32>,
        %get3A_762 = vector.shape_cast %get3A_761 : vector<1x16xf32> to vector<16xf32>
        %add3A_763 = arith.addf %get3A_757, %get3A_762 : vector<16xf32>
        %swap3A_764 = arith.constant 3 : i32
        %swap3A_765 = arith.index_cast %swap3A_764 : i32 to index
        %swap3A_766 = arith.index_cast %add3A_752 : i32 to index
        %swap3A_767 = tpu.vector_load %arg9[%swap3A_765, %swap3A_766] {strides = array<i32>} : memref<8x1024xf32, #tpu.memory_space<vmem>>, vector<1x16xf32>,
        %swap3A_768 = vector.shape_cast %swap3A_767 : vector<1x16xf32> to vector<16xf32>
        %swap3A_769 = vector.shape_cast %add3A_763 : vector<16xf32> to vector<1x16xf32>
        tpu.vector_store %arg9[%swap3A_765, %swap3A_766], %swap3A_769 {strides = array<i32>} : memref<8x1024xf32, #tpu.memory_space<vmem>>, vector<1x16xf32>,
        %add3A_770 = arith.constant 112 : i32
        %add3A_771 = arith.addi %mul3A_182, %add3A_770 : i32
        %get3A_772 = arith.constant 3 : i32
        %get3A_773 = arith.index_cast %get3A_772 : i32 to index
        %get3A_774 = arith.index_cast %add3A_771 : i32 to index
        %get3A_775 = tpu.vector_load %arg7[%get3A_773, %get3A_774] {strides = array<i32>} : memref<8x1024xf32, #tpu.memory_space<vmem>>, vector<1x16xf32>,
        %get3A_776 = vector.shape_cast %get3A_775 : vector<1x16xf32> to vector<16xf32>
        %get3A_777 = arith.constant 3 : i32
        %get3A_778 = arith.index_cast %get3A_777 : i32 to index
        %get3A_779 = arith.index_cast %add3A_771 : i32 to index
        %get3A_780 = tpu.vector_load %arg5[%get3A_778, %get3A_779] {strides = array<i32>} : memref<8x1024xf32, #tpu.memory_space<vmem>>, vector<1x16xf32>,
        %get3A_781 = vector.shape_cast %get3A_780 : vector<1x16xf32> to vector<16xf32>
        %add3A_782 = arith.addf %get3A_776, %get3A_781 : vector<16xf32>
        %swap3A_783 = arith.constant 3 : i32
        %swap3A_784 = arith.index_cast %swap3A_783 : i32 to index
        %swap3A_785 = arith.index_cast %add3A_771 : i32 to index
        %swap3A_786 = tpu.vector_load %arg9[%swap3A_784, %swap3A_785] {strides = array<i32>} : memref<8x1024xf32, #tpu.memory_space<vmem>>, vector<1x16xf32>,
        %swap3A_787 = vector.shape_cast %swap3A_786 : vector<1x16xf32> to vector<16xf32>
        %swap3A_788 = vector.shape_cast %add3A_782 : vector<16xf32> to vector<1x16xf32>
        tpu.vector_store %arg9[%swap3A_784, %swap3A_785], %swap3A_788 {strides = array<i32>} : memref<8x1024xf32, #tpu.memory_space<vmem>>, vector<1x16xf32>,
        %add3A_789 = arith.constant 0 : i32
        %add3A_790 = arith.addi %mul3A_182, %add3A_789 : i32
        %get3A_791 = arith.constant 4 : i32
        %get3A_792 = arith.index_cast %get3A_791 : i32 to index
        %get3A_793 = arith.index_cast %add3A_790 : i32 to index
        %get3A_794 = tpu.vector_load %arg7[%get3A_792, %get3A_793] {strides = array<i32>} : memref<8x1024xf32, #tpu.memory_space<vmem>>, vector<1x16xf32>,
        %get3A_795 = vector.shape_cast %get3A_794 : vector<1x16xf32> to vector<16xf32>
        %get3A_796 = arith.constant 4 : i32
        %get3A_797 = arith.index_cast %get3A_796 : i32 to index
        %get3A_798 = arith.index_cast %add3A_790 : i32 to index
        %get3A_799 = tpu.vector_load %arg5[%get3A_797, %get3A_798] {strides = array<i32>} : memref<8x1024xf32, #tpu.memory_space<vmem>>, vector<1x16xf32>,
        %get3A_800 = vector.shape_cast %get3A_799 : vector<1x16xf32> to vector<16xf32>
        %add3A_801 = arith.addf %get3A_795, %get3A_800 : vector<16xf32>
        %swap3A_802 = arith.constant 4 : i32
        %swap3A_803 = arith.index_cast %swap3A_802 : i32 to index
        %swap3A_804 = arith.index_cast %add3A_790 : i32 to index
        %swap3A_805 = tpu.vector_load %arg9[%swap3A_803, %swap3A_804] {strides = array<i32>} : memref<8x1024xf32, #tpu.memory_space<vmem>>, vector<1x16xf32>,
        %swap3A_806 = vector.shape_cast %swap3A_805 : vector<1x16xf32> to vector<16xf32>
        %swap3A_807 = vector.shape_cast %add3A_801 : vector<16xf32> to vector<1x16xf32>
        tpu.vector_store %arg9[%swap3A_803, %swap3A_804], %swap3A_807 {strides = array<i32>} : memref<8x1024xf32, #tpu.memory_space<vmem>>, vector<1x16xf32>,
        %add3A_808 = arith.constant 16 : i32
        %add3A_809 = arith.addi %mul3A_182, %add3A_808 : i32
        %get3A_810 = arith.constant 4 : i32
        %get3A_811 = arith.index_cast %get3A_810 : i32 to index
        %get3A_812 = arith.index_cast %add3A_809 : i32 to index
        %get3A_813 = tpu.vector_load %arg7[%get3A_811, %get3A_812] {strides = array<i32>} : memref<8x1024xf32, #tpu.memory_space<vmem>>, vector<1x16xf32>,
        %get3A_814 = vector.shape_cast %get3A_813 : vector<1x16xf32> to vector<16xf32>
        %get3A_815 = arith.constant 4 : i32
        %get3A_816 = arith.index_cast %get3A_815 : i32 to index
        %get3A_817 = arith.index_cast %add3A_809 : i32 to index
        %get3A_818 = tpu.vector_load %arg5[%get3A_816, %get3A_817] {strides = array<i32>} : memref<8x1024xf32, #tpu.memory_space<vmem>>, vector<1x16xf32>,
        %get3A_819 = vector.shape_cast %get3A_818 : vector<1x16xf32> to vector<16xf32>
        %add3A_820 = arith.addf %get3A_814, %get3A_819 : vector<16xf32>
        %swap3A_821 = arith.constant 4 : i32
        %swap3A_822 = arith.index_cast %swap3A_821 : i32 to index
        %swap3A_823 = arith.index_cast %add3A_809 : i32 to index
        %swap3A_824 = tpu.vector_load %arg9[%swap3A_822, %swap3A_823] {strides = array<i32>} : memref<8x1024xf32, #tpu.memory_space<vmem>>, vector<1x16xf32>,
        %swap3A_825 = vector.shape_cast %swap3A_824 : vector<1x16xf32> to vector<16xf32>
        %swap3A_826 = vector.shape_cast %add3A_820 : vector<16xf32> to vector<1x16xf32>
        tpu.vector_store %arg9[%swap3A_822, %swap3A_823], %swap3A_826 {strides = array<i32>} : memref<8x1024xf32, #tpu.memory_space<vmem>>, vector<1x16xf32>,
        %add3A_827 = arith.constant 32 : i32
        %add3A_828 = arith.addi %mul3A_182, %add3A_827 : i32
        %get3A_829 = arith.constant 4 : i32
        %get3A_830 = arith.index_cast %get3A_829 : i32 to index
        %get3A_831 = arith.index_cast %add3A_828 : i32 to index
        %get3A_832 = tpu.vector_load %arg7[%get3A_830, %get3A_831] {strides = array<i32>} : memref<8x1024xf32, #tpu.memory_space<vmem>>, vector<1x16xf32>,
        %get3A_833 = vector.shape_cast %get3A_832 : vector<1x16xf32> to vector<16xf32>
        %get3A_834 = arith.constant 4 : i32
        %get3A_835 = arith.index_cast %get3A_834 : i32 to index
        %get3A_836 = arith.index_cast %add3A_828 : i32 to index
        %get3A_837 = tpu.vector_load %arg5[%get3A_835, %get3A_836] {strides = array<i32>} : memref<8x1024xf32, #tpu.memory_space<vmem>>, vector<1x16xf32>,
        %get3A_838 = vector.shape_cast %get3A_837 : vector<1x16xf32> to vector<16xf32>
        %add3A_839 = arith.addf %get3A_833, %get3A_838 : vector<16xf32>
        %swap3A_840 = arith.constant 4 : i32
        %swap3A_841 = arith.index_cast %swap3A_840 : i32 to index
        %swap3A_842 = arith.index_cast %add3A_828 : i32 to index
        %swap3A_843 = tpu.vector_load %arg9[%swap3A_841, %swap3A_842] {strides = array<i32>} : memref<8x1024xf32, #tpu.memory_space<vmem>>, vector<1x16xf32>,
        %swap3A_844 = vector.shape_cast %swap3A_843 : vector<1x16xf32> to vector<16xf32>
        %swap3A_845 = vector.shape_cast %add3A_839 : vector<16xf32> to vector<1x16xf32>
        tpu.vector_store %arg9[%swap3A_841, %swap3A_842], %swap3A_845 {strides = array<i32>} : memref<8x1024xf32, #tpu.memory_space<vmem>>, vector<1x16xf32>,
        %add3A_846 = arith.constant 48 : i32
        %add3A_847 = arith.addi %mul3A_182, %add3A_846 : i32
        %get3A_848 = arith.constant 4 : i32
        %get3A_849 = arith.index_cast %get3A_848 : i32 to index
        %get3A_850 = arith.index_cast %add3A_847 : i32 to index
        %get3A_851 = tpu.vector_load %arg7[%get3A_849, %get3A_850] {strides = array<i32>} : memref<8x1024xf32, #tpu.memory_space<vmem>>, vector<1x16xf32>,
        %get3A_852 = vector.shape_cast %get3A_851 : vector<1x16xf32> to vector<16xf32>
        %get3A_853 = arith.constant 4 : i32
        %get3A_854 = arith.index_cast %get3A_853 : i32 to index
        %get3A_855 = arith.index_cast %add3A_847 : i32 to index
        %get3A_856 = tpu.vector_load %arg5[%get3A_854, %get3A_855] {strides = array<i32>} : memref<8x1024xf32, #tpu.memory_space<vmem>>, vector<1x16xf32>,
        %get3A_857 = vector.shape_cast %get3A_856 : vector<1x16xf32> to vector<16xf32>
        %add3A_858 = arith.addf %get3A_852, %get3A_857 : vector<16xf32>
        %swap3A_859 = arith.constant 4 : i32
        %swap3A_860 = arith.index_cast %swap3A_859 : i32 to index
        %swap3A_861 = arith.index_cast %add3A_847 : i32 to index
        %swap3A_862 = tpu.vector_load %arg9[%swap3A_860, %swap3A_861] {strides = array<i32>} : memref<8x1024xf32, #tpu.memory_space<vmem>>, vector<1x16xf32>,
        %swap3A_863 = vector.shape_cast %swap3A_862 : vector<1x16xf32> to vector<16xf32>
        %swap3A_864 = vector.shape_cast %add3A_858 : vector<16xf32> to vector<1x16xf32>
        tpu.vector_store %arg9[%swap3A_860, %swap3A_861], %swap3A_864 {strides = array<i32>} : memref<8x1024xf32, #tpu.memory_space<vmem>>, vector<1x16xf32>,
        %add3A_865 = arith.constant 64 : i32
        %add3A_866 = arith.addi %mul3A_182, %add3A_865 : i32
        %get3A_867 = arith.constant 4 : i32
        %get3A_868 = arith.index_cast %get3A_867 : i32 to index
        %get3A_869 = arith.index_cast %add3A_866 : i32 to index
        %get3A_870 = tpu.vector_load %arg7[%get3A_868, %get3A_869] {strides = array<i32>} : memref<8x1024xf32, #tpu.memory_space<vmem>>, vector<1x16xf32>,
        %get3A_871 = vector.shape_cast %get3A_870 : vector<1x16xf32> to vector<16xf32>
        %get3A_872 = arith.constant 4 : i32
        %get3A_873 = arith.index_cast %get3A_872 : i32 to index
        %get3A_874 = arith.index_cast %add3A_866 : i32 to index
        %get3A_875 = tpu.vector_load %arg5[%get3A_873, %get3A_874] {strides = array<i32>} : memref<8x1024xf32, #tpu.memory_space<vmem>>, vector<1x16xf32>,
        %get3A_876 = vector.shape_cast %get3A_875 : vector<1x16xf32> to vector<16xf32>
        %add3A_877 = arith.addf %get3A_871, %get3A_876 : vector<16xf32>
        %swap3A_878 = arith.constant 4 : i32
        %swap3A_879 = arith.index_cast %swap3A_878 : i32 to index
        %swap3A_880 = arith.index_cast %add3A_866 : i32 to index
        %swap3A_881 = tpu.vector_load %arg9[%swap3A_879, %swap3A_880] {strides = array<i32>} : memref<8x1024xf32, #tpu.memory_space<vmem>>, vector<1x16xf32>,
        %swap3A_882 = vector.shape_cast %swap3A_881 : vector<1x16xf32> to vector<16xf32>
        %swap3A_883 = vector.shape_cast %add3A_877 : vector<16xf32> to vector<1x16xf32>
        tpu.vector_store %arg9[%swap3A_879, %swap3A_880], %swap3A_883 {strides = array<i32>} : memref<8x1024xf32, #tpu.memory_space<vmem>>, vector<1x16xf32>,
        %add3A_884 = arith.constant 80 : i32
        %add3A_885 = arith.addi %mul3A_182, %add3A_884 : i32
        %get3A_886 = arith.constant 4 : i32
        %get3A_887 = arith.index_cast %get3A_886 : i32 to index
        %get3A_888 = arith.index_cast %add3A_885 : i32 to index
        %get3A_889 = tpu.vector_load %arg7[%get3A_887, %get3A_888] {strides = array<i32>} : memref<8x1024xf32, #tpu.memory_space<vmem>>, vector<1x16xf32>,
        %get3A_890 = vector.shape_cast %get3A_889 : vector<1x16xf32> to vector<16xf32>
        %get3A_891 = arith.constant 4 : i32
        %get3A_892 = arith.index_cast %get3A_891 : i32 to index
        %get3A_893 = arith.index_cast %add3A_885 : i32 to index
        %get3A_894 = tpu.vector_load %arg5[%get3A_892, %get3A_893] {strides = array<i32>} : memref<8x1024xf32, #tpu.memory_space<vmem>>, vector<1x16xf32>,
        %get3A_895 = vector.shape_cast %get3A_894 : vector<1x16xf32> to vector<16xf32>
        %add3A_896 = arith.addf %get3A_890, %get3A_895 : vector<16xf32>
        %swap3A_897 = arith.constant 4 : i32
        %swap3A_898 = arith.index_cast %swap3A_897 : i32 to index
        %swap3A_899 = arith.index_cast %add3A_885 : i32 to index
        %swap3A_900 = tpu.vector_load %arg9[%swap3A_898, %swap3A_899] {strides = array<i32>} : memref<8x1024xf32, #tpu.memory_space<vmem>>, vector<1x16xf32>,
        %swap3A_901 = vector.shape_cast %swap3A_900 : vector<1x16xf32> to vector<16xf32>
        %swap3A_902 = vector.shape_cast %add3A_896 : vector<16xf32> to vector<1x16xf32>
        tpu.vector_store %arg9[%swap3A_898, %swap3A_899], %swap3A_902 {strides = array<i32>} : memref<8x1024xf32, #tpu.memory_space<vmem>>, vector<1x16xf32>,
        %add3A_903 = arith.constant 96 : i32
        %add3A_904 = arith.addi %mul3A_182, %add3A_903 : i32
        %get3A_905 = arith.constant 4 : i32
        %get3A_906 = arith.index_cast %get3A_905 : i32 to index
        %get3A_907 = arith.index_cast %add3A_904 : i32 to index
        %get3A_908 = tpu.vector_load %arg7[%get3A_906, %get3A_907] {strides = array<i32>} : memref<8x1024xf32, #tpu.memory_space<vmem>>, vector<1x16xf32>,
        %get3A_909 = vector.shape_cast %get3A_908 : vector<1x16xf32> to vector<16xf32>
        %get3A_910 = arith.constant 4 : i32
        %get3A_911 = arith.index_cast %get3A_910 : i32 to index
        %get3A_912 = arith.index_cast %add3A_904 : i32 to index
        %get3A_913 = tpu.vector_load %arg5[%get3A_911, %get3A_912] {strides = array<i32>} : memref<8x1024xf32, #tpu.memory_space<vmem>>, vector<1x16xf32>,
        %get3A_914 = vector.shape_cast %get3A_913 : vector<1x16xf32> to vector<16xf32>
        %add3A_915 = arith.addf %get3A_909, %get3A_914 : vector<16xf32>
        %swap3A_916 = arith.constant 4 : i32
        %swap3A_917 = arith.index_cast %swap3A_916 : i32 to index
        %swap3A_918 = arith.index_cast %add3A_904 : i32 to index
        %swap3A_919 = tpu.vector_load %arg9[%swap3A_917, %swap3A_918] {strides = array<i32>} : memref<8x1024xf32, #tpu.memory_space<vmem>>, vector<1x16xf32>,
        %swap3A_920 = vector.shape_cast %swap3A_919 : vector<1x16xf32> to vector<16xf32>
        %swap3A_921 = vector.shape_cast %add3A_915 : vector<16xf32> to vector<1x16xf32>
        tpu.vector_store %arg9[%swap3A_917, %swap3A_918], %swap3A_921 {strides = array<i32>} : memref<8x1024xf32, #tpu.memory_space<vmem>>, vector<1x16xf32>,
        %add3A_922 = arith.constant 112 : i32
        %add3A_923 = arith.addi %mul3A_182, %add3A_922 : i32
        %get3A_924 = arith.constant 4 : i32
        %get3A_925 = arith.index_cast %get3A_924 : i32 to index
        %get3A_926 = arith.index_cast %add3A_923 : i32 to index
        %get3A_927 = tpu.vector_load %arg7[%get3A_925, %get3A_926] {strides = array<i32>} : memref<8x1024xf32, #tpu.memory_space<vmem>>, vector<1x16xf32>,
        %get3A_928 = vector.shape_cast %get3A_927 : vector<1x16xf32> to vector<16xf32>
        %get3A_929 = arith.constant 4 : i32
        %get3A_930 = arith.index_cast %get3A_929 : i32 to index
        %get3A_931 = arith.index_cast %add3A_923 : i32 to index
        %get3A_932 = tpu.vector_load %arg5[%get3A_930, %get3A_931] {strides = array<i32>} : memref<8x1024xf32, #tpu.memory_space<vmem>>, vector<1x16xf32>,
        %get3A_933 = vector.shape_cast %get3A_932 : vector<1x16xf32> to vector<16xf32>
        %add3A_934 = arith.addf %get3A_928, %get3A_933 : vector<16xf32>
        %swap3A_935 = arith.constant 4 : i32
        %swap3A_936 = arith.index_cast %swap3A_935 : i32 to index
        %swap3A_937 = arith.index_cast %add3A_923 : i32 to index
        %swap3A_938 = tpu.vector_load %arg9[%swap3A_936, %swap3A_937] {strides = array<i32>} : memref<8x1024xf32, #tpu.memory_space<vmem>>, vector<1x16xf32>,
        %swap3A_939 = vector.shape_cast %swap3A_938 : vector<1x16xf32> to vector<16xf32>
        %swap3A_940 = vector.shape_cast %add3A_934 : vector<16xf32> to vector<1x16xf32>
        tpu.vector_store %arg9[%swap3A_936, %swap3A_937], %swap3A_940 {strides = array<i32>} : memref<8x1024xf32, #tpu.memory_space<vmem>>, vector<1x16xf32>,
        %add3A_941 = arith.constant 0 : i32
        %add3A_942 = arith.addi %mul3A_182, %add3A_941 : i32
        %get3A_943 = arith.constant 5 : i32
        %get3A_944 = arith.index_cast %get3A_943 : i32 to index
        %get3A_945 = arith.index_cast %add3A_942 : i32 to index
        %get3A_946 = tpu.vector_load %arg7[%get3A_944, %get3A_945] {strides = array<i32>} : memref<8x1024xf32, #tpu.memory_space<vmem>>, vector<1x16xf32>,
        %get3A_947 = vector.shape_cast %get3A_946 : vector<1x16xf32> to vector<16xf32>
        %get3A_948 = arith.constant 5 : i32
        %get3A_949 = arith.index_cast %get3A_948 : i32 to index
        %get3A_950 = arith.index_cast %add3A_942 : i32 to index
        %get3A_951 = tpu.vector_load %arg5[%get3A_949, %get3A_950] {strides = array<i32>} : memref<8x1024xf32, #tpu.memory_space<vmem>>, vector<1x16xf32>,
        %get3A_952 = vector.shape_cast %get3A_951 : vector<1x16xf32> to vector<16xf32>
        %add3A_953 = arith.addf %get3A_947, %get3A_952 : vector<16xf32>
        %swap3A_954 = arith.constant 5 : i32
        %swap3A_955 = arith.index_cast %swap3A_954 : i32 to index
        %swap3A_956 = arith.index_cast %add3A_942 : i32 to index
        %swap3A_957 = tpu.vector_load %arg9[%swap3A_955, %swap3A_956] {strides = array<i32>} : memref<8x1024xf32, #tpu.memory_space<vmem>>, vector<1x16xf32>,
        %swap3A_958 = vector.shape_cast %swap3A_957 : vector<1x16xf32> to vector<16xf32>
        %swap3A_959 = vector.shape_cast %add3A_953 : vector<16xf32> to vector<1x16xf32>
        tpu.vector_store %arg9[%swap3A_955, %swap3A_956], %swap3A_959 {strides = array<i32>} : memref<8x1024xf32, #tpu.memory_space<vmem>>, vector<1x16xf32>,
        %add3A_960 = arith.constant 16 : i32
        %add3A_961 = arith.addi %mul3A_182, %add3A_960 : i32
        %get3A_962 = arith.constant 5 : i32
        %get3A_963 = arith.index_cast %get3A_962 : i32 to index
        %get3A_964 = arith.index_cast %add3A_961 : i32 to index
        %get3A_965 = tpu.vector_load %arg7[%get3A_963, %get3A_964] {strides = array<i32>} : memref<8x1024xf32, #tpu.memory_space<vmem>>, vector<1x16xf32>,
        %get3A_966 = vector.shape_cast %get3A_965 : vector<1x16xf32> to vector<16xf32>
        %get3A_967 = arith.constant 5 : i32
        %get3A_968 = arith.index_cast %get3A_967 : i32 to index
        %get3A_969 = arith.index_cast %add3A_961 : i32 to index
        %get3A_970 = tpu.vector_load %arg5[%get3A_968, %get3A_969] {strides = array<i32>} : memref<8x1024xf32, #tpu.memory_space<vmem>>, vector<1x16xf32>,
        %get3A_971 = vector.shape_cast %get3A_970 : vector<1x16xf32> to vector<16xf32>
        %add3A_972 = arith.addf %get3A_966, %get3A_971 : vector<16xf32>
        %swap3A_973 = arith.constant 5 : i32
        %swap3A_974 = arith.index_cast %swap3A_973 : i32 to index
        %swap3A_975 = arith.index_cast %add3A_961 : i32 to index
        %swap3A_976 = tpu.vector_load %arg9[%swap3A_974, %swap3A_975] {strides = array<i32>} : memref<8x1024xf32, #tpu.memory_space<vmem>>, vector<1x16xf32>,
        %swap3A_977 = vector.shape_cast %swap3A_976 : vector<1x16xf32> to vector<16xf32>
        %swap3A_978 = vector.shape_cast %add3A_972 : vector<16xf32> to vector<1x16xf32>
        tpu.vector_store %arg9[%swap3A_974, %swap3A_975], %swap3A_978 {strides = array<i32>} : memref<8x1024xf32, #tpu.memory_space<vmem>>, vector<1x16xf32>,
        %add3A_979 = arith.constant 32 : i32
        %add3A_980 = arith.addi %mul3A_182, %add3A_979 : i32
        %get3A_981 = arith.constant 5 : i32
        %get3A_982 = arith.index_cast %get3A_981 : i32 to index
        %get3A_983 = arith.index_cast %add3A_980 : i32 to index
        %get3A_984 = tpu.vector_load %arg7[%get3A_982, %get3A_983] {strides = array<i32>} : memref<8x1024xf32, #tpu.memory_space<vmem>>, vector<1x16xf32>,
        %get3A_985 = vector.shape_cast %get3A_984 : vector<1x16xf32> to vector<16xf32>
        %get3A_986 = arith.constant 5 : i32
        %get3A_987 = arith.index_cast %get3A_986 : i32 to index
        %get3A_988 = arith.index_cast %add3A_980 : i32 to index
        %get3A_989 = tpu.vector_load %arg5[%get3A_987, %get3A_988] {strides = array<i32>} : memref<8x1024xf32, #tpu.memory_space<vmem>>, vector<1x16xf32>,
        %get3A_990 = vector.shape_cast %get3A_989 : vector<1x16xf32> to vector<16xf32>
        %add3A_991 = arith.addf %get3A_985, %get3A_990 : vector<16xf32>
        %swap3A_992 = arith.constant 5 : i32
        %swap3A_993 = arith.index_cast %swap3A_992 : i32 to index
        %swap3A_994 = arith.index_cast %add3A_980 : i32 to index
        %swap3A_995 = tpu.vector_load %arg9[%swap3A_993, %swap3A_994] {strides = array<i32>} : memref<8x1024xf32, #tpu.memory_space<vmem>>, vector<1x16xf32>,
        %swap3A_996 = vector.shape_cast %swap3A_995 : vector<1x16xf32> to vector<16xf32>
        %swap3A_997 = vector.shape_cast %add3A_991 : vector<16xf32> to vector<1x16xf32>
        tpu.vector_store %arg9[%swap3A_993, %swap3A_994], %swap3A_997 {strides = array<i32>} : memref<8x1024xf32, #tpu.memory_space<vmem>>, vector<1x16xf32>,
        %add3A_998 = arith.constant 48 : i32
        %add3A_999 = arith.addi %mul3A_182, %add3A_998 : i32
        %get3A_1000 = arith.constant 5 : i32
        %get3A_1001 = arith.index_cast %get3A_1000 : i32 to index
        %get3A_1002 = arith.index_cast %add3A_999 : i32 to index
        %get3A_1003 = tpu.vector_load %arg7[%get3A_1001, %get3A_1002] {strides = array<i32>} : memref<8x1024xf32, #tpu.memory_space<vmem>>, vector<1x16xf32>,
        %get3A_1004 = vector.shape_cast %get3A_1003 : vector<1x16xf32> to vector<16xf32>
        %get3A_1005 = arith.constant 5 : i32
        %get3A_1006 = arith.index_cast %get3A_1005 : i32 to index
        %get3A_1007 = arith.index_cast %add3A_999 : i32 to index
        %get3A_1008 = tpu.vector_load %arg5[%get3A_1006, %get3A_1007] {strides = array<i32>} : memref<8x1024xf32, #tpu.memory_space<vmem>>, vector<1x16xf32>,
        %get3A_1009 = vector.shape_cast %get3A_1008 : vector<1x16xf32> to vector<16xf32>
        %add3A_1010 = arith.addf %get3A_1004, %get3A_1009 : vector<16xf32>
        %swap3A_1011 = arith.constant 5 : i32
        %swap3A_1012 = arith.index_cast %swap3A_1011 : i32 to index
        %swap3A_1013 = arith.index_cast %add3A_999 : i32 to index
        %swap3A_1014 = tpu.vector_load %arg9[%swap3A_1012, %swap3A_1013] {strides = array<i32>} : memref<8x1024xf32, #tpu.memory_space<vmem>>, vector<1x16xf32>,
        %swap3A_1015 = vector.shape_cast %swap3A_1014 : vector<1x16xf32> to vector<16xf32>
        %swap3A_1016 = vector.shape_cast %add3A_1010 : vector<16xf32> to vector<1x16xf32>
        tpu.vector_store %arg9[%swap3A_1012, %swap3A_1013], %swap3A_1016 {strides = array<i32>} : memref<8x1024xf32, #tpu.memory_space<vmem>>, vector<1x16xf32>,
        %add3A_1017 = arith.constant 64 : i32
        %add3A_1018 = arith.addi %mul3A_182, %add3A_1017 : i32
        %get3A_1019 = arith.constant 5 : i32
        %get3A_1020 = arith.index_cast %get3A_1019 : i32 to index
        %get3A_1021 = arith.index_cast %add3A_1018 : i32 to index
        %get3A_1022 = tpu.vector_load %arg7[%get3A_1020, %get3A_1021] {strides = array<i32>} : memref<8x1024xf32, #tpu.memory_space<vmem>>, vector<1x16xf32>,
        %get3A_1023 = vector.shape_cast %get3A_1022 : vector<1x16xf32> to vector<16xf32>
        %get3A_1024 = arith.constant 5 : i32
        %get3A_1025 = arith.index_cast %get3A_1024 : i32 to index
        %get3A_1026 = arith.index_cast %add3A_1018 : i32 to index
        %get3A_1027 = tpu.vector_load %arg5[%get3A_1025, %get3A_1026] {strides = array<i32>} : memref<8x1024xf32, #tpu.memory_space<vmem>>, vector<1x16xf32>,
        %get3A_1028 = vector.shape_cast %get3A_1027 : vector<1x16xf32> to vector<16xf32>
        %add3A_1029 = arith.addf %get3A_1023, %get3A_1028 : vector<16xf32>
        %swap3A_1030 = arith.constant 5 : i32
        %swap3A_1031 = arith.index_cast %swap3A_1030 : i32 to index
        %swap3A_1032 = arith.index_cast %add3A_1018 : i32 to index
        %swap3A_1033 = tpu.vector_load %arg9[%swap3A_1031, %swap3A_1032] {strides = array<i32>} : memref<8x1024xf32, #tpu.memory_space<vmem>>, vector<1x16xf32>,
        %swap3A_1034 = vector.shape_cast %swap3A_1033 : vector<1x16xf32> to vector<16xf32>
        %swap3A_1035 = vector.shape_cast %add3A_1029 : vector<16xf32> to vector<1x16xf32>
        tpu.vector_store %arg9[%swap3A_1031, %swap3A_1032], %swap3A_1035 {strides = array<i32>} : memref<8x1024xf32, #tpu.memory_space<vmem>>, vector<1x16xf32>,
        %add3A_1036 = arith.constant 80 : i32
        %add3A_1037 = arith.addi %mul3A_182, %add3A_1036 : i32
        %get3A_1038 = arith.constant 5 : i32
        %get3A_1039 = arith.index_cast %get3A_1038 : i32 to index
        %get3A_1040 = arith.index_cast %add3A_1037 : i32 to index
        %get3A_1041 = tpu.vector_load %arg7[%get3A_1039, %get3A_1040] {strides = array<i32>} : memref<8x1024xf32, #tpu.memory_space<vmem>>, vector<1x16xf32>,
        %get3A_1042 = vector.shape_cast %get3A_1041 : vector<1x16xf32> to vector<16xf32>
        %get3A_1043 = arith.constant 5 : i32
        %get3A_1044 = arith.index_cast %get3A_1043 : i32 to index
        %get3A_1045 = arith.index_cast %add3A_1037 : i32 to index
        %get3A_1046 = tpu.vector_load %arg5[%get3A_1044, %get3A_1045] {strides = array<i32>} : memref<8x1024xf32, #tpu.memory_space<vmem>>, vector<1x16xf32>,
        %get3A_1047 = vector.shape_cast %get3A_1046 : vector<1x16xf32> to vector<16xf32>
        %add3A_1048 = arith.addf %get3A_1042, %get3A_1047 : vector<16xf32>
        %swap3A_1049 = arith.constant 5 : i32
        %swap3A_1050 = arith.index_cast %swap3A_1049 : i32 to index
        %swap3A_1051 = arith.index_cast %add3A_1037 : i32 to index
        %swap3A_1052 = tpu.vector_load %arg9[%swap3A_1050, %swap3A_1051] {strides = array<i32>} : memref<8x1024xf32, #tpu.memory_space<vmem>>, vector<1x16xf32>,
        %swap3A_1053 = vector.shape_cast %swap3A_1052 : vector<1x16xf32> to vector<16xf32>
        %swap3A_1054 = vector.shape_cast %add3A_1048 : vector<16xf32> to vector<1x16xf32>
        tpu.vector_store %arg9[%swap3A_1050, %swap3A_1051], %swap3A_1054 {strides = array<i32>} : memref<8x1024xf32, #tpu.memory_space<vmem>>, vector<1x16xf32>,
        %add3A_1055 = arith.constant 96 : i32
        %add3A_1056 = arith.addi %mul3A_182, %add3A_1055 : i32
        %get3A_1057 = arith.constant 5 : i32
        %get3A_1058 = arith.index_cast %get3A_1057 : i32 to index
        %get3A_1059 = arith.index_cast %add3A_1056 : i32 to index
        %get3A_1060 = tpu.vector_load %arg7[%get3A_1058, %get3A_1059] {strides = array<i32>} : memref<8x1024xf32, #tpu.memory_space<vmem>>, vector<1x16xf32>,
        %get3A_1061 = vector.shape_cast %get3A_1060 : vector<1x16xf32> to vector<16xf32>
        %get3A_1062 = arith.constant 5 : i32
        %get3A_1063 = arith.index_cast %get3A_1062 : i32 to index
        %get3A_1064 = arith.index_cast %add3A_1056 : i32 to index
        %get3A_1065 = tpu.vector_load %arg5[%get3A_1063, %get3A_1064] {strides = array<i32>} : memref<8x1024xf32, #tpu.memory_space<vmem>>, vector<1x16xf32>,
        %get3A_1066 = vector.shape_cast %get3A_1065 : vector<1x16xf32> to vector<16xf32>
        %add3A_1067 = arith.addf %get3A_1061, %get3A_1066 : vector<16xf32>
        %swap3A_1068 = arith.constant 5 : i32
        %swap3A_1069 = arith.index_cast %swap3A_1068 : i32 to index
        %swap3A_1070 = arith.index_cast %add3A_1056 : i32 to index
        %swap3A_1071 = tpu.vector_load %arg9[%swap3A_1069, %swap3A_1070] {strides = array<i32>} : memref<8x1024xf32, #tpu.memory_space<vmem>>, vector<1x16xf32>,
        %swap3A_1072 = vector.shape_cast %swap3A_1071 : vector<1x16xf32> to vector<16xf32>
        %swap3A_1073 = vector.shape_cast %add3A_1067 : vector<16xf32> to vector<1x16xf32>
        tpu.vector_store %arg9[%swap3A_1069, %swap3A_1070], %swap3A_1073 {strides = array<i32>} : memref<8x1024xf32, #tpu.memory_space<vmem>>, vector<1x16xf32>,
        %add3A_1074 = arith.constant 112 : i32
        %add3A_1075 = arith.addi %mul3A_182, %add3A_1074 : i32
        %get3A_1076 = arith.constant 5 : i32
        %get3A_1077 = arith.index_cast %get3A_1076 : i32 to index
        %get3A_1078 = arith.index_cast %add3A_1075 : i32 to index
        %get3A_1079 = tpu.vector_load %arg7[%get3A_1077, %get3A_1078] {strides = array<i32>} : memref<8x1024xf32, #tpu.memory_space<vmem>>, vector<1x16xf32>,
        %get3A_1080 = vector.shape_cast %get3A_1079 : vector<1x16xf32> to vector<16xf32>
        %get3A_1081 = arith.constant 5 : i32
        %get3A_1082 = arith.index_cast %get3A_1081 : i32 to index
        %get3A_1083 = arith.index_cast %add3A_1075 : i32 to index
        %get3A_1084 = tpu.vector_load %arg5[%get3A_1082, %get3A_1083] {strides = array<i32>} : memref<8x1024xf32, #tpu.memory_space<vmem>>, vector<1x16xf32>,
        %get3A_1085 = vector.shape_cast %get3A_1084 : vector<1x16xf32> to vector<16xf32>
        %add3A_1086 = arith.addf %get3A_1080, %get3A_1085 : vector<16xf32>
        %swap3A_1087 = arith.constant 5 : i32
        %swap3A_1088 = arith.index_cast %swap3A_1087 : i32 to index
        %swap3A_1089 = arith.index_cast %add3A_1075 : i32 to index
        %swap3A_1090 = tpu.vector_load %arg9[%swap3A_1088, %swap3A_1089] {strides = array<i32>} : memref<8x1024xf32, #tpu.memory_space<vmem>>, vector<1x16xf32>,
        %swap3A_1091 = vector.shape_cast %swap3A_1090 : vector<1x16xf32> to vector<16xf32>
        %swap3A_1092 = vector.shape_cast %add3A_1086 : vector<16xf32> to vector<1x16xf32>
        tpu.vector_store %arg9[%swap3A_1088, %swap3A_1089], %swap3A_1092 {strides = array<i32>} : memref<8x1024xf32, #tpu.memory_space<vmem>>, vector<1x16xf32>,
        %add3A_1093 = arith.constant 0 : i32
        %add3A_1094 = arith.addi %mul3A_182, %add3A_1093 : i32
        %get3A_1095 = arith.constant 6 : i32
        %get3A_1096 = arith.index_cast %get3A_1095 : i32 to index
        %get3A_1097 = arith.index_cast %add3A_1094 : i32 to index
        %get3A_1098 = tpu.vector_load %arg7[%get3A_1096, %get3A_1097] {strides = array<i32>} : memref<8x1024xf32, #tpu.memory_space<vmem>>, vector<1x16xf32>,
        %get3A_1099 = vector.shape_cast %get3A_1098 : vector<1x16xf32> to vector<16xf32>
        %get3A_1100 = arith.constant 6 : i32
        %get3A_1101 = arith.index_cast %get3A_1100 : i32 to index
        %get3A_1102 = arith.index_cast %add3A_1094 : i32 to index
        %get3A_1103 = tpu.vector_load %arg5[%get3A_1101, %get3A_1102] {strides = array<i32>} : memref<8x1024xf32, #tpu.memory_space<vmem>>, vector<1x16xf32>,
        %get3A_1104 = vector.shape_cast %get3A_1103 : vector<1x16xf32> to vector<16xf32>
        %add3A_1105 = arith.addf %get3A_1099, %get3A_1104 : vector<16xf32>
        %swap3A_1106 = arith.constant 6 : i32
        %swap3A_1107 = arith.index_cast %swap3A_1106 : i32 to index
        %swap3A_1108 = arith.index_cast %add3A_1094 : i32 to index
        %swap3A_1109 = tpu.vector_load %arg9[%swap3A_1107, %swap3A_1108] {strides = array<i32>} : memref<8x1024xf32, #tpu.memory_space<vmem>>, vector<1x16xf32>,
        %swap3A_1110 = vector.shape_cast %swap3A_1109 : vector<1x16xf32> to vector<16xf32>
        %swap3A_1111 = vector.shape_cast %add3A_1105 : vector<16xf32> to vector<1x16xf32>
        tpu.vector_store %arg9[%swap3A_1107, %swap3A_1108], %swap3A_1111 {strides = array<i32>} : memref<8x1024xf32, #tpu.memory_space<vmem>>, vector<1x16xf32>,
        %add3A_1112 = arith.constant 16 : i32
        %add3A_1113 = arith.addi %mul3A_182, %add3A_1112 : i32
        %get3A_1114 = arith.constant 6 : i32
        %get3A_1115 = arith.index_cast %get3A_1114 : i32 to index
        %get3A_1116 = arith.index_cast %add3A_1113 : i32 to index
        %get3A_1117 = tpu.vector_load %arg7[%get3A_1115, %get3A_1116] {strides = array<i32>} : memref<8x1024xf32, #tpu.memory_space<vmem>>, vector<1x16xf32>,
        %get3A_1118 = vector.shape_cast %get3A_1117 : vector<1x16xf32> to vector<16xf32>
        %get3A_1119 = arith.constant 6 : i32
        %get3A_1120 = arith.index_cast %get3A_1119 : i32 to index
        %get3A_1121 = arith.index_cast %add3A_1113 : i32 to index
        %get3A_1122 = tpu.vector_load %arg5[%get3A_1120, %get3A_1121] {strides = array<i32>} : memref<8x1024xf32, #tpu.memory_space<vmem>>, vector<1x16xf32>,
        %get3A_1123 = vector.shape_cast %get3A_1122 : vector<1x16xf32> to vector<16xf32>
        %add3A_1124 = arith.addf %get3A_1118, %get3A_1123 : vector<16xf32>
        %swap3A_1125 = arith.constant 6 : i32
        %swap3A_1126 = arith.index_cast %swap3A_1125 : i32 to index
        %swap3A_1127 = arith.index_cast %add3A_1113 : i32 to index
        %swap3A_1128 = tpu.vector_load %arg9[%swap3A_1126, %swap3A_1127] {strides = array<i32>} : memref<8x1024xf32, #tpu.memory_space<vmem>>, vector<1x16xf32>,
        %swap3A_1129 = vector.shape_cast %swap3A_1128 : vector<1x16xf32> to vector<16xf32>
        %swap3A_1130 = vector.shape_cast %add3A_1124 : vector<16xf32> to vector<1x16xf32>
        tpu.vector_store %arg9[%swap3A_1126, %swap3A_1127], %swap3A_1130 {strides = array<i32>} : memref<8x1024xf32, #tpu.memory_space<vmem>>, vector<1x16xf32>,
        %add3A_1131 = arith.constant 32 : i32
        %add3A_1132 = arith.addi %mul3A_182, %add3A_1131 : i32
        %get3A_1133 = arith.constant 6 : i32
        %get3A_1134 = arith.index_cast %get3A_1133 : i32 to index
        %get3A_1135 = arith.index_cast %add3A_1132 : i32 to index
        %get3A_1136 = tpu.vector_load %arg7[%get3A_1134, %get3A_1135] {strides = array<i32>} : memref<8x1024xf32, #tpu.memory_space<vmem>>, vector<1x16xf32>,
        %get3A_1137 = vector.shape_cast %get3A_1136 : vector<1x16xf32> to vector<16xf32>
        %get3A_1138 = arith.constant 6 : i32
        %get3A_1139 = arith.index_cast %get3A_1138 : i32 to index
        %get3A_1140 = arith.index_cast %add3A_1132 : i32 to index
        %get3A_1141 = tpu.vector_load %arg5[%get3A_1139, %get3A_1140] {strides = array<i32>} : memref<8x1024xf32, #tpu.memory_space<vmem>>, vector<1x16xf32>,
        %get3A_1142 = vector.shape_cast %get3A_1141 : vector<1x16xf32> to vector<16xf32>
        %add3A_1143 = arith.addf %get3A_1137, %get3A_1142 : vector<16xf32>
        %swap3A_1144 = arith.constant 6 : i32
        %swap3A_1145 = arith.index_cast %swap3A_1144 : i32 to index
        %swap3A_1146 = arith.index_cast %add3A_1132 : i32 to index
        %swap3A_1147 = tpu.vector_load %arg9[%swap3A_1145, %swap3A_1146] {strides = array<i32>} : memref<8x1024xf32, #tpu.memory_space<vmem>>, vector<1x16xf32>,
        %swap3A_1148 = vector.shape_cast %swap3A_1147 : vector<1x16xf32> to vector<16xf32>
        %swap3A_1149 = vector.shape_cast %add3A_1143 : vector<16xf32> to vector<1x16xf32>
        tpu.vector_store %arg9[%swap3A_1145, %swap3A_1146], %swap3A_1149 {strides = array<i32>} : memref<8x1024xf32, #tpu.memory_space<vmem>>, vector<1x16xf32>,
        %add3A_1150 = arith.constant 48 : i32
        %add3A_1151 = arith.addi %mul3A_182, %add3A_1150 : i32
        %get3A_1152 = arith.constant 6 : i32
        %get3A_1153 = arith.index_cast %get3A_1152 : i32 to index
        %get3A_1154 = arith.index_cast %add3A_1151 : i32 to index
        %get3A_1155 = tpu.vector_load %arg7[%get3A_1153, %get3A_1154] {strides = array<i32>} : memref<8x1024xf32, #tpu.memory_space<vmem>>, vector<1x16xf32>,
        %get3A_1156 = vector.shape_cast %get3A_1155 : vector<1x16xf32> to vector<16xf32>
        %get3A_1157 = arith.constant 6 : i32
        %get3A_1158 = arith.index_cast %get3A_1157 : i32 to index
        %get3A_1159 = arith.index_cast %add3A_1151 : i32 to index
        %get3A_1160 = tpu.vector_load %arg5[%get3A_1158, %get3A_1159] {strides = array<i32>} : memref<8x1024xf32, #tpu.memory_space<vmem>>, vector<1x16xf32>,
        %get3A_1161 = vector.shape_cast %get3A_1160 : vector<1x16xf32> to vector<16xf32>
        %add3A_1162 = arith.addf %get3A_1156, %get3A_1161 : vector<16xf32>
        %swap3A_1163 = arith.constant 6 : i32
        %swap3A_1164 = arith.index_cast %swap3A_1163 : i32 to index
        %swap3A_1165 = arith.index_cast %add3A_1151 : i32 to index
        %swap3A_1166 = tpu.vector_load %arg9[%swap3A_1164, %swap3A_1165] {strides = array<i32>} : memref<8x1024xf32, #tpu.memory_space<vmem>>, vector<1x16xf32>,
        %swap3A_1167 = vector.shape_cast %swap3A_1166 : vector<1x16xf32> to vector<16xf32>
        %swap3A_1168 = vector.shape_cast %add3A_1162 : vector<16xf32> to vector<1x16xf32>
        tpu.vector_store %arg9[%swap3A_1164, %swap3A_1165], %swap3A_1168 {strides = array<i32>} : memref<8x1024xf32, #tpu.memory_space<vmem>>, vector<1x16xf32>,
        %add3A_1169 = arith.constant 64 : i32
        %add3A_1170 = arith.addi %mul3A_182, %add3A_1169 : i32
        %get3A_1171 = arith.constant 6 : i32
        %get3A_1172 = arith.index_cast %get3A_1171 : i32 to index
        %get3A_1173 = arith.index_cast %add3A_1170 : i32 to index
        %get3A_1174 = tpu.vector_load %arg7[%get3A_1172, %get3A_1173] {strides = array<i32>} : memref<8x1024xf32, #tpu.memory_space<vmem>>, vector<1x16xf32>,
        %get3A_1175 = vector.shape_cast %get3A_1174 : vector<1x16xf32> to vector<16xf32>
        %get3A_1176 = arith.constant 6 : i32
        %get3A_1177 = arith.index_cast %get3A_1176 : i32 to index
        %get3A_1178 = arith.index_cast %add3A_1170 : i32 to index
        %get3A_1179 = tpu.vector_load %arg5[%get3A_1177, %get3A_1178] {strides = array<i32>} : memref<8x1024xf32, #tpu.memory_space<vmem>>, vector<1x16xf32>,
        %get3A_1180 = vector.shape_cast %get3A_1179 : vector<1x16xf32> to vector<16xf32>
        %add3A_1181 = arith.addf %get3A_1175, %get3A_1180 : vector<16xf32>
        %swap3A_1182 = arith.constant 6 : i32
        %swap3A_1183 = arith.index_cast %swap3A_1182 : i32 to index
        %swap3A_1184 = arith.index_cast %add3A_1170 : i32 to index
        %swap3A_1185 = tpu.vector_load %arg9[%swap3A_1183, %swap3A_1184] {strides = array<i32>} : memref<8x1024xf32, #tpu.memory_space<vmem>>, vector<1x16xf32>,
        %swap3A_1186 = vector.shape_cast %swap3A_1185 : vector<1x16xf32> to vector<16xf32>
        %swap3A_1187 = vector.shape_cast %add3A_1181 : vector<16xf32> to vector<1x16xf32>
        tpu.vector_store %arg9[%swap3A_1183, %swap3A_1184], %swap3A_1187 {strides = array<i32>} : memref<8x1024xf32, #tpu.memory_space<vmem>>, vector<1x16xf32>,
        %add3A_1188 = arith.constant 80 : i32
        %add3A_1189 = arith.addi %mul3A_182, %add3A_1188 : i32
        %get3A_1190 = arith.constant 6 : i32
        %get3A_1191 = arith.index_cast %get3A_1190 : i32 to index
        %get3A_1192 = arith.index_cast %add3A_1189 : i32 to index
        %get3A_1193 = tpu.vector_load %arg7[%get3A_1191, %get3A_1192] {strides = array<i32>} : memref<8x1024xf32, #tpu.memory_space<vmem>>, vector<1x16xf32>,
        %get3A_1194 = vector.shape_cast %get3A_1193 : vector<1x16xf32> to vector<16xf32>
        %get3A_1195 = arith.constant 6 : i32
        %get3A_1196 = arith.index_cast %get3A_1195 : i32 to index
        %get3A_1197 = arith.index_cast %add3A_1189 : i32 to index
        %get3A_1198 = tpu.vector_load %arg5[%get3A_1196, %get3A_1197] {strides = array<i32>} : memref<8x1024xf32, #tpu.memory_space<vmem>>, vector<1x16xf32>,
        %get3A_1199 = vector.shape_cast %get3A_1198 : vector<1x16xf32> to vector<16xf32>
        %add3A_1200 = arith.addf %get3A_1194, %get3A_1199 : vector<16xf32>
        %swap3A_1201 = arith.constant 6 : i32
        %swap3A_1202 = arith.index_cast %swap3A_1201 : i32 to index
        %swap3A_1203 = arith.index_cast %add3A_1189 : i32 to index
        %swap3A_1204 = tpu.vector_load %arg9[%swap3A_1202, %swap3A_1203] {strides = array<i32>} : memref<8x1024xf32, #tpu.memory_space<vmem>>, vector<1x16xf32>,
        %swap3A_1205 = vector.shape_cast %swap3A_1204 : vector<1x16xf32> to vector<16xf32>
        %swap3A_1206 = vector.shape_cast %add3A_1200 : vector<16xf32> to vector<1x16xf32>
        tpu.vector_store %arg9[%swap3A_1202, %swap3A_1203], %swap3A_1206 {strides = array<i32>} : memref<8x1024xf32, #tpu.memory_space<vmem>>, vector<1x16xf32>,
        %add3A_1207 = arith.constant 96 : i32
        %add3A_1208 = arith.addi %mul3A_182, %add3A_1207 : i32
        %get3A_1209 = arith.constant 6 : i32
        %get3A_1210 = arith.index_cast %get3A_1209 : i32 to index
        %get3A_1211 = arith.index_cast %add3A_1208 : i32 to index
        %get3A_1212 = tpu.vector_load %arg7[%get3A_1210, %get3A_1211] {strides = array<i32>} : memref<8x1024xf32, #tpu.memory_space<vmem>>, vector<1x16xf32>,
        %get3A_1213 = vector.shape_cast %get3A_1212 : vector<1x16xf32> to vector<16xf32>
        %get3A_1214 = arith.constant 6 : i32
        %get3A_1215 = arith.index_cast %get3A_1214 : i32 to index
        %get3A_1216 = arith.index_cast %add3A_1208 : i32 to index
        %get3A_1217 = tpu.vector_load %arg5[%get3A_1215, %get3A_1216] {strides = array<i32>} : memref<8x1024xf32, #tpu.memory_space<vmem>>, vector<1x16xf32>,
        %get3A_1218 = vector.shape_cast %get3A_1217 : vector<1x16xf32> to vector<16xf32>
        %add3A_1219 = arith.addf %get3A_1213, %get3A_1218 : vector<16xf32>
        %swap3A_1220 = arith.constant 6 : i32
        %swap3A_1221 = arith.index_cast %swap3A_1220 : i32 to index
        %swap3A_1222 = arith.index_cast %add3A_1208 : i32 to index
        %swap3A_1223 = tpu.vector_load %arg9[%swap3A_1221, %swap3A_1222] {strides = array<i32>} : memref<8x1024xf32, #tpu.memory_space<vmem>>, vector<1x16xf32>,
        %swap3A_1224 = vector.shape_cast %swap3A_1223 : vector<1x16xf32> to vector<16xf32>
        %swap3A_1225 = vector.shape_cast %add3A_1219 : vector<16xf32> to vector<1x16xf32>
        tpu.vector_store %arg9[%swap3A_1221, %swap3A_1222], %swap3A_1225 {strides = array<i32>} : memref<8x1024xf32, #tpu.memory_space<vmem>>, vector<1x16xf32>,
        %add3A_1226 = arith.constant 112 : i32
        %add3A_1227 = arith.addi %mul3A_182, %add3A_1226 : i32
        %get3A_1228 = arith.constant 6 : i32
        %get3A_1229 = arith.index_cast %get3A_1228 : i32 to index
        %get3A_1230 = arith.index_cast %add3A_1227 : i32 to index
        %get3A_1231 = tpu.vector_load %arg7[%get3A_1229, %get3A_1230] {strides = array<i32>} : memref<8x1024xf32, #tpu.memory_space<vmem>>, vector<1x16xf32>,
        %get3A_1232 = vector.shape_cast %get3A_1231 : vector<1x16xf32> to vector<16xf32>
        %get3A_1233 = arith.constant 6 : i32
        %get3A_1234 = arith.index_cast %get3A_1233 : i32 to index
        %get3A_1235 = arith.index_cast %add3A_1227 : i32 to index
        %get3A_1236 = tpu.vector_load %arg5[%get3A_1234, %get3A_1235] {strides = array<i32>} : memref<8x1024xf32, #tpu.memory_space<vmem>>, vector<1x16xf32>,
        %get3A_1237 = vector.shape_cast %get3A_1236 : vector<1x16xf32> to vector<16xf32>
        %add3A_1238 = arith.addf %get3A_1232, %get3A_1237 : vector<16xf32>
        %swap3A_1239 = arith.constant 6 : i32
        %swap3A_1240 = arith.index_cast %swap3A_1239 : i32 to index
        %swap3A_1241 = arith.index_cast %add3A_1227 : i32 to index
        %swap3A_1242 = tpu.vector_load %arg9[%swap3A_1240, %swap3A_1241] {strides = array<i32>} : memref<8x1024xf32, #tpu.memory_space<vmem>>, vector<1x16xf32>,
        %swap3A_1243 = vector.shape_cast %swap3A_1242 : vector<1x16xf32> to vector<16xf32>
        %swap3A_1244 = vector.shape_cast %add3A_1238 : vector<16xf32> to vector<1x16xf32>
        tpu.vector_store %arg9[%swap3A_1240, %swap3A_1241], %swap3A_1244 {strides = array<i32>} : memref<8x1024xf32, #tpu.memory_space<vmem>>, vector<1x16xf32>,
        %add3A_1245 = arith.constant 0 : i32
        %add3A_1246 = arith.addi %mul3A_182, %add3A_1245 : i32
        %get3A_1247 = arith.constant 7 : i32
        %get3A_1248 = arith.index_cast %get3A_1247 : i32 to index
        %get3A_1249 = arith.index_cast %add3A_1246 : i32 to index
        %get3A_1250 = tpu.vector_load %arg7[%get3A_1248, %get3A_1249] {strides = array<i32>} : memref<8x1024xf32, #tpu.memory_space<vmem>>, vector<1x16xf32>,
        %get3A_1251 = vector.shape_cast %get3A_1250 : vector<1x16xf32> to vector<16xf32>
        %get3A_1252 = arith.constant 7 : i32
        %get3A_1253 = arith.index_cast %get3A_1252 : i32 to index
        %get3A_1254 = arith.index_cast %add3A_1246 : i32 to index
        %get3A_1255 = tpu.vector_load %arg5[%get3A_1253, %get3A_1254] {strides = array<i32>} : memref<8x1024xf32, #tpu.memory_space<vmem>>, vector<1x16xf32>,
        %get3A_1256 = vector.shape_cast %get3A_1255 : vector<1x16xf32> to vector<16xf32>
        %add3A_1257 = arith.addf %get3A_1251, %get3A_1256 : vector<16xf32>
        %swap3A_1258 = arith.constant 7 : i32
        %swap3A_1259 = arith.index_cast %swap3A_1258 : i32 to index
        %swap3A_1260 = arith.index_cast %add3A_1246 : i32 to index
        %swap3A_1261 = tpu.vector_load %arg9[%swap3A_1259, %swap3A_1260] {strides = array<i32>} : memref<8x1024xf32, #tpu.memory_space<vmem>>, vector<1x16xf32>,
        %swap3A_1262 = vector.shape_cast %swap3A_1261 : vector<1x16xf32> to vector<16xf32>
        %swap3A_1263 = vector.shape_cast %add3A_1257 : vector<16xf32> to vector<1x16xf32>
        tpu.vector_store %arg9[%swap3A_1259, %swap3A_1260], %swap3A_1263 {strides = array<i32>} : memref<8x1024xf32, #tpu.memory_space<vmem>>, vector<1x16xf32>,
        %add3A_1264 = arith.constant 16 : i32
        %add3A_1265 = arith.addi %mul3A_182, %add3A_1264 : i32
        %get3A_1266 = arith.constant 7 : i32
        %get3A_1267 = arith.index_cast %get3A_1266 : i32 to index
        %get3A_1268 = arith.index_cast %add3A_1265 : i32 to index
        %get3A_1269 = tpu.vector_load %arg7[%get3A_1267, %get3A_1268] {strides = array<i32>} : memref<8x1024xf32, #tpu.memory_space<vmem>>, vector<1x16xf32>,
        %get3A_1270 = vector.shape_cast %get3A_1269 : vector<1x16xf32> to vector<16xf32>
        %get3A_1271 = arith.constant 7 : i32
        %get3A_1272 = arith.index_cast %get3A_1271 : i32 to index
        %get3A_1273 = arith.index_cast %add3A_1265 : i32 to index
        %get3A_1274 = tpu.vector_load %arg5[%get3A_1272, %get3A_1273] {strides = array<i32>} : memref<8x1024xf32, #tpu.memory_space<vmem>>, vector<1x16xf32>,
        %get3A_1275 = vector.shape_cast %get3A_1274 : vector<1x16xf32> to vector<16xf32>
        %add3A_1276 = arith.addf %get3A_1270, %get3A_1275 : vector<16xf32>
        %swap3A_1277 = arith.constant 7 : i32
        %swap3A_1278 = arith.index_cast %swap3A_1277 : i32 to index
        %swap3A_1279 = arith.index_cast %add3A_1265 : i32 to index
        %swap3A_1280 = tpu.vector_load %arg9[%swap3A_1278, %swap3A_1279] {strides = array<i32>} : memref<8x1024xf32, #tpu.memory_space<vmem>>, vector<1x16xf32>,
        %swap3A_1281 = vector.shape_cast %swap3A_1280 : vector<1x16xf32> to vector<16xf32>
        %swap3A_1282 = vector.shape_cast %add3A_1276 : vector<16xf32> to vector<1x16xf32>
        tpu.vector_store %arg9[%swap3A_1278, %swap3A_1279], %swap3A_1282 {strides = array<i32>} : memref<8x1024xf32, #tpu.memory_space<vmem>>, vector<1x16xf32>,
        %add3A_1283 = arith.constant 32 : i32
        %add3A_1284 = arith.addi %mul3A_182, %add3A_1283 : i32
        %get3A_1285 = arith.constant 7 : i32
        %get3A_1286 = arith.index_cast %get3A_1285 : i32 to index
        %get3A_1287 = arith.index_cast %add3A_1284 : i32 to index
        %get3A_1288 = tpu.vector_load %arg7[%get3A_1286, %get3A_1287] {strides = array<i32>} : memref<8x1024xf32, #tpu.memory_space<vmem>>, vector<1x16xf32>,
        %get3A_1289 = vector.shape_cast %get3A_1288 : vector<1x16xf32> to vector<16xf32>
        %get3A_1290 = arith.constant 7 : i32
        %get3A_1291 = arith.index_cast %get3A_1290 : i32 to index
        %get3A_1292 = arith.index_cast %add3A_1284 : i32 to index
        %get3A_1293 = tpu.vector_load %arg5[%get3A_1291, %get3A_1292] {strides = array<i32>} : memref<8x1024xf32, #tpu.memory_space<vmem>>, vector<1x16xf32>,
        %get3A_1294 = vector.shape_cast %get3A_1293 : vector<1x16xf32> to vector<16xf32>
        %add3A_1295 = arith.addf %get3A_1289, %get3A_1294 : vector<16xf32>
        %swap3A_1296 = arith.constant 7 : i32
        %swap3A_1297 = arith.index_cast %swap3A_1296 : i32 to index
        %swap3A_1298 = arith.index_cast %add3A_1284 : i32 to index
        %swap3A_1299 = tpu.vector_load %arg9[%swap3A_1297, %swap3A_1298] {strides = array<i32>} : memref<8x1024xf32, #tpu.memory_space<vmem>>, vector<1x16xf32>,
        %swap3A_1300 = vector.shape_cast %swap3A_1299 : vector<1x16xf32> to vector<16xf32>
        %swap3A_1301 = vector.shape_cast %add3A_1295 : vector<16xf32> to vector<1x16xf32>
        tpu.vector_store %arg9[%swap3A_1297, %swap3A_1298], %swap3A_1301 {strides = array<i32>} : memref<8x1024xf32, #tpu.memory_space<vmem>>, vector<1x16xf32>,
        %add3A_1302 = arith.constant 48 : i32
        %add3A_1303 = arith.addi %mul3A_182, %add3A_1302 : i32
        %get3A_1304 = arith.constant 7 : i32
        %get3A_1305 = arith.index_cast %get3A_1304 : i32 to index
        %get3A_1306 = arith.index_cast %add3A_1303 : i32 to index
        %get3A_1307 = tpu.vector_load %arg7[%get3A_1305, %get3A_1306] {strides = array<i32>} : memref<8x1024xf32, #tpu.memory_space<vmem>>, vector<1x16xf32>,
        %get3A_1308 = vector.shape_cast %get3A_1307 : vector<1x16xf32> to vector<16xf32>
        %get3A_1309 = arith.constant 7 : i32
        %get3A_1310 = arith.index_cast %get3A_1309 : i32 to index
        %get3A_1311 = arith.index_cast %add3A_1303 : i32 to index
        %get3A_1312 = tpu.vector_load %arg5[%get3A_1310, %get3A_1311] {strides = array<i32>} : memref<8x1024xf32, #tpu.memory_space<vmem>>, vector<1x16xf32>,
        %get3A_1313 = vector.shape_cast %get3A_1312 : vector<1x16xf32> to vector<16xf32>
        %add3A_1314 = arith.addf %get3A_1308, %get3A_1313 : vector<16xf32>
        %swap3A_1315 = arith.constant 7 : i32
        %swap3A_1316 = arith.index_cast %swap3A_1315 : i32 to index
        %swap3A_1317 = arith.index_cast %add3A_1303 : i32 to index
        %swap3A_1318 = tpu.vector_load %arg9[%swap3A_1316, %swap3A_1317] {strides = array<i32>} : memref<8x1024xf32, #tpu.memory_space<vmem>>, vector<1x16xf32>,
        %swap3A_1319 = vector.shape_cast %swap3A_1318 : vector<1x16xf32> to vector<16xf32>
        %swap3A_1320 = vector.shape_cast %add3A_1314 : vector<16xf32> to vector<1x16xf32>
        tpu.vector_store %arg9[%swap3A_1316, %swap3A_1317], %swap3A_1320 {strides = array<i32>} : memref<8x1024xf32, #tpu.memory_space<vmem>>, vector<1x16xf32>,
        %add3A_1321 = arith.constant 64 : i32
        %add3A_1322 = arith.addi %mul3A_182, %add3A_1321 : i32
        %get3A_1323 = arith.constant 7 : i32
        %get3A_1324 = arith.index_cast %get3A_1323 : i32 to index
        %get3A_1325 = arith.index_cast %add3A_1322 : i32 to index
        %get3A_1326 = tpu.vector_load %arg7[%get3A_1324, %get3A_1325] {strides = array<i32>} : memref<8x1024xf32, #tpu.memory_space<vmem>>, vector<1x16xf32>,
        %get3A_1327 = vector.shape_cast %get3A_1326 : vector<1x16xf32> to vector<16xf32>
        %get3A_1328 = arith.constant 7 : i32
        %get3A_1329 = arith.index_cast %get3A_1328 : i32 to index
        %get3A_1330 = arith.index_cast %add3A_1322 : i32 to index
        %get3A_1331 = tpu.vector_load %arg5[%get3A_1329, %get3A_1330] {strides = array<i32>} : memref<8x1024xf32, #tpu.memory_space<vmem>>, vector<1x16xf32>,
        %get3A_1332 = vector.shape_cast %get3A_1331 : vector<1x16xf32> to vector<16xf32>
        %add3A_1333 = arith.addf %get3A_1327, %get3A_1332 : vector<16xf32>
        %swap3A_1334 = arith.constant 7 : i32
        %swap3A_1335 = arith.index_cast %swap3A_1334 : i32 to index
        %swap3A_1336 = arith.index_cast %add3A_1322 : i32 to index
        %swap3A_1337 = tpu.vector_load %arg9[%swap3A_1335, %swap3A_1336] {strides = array<i32>} : memref<8x1024xf32, #tpu.memory_space<vmem>>, vector<1x16xf32>,
        %swap3A_1338 = vector.shape_cast %swap3A_1337 : vector<1x16xf32> to vector<16xf32>
        %swap3A_1339 = vector.shape_cast %add3A_1333 : vector<16xf32> to vector<1x16xf32>
        tpu.vector_store %arg9[%swap3A_1335, %swap3A_1336], %swap3A_1339 {strides = array<i32>} : memref<8x1024xf32, #tpu.memory_space<vmem>>, vector<1x16xf32>,
        %add3A_1340 = arith.constant 80 : i32
        %add3A_1341 = arith.addi %mul3A_182, %add3A_1340 : i32
        %get3A_1342 = arith.constant 7 : i32
        %get3A_1343 = arith.index_cast %get3A_1342 : i32 to index
        %get3A_1344 = arith.index_cast %add3A_1341 : i32 to index
        %get3A_1345 = tpu.vector_load %arg7[%get3A_1343, %get3A_1344] {strides = array<i32>} : memref<8x1024xf32, #tpu.memory_space<vmem>>, vector<1x16xf32>,
        %get3A_1346 = vector.shape_cast %get3A_1345 : vector<1x16xf32> to vector<16xf32>
        %get3A_1347 = arith.constant 7 : i32
        %get3A_1348 = arith.index_cast %get3A_1347 : i32 to index
        %get3A_1349 = arith.index_cast %add3A_1341 : i32 to index
        %get3A_1350 = tpu.vector_load %arg5[%get3A_1348, %get3A_1349] {strides = array<i32>} : memref<8x1024xf32, #tpu.memory_space<vmem>>, vector<1x16xf32>,
        %get3A_1351 = vector.shape_cast %get3A_1350 : vector<1x16xf32> to vector<16xf32>
        %add3A_1352 = arith.addf %get3A_1346, %get3A_1351 : vector<16xf32>
        %swap3A_1353 = arith.constant 7 : i32
        %swap3A_1354 = arith.index_cast %swap3A_1353 : i32 to index
        %swap3A_1355 = arith.index_cast %add3A_1341 : i32 to index
        %swap3A_1356 = tpu.vector_load %arg9[%swap3A_1354, %swap3A_1355] {strides = array<i32>} : memref<8x1024xf32, #tpu.memory_space<vmem>>, vector<1x16xf32>,
        %swap3A_1357 = vector.shape_cast %swap3A_1356 : vector<1x16xf32> to vector<16xf32>
        %swap3A_1358 = vector.shape_cast %add3A_1352 : vector<16xf32> to vector<1x16xf32>
        tpu.vector_store %arg9[%swap3A_1354, %swap3A_1355], %swap3A_1358 {strides = array<i32>} : memref<8x1024xf32, #tpu.memory_space<vmem>>, vector<1x16xf32>,
        %add3A_1359 = arith.constant 96 : i32
        %add3A_1360 = arith.addi %mul3A_182, %add3A_1359 : i32
        %get3A_1361 = arith.constant 7 : i32
        %get3A_1362 = arith.index_cast %get3A_1361 : i32 to index
        %get3A_1363 = arith.index_cast %add3A_1360 : i32 to index
        %get3A_1364 = tpu.vector_load %arg7[%get3A_1362, %get3A_1363] {strides = array<i32>} : memref<8x1024xf32, #tpu.memory_space<vmem>>, vector<1x16xf32>,
        %get3A_1365 = vector.shape_cast %get3A_1364 : vector<1x16xf32> to vector<16xf32>
        %get3A_1366 = arith.constant 7 : i32
        %get3A_1367 = arith.index_cast %get3A_1366 : i32 to index
        %get3A_1368 = arith.index_cast %add3A_1360 : i32 to index
        %get3A_1369 = tpu.vector_load %arg5[%get3A_1367, %get3A_1368] {strides = array<i32>} : memref<8x1024xf32, #tpu.memory_space<vmem>>, vector<1x16xf32>,
        %get3A_1370 = vector.shape_cast %get3A_1369 : vector<1x16xf32> to vector<16xf32>
        %add3A_1371 = arith.addf %get3A_1365, %get3A_1370 : vector<16xf32>
        %swap3A_1372 = arith.constant 7 : i32
        %swap3A_1373 = arith.index_cast %swap3A_1372 : i32 to index
        %swap3A_1374 = arith.index_cast %add3A_1360 : i32 to index
        %swap3A_1375 = tpu.vector_load %arg9[%swap3A_1373, %swap3A_1374] {strides = array<i32>} : memref<8x1024xf32, #tpu.memory_space<vmem>>, vector<1x16xf32>,
        %swap3A_1376 = vector.shape_cast %swap3A_1375 : vector<1x16xf32> to vector<16xf32>
        %swap3A_1377 = vector.shape_cast %add3A_1371 : vector<16xf32> to vector<1x16xf32>
        tpu.vector_store %arg9[%swap3A_1373, %swap3A_1374], %swap3A_1377 {strides = array<i32>} : memref<8x1024xf32, #tpu.memory_space<vmem>>, vector<1x16xf32>,
        %add3A_1378 = arith.constant 112 : i32
        %add3A_1379 = arith.addi %mul3A_182, %add3A_1378 : i32
        %get3A_1380 = arith.constant 7 : i32
        %get3A_1381 = arith.index_cast %get3A_1380 : i32 to index
        %get3A_1382 = arith.index_cast %add3A_1379 : i32 to index
        %get3A_1383 = tpu.vector_load %arg7[%get3A_1381, %get3A_1382] {strides = array<i32>} : memref<8x1024xf32, #tpu.memory_space<vmem>>, vector<1x16xf32>,
        %get3A_1384 = vector.shape_cast %get3A_1383 : vector<1x16xf32> to vector<16xf32>
        %get3A_1385 = arith.constant 7 : i32
        %get3A_1386 = arith.index_cast %get3A_1385 : i32 to index
        %get3A_1387 = arith.index_cast %add3A_1379 : i32 to index
        %get3A_1388 = tpu.vector_load %arg5[%get3A_1386, %get3A_1387] {strides = array<i32>} : memref<8x1024xf32, #tpu.memory_space<vmem>>, vector<1x16xf32>,
        %get3A_1389 = vector.shape_cast %get3A_1388 : vector<1x16xf32> to vector<16xf32>
        %add3A_1390 = arith.addf %get3A_1384, %get3A_1389 : vector<16xf32>
        %swap3A_1391 = arith.constant 7 : i32
        %swap3A_1392 = arith.index_cast %swap3A_1391 : i32 to index
        %swap3A_1393 = arith.index_cast %add3A_1379 : i32 to index
        %swap3A_1394 = tpu.vector_load %arg9[%swap3A_1392, %swap3A_1393] {strides = array<i32>} : memref<8x1024xf32, #tpu.memory_space<vmem>>, vector<1x16xf32>,
        %swap3A_1395 = vector.shape_cast %swap3A_1394 : vector<1x16xf32> to vector<16xf32>
        %swap3A_1396 = vector.shape_cast %add3A_1390 : vector<16xf32> to vector<1x16xf32>
        tpu.vector_store %arg9[%swap3A_1392, %swap3A_1393], %swap3A_1396 {strides = array<i32>} : memref<8x1024xf32, #tpu.memory_space<vmem>>, vector<1x16xf32>,
        %scan3A_1397 = arith.constant 0 : i32
        scf.yield %scan3A_1397 : i32
      }
      %scan3A_166 = arith.constant 8 : i32
      %dma_start3A_167 = arith.constant 0 : i32
      %dma_start3A_168 = tpu.memref_slice %arg4[%sub3A_137, %add3A_140, %dma_start3A_167] : memref<4x256x1024xf32, #tpu.memory_space<hbm>> -> memref<1x8x1024xf32, #tpu.memory_space<hbm>>
      %dma_start3A_169 = tpu.memref_squeeze %dma_start3A_168 : memref<1x8x1024xf32, #tpu.memory_space<hbm>> -> memref<8x1024xf32, #tpu.memory_space<hbm>>
      %dma_start3A_170 = arith.constant 0 : i32
      %dma_start3A_171 = tpu.memref_slice %arg4[%sub3A_137, %add3A_140, %dma_start3A_170] : memref<4x256x1024xf32, #tpu.memory_space<hbm>> -> memref<1x8x1024xf32, #tpu.memory_space<hbm>>
      %dma_start3A_172 = tpu.memref_squeeze %dma_start3A_171 : memref<1x8x1024xf32, #tpu.memory_space<hbm>> -> memref<8x1024xf32, #tpu.memory_space<hbm>>
      tpu.enqueue_dma source(%arg9 : memref<8x1024xf32, #tpu.memory_space<vmem>>) target(%dma_start3A_172 : memref<8x1024xf32, #tpu.memory_space<hbm>>) target_semaphore(%arg13 : memref<!tpu.dma_semaphore, #tpu.memory_space<semaphore_mem>>)
      %lt3A_173 = arith.constant 1 : i32
      %lt3A_174 = arith.cmpi slt, %scan3A_47, %lt3A_173 : i32
      %convert_element_type3A_175 = arith.extui %lt3A_174 : i1 to i32
      %cond3A_176 = arith.constant 0 : i32
      %cond3A_177 = arith.cmpi ne, %convert_element_type3A_175, %cond3A_176 : i32
      scf.if %cond3A_177 {
        %add3A_179 = arith.constant 2 : i32
        %add3A_180 = arith.addi %add3A_110, %add3A_179 : i32
        %jit3A_181 = arith.constant 4 : i32
        %div3A_182 = arith.divsi %add3A_180, %jit3A_181 : i32
        %sign3A_183 = arith.constant 0 : i32
        %sign3A_184 = arith.cmpi sgt, %add3A_180, %sign3A_183 : i32
        %sign3A_185 = arith.extui %sign3A_184 : i1 to i32
        %sign3A_186 = arith.constant 0 : i32
        %sign3A_187 = arith.cmpi slt, %add3A_180, %sign3A_186 : i32
        %sign3A_188 = arith.extui %sign3A_187 : i1 to i32
        %sign3A_189 = arith.subi %sign3A_185, %sign3A_188 : i32
        %sign3A_190 = arith.constant 0 : i32
        %sign3A_191 = arith.cmpi sgt, %jit3A_181, %sign3A_190 : i32
        %sign3A_192 = arith.extui %sign3A_191 : i1 to i32
        %sign3A_193 = arith.constant 0 : i32
        %sign3A_194 = arith.cmpi slt, %jit3A_181, %sign3A_193 : i32
        %sign3A_195 = arith.extui %sign3A_194 : i1 to i32
        %sign3A_196 = arith.subi %sign3A_192, %sign3A_195 : i32
        %ne3A_197 = arith.cmpi ne, %sign3A_189, %sign3A_196 : i32
        %rem3A_198 = arith.remsi %add3A_180, %jit3A_181 : i32
        %ne3A_199 = arith.constant 0 : i32
        %ne3A_200 = arith.cmpi ne, %rem3A_198, %ne3A_199 : i32
        %and3A_201 = arith.andi %ne3A_197, %ne3A_200 : i1
        %sub3A_202 = arith.constant 1 : i32
        %sub3A_203 = arith.subi %div3A_182, %sub3A_202 : i32
        %select_n3A_204 = arith.select %and3A_201, %sub3A_203, %div3A_182 : i32
        %mul3A_205 = arith.constant 4 : i32
        %mul3A_206 = arith.muli %select_n3A_204, %mul3A_205 : i32
        %sub3A_207 = arith.subi %add3A_180, %mul3A_206 : i32
        %mul3A_208 = arith.constant 8 : i32
        %mul3A_209 = arith.muli %select_n3A_204, %mul3A_208 : i32
        %add3A_210 = arith.addi %mul3A_2, %mul3A_209 : i32
        %add3A_211 = arith.constant 7936 : i32
        %add3A_212 = arith.addi %add3A_211, %add3A_210 : i32
        %dma_start3A_213 = arith.constant 0 : i32
        %dma_start3A_214 = tpu.memref_slice %arg2[%sub3A_207, %add3A_212, %dma_start3A_213] : memref<4x8192x1024xf32, #tpu.memory_space<hbm>> -> memref<1x8x1024xf32, #tpu.memory_space<hbm>>
        %dma_start3A_215 = tpu.memref_squeeze %dma_start3A_214 : memref<1x8x1024xf32, #tpu.memory_space<hbm>> -> memref<8x1024xf32, #tpu.memory_space<hbm>>
        %dma_start3A_216 = arith.constant 0 : i32
        %dma_start3A_217 = tpu.memref_slice %arg2[%sub3A_207, %add3A_212, %dma_start3A_216] : memref<4x8192x1024xf32, #tpu.memory_space<hbm>> -> memref<1x8x1024xf32, #tpu.memory_space<hbm>>
        %dma_start3A_218 = tpu.memref_squeeze %dma_start3A_217 : memref<1x8x1024xf32, #tpu.memory_space<hbm>> -> memref<8x1024xf32, #tpu.memory_space<hbm>>
        tpu.enqueue_dma source(%dma_start3A_218 : memref<8x1024xf32, #tpu.memory_space<hbm>>) target(%arg7 : memref<8x1024xf32, #tpu.memory_space<vmem>>) target_semaphore(%arg11 : memref<!tpu.dma_semaphore, #tpu.memory_space<semaphore_mem>>)
      } else {
      }
      %scan3A_178 = arith.constant 0 : i32
      scf.yield %scan3A_178 : i32
    }
    %scan3A_29 = arith.constant 2 : i32
    %dma_wait3A = arith.constant 0 : i32
    %dma_wait3A_30 = arith.constant 0 : i32
    %dma_wait3A_31 = arith.constant 0 : i32
    %dma_wait3A_32 = tpu.memref_slice %arg4[%dma_wait3A, %dma_wait3A_30, %dma_wait3A_31] : memref<4x256x1024xf32, #tpu.memory_space<hbm>> -> memref<1x8x1024xf32, #tpu.memory_space<hbm>>
    %dma_wait3A_33 = tpu.memref_squeeze %dma_wait3A_32 : memref<1x8x1024xf32, #tpu.memory_space<hbm>> -> memref<8x1024xf32, #tpu.memory_space<hbm>>
    %dma_wait3A_34 = arith.constant 0 : i32
    %dma_wait3A_35 = arith.constant 0 : i32
    %dma_wait3A_36 = tpu.memref_slice %arg4[%dma_wait3A, %dma_wait3A_34, %dma_wait3A_35] : memref<4x256x1024xf32, #tpu.memory_space<hbm>> -> memref<1x8x1024xf32, #tpu.memory_space<hbm>>
    %dma_wait3A_37 = tpu.memref_squeeze %dma_wait3A_36 : memref<1x8x1024xf32, #tpu.memory_space<hbm>> -> memref<8x1024xf32, #tpu.memory_space<hbm>>
    tpu.wait_dma2 semaphore(%arg12 : memref<!tpu.dma_semaphore, #tpu.memory_space<semaphore_mem>>) src(%arg8 : memref<8x1024xf32, #tpu.memory_space<vmem>>) dst(%dma_wait3A_37 : memref<8x1024xf32, #tpu.memory_space<hbm>>)
    %dma_wait3A_38 = arith.constant 0 : i32
    %dma_wait3A_39 = arith.constant 0 : i32
    %dma_wait3A_40 = arith.constant 0 : i32
    %dma_wait3A_41 = tpu.memref_slice %arg4[%dma_wait3A_38, %dma_wait3A_39, %dma_wait3A_40] : memref<4x256x1024xf32, #tpu.memory_space<hbm>> -> memref<1x8x1024xf32, #tpu.memory_space<hbm>>
    %dma_wait3A_42 = tpu.memref_squeeze %dma_wait3A_41 : memref<1x8x1024xf32, #tpu.memory_space<hbm>> -> memref<8x1024xf32, #tpu.memory_space<hbm>>
    %dma_wait3A_43 = arith.constant 0 : i32
    %dma_wait3A_44 = arith.constant 0 : i32
    %dma_wait3A_45 = tpu.memref_slice %arg4[%dma_wait3A_38, %dma_wait3A_43, %dma_wait3A_44] : memref<4x256x1024xf32, #tpu.memory_space<hbm>> -> memref<1x8x1024xf32, #tpu.memory_space<hbm>>
    %dma_wait3A_46 = tpu.memref_squeeze %dma_wait3A_45 : memref<1x8x1024xf32, #tpu.memory_space<hbm>> -> memref<8x1024xf32, #tpu.memory_space<hbm>>
    tpu.wait_dma2 semaphore(%arg13 : memref<!tpu.dma_semaphore, #tpu.memory_space<semaphore_mem>>) src(%arg9 : memref<8x1024xf32, #tpu.memory_space<vmem>>) dst(%dma_wait3A_46 : memref<8x1024xf32, #tpu.memory_space<hbm>>)
    return
  }
}

</mosaic_0001>

<sc_bundles>
// kernel: _sc_pos_add.3.cloned.1.call-start
scs
__scs_entry_jumppad:
0x0: {  	(pc) =	sbr.rel $0x88, $3  }
0x1: {  	(tag) =	ssettag $0x0;
	lr =	simm.s32 $0x1  }
0x2: {  	[smem:$0x3F9F] =	sst lr;
	_ =	strace $0xD0000000  }
0x3: {  	_ = 	snop  }
0x4: {  	_ = 	snop  }
0x5: {  	_ = 	snop  }
0x6: {  	_ = 	snop  }
0x7: {  	_ = 	snop  }
__scs_overlays_trampoline_lowered:
0x8: {  	[smem:$0x3FAE] =	sst s0  }
0x9: {  	[smem:$0x3FAF] =	sst s1  }
0xa: {  	[smem:$0x3FB0] =	sst s2  }
0xb: {  	[smem:$0x3FB1] =	sst s3  }
0xc: {  	[smem:$0x3FB2] =	sst s4  }
0xd: {  	[smem:$0x3FB3] =	sst s5  }
0xe: {  	[smem:$0x3FB4] =	sst s6  }
0xf: {  	[smem:$0x3FB5] =	sst s7  }
0x10: {  	[smem:$0x3FB6] =	sst s8  }
0x11: {  	[smem:$0x3FB7] =	sst s9;
	s0 =	simm.s32 @!p0 $0x0  }
0x12: {  	s1 =	sld [smem:$0x3F9D];
	s0 =	simm.s32 @p0 $0x1  }
0x13: {  	[smem:$0x3FB8] =	sst s0;
	s0 =	simm.s32 @!p1 $0x0  }
0x14: {  	s2 =	sld [smem:$0x3F9C];
	s0 =	simm.s32 @p1 $0x1  }
0x15: {  	[smem:$0x3FB9] =	sst s0;
	s0 =	simm.s32 @!p2 $0x0  }
0x16: {  	s3 =	sld [smem:$0x3FDB];
	s0 =	simm.s32 @p2 $0x1  }
0x17: {  	s4 =	simm.s32 $0x1BF5;
	[smem:$0x3FBB] =	sst s0  }
0x18: {  	s0 =	sld [smem:$0x3F9E];
	_ =	swait.ge [sflag:s4], $0x0  }
0x19: {  	s7 =	sld [smem:$0x3F9F]  }
0x1a: {  	s8 =	sadd.s32 $0xFFFFE003, lr  }
0x1b: {  	s9 =	sadd.s32 $0xFFFFFEF7, lr;
	s5 =	simm.s32 $0xFFFFFFFF;
	p2 =	slt.u32 s8, $0xFFFFF086  }
0x1c: {  	p1 =	slt.u32 s9, $0xF7A;
	s5 =	simm.s32 @!p2 $0x0  }
0x1d: {  	s5 =	simm.s32 @p1 $0x1;
	p0 =	seq.s32 s7, s2  }
0x1e: {  	s7 =	smul.u32 @!p0 $0xF7A, s2;
	p2 =	seq.s32 @!p0 s5, $0x0  }
0x1f: {  	s9 =	smul.u32 $0xF7A, s1;
	s8 =	simm.s32 @!p0 $0x1BF5;
	p2 =	por !p2, p0  }
0x20: {  	[sflag:s8] =	ssyncset.s32 @!p0 $0xFFFFF086;
	s6 =	sadd.s32 @!p0 s3, s7;
	s7 =	simm.s32 @!p0 $0x108  }
0x21: {  	s3 =	sadd.s32 s3, s9;
	s6 =	sadd.s32 @!p0 $0x88, s6;
	s7 =	simm.s32 @p2 $0x1082  }
0x22: {  	[simem:s7], [sflag:s8] =	dma.local @!p0 [hbm:s6], $0xF7A  }
0x23: {  	s9 =	sor.u32 $0xD0000000, s2;
	s6 =	simm.s32 $0x108;
	_ =	swait.ge @!p0 [sflag:s8], $0x0  }
0x24: {  	s3 =	sadd.s32 $0x88, s3;
	s6 =	simm.s32 @!p1 $0x1082;
	[sflag:s4] =	ssyncset.s32 $0xFFFFF086  }
0x25: {  	[simem:s6], [sflag:s4] =	dma.local [hbm:s3], $0xF7A  }
0x26: {  	[smem:$0x3F9F] =	sst s1;
	(tag) =	ssettag s2;
	_ =	strace s9  }
0x27: {  	s1 =	sld [smem:$0x3FAF]  }
0x28: {  	s2 =	sld [smem:$0x3FB0]  }
0x29: {  	s4 =	sld [smem:$0x3FB2]  }
0x2a: {  	p0 =	seq.s32 s5, $0x0;
	s5 =	sld [smem:$0x3FB3]  }
0x2b: {  	s6 =	sld [smem:$0x3FB4]  }
0x2c: {  	s7 =	sld [smem:$0x3FB5]  }
0x2d: {  	s3 =	simm.s32 $0x108;
	s8 =	sld [smem:$0x3FB6]  }
0x2e: {  	s3 =	simm.s32 @!p0 $0x1082;
	s9 =	sld [smem:$0x3FB7]  }
0x2f: {  	lr =	sadd.s32 s0, s3;
	s0 =	sld [smem:$0x3FAE]  }
0x30: {  	s3 =	sld [smem:$0x3FB1]  }
0x31: {  	[smem:$0x3FBA] =	sst s10  }
0x32: {  	s10 =	sld [smem:$0x3FB8];
	_ =	sdelay $0x3  }
0x33: {  	p0 =	seq.s32 s10, $0x1;
	s10 =	sld [smem:$0x3FBA];
	_ =	sdelay $0x3  }
0x34: {  	[smem:$0x3FBA] =	sst s10  }
0x35: {  	s10 =	sld [smem:$0x3FB9];
	_ =	sdelay $0x3  }
0x36: {  	p1 =	seq.s32 s10, $0x1;
	s10 =	sld [smem:$0x3FBA];
	_ =	sdelay $0x3  }
0x37: {  	[smem:$0x3FBA] =	sst s10  }
0x38: {  	s10 =	sld [smem:$0x3FBB]  }
0x39: {  	_ = 	snop;
	(pc) =	sbr.ind lr, $3  }
0x3a: {  	_ = 	snop  }
0x3b: {  	_ = 	snop  }
0x3c: {  	p2 =	seq.s32 s10, $0x1;
	s10 =	sld [smem:$0x3FBA]  }
0x3d: {  	_ =	shalt  }
0x3e: {  	_ =	shalt  }
0x3f: {  	_ =	shalt  }
0x40: {  	_ =	shalt  }
0x41: {  	_ =	shalt  }
0x42: {  	_ =	shalt  }
0x43: {  	_ =	shalt  }
0x44: {  	_ =	shalt  }
0x45: {  	_ =	shalt  }
0x46: {  	_ =	shalt  }
0x47: {  	_ =	shalt  }
0x48: {  	_ =	shalt  }
0x49: {  	_ =	shalt  }
0x4a: {  	_ =	shalt  }
0x4b: {  	_ =	shalt  }
0x4c: {  	_ =	shalt  }
0x4d: {  	_ =	shalt  }
0x4e: {  	_ =	shalt  }
0x4f: {  	_ =	shalt  }
0x50: {  	_ =	shalt  }
0x51: {  	_ =	shalt  }
0x52: {  	_ =	shalt  }
0x53: {  	_ =	shalt  }
0x54: {  	_ =	shalt  }
0x55: {  	_ =	shalt  }
0x56: {  	_ =	shalt  }
0x57: {  	_ =	shalt  }
0x58: {  	_ =	shalt  }
0x59: {  	_ =	shalt  }
0x5a: {  	_ =	shalt  }
0x5b: {  	_ =	shalt  }
0x5c: {  	_ =	shalt  }
0x5d: {  	_ =	shalt  }
0x5e: {  	_ =	shalt  }
0x5f: {  	_ =	shalt  }
0x60: {  	_ =	shalt  }
0x61: {  	_ =	shalt  }
0x62: {  	_ =	shalt  }
0x63: {  	_ =	shalt  }
0x64: {  	_ =	shalt  }
0x65: {  	_ =	shalt  }
0x66: {  	_ =	shalt  }
0x67: {  	_ =	shalt  }
0x68: {  	_ =	shalt  }
0x69: {  	_ =	shalt  }
0x6a: {  	_ =	shalt  }
0x6b: {  	_ =	shalt  }
0x6c: {  	_ =	shalt  }
0x6d: {  	_ =	shalt  }
0x6e: {  	_ =	shalt  }
0x6f: {  	_ =	shalt  }
0x70: {  	_ =	shalt  }
0x71: {  	_ =	shalt  }
0x72: {  	_ =	shalt  }
0x73: {  	_ =	shalt  }
0x74: {  	_ =	shalt  }
0x75: {  	_ =	shalt  }
0x76: {  	_ =	shalt  }
0x77: {  	_ =	shalt  }
0x78: {  	_ =	shalt  }
0x79: {  	_ =	shalt  }
0x7a: {  	_ =	shalt  }
0x7b: {  	_ =	shalt  }
0x7c: {  	_ =	shalt  }
0x7d: {  	_ =	shalt  }
0x7e: {  	_ =	shalt  }
0x7f: {  	_ =	shalt  }
0x80: {  	_ =	shalt  }
0x81: {  	_ =	shalt  }
0x82: {  	_ =	shalt  }
0x83: {  	_ =	shalt  }
0x84: {  	_ =	shalt  }
0x85: {  	_ =	shalt  }
0x86: {  	_ =	shalt  }
0x87: {  	_ =	shalt  }
.Lfunc_end0:
.L_simem_size_0:
called_computation_lowered:
.L_overlay_start_0:
0x88: {  	s2 =	sld [smem:$0x3FD9]  }
0x89: {  	s3 =	sld [smem:$0x3FFE];
	_ =	sdelay $0x1  }
0x8a: {  	s1 =	srdreg.scid  }
0x8b: {  	s0 =	sand.u32 $0x1, s1  }
0x8c: {  	s18 =	sshll.u32 s0, $0xA;
	s2 =	sadd.s32 s3, s2  }
0x8d: {  	s2 =	sadd.s32 s2, s18  }
0x8e: {  	[smem:$0x3FC6] =	sst s2  }
0x8f: {  	_ = 	snop  }
0x90: {  	s2 =	sld [smem:$0x3FC9]  }
0x91: {  	s19 =	sld [smem:$0x3FC8]  }
0x92: {  	s4 =	sld [smem:$0x3FD0];
	(tm) =	ssettm $0x1  }
0x93: {  	s5 =	sld [smem:$0x3FFB];
	_ =	sdelay $0x3  }
0x94: {  	_ =	strace s5  }
0x95: {  	s5 =	sld [smem:$0x3FFC];
	_ =	sdelay $0x3  }
0x96: {  	_ =	strace s5  }
0x97: {  	s5 =	sld [smem:$0x3FFD];
	_ =	sdelay $0x3  }
0x98: {  	_ =	strace s5  }
0x99: {  	_ =	strace $0x8FFFFFFF  }
0x9a: {  	s20 =	sld [smem:$0x3FDB];
	_ =	sdelay $0x1  }
0x9b: {  	s6 =	simm.s32 $_scs_section_size  }
0x9c: {  	s7 =	simm.s32 $_size__tile_overlayer_lowered;
	s8 =	simm.s32 $_tile_overlayer_lowered  }
0x9d: {  	s23 =	simm.s32 $0x1BFF;
	s22 =	sshll.u32 s8, $0x1;
	s5 =	sadd.s32 s6, s20  }
0x9e: {  	s9 =	simm.s32 $0x0;
	s21 =	sshll.u32 s7, $0x1;
	s7 =	sadd.s32 s22, s5  }
0x9f: {  	[timem:s9], [sflag:s23] =	dma.local [hbm:s7], s21  }
0xa0: {  	_ =	swait.ge [sflag:s23], s21  }
0xa1: {  	s6 =	ssub.s32 $0x0, s21;
	[sflag:s23] =	ssyncset.done $0x0  }
0xa2: {  	[sflag:s23] =	ssyncadd.s32 s6;
	_ =	sdelay $0x1  }
0xa3: {  	s24 =	simm.s32 $0x1B8B  }
0xa4: {  	_ =	swait.ge [sflag:s24], $0x1  }
0xa5: {  	[sflag:s24] =	ssyncset.done $0x0  }
0xa6: {  	s25 =	simm.s32 $0x1B8E;
	[sflag:s24] =	ssyncadd.s32 $0xFFFFFFFF  }
0xa7: {  	s26 =	simm.s32 $execute0_lowered;
	[smem:$0x3FD2] =	sst s25  }
0xa8: {  	s6 =	sshll.u32 s26, $0x1;
	_ =	strace $0x80000046;
	[dreg:$0x1] =	wrdreg $0xFFFFFFFF  }
0xa9: {  	s28 =	simm.s32 $_size_execute0_lowered;
	s5 =	sadd.s32 s5, s6;
	[dreg:$0x0] =	wrdreg $0x0  }
0xaa: {  	s6 =	sshll.u32 s28, $0x1;
	[dreg:$0x2] =	wrdreg s5  }
0xab: {  	[dreg:$0x3] =	wrdreg s6  }
0xac: {  	[dreg:$0x4] =	wrdreg $0xC0  }
0xad: {  	_ =	task [dreg:s9], $0x5FFFF  }
0xae: {  	[dreg:$0x1] =	wrdreg $0xFFFFFFFF  }
0xaf: {  	[dreg:$0x0] =	wrdreg $0x60  }
0xb0: {  	[dreg:$0x2] =	wrdreg s2  }
0xb1: {  	[dreg:$0x3] =	wrdreg s19  }
0xb2: {  	[dreg:$0x4] =	wrdreg s4  }
0xb3: {  	[dreg:$0x5] =	wrdreg $0x9  }
0xb4: {  	_ =	task.clear_ibuf [dreg:s9], $0x6FFFF;
	_ =	strace $0x90000046  }
0xb5: {  	s29 =	simm.s32 $0x9;
	_ =	strace $0x80000048  }
0xb6: {  	_ =	swait.ge [sflag:s29], $0x1  }
0xb7: {  	[sflag:s29] =	ssyncadd.s32 $0xFFFFFFFF  }
0xb8: {  	_ =	strace $0x90000048  }
0xb9: {  	_ =	sfence  }
0xba: {  	s30 =	sld [smem:$0x0];
	_ =	sdelay $0x2  }
0xbb: {  	s31 =	sshll.u32 s1, $0xD;
	s1 =	sshrl.u32 s1, $0x2  }
0xbc: {  	s3 =	sand.u32 $0x4000, s31;
	s1 =	sadd.s32 s1, s30  }
0xbd: {  	s0 =	sor.u32 s3, s0;
	s1 =	sshll.u32 s1, $0x11  }
0xbe: {  	s0 =	sor.u32 s1, s0  }
0xbf: {  	s0 =	sadd.s32 $0x8F2B, s0  }
0xc0: {  	[sflag:s0] =	ssyncadd.remote.s32 $0x1  }
0xc1: {  	_ =	sfence.sel $0xFFFF  }
0xc2: {  	[dreg:$0x0] =	wrdreg $0xFFFFFFFF;
	(pc) =	sbr.abs _section_cstart, $3  }
0xc3: {  	[dreg:$0x1] =	wrdreg $0xFFFFFFFF  }
0xc4: {  	_ =	task.clear_ibuf [dreg:s9], $0x2FFFF;
	_ =	strace $0x9FFFFFFF  }
0xc5: {  	(tm) =	ssettm $0x7FFFFFFF  }
tec
execute0_lowered:
.L_overlay_start_1:
0x0: {  	(tag) =	ssettag $0x1  }
0x1: {  	s1 =	rddreg [dreg:$0x0]  }
0x2: {  	s8 =	rddreg [dreg:$0x1]  }
0x3: {  	s3 =	rddreg [dreg:$0x2]  }
0x4: {  	s4 =	srdreg.scid;
	s0 =	rddreg [dreg:$0x3]  }
0x5: {  	s2 =	stileid.u32;
	s12 =	simm.s32 $0x2000;
	s13 =	simm.s32 $0x4000  }
0x6: {  	s14 =	simm.s32 $0x1;
	s15 =	simm.s32 $0x6000;
	s16 =	simm.s32 $0x8000  }
0x7: {  	s17 =	simm.s32 $0x3;
	s18 =	simm.s32 $0x4;
	s19 =	simm.s32 $0x0  }
0x8: {  	s5 =	sand.u32 $0x1, s4;
	s4 =	simm.s32 $0x0;
	s6 =	sshll.u32 s2, $0x4  }
0x9: {  	s7 =	sshll.u32 s5, $0x3;
	[smem:$0x7FF] =	sst s4;
	s9 =	ssub.s32 $0x2, s5  }
.Ltmp0:
0xa: {  	s6 =	sor.u32 s7, s6;
	s30 =	sshrl.u32 s9, $0x1;
	(pc) =	sbr.rel .LBB2_1-.Ltmp0, $4  }
0xb: {  	_ =	strace $0x80000047;
	s5 =	sshll.u32 s6, $0x7;
	s10 =	ssub.s32 s9, s30  }
0xc: {  	s11 =	sshll.u32 s6, $0xA;
	s9 =	sadd.s32 $0x8000, s3;
	s31 =	sadd.s32 s5, s1  }
0xd: {  	s8 =	sadd.s32 s5, s8;
	s10 =	smax.u32 s10, $0x1;
	s11 =	sor.u32 $0x7C0000, s11  }
0xe: {  	s6 =	sadd.s32 $0xF8000, s31;
	s7 =	sadd.s32 $0x1F8000, s31;
	s8 =	sadd.s32 $0xF8000, s8  }
.LBB2_8:
0xf: {  	s19 =	sadd.s32 $0x1, s19  }
0x10: {  	_ =	swait.ge [sflag:s17], $0x2000;
	p0 =	sne.s32 s19, s10  }
.Ltmp1:
0x11: {  	[sflag:s17] =	ssyncset.done $0x0;
	(pc) =	sbr.rel @!p0 .LBB2_9-.Ltmp1, $4  }
0x12: {  	[sflag:s17] =	ssyncadd.s32 $0xFFFFE000  }
0x13: {  	_ =	swait.ge [sflag:s18], $0x2000  }
0x14: {  	[sflag:s18] =	ssyncset.done $0x0  }
0x15: {  	[sflag:s18] =	ssyncadd.s32 $0xFFFFE000  }
.LBB2_1:
0x16: {  	[tilespmem:s12], [sflag:$0x1] =	stream.linear.gather [hbm4b:s6+s4], $0x2000, $0x38;
	[tilespmem:$0xA000] =	vst v63  }
0x17: {  	p0 =	por $0x0, $0x0  }
0x18: {  	p1 =	por $0x1, $0x1;
	s20 =	smov.u32 s7;
	s21 =	simm.s32 $0x0  }
.LBB2_2:
0x19: {  	[tilespmem:s13], [sflag:$0x2] =	stream.linear.gather [hbm4b:s20+s4], $0x2000, $0x38;
	[tilespmem:$0xA000] =	vst v63  }
0x1a: {  	s20 =	simm.s32 @p1 $0x0  }
0x1b: {  	[tilespmem:s20], [sflag:$0x5] =	stream.linear.gather @p1 [hbm4b:s8+s20], $0x2000, $0x38;
	[tilespmem:$0xA000] =	vst v63  }
0x1c: {  	s20 =	simm.s32 @p1 $0x5  }
0x1d: {  	_ =	swait.ge @p1 [sflag:s20], $0x2000  }
0x1e: {  	[sflag:s20] =	ssyncset.done @p1 $0x0  }
0x1f: {  	[sflag:s20] =	ssyncadd.s32 @p1 $0xFFFFE000  }
0x20: {  	_ =	swait.ge [sflag:s14], $0x2000  }
0x21: {  	[sflag:s14] =	ssyncset.done $0x0  }
0x22: {  	s20 =	simm.s32 @p0 $0x3;
	[sflag:s14] =	ssyncadd.s32 $0xFFFFE000  }
0x23: {  	_ =	swait.ge @p0 [sflag:s20], $0x2000  }
0x24: {  	[sflag:s20] =	ssyncset.done @p0 $0x0  }
0x25: {  	s22 =	simm.s32 $0x0;
	[sflag:s20] =	ssyncadd.s32 @p0 $0xFFFFE000  }
0x26: {  	v0 =	vld [tilespmem:s22+$0x23F0]  }
0x27: {  	v1 =	vld [tilespmem:s22+$0x3F0]  }
0x28: {  	v2 =	vld [tilespmem:s22+$0x2000]  }
0x29: {  	v3 =	vld [tilespmem:s22+$0x0]  }
0x2a: {  	v4 =	vld [tilespmem:s22+$0x2010]  }
0x2b: {  	v5 =	vld [tilespmem:s22+$0x10]  }
0x2c: {  	v6 =	vld [tilespmem:s22+$0x2020]  }
0x2d: {  	v7 =	vld [tilespmem:s22+$0x2030]  }
0x2e: {  	v0 =	vadd.f32 v1, v0;
	v1 =	vld [tilespmem:s22+$0x20]  }
0x2f: {  	v2 =	vadd.f32 v3, v2;
	v3 =	vld [tilespmem:s22+$0x2040]  }
0x30: {  	[tilespmem:s22+$0x63F0] =	vst v0;
	v0 =	vld [tilespmem:s22+$0x30]  }
0x31: {  	[tilespmem:s22+$0x6000] =	vst v2;
	v2 =	vadd.f32 v5, v4;
	v4 =	vld [tilespmem:s22+$0x40]  }
0x32: {  	v5 =	vld [tilespmem:s22+$0x50]  }
0x33: {  	[tilespmem:s22+$0x6010] =	vst v2;
	v2 =	vld [tilespmem:s22+$0x2050];
	v1 =	vadd.f32 v1, v6  }
0x34: {  	v6 =	vld [tilespmem:s22+$0x60]  }
0x35: {  	[tilespmem:s22+$0x6020] =	vst v1;
	v0 =	vadd.f32 v0, v7;
	v1 =	vld [tilespmem:s22+$0x2060]  }
0x36: {  	v7 =	vld [tilespmem:s22+$0x3B0]  }
0x37: {  	[tilespmem:s22+$0x6030] =	vst v0;
	v0 =	vadd.f32 v4, v3;
	v3 =	vld [tilespmem:s22+$0x2070]  }
0x38: {  	v4 =	vld [tilespmem:s22+$0x70]  }
0x39: {  	[tilespmem:s22+$0x6040] =	vst v0;
	v0 =	vadd.f32 v5, v2;
	v2 =	vld [tilespmem:s22+$0x2080]  }
0x3a: {  	v5 =	vld [tilespmem:s22+$0x80]  }
0x3b: {  	[tilespmem:s22+$0x6050] =	vst v0;
	v0 =	vadd.f32 v6, v1;
	v1 =	vld [tilespmem:s22+$0x2090]  }
0x3c: {  	v6 =	vld [tilespmem:s22+$0x90]  }
0x3d: {  	[tilespmem:s22+$0x6060] =	vst v0;
	v0 =	vadd.f32 v4, v3;
	v3 =	vld [tilespmem:s22+$0x20A0]  }
0x3e: {  	v4 =	vld [tilespmem:s22+$0xA0]  }
0x3f: {  	[tilespmem:s22+$0x6070] =	vst v0;
	v0 =	vadd.f32 v5, v2;
	v2 =	vld [tilespmem:s22+$0x20B0]  }
0x40: {  	v5 =	vld [tilespmem:s22+$0xB0]  }
0x41: {  	[tilespmem:s22+$0x6080] =	vst v0;
	v0 =	vadd.f32 v6, v1;
	v1 =	vld [tilespmem:s22+$0x20C0]  }
0x42: {  	v6 =	vld [tilespmem:s22+$0xC0]  }
0x43: {  	[tilespmem:s22+$0x6090] =	vst v0;
	v0 =	vadd.f32 v4, v3;
	v3 =	vld [tilespmem:s22+$0x20D0]  }
0x44: {  	v4 =	vld [tilespmem:s22+$0xD0]  }
0x45: {  	[tilespmem:s22+$0x60A0] =	vst v0;
	v0 =	vadd.f32 v5, v2;
	v2 =	vld [tilespmem:s22+$0x20E0]  }
0x46: {  	v5 =	vld [tilespmem:s22+$0xE0]  }
0x47: {  	[tilespmem:s22+$0x60B0] =	vst v0;
	v0 =	vadd.f32 v6, v1;
	v1 =	vld [tilespmem:s22+$0x20F0]  }
0x48: {  	v6 =	vld [tilespmem:s22+$0xF0]  }
0x49: {  	[tilespmem:s22+$0x60C0] =	vst v0;
	v0 =	vadd.f32 v4, v3;
	v3 =	vld [tilespmem:s22+$0x2100]  }
0x4a: {  	v4 =	vld [tilespmem:s22+$0x100]  }
0x4b: {  	[tilespmem:s22+$0x60D0] =	vst v0;
	v0 =	vadd.f32 v5, v2;
	v2 =	vld [tilespmem:s22+$0x2110]  }
0x4c: {  	v5 =	vld [tilespmem:s22+$0x110]  }
0x4d: {  	[tilespmem:s22+$0x60E0] =	vst v0;
	v0 =	vadd.f32 v6, v1;
	v1 =	vld [tilespmem:s22+$0x2120]  }
0x4e: {  	v6 =	vld [tilespmem:s22+$0x120]  }
0x4f: {  	[tilespmem:s22+$0x60F0] =	vst v0;
	v0 =	vadd.f32 v4, v3;
	v3 =	vld [tilespmem:s22+$0x2130]  }
0x50: {  	v4 =	vld [tilespmem:s22+$0x130]  }
0x51: {  	[tilespmem:s22+$0x6100] =	vst v0;
	v0 =	vadd.f32 v5, v2;
	v2 =	vld [tilespmem:s22+$0x2140]  }
0x52: {  	v5 =	vld [tilespmem:s22+$0x140]  }
0x53: {  	[tilespmem:s22+$0x6110] =	vst v0;
	v0 =	vadd.f32 v6, v1;
	v1 =	vld [tilespmem:s22+$0x2150]  }
0x54: {  	v6 =	vld [tilespmem:s22+$0x150]  }
0x55: {  	[tilespmem:s22+$0x6120] =	vst v0;
	v0 =	vadd.f32 v4, v3;
	v3 =	vld [tilespmem:s22+$0x2160]  }
0x56: {  	v4 =	vld [tilespmem:s22+$0x160]  }
0x57: {  	[tilespmem:s22+$0x6130] =	vst v0;
	v0 =	vadd.f32 v5, v2;
	v2 =	vld [tilespmem:s22+$0x2170]  }
0x58: {  	v5 =	vld [tilespmem:s22+$0x170]  }
0x59: {  	[tilespmem:s22+$0x6140] =	vst v0;
	v0 =	vadd.f32 v6, v1;
	v1 =	vld [tilespmem:s22+$0x2180]  }
0x5a: {  	v6 =	vld [tilespmem:s22+$0x180]  }
0x5b: {  	[tilespmem:s22+$0x6150] =	vst v0;
	v0 =	vadd.f32 v4, v3;
	v3 =	vld [tilespmem:s22+$0x2190]  }
0x5c: {  	v4 =	vld [tilespmem:s22+$0x190]  }
0x5d: {  	[tilespmem:s22+$0x6160] =	vst v0;
	v0 =	vadd.f32 v5, v2;
	v2 =	vld [tilespmem:s22+$0x21A0]  }
0x5e: {  	v5 =	vld [tilespmem:s22+$0x1A0]  }
0x5f: {  	[tilespmem:s22+$0x6170] =	vst v0;
	v0 =	vadd.f32 v6, v1;
	v1 =	vld [tilespmem:s22+$0x21B0]  }
0x60: {  	v6 =	vld [tilespmem:s22+$0x1B0]  }
0x61: {  	[tilespmem:s22+$0x6180] =	vst v0;
	v0 =	vadd.f32 v4, v3;
	v3 =	vld [tilespmem:s22+$0x21C0]  }
0x62: {  	v4 =	vld [tilespmem:s22+$0x1C0]  }
0x63: {  	[tilespmem:s22+$0x6190] =	vst v0;
	v0 =	vadd.f32 v5, v2;
	v2 =	vld [tilespmem:s22+$0x21D0]  }
0x64: {  	v5 =	vld [tilespmem:s22+$0x1D0]  }
0x65: {  	[tilespmem:s22+$0x61A0] =	vst v0;
	v0 =	vadd.f32 v6, v1;
	v1 =	vld [tilespmem:s22+$0x21E0]  }
0x66: {  	v6 =	vld [tilespmem:s22+$0x1E0]  }
0x67: {  	[tilespmem:s22+$0x61B0] =	vst v0;
	v0 =	vadd.f32 v4, v3;
	v3 =	vld [tilespmem:s22+$0x21F0]  }
0x68: {  	v4 =	vld [tilespmem:s22+$0x1F0]  }
0x69: {  	[tilespmem:s22+$0x61C0] =	vst v0;
	v0 =	vadd.f32 v5, v2;
	v2 =	vld [tilespmem:s22+$0x2200]  }
0x6a: {  	v5 =	vld [tilespmem:s22+$0x200]  }
0x6b: {  	[tilespmem:s22+$0x61D0] =	vst v0;
	v0 =	vadd.f32 v6, v1;
	v1 =	vld [tilespmem:s22+$0x2210]  }
0x6c: {  	v6 =	vld [tilespmem:s22+$0x210]  }
0x6d: {  	[tilespmem:s22+$0x61E0] =	vst v0;
	v0 =	vadd.f32 v4, v3;
	v3 =	vld [tilespmem:s22+$0x2220]  }
0x6e: {  	v4 =	vld [tilespmem:s22+$0x220]  }
0x6f: {  	[tilespmem:s22+$0x61F0] =	vst v0;
	v0 =	vadd.f32 v5, v2;
	v2 =	vld [tilespmem:s22+$0x2230]  }
0x70: {  	v5 =	vld [tilespmem:s22+$0x230]  }
0x71: {  	[tilespmem:s22+$0x6200] =	vst v0;
	v0 =	vadd.f32 v6, v1;
	v1 =	vld [tilespmem:s22+$0x2240]  }
0x72: {  	v6 =	vld [tilespmem:s22+$0x240]  }
0x73: {  	[tilespmem:s22+$0x6210] =	vst v0;
	v0 =	vadd.f32 v4, v3;
	v3 =	vld [tilespmem:s22+$0x2250]  }
0x74: {  	v4 =	vld [tilespmem:s22+$0x250]  }
0x75: {  	[tilespmem:s22+$0x6220] =	vst v0;
	v0 =	vadd.f32 v5, v2;
	v2 =	vld [tilespmem:s22+$0x2260]  }
0x76: {  	v5 =	vld [tilespmem:s22+$0x260]  }
0x77: {  	[tilespmem:s22+$0x6230] =	vst v0;
	v0 =	vadd.f32 v6, v1;
	v1 =	vld [tilespmem:s22+$0x2270]  }
0x78: {  	v6 =	vld [tilespmem:s22+$0x270]  }
0x79: {  	[tilespmem:s22+$0x6240] =	vst v0;
	v0 =	vadd.f32 v4, v3;
	v3 =	vld [tilespmem:s22+$0x2280]  }
0x7a: {  	v4 =	vld [tilespmem:s22+$0x280]  }
0x7b: {  	[tilespmem:s22+$0x6250] =	vst v0;
	v0 =	vadd.f32 v5, v2;
	v2 =	vld [tilespmem:s22+$0x2290]  }
0x7c: {  	v5 =	vld [tilespmem:s22+$0x290]  }
0x7d: {  	[tilespmem:s22+$0x6260] =	vst v0;
	v0 =	vadd.f32 v6, v1;
	v1 =	vld [tilespmem:s22+$0x22A0]  }
0x7e: {  	v6 =	vld [tilespmem:s22+$0x2A0]  }
0x7f: {  	[tilespmem:s22+$0x6270] =	vst v0;
	v0 =	vadd.f32 v4, v3;
	v3 =	vld [tilespmem:s22+$0x22B0]  }
0x80: {  	v4 =	vld [tilespmem:s22+$0x2B0]  }
0x81: {  	[tilespmem:s22+$0x6280] =	vst v0;
	v0 =	vadd.f32 v5, v2;
	v2 =	vld [tilespmem:s22+$0x22C0]  }
0x82: {  	v5 =	vld [tilespmem:s22+$0x2C0]  }
0x83: {  	[tilespmem:s22+$0x6290] =	vst v0;
	v0 =	vadd.f32 v6, v1;
	v1 =	vld [tilespmem:s22+$0x22D0]  }
0x84: {  	v6 =	vld [tilespmem:s22+$0x2D0]  }
0x85: {  	[tilespmem:s22+$0x62A0] =	vst v0;
	v0 =	vadd.f32 v4, v3;
	v3 =	vld [tilespmem:s22+$0x22E0]  }
0x86: {  	v4 =	vld [tilespmem:s22+$0x2E0]  }
0x87: {  	[tilespmem:s22+$0x62B0] =	vst v0;
	v0 =	vadd.f32 v5, v2;
	v2 =	vld [tilespmem:s22+$0x22F0]  }
0x88: {  	v5 =	vld [tilespmem:s22+$0x2F0]  }
0x89: {  	[tilespmem:s22+$0x62C0] =	vst v0;
	v0 =	vadd.f32 v6, v1;
	v1 =	vld [tilespmem:s22+$0x2300]  }
0x8a: {  	v6 =	vld [tilespmem:s22+$0x300]  }
0x8b: {  	[tilespmem:s22+$0x62D0] =	vst v0;
	v0 =	vadd.f32 v4, v3;
	v3 =	vld [tilespmem:s22+$0x2310]  }
0x8c: {  	v4 =	vld [tilespmem:s22+$0x310]  }
0x8d: {  	[tilespmem:s22+$0x62E0] =	vst v0;
	v0 =	vadd.f32 v5, v2;
	v2 =	vld [tilespmem:s22+$0x2320]  }
0x8e: {  	v5 =	vld [tilespmem:s22+$0x320]  }
0x8f: {  	[tilespmem:s22+$0x62F0] =	vst v0;
	v0 =	vadd.f32 v6, v1;
	v1 =	vld [tilespmem:s22+$0x2330]  }
0x90: {  	v6 =	vld [tilespmem:s22+$0x330]  }
0x91: {  	[tilespmem:s22+$0x6300] =	vst v0;
	v0 =	vadd.f32 v4, v3;
	v3 =	vld [tilespmem:s22+$0x2340]  }
0x92: {  	v4 =	vld [tilespmem:s22+$0x340]  }
0x93: {  	[tilespmem:s22+$0x6310] =	vst v0;
	v0 =	vadd.f32 v5, v2;
	v2 =	vld [tilespmem:s22+$0x2350]  }
0x94: {  	v5 =	vld [tilespmem:s22+$0x350]  }
0x95: {  	[tilespmem:s22+$0x6320] =	vst v0;
	v0 =	vadd.f32 v6, v1;
	v1 =	vld [tilespmem:s22+$0x2360]  }
0x96: {  	v6 =	vld [tilespmem:s22+$0x360]  }
0x97: {  	[tilespmem:s22+$0x6330] =	vst v0;
	v0 =	vadd.f32 v4, v3;
	v3 =	vld [tilespmem:s22+$0x2370]  }
0x98: {  	v4 =	vld [tilespmem:s22+$0x370]  }
0x99: {  	[tilespmem:s22+$0x6340] =	vst v0;
	v0 =	vadd.f32 v5, v2;
	v2 =	vld [tilespmem:s22+$0x2380]  }
0x9a: {  	v5 =	vld [tilespmem:s22+$0x380]  }
0x9b: {  	[tilespmem:s22+$0x6350] =	vst v0;
	v0 =	vadd.f32 v6, v1;
	v1 =	vld [tilespmem:s22+$0x2390]  }
0x9c: {  	v6 =	vld [tilespmem:s22+$0x390]  }
0x9d: {  	[tilespmem:s22+$0x6360] =	vst v0;
	v0 =	vadd.f32 v4, v3;
	v3 =	vld [tilespmem:s22+$0x23A0]  }
0x9e: {  	v4 =	vld [tilespmem:s22+$0x3A0]  }
0x9f: {  	[tilespmem:s22+$0x6370] =	vst v0;
	v0 =	vadd.f32 v5, v2;
	v5 =	vld [tilespmem:s22+$0x23B0]  }
0xa0: {  	v8 =	vld [tilespmem:s22+$0x3C0]  }
0xa1: {  	[tilespmem:s22+$0x6380] =	vst v0;
	v0 =	vadd.f32 v6, v1;
	v6 =	vld [tilespmem:s22+$0x23C0]  }
0xa2: {  	v2 =	vld [tilespmem:s22+$0x23D0]  }
0xa3: {  	[tilespmem:s22+$0x6390] =	vst v0;
	v0 =	vadd.f32 v4, v3;
	v3 =	vld [tilespmem:s22+$0x3D0]  }
0xa4: {  	v4 =	vld [tilespmem:s22+$0x3E0];
	v5 =	vadd.f32 v7, v5  }
0xa5: {  	s24 =	simm.s32 $0x400;
	[tilespmem:s22+$0x63A0] =	vst v0;
	v0 =	vld [tilespmem:s22+$0x23E0]  }
0xa6: {  	s23 =	simm.s32 $0x2000;
	s20 =	sshll.u32 s21, $0x1;
	v1 =	vld [tilespmem:s24+$0x23F0];
	[tilespmem:s22+$0x63B0] =	vst v5;
	v5 =	vadd.f32 v8, v6  }
.LBB2_3:
0xa7: {  	p1 =	sne.s32 s23, $0x7000;
	v6 =	vld [tilespmem:s24+$0x3F0]  }
0xa8: {  	v7 =	vld [tilespmem:s24+$0x2000];
	[tilespmem:s22+$0x63C0] =	vst v5;
	v2 =	vadd.f32 v3, v2  }
0xa9: {  	v3 =	vld [tilespmem:s24+$0x0]  }
0xaa: {  	v5 =	vld [tilespmem:s24+$0x2010];
	[tilespmem:s22+$0x63D0] =	vst v2;
	v0 =	vadd.f32 v4, v0  }
0xab: {  	v2 =	vld [tilespmem:s24+$0x10]  }
0xac: {  	v4 =	vld [tilespmem:s24+$0x2020];
	v1 =	vadd.f32 v6, v1;
	[tilespmem:s22+$0x63E0] =	vst v0;
	s22 =	smov.u32 s24  }
0xad: {  	v0 =	vld [tilespmem:s22+$0x20]  }
0xae: {  	v3 =	vadd.f32 v3, v7;
	v6 =	vld [tilespmem:s22+$0x2030];
	[tilespmem:s22+$0x63F0] =	vst v1  }
0xaf: {  	v1 =	vld [tilespmem:s22+$0x30]  }
0xb0: {  	[tilespmem:s22+$0x6000] =	vst v3;
	v2 =	vadd.f32 v2, v5;
	v3 =	vld [tilespmem:s22+$0x2040]  }
0xb1: {  	v5 =	vld [tilespmem:s22+$0x40]  }
0xb2: {  	[tilespmem:s22+$0x6010] =	vst v2;
	v0 =	vadd.f32 v0, v4;
	v2 =	vld [tilespmem:s22+$0x2050]  }
0xb3: {  	v4 =	vld [tilespmem:s22+$0x50]  }
0xb4: {  	[tilespmem:s22+$0x6020] =	vst v0;
	v0 =	vadd.f32 v1, v6;
	v1 =	vld [tilespmem:s22+$0x2060]  }
0xb5: {  	v6 =	vld [tilespmem:s22+$0x60]  }
0xb6: {  	[tilespmem:s22+$0x6030] =	vst v0;
	v0 =	vadd.f32 v5, v3;
	v3 =	vld [tilespmem:s22+$0x2070]  }
0xb7: {  	v5 =	vld [tilespmem:s22+$0x70]  }
0xb8: {  	[tilespmem:s22+$0x6040] =	vst v0;
	v0 =	vadd.f32 v4, v2;
	v2 =	vld [tilespmem:s22+$0x2080]  }
0xb9: {  	v4 =	vld [tilespmem:s22+$0x80]  }
0xba: {  	[tilespmem:s22+$0x6050] =	vst v0;
	v0 =	vadd.f32 v6, v1;
	v1 =	vld [tilespmem:s22+$0x2090]  }
0xbb: {  	v6 =	vld [tilespmem:s22+$0x90]  }
0xbc: {  	[tilespmem:s22+$0x6060] =	vst v0;
	v0 =	vadd.f32 v5, v3;
	v3 =	vld [tilespmem:s22+$0x20A0]  }
0xbd: {  	v5 =	vld [tilespmem:s22+$0xA0]  }
0xbe: {  	[tilespmem:s22+$0x6070] =	vst v0;
	v0 =	vadd.f32 v4, v2;
	v2 =	vld [tilespmem:s22+$0x20B0]  }
0xbf: {  	v4 =	vld [tilespmem:s22+$0xB0]  }
0xc0: {  	[tilespmem:s22+$0x6080] =	vst v0;
	v0 =	vadd.f32 v6, v1;
	v1 =	vld [tilespmem:s22+$0x20C0]  }
0xc1: {  	v6 =	vld [tilespmem:s22+$0xC0]  }
0xc2: {  	[tilespmem:s22+$0x6090] =	vst v0;
	v0 =	vadd.f32 v5, v3;
	v3 =	vld [tilespmem:s22+$0x20D0]  }
0xc3: {  	v5 =	vld [tilespmem:s22+$0xD0]  }
0xc4: {  	[tilespmem:s22+$0x60A0] =	vst v0;
	v0 =	vadd.f32 v4, v2;
	v2 =	vld [tilespmem:s22+$0x20E0]  }
0xc5: {  	v4 =	vld [tilespmem:s22+$0xE0]  }
0xc6: {  	[tilespmem:s22+$0x60B0] =	vst v0;
	v0 =	vadd.f32 v6, v1;
	v1 =	vld [tilespmem:s22+$0x20F0]  }
0xc7: {  	v6 =	vld [tilespmem:s22+$0xF0]  }
0xc8: {  	[tilespmem:s22+$0x60C0] =	vst v0;
	v0 =	vadd.f32 v5, v3;
	v3 =	vld [tilespmem:s22+$0x2100]  }
0xc9: {  	v5 =	vld [tilespmem:s22+$0x100]  }
0xca: {  	[tilespmem:s22+$0x60D0] =	vst v0;
	v0 =	vadd.f32 v4, v2;
	v2 =	vld [tilespmem:s22+$0x2110]  }
0xcb: {  	v4 =	vld [tilespmem:s22+$0x110]  }
0xcc: {  	[tilespmem:s22+$0x60E0] =	vst v0;
	v0 =	vadd.f32 v6, v1;
	v1 =	vld [tilespmem:s22+$0x2120]  }
0xcd: {  	v6 =	vld [tilespmem:s22+$0x120]  }
0xce: {  	[tilespmem:s22+$0x60F0] =	vst v0;
	v0 =	vadd.f32 v5, v3;
	v3 =	vld [tilespmem:s22+$0x2130]  }
0xcf: {  	v5 =	vld [tilespmem:s22+$0x130]  }
0xd0: {  	[tilespmem:s22+$0x6100] =	vst v0;
	v0 =	vadd.f32 v4, v2;
	v2 =	vld [tilespmem:s22+$0x2140]  }
0xd1: {  	v4 =	vld [tilespmem:s22+$0x140]  }
0xd2: {  	[tilespmem:s22+$0x6110] =	vst v0;
	v0 =	vadd.f32 v6, v1;
	v1 =	vld [tilespmem:s22+$0x2150]  }
0xd3: {  	v6 =	vld [tilespmem:s22+$0x150]  }
0xd4: {  	[tilespmem:s22+$0x6120] =	vst v0;
	v0 =	vadd.f32 v5, v3;
	v3 =	vld [tilespmem:s22+$0x2160]  }
0xd5: {  	v5 =	vld [tilespmem:s22+$0x160]  }
0xd6: {  	[tilespmem:s22+$0x6130] =	vst v0;
	v0 =	vadd.f32 v4, v2;
	v2 =	vld [tilespmem:s22+$0x2170]  }
0xd7: {  	v4 =	vld [tilespmem:s22+$0x170]  }
0xd8: {  	[tilespmem:s22+$0x6140] =	vst v0;
	v0 =	vadd.f32 v6, v1;
	v1 =	vld [tilespmem:s22+$0x2180]  }
0xd9: {  	v6 =	vld [tilespmem:s22+$0x180]  }
0xda: {  	[tilespmem:s22+$0x6150] =	vst v0;
	v0 =	vadd.f32 v5, v3;
	v3 =	vld [tilespmem:s22+$0x2190]  }
0xdb: {  	v5 =	vld [tilespmem:s22+$0x190]  }
0xdc: {  	[tilespmem:s22+$0x6160] =	vst v0;
	v0 =	vadd.f32 v4, v2;
	v2 =	vld [tilespmem:s22+$0x21A0]  }
0xdd: {  	v4 =	vld [tilespmem:s22+$0x1A0]  }
0xde: {  	[tilespmem:s22+$0x6170] =	vst v0;
	v0 =	vadd.f32 v6, v1;
	v1 =	vld [tilespmem:s22+$0x21B0]  }
0xdf: {  	v6 =	vld [tilespmem:s22+$0x1B0]  }
0xe0: {  	[tilespmem:s22+$0x6180] =	vst v0;
	v0 =	vadd.f32 v5, v3;
	v3 =	vld [tilespmem:s22+$0x21C0]  }
0xe1: {  	v5 =	vld [tilespmem:s22+$0x1C0]  }
0xe2: {  	[tilespmem:s22+$0x6190] =	vst v0;
	v0 =	vadd.f32 v4, v2;
	v2 =	vld [tilespmem:s22+$0x21D0]  }
0xe3: {  	v4 =	vld [tilespmem:s22+$0x1D0]  }
0xe4: {  	[tilespmem:s22+$0x61A0] =	vst v0;
	v0 =	vadd.f32 v6, v1;
	v1 =	vld [tilespmem:s22+$0x21E0]  }
0xe5: {  	v6 =	vld [tilespmem:s22+$0x1E0]  }
0xe6: {  	[tilespmem:s22+$0x61B0] =	vst v0;
	v0 =	vadd.f32 v5, v3;
	v3 =	vld [tilespmem:s22+$0x21F0]  }
0xe7: {  	v5 =	vld [tilespmem:s22+$0x1F0]  }
0xe8: {  	[tilespmem:s22+$0x61C0] =	vst v0;
	v0 =	vadd.f32 v4, v2;
	v2 =	vld [tilespmem:s22+$0x2200]  }
0xe9: {  	v4 =	vld [tilespmem:s22+$0x200]  }
0xea: {  	[tilespmem:s22+$0x61D0] =	vst v0;
	v0 =	vadd.f32 v6, v1;
	v1 =	vld [tilespmem:s22+$0x2210]  }
0xeb: {  	v6 =	vld [tilespmem:s22+$0x210]  }
0xec: {  	[tilespmem:s22+$0x61E0] =	vst v0;
	v0 =	vadd.f32 v5, v3;
	v3 =	vld [tilespmem:s22+$0x2220]  }
0xed: {  	v5 =	vld [tilespmem:s22+$0x220]  }
0xee: {  	[tilespmem:s22+$0x61F0] =	vst v0;
	v0 =	vadd.f32 v4, v2;
	v2 =	vld [tilespmem:s22+$0x2230]  }
0xef: {  	v4 =	vld [tilespmem:s22+$0x230]  }
0xf0: {  	[tilespmem:s22+$0x6200] =	vst v0;
	v0 =	vadd.f32 v6, v1;
	v1 =	vld [tilespmem:s22+$0x2240]  }
0xf1: {  	v6 =	vld [tilespmem:s22+$0x240]  }
0xf2: {  	[tilespmem:s22+$0x6210] =	vst v0;
	v0 =	vadd.f32 v5, v3;
	v3 =	vld [tilespmem:s22+$0x2250]  }
0xf3: {  	v5 =	vld [tilespmem:s22+$0x250]  }
0xf4: {  	[tilespmem:s22+$0x6220] =	vst v0;
	v0 =	vadd.f32 v4, v2;
	v2 =	vld [tilespmem:s22+$0x2260]  }
0xf5: {  	v4 =	vld [tilespmem:s22+$0x260]  }
0xf6: {  	[tilespmem:s22+$0x6230] =	vst v0;
	v0 =	vadd.f32 v6, v1;
	v1 =	vld [tilespmem:s22+$0x2270]  }
0xf7: {  	v6 =	vld [tilespmem:s22+$0x270]  }
0xf8: {  	[tilespmem:s22+$0x6240] =	vst v0;
	v0 =	vadd.f32 v5, v3;
	v3 =	vld [tilespmem:s22+$0x2280]  }
0xf9: {  	v5 =	vld [tilespmem:s22+$0x280]  }
0xfa: {  	[tilespmem:s22+$0x6250] =	vst v0;
	v0 =	vadd.f32 v4, v2;
	v2 =	vld [tilespmem:s22+$0x2290]  }
0xfb: {  	v4 =	vld [tilespmem:s22+$0x290]  }
0xfc: {  	[tilespmem:s22+$0x6260] =	vst v0;
	v0 =	vadd.f32 v6, v1;
	v1 =	vld [tilespmem:s22+$0x22A0]  }
0xfd: {  	v6 =	vld [tilespmem:s22+$0x2A0]  }
0xfe: {  	[tilespmem:s22+$0x6270] =	vst v0;
	v0 =	vadd.f32 v5, v3;
	v3 =	vld [tilespmem:s22+$0x22B0]  }
0xff: {  	v5 =	vld [tilespmem:s22+$0x2B0]  }
0x100: {  	[tilespmem:s22+$0x6280] =	vst v0;
	v0 =	vadd.f32 v4, v2;
	v2 =	vld [tilespmem:s22+$0x22C0]  }
0x101: {  	v4 =	vld [tilespmem:s22+$0x2C0]  }
0x102: {  	[tilespmem:s22+$0x6290] =	vst v0;
	v0 =	vadd.f32 v6, v1;
	v1 =	vld [tilespmem:s22+$0x22D0]  }
0x103: {  	v6 =	vld [tilespmem:s22+$0x2D0]  }
0x104: {  	[tilespmem:s22+$0x62A0] =	vst v0;
	v0 =	vadd.f32 v5, v3;
	v3 =	vld [tilespmem:s22+$0x22E0]  }
0x105: {  	v5 =	vld [tilespmem:s22+$0x2E0]  }
0x106: {  	[tilespmem:s22+$0x62B0] =	vst v0;
	v0 =	vadd.f32 v4, v2;
	v2 =	vld [tilespmem:s22+$0x22F0]  }
0x107: {  	v4 =	vld [tilespmem:s22+$0x2F0]  }
0x108: {  	[tilespmem:s22+$0x62C0] =	vst v0;
	v0 =	vadd.f32 v6, v1;
	v1 =	vld [tilespmem:s22+$0x2300]  }
0x109: {  	v6 =	vld [tilespmem:s22+$0x300]  }
0x10a: {  	[tilespmem:s22+$0x62D0] =	vst v0;
	v0 =	vadd.f32 v5, v3;
	v3 =	vld [tilespmem:s22+$0x2310]  }
0x10b: {  	v5 =	vld [tilespmem:s22+$0x310]  }
0x10c: {  	[tilespmem:s22+$0x62E0] =	vst v0;
	v0 =	vadd.f32 v4, v2;
	v2 =	vld [tilespmem:s22+$0x2320]  }
0x10d: {  	v4 =	vld [tilespmem:s22+$0x320]  }
0x10e: {  	[tilespmem:s22+$0x62F0] =	vst v0;
	v0 =	vadd.f32 v6, v1;
	v1 =	vld [tilespmem:s22+$0x2330]  }
0x10f: {  	v6 =	vld [tilespmem:s22+$0x330]  }
0x110: {  	[tilespmem:s22+$0x6300] =	vst v0;
	v0 =	vadd.f32 v5, v3;
	v3 =	vld [tilespmem:s22+$0x2340]  }
0x111: {  	v5 =	vld [tilespmem:s22+$0x340]  }
0x112: {  	[tilespmem:s22+$0x6310] =	vst v0;
	v0 =	vadd.f32 v4, v2;
	v2 =	vld [tilespmem:s22+$0x2350]  }
0x113: {  	v4 =	vld [tilespmem:s22+$0x350]  }
0x114: {  	[tilespmem:s22+$0x6320] =	vst v0;
	v0 =	vadd.f32 v6, v1;
	v1 =	vld [tilespmem:s22+$0x2360]  }
0x115: {  	v6 =	vld [tilespmem:s22+$0x360]  }
0x116: {  	[tilespmem:s22+$0x6330] =	vst v0;
	v0 =	vadd.f32 v5, v3;
	v3 =	vld [tilespmem:s22+$0x2370]  }
0x117: {  	v5 =	vld [tilespmem:s22+$0x370]  }
0x118: {  	[tilespmem:s22+$0x6340] =	vst v0;
	v0 =	vadd.f32 v4, v2;
	v2 =	vld [tilespmem:s22+$0x2380]  }
0x119: {  	v4 =	vld [tilespmem:s22+$0x380]  }
0x11a: {  	[tilespmem:s22+$0x6350] =	vst v0;
	v0 =	vadd.f32 v6, v1;
	v1 =	vld [tilespmem:s22+$0x2390]  }
0x11b: {  	v6 =	vld [tilespmem:s22+$0x390]  }
0x11c: {  	[tilespmem:s22+$0x6360] =	vst v0;
	v0 =	vadd.f32 v5, v3;
	v3 =	vld [tilespmem:s22+$0x23A0]  }
0x11d: {  	v5 =	vld [tilespmem:s22+$0x3A0]  }
0x11e: {  	[tilespmem:s22+$0x6370] =	vst v0;
	v0 =	vadd.f32 v4, v2;
	v4 =	vld [tilespmem:s22+$0x23B0]  }
0x11f: {  	v7 =	vld [tilespmem:s22+$0x3B0]  }
0x120: {  	[tilespmem:s22+$0x6380] =	vst v0;
	v0 =	vadd.f32 v6, v1;
	v6 =	vld [tilespmem:s22+$0x23C0]  }
0x121: {  	v8 =	vld [tilespmem:s22+$0x3C0]  }
.Ltmp2:
0x122: {  	[tilespmem:s22+$0x6390] =	vst v0;
	v0 =	vadd.f32 v5, v3;
	v2 =	vld [tilespmem:s22+$0x23D0];
	(pc) =	sbr.rel @p1 .LBB2_3-.Ltmp2, $4  }
0x123: {  	v3 =	vld [tilespmem:s22+$0x3D0]  }
0x124: {  	[tilespmem:s22+$0x63A0] =	vst v0;
	v5 =	vadd.f32 v7, v4;
	v0 =	vld [tilespmem:s22+$0x23E0]  }
0x125: {  	s24 =	sshra.s32 s23, $0x2;
	v4 =	vld [tilespmem:s22+$0x3E0]  }
0x126: {  	s23 =	sadd.s32 $0x1000, s23;
	v1 =	vld [tilespmem:s24+$0x23F0];
	[tilespmem:s22+$0x63B0] =	vst v5;
	v5 =	vadd.f32 v8, v6  }
0x127: {  	v6 =	vld [tilespmem:s24+$0x3F0]  }
0x128: {  	v7 =	vld [tilespmem:s24+$0x2000];
	[tilespmem:s22+$0x63C0] =	vst v5;
	v2 =	vadd.f32 v3, v2  }
0x129: {  	v3 =	vld [tilespmem:s24+$0x0]  }
0x12a: {  	v5 =	vld [tilespmem:s24+$0x2010];
	[tilespmem:s22+$0x63D0] =	vst v2;
	v0 =	vadd.f32 v4, v0  }
0x12b: {  	v2 =	vld [tilespmem:s24+$0x10]  }
0x12c: {  	v4 =	vld [tilespmem:s24+$0x2020];
	[tilespmem:s22+$0x63E0] =	vst v0  }
0x12d: {  	v0 =	vadd.f32 v6, v1;
	v1 =	vld [tilespmem:s24+$0x20]  }
0x12e: {  	v6 =	vld [tilespmem:s24+$0x2030]  }
0x12f: {  	v3 =	vadd.f32 v3, v7;
	[tilespmem:s24+$0x63F0] =	vst v0;
	v0 =	vld [tilespmem:s24+$0x30]  }
0x130: {  	v7 =	vld [tilespmem:s24+$0x3E0]  }
0x131: {  	[tilespmem:s24+$0x6000] =	vst v3;
	v2 =	vadd.f32 v2, v5;
	v3 =	vld [tilespmem:s24+$0x2040]  }
0x132: {  	v5 =	vld [tilespmem:s24+$0x40]  }
0x133: {  	[tilespmem:s24+$0x6010] =	vst v2;
	v2 =	vld [tilespmem:s24+$0x2050]  }
0x134: {  	v1 =	vadd.f32 v1, v4;
	v4 =	vld [tilespmem:s24+$0x50]  }
0x135: {  	v0 =	vadd.f32 v0, v6;
	v6 =	vld [tilespmem:s24+$0x60]  }
0x136: {  	[tilespmem:s24+$0x6020] =	vst v1;
	v1 =	vld [tilespmem:s24+$0x2060]  }
0x137: {  	[tilespmem:s24+$0x6030] =	vst v0;
	v0 =	vadd.f32 v5, v3;
	v3 =	vld [tilespmem:s24+$0x2070]  }
0x138: {  	v5 =	vld [tilespmem:s24+$0x70]  }
0x139: {  	[tilespmem:s24+$0x6040] =	vst v0;
	v0 =	vadd.f32 v4, v2;
	v2 =	vld [tilespmem:s24+$0x2080]  }
0x13a: {  	v4 =	vld [tilespmem:s24+$0x80]  }
0x13b: {  	[tilespmem:s24+$0x6050] =	vst v0;
	v0 =	vadd.f32 v6, v1;
	v1 =	vld [tilespmem:s24+$0x2090]  }
0x13c: {  	v6 =	vld [tilespmem:s24+$0x90]  }
0x13d: {  	[tilespmem:s24+$0x6060] =	vst v0;
	v0 =	vadd.f32 v5, v3;
	v3 =	vld [tilespmem:s24+$0x20A0]  }
0x13e: {  	v5 =	vld [tilespmem:s24+$0xA0]  }
0x13f: {  	[tilespmem:s24+$0x6070] =	vst v0;
	v0 =	vadd.f32 v4, v2;
	v2 =	vld [tilespmem:s24+$0x20B0]  }
0x140: {  	v4 =	vld [tilespmem:s24+$0xB0]  }
0x141: {  	[tilespmem:s24+$0x6080] =	vst v0;
	v0 =	vadd.f32 v6, v1;
	v1 =	vld [tilespmem:s24+$0x20C0]  }
0x142: {  	v6 =	vld [tilespmem:s24+$0xC0]  }
0x143: {  	[tilespmem:s24+$0x6090] =	vst v0;
	v0 =	vadd.f32 v5, v3;
	v3 =	vld [tilespmem:s24+$0x20D0]  }
0x144: {  	v5 =	vld [tilespmem:s24+$0xD0]  }
0x145: {  	[tilespmem:s24+$0x60A0] =	vst v0;
	v0 =	vadd.f32 v4, v2;
	v2 =	vld [tilespmem:s24+$0x20E0]  }
0x146: {  	v4 =	vld [tilespmem:s24+$0xE0]  }
0x147: {  	[tilespmem:s24+$0x60B0] =	vst v0;
	v0 =	vadd.f32 v6, v1;
	v1 =	vld [tilespmem:s24+$0x20F0]  }
0x148: {  	v6 =	vld [tilespmem:s24+$0xF0]  }
0x149: {  	[tilespmem:s24+$0x60C0] =	vst v0;
	v0 =	vadd.f32 v5, v3;
	v3 =	vld [tilespmem:s24+$0x2100]  }
0x14a: {  	v5 =	vld [tilespmem:s24+$0x100]  }
0x14b: {  	[tilespmem:s24+$0x60D0] =	vst v0;
	v0 =	vadd.f32 v4, v2;
	v2 =	vld [tilespmem:s24+$0x2110]  }
0x14c: {  	v4 =	vld [tilespmem:s24+$0x110]  }
0x14d: {  	[tilespmem:s24+$0x60E0] =	vst v0;
	v0 =	vadd.f32 v6, v1;
	v1 =	vld [tilespmem:s24+$0x2120]  }
0x14e: {  	v6 =	vld [tilespmem:s24+$0x120]  }
0x14f: {  	[tilespmem:s24+$0x60F0] =	vst v0;
	v0 =	vadd.f32 v5, v3;
	v3 =	vld [tilespmem:s24+$0x2130]  }
0x150: {  	v5 =	vld [tilespmem:s24+$0x130]  }
0x151: {  	[tilespmem:s24+$0x6100] =	vst v0;
	v0 =	vadd.f32 v4, v2;
	v2 =	vld [tilespmem:s24+$0x2140]  }
0x152: {  	v4 =	vld [tilespmem:s24+$0x140]  }
0x153: {  	[tilespmem:s24+$0x6110] =	vst v0;
	v0 =	vadd.f32 v6, v1;
	v1 =	vld [tilespmem:s24+$0x2150]  }
0x154: {  	v6 =	vld [tilespmem:s24+$0x150]  }
0x155: {  	[tilespmem:s24+$0x6120] =	vst v0;
	v0 =	vadd.f32 v5, v3;
	v3 =	vld [tilespmem:s24+$0x2160]  }
0x156: {  	v5 =	vld [tilespmem:s24+$0x160]  }
0x157: {  	[tilespmem:s24+$0x6130] =	vst v0;
	v0 =	vadd.f32 v4, v2;
	v2 =	vld [tilespmem:s24+$0x2170]  }
0x158: {  	v4 =	vld [tilespmem:s24+$0x170]  }
0x159: {  	[tilespmem:s24+$0x6140] =	vst v0;
	v0 =	vadd.f32 v6, v1;
	v1 =	vld [tilespmem:s24+$0x2180]  }
0x15a: {  	v6 =	vld [tilespmem:s24+$0x180]  }
0x15b: {  	[tilespmem:s24+$0x6150] =	vst v0;
	v0 =	vadd.f32 v5, v3;
	v3 =	vld [tilespmem:s24+$0x2190]  }
0x15c: {  	v5 =	vld [tilespmem:s24+$0x190]  }
0x15d: {  	[tilespmem:s24+$0x6160] =	vst v0;
	v0 =	vadd.f32 v4, v2;
	v2 =	vld [tilespmem:s24+$0x21A0]  }
0x15e: {  	v4 =	vld [tilespmem:s24+$0x1A0]  }
0x15f: {  	[tilespmem:s24+$0x6170] =	vst v0;
	v0 =	vadd.f32 v6, v1;
	v1 =	vld [tilespmem:s24+$0x21B0]  }
0x160: {  	v6 =	vld [tilespmem:s24+$0x1B0]  }
0x161: {  	[tilespmem:s24+$0x6180] =	vst v0;
	v0 =	vadd.f32 v5, v3;
	v3 =	vld [tilespmem:s24+$0x21C0]  }
0x162: {  	v5 =	vld [tilespmem:s24+$0x1C0]  }
0x163: {  	[tilespmem:s24+$0x6190] =	vst v0;
	v0 =	vadd.f32 v4, v2;
	v2 =	vld [tilespmem:s24+$0x21D0]  }
0x164: {  	v4 =	vld [tilespmem:s24+$0x1D0]  }
0x165: {  	[tilespmem:s24+$0x61A0] =	vst v0;
	v0 =	vadd.f32 v6, v1;
	v1 =	vld [tilespmem:s24+$0x21E0]  }
0x166: {  	v6 =	vld [tilespmem:s24+$0x1E0]  }
0x167: {  	[tilespmem:s24+$0x61B0] =	vst v0;
	v0 =	vadd.f32 v5, v3;
	v3 =	vld [tilespmem:s24+$0x21F0]  }
0x168: {  	v5 =	vld [tilespmem:s24+$0x1F0]  }
0x169: {  	[tilespmem:s24+$0x61C0] =	vst v0;
	v0 =	vadd.f32 v4, v2;
	v2 =	vld [tilespmem:s24+$0x2200]  }
0x16a: {  	v4 =	vld [tilespmem:s24+$0x200]  }
0x16b: {  	[tilespmem:s24+$0x61D0] =	vst v0;
	v0 =	vadd.f32 v6, v1;
	v1 =	vld [tilespmem:s24+$0x2210]  }
0x16c: {  	v6 =	vld [tilespmem:s24+$0x210]  }
0x16d: {  	[tilespmem:s24+$0x61E0] =	vst v0;
	v0 =	vadd.f32 v5, v3;
	v3 =	vld [tilespmem:s24+$0x2220]  }
0x16e: {  	v5 =	vld [tilespmem:s24+$0x220]  }
0x16f: {  	[tilespmem:s24+$0x61F0] =	vst v0;
	v0 =	vadd.f32 v4, v2;
	v2 =	vld [tilespmem:s24+$0x2230]  }
0x170: {  	v4 =	vld [tilespmem:s24+$0x230]  }
0x171: {  	[tilespmem:s24+$0x6200] =	vst v0;
	v0 =	vadd.f32 v6, v1;
	v1 =	vld [tilespmem:s24+$0x2240]  }
0x172: {  	v6 =	vld [tilespmem:s24+$0x240]  }
0x173: {  	[tilespmem:s24+$0x6210] =	vst v0;
	v0 =	vadd.f32 v5, v3;
	v3 =	vld [tilespmem:s24+$0x2250]  }
0x174: {  	v5 =	vld [tilespmem:s24+$0x250]  }
0x175: {  	[tilespmem:s24+$0x6220] =	vst v0;
	v0 =	vadd.f32 v4, v2;
	v2 =	vld [tilespmem:s24+$0x2260]  }
0x176: {  	v4 =	vld [tilespmem:s24+$0x260]  }
0x177: {  	[tilespmem:s24+$0x6230] =	vst v0;
	v0 =	vadd.f32 v6, v1;
	v1 =	vld [tilespmem:s24+$0x2270]  }
0x178: {  	v6 =	vld [tilespmem:s24+$0x270]  }
0x179: {  	[tilespmem:s24+$0x6240] =	vst v0;
	v0 =	vadd.f32 v5, v3;
	v3 =	vld [tilespmem:s24+$0x2280]  }
0x17a: {  	v5 =	vld [tilespmem:s24+$0x280]  }
0x17b: {  	[tilespmem:s24+$0x6250] =	vst v0;
	v0 =	vadd.f32 v4, v2;
	v2 =	vld [tilespmem:s24+$0x2290]  }
0x17c: {  	v4 =	vld [tilespmem:s24+$0x290]  }
0x17d: {  	[tilespmem:s24+$0x6260] =	vst v0;
	v0 =	vadd.f32 v6, v1;
	v1 =	vld [tilespmem:s24+$0x22A0]  }
0x17e: {  	v6 =	vld [tilespmem:s24+$0x2A0]  }
0x17f: {  	[tilespmem:s24+$0x6270] =	vst v0;
	v0 =	vadd.f32 v5, v3;
	v3 =	vld [tilespmem:s24+$0x22B0]  }
0x180: {  	v5 =	vld [tilespmem:s24+$0x2B0]  }
0x181: {  	[tilespmem:s24+$0x6280] =	vst v0;
	v0 =	vadd.f32 v4, v2;
	v2 =	vld [tilespmem:s24+$0x22C0]  }
0x182: {  	v4 =	vld [tilespmem:s24+$0x2C0]  }
0x183: {  	[tilespmem:s24+$0x6290] =	vst v0;
	v0 =	vadd.f32 v6, v1;
	v1 =	vld [tilespmem:s24+$0x22D0]  }
0x184: {  	v6 =	vld [tilespmem:s24+$0x2D0]  }
0x185: {  	[tilespmem:s24+$0x62A0] =	vst v0;
	v0 =	vadd.f32 v5, v3;
	v3 =	vld [tilespmem:s24+$0x22E0]  }
0x186: {  	v5 =	vld [tilespmem:s24+$0x2E0]  }
0x187: {  	[tilespmem:s24+$0x62B0] =	vst v0;
	v0 =	vadd.f32 v4, v2;
	v2 =	vld [tilespmem:s24+$0x22F0]  }
0x188: {  	v4 =	vld [tilespmem:s24+$0x2F0]  }
0x189: {  	[tilespmem:s24+$0x62C0] =	vst v0;
	v0 =	vadd.f32 v6, v1;
	v1 =	vld [tilespmem:s24+$0x2300]  }
0x18a: {  	v6 =	vld [tilespmem:s24+$0x300]  }
0x18b: {  	[tilespmem:s24+$0x62D0] =	vst v0;
	v0 =	vadd.f32 v5, v3;
	v3 =	vld [tilespmem:s24+$0x2310]  }
0x18c: {  	v5 =	vld [tilespmem:s24+$0x310]  }
0x18d: {  	[tilespmem:s24+$0x62E0] =	vst v0;
	v0 =	vadd.f32 v4, v2;
	v2 =	vld [tilespmem:s24+$0x2320]  }
0x18e: {  	v4 =	vld [tilespmem:s24+$0x320]  }
0x18f: {  	[tilespmem:s24+$0x62F0] =	vst v0;
	v0 =	vadd.f32 v6, v1;
	v1 =	vld [tilespmem:s24+$0x2330]  }
0x190: {  	v6 =	vld [tilespmem:s24+$0x330]  }
0x191: {  	[tilespmem:s24+$0x6300] =	vst v0;
	v0 =	vadd.f32 v5, v3;
	v3 =	vld [tilespmem:s24+$0x2340]  }
0x192: {  	v5 =	vld [tilespmem:s24+$0x340]  }
0x193: {  	[tilespmem:s24+$0x6310] =	vst v0;
	v0 =	vadd.f32 v4, v2;
	v2 =	vld [tilespmem:s24+$0x2350]  }
0x194: {  	v4 =	vld [tilespmem:s24+$0x350]  }
0x195: {  	[tilespmem:s24+$0x6320] =	vst v0;
	v0 =	vadd.f32 v6, v1;
	v1 =	vld [tilespmem:s24+$0x2360]  }
0x196: {  	v6 =	vld [tilespmem:s24+$0x360]  }
0x197: {  	[tilespmem:s24+$0x6330] =	vst v0;
	v0 =	vadd.f32 v5, v3;
	v3 =	vld [tilespmem:s24+$0x2370]  }
0x198: {  	v5 =	vld [tilespmem:s24+$0x370]  }
0x199: {  	[tilespmem:s24+$0x6340] =	vst v0;
	v0 =	vadd.f32 v4, v2;
	v2 =	vld [tilespmem:s24+$0x2380]  }
0x19a: {  	v4 =	vld [tilespmem:s24+$0x380]  }
0x19b: {  	[tilespmem:s24+$0x6350] =	vst v0;
	v0 =	vadd.f32 v6, v1;
	v1 =	vld [tilespmem:s24+$0x2390]  }
0x19c: {  	v6 =	vld [tilespmem:s24+$0x390]  }
0x19d: {  	[tilespmem:s24+$0x6360] =	vst v0;
	v0 =	vadd.f32 v5, v3;
	v3 =	vld [tilespmem:s24+$0x23A0]  }
0x19e: {  	v5 =	vld [tilespmem:s24+$0x3A0]  }
0x19f: {  	[tilespmem:s24+$0x6370] =	vst v0;
	v0 =	vadd.f32 v4, v2;
	v2 =	vld [tilespmem:s24+$0x23B0]  }
0x1a0: {  	v4 =	vld [tilespmem:s24+$0x3B0]  }
0x1a1: {  	[tilespmem:s24+$0x6380] =	vst v0;
	v0 =	vadd.f32 v6, v1;
	v1 =	vld [tilespmem:s24+$0x23C0]  }
0x1a2: {  	v6 =	vld [tilespmem:s24+$0x3C0]  }
0x1a3: {  	[tilespmem:s24+$0x6390] =	vst v0;
	v0 =	vadd.f32 v5, v3;
	v3 =	vld [tilespmem:s24+$0x23D0]  }
0x1a4: {  	v5 =	vld [tilespmem:s24+$0x3D0]  }
0x1a5: {  	[tilespmem:s24+$0x63A0] =	vst v0;
	v0 =	vld [tilespmem:s24+$0x23E0];
	_ =	sdelay $0x1  }
0x1a6: {  	v2 =	vadd.f32 v4, v2  }
0x1a7: {  	v1 =	vadd.f32 v6, v1  }
0x1a8: {  	s21 =	sshll.u32 s21, $0x10;
	s22 =	sadd.s32 @!p0 $0x2, s20;
	[tilespmem:s24+$0x63B0] =	vst v2;
	v2 =	vadd.f32 v5, v3  }
0x1a9: {  	s21 =	sor.u32 s5, s21;
	s23 =	sshll.u32 @!p0 s22, $0x17;
	s22 =	sshrl.u32 @!p0 s22, $0x2;
	[tilespmem:s24+$0x63C0] =	vst v1;
	v0 =	vadd.f32 v7, v0  }
0x1aa: {  	s31 =	sadd.s32 s3, s21;
	s23 =	sor.u32 @!p0 s11, s23;
	s25 =	sshll.u32 @!p0 s22, $0x19;
	[tilespmem:s24+$0x63D0] =	vst v2  }
0x1ab: {  	s22 =	sshll.u32 @!p0 s22, $0xD;
	s23 =	ssub.s32 @!p0 s23, s25;
	[tilespmem:s24+$0x63E0] =	vst v0;
	s24 =	simm.s32 @p0 $0x2  }
0x1ac: {  	[hbm4b:s31+s4] =	stream.linear.scatter [tilespmem:s15], [sflag:$0x3], $0x2000, $0x38;
	[tilespmem:$0xA000] =	vst v63  }
0x1ad: {  	s22 =	sadd.s32 @!p0 s22, s23;
	_ =	swait.ge @p0 [sflag:s24], $0x2000  }
0x1ae: {  	s23 =	simm.s32 @!p0 $0x0;
	s22 =	sshrl.u32 @!p0 s22, $0x3;
	[sflag:s24] =	ssyncset.done @p0 $0x0  }
0x1af: {  	s22 =	sadd.s32 @!p0 s1, s22;
	[sflag:s24] =	ssyncadd.s32 @p0 $0xFFFFE000;
	s24 =	simm.s32 @!p0 $0x2000  }
0x1b0: {  	[tilespmem:s24], [sflag:$0x1] =	stream.linear.gather @!p0 [hbm4b:s22+s23], $0x2000, $0x38;
	[tilespmem:$0xA000] =	vst v63  }
0x1b1: {  	s22 =	simm.s32 @!p0 $0x2  }
0x1b2: {  	s22 =	simm.s32 @p0 $0x4  }
0x1b3: {  	_ =	swait.ge [sflag:s22], $0x2000  }
0x1b4: {  	[sflag:s22] =	ssyncset.done $0x0  }
0x1b5: {  	[sflag:s22] =	ssyncadd.s32 $0xFFFFE000;
	s22 =	simm.s32 $0x0  }
0x1b6: {  	v0 =	vld [tilespmem:s22+$0x43F0]  }
0x1b7: {  	v1 =	vld [tilespmem:s22+$0x3F0]  }
0x1b8: {  	v2 =	vld [tilespmem:s22+$0x4000]  }
0x1b9: {  	v3 =	vld [tilespmem:s22+$0x0]  }
0x1ba: {  	v4 =	vld [tilespmem:s22+$0x4010]  }
0x1bb: {  	v5 =	vld [tilespmem:s22+$0x10]  }
0x1bc: {  	v6 =	vld [tilespmem:s22+$0x4020]  }
0x1bd: {  	v7 =	vld [tilespmem:s22+$0x4030]  }
0x1be: {  	v0 =	vadd.f32 v1, v0;
	v1 =	vld [tilespmem:s22+$0x20]  }
0x1bf: {  	v2 =	vadd.f32 v3, v2;
	v3 =	vld [tilespmem:s22+$0x4040]  }
0x1c0: {  	[tilespmem:s22+$0x83F0] =	vst v0;
	v0 =	vld [tilespmem:s22+$0x30]  }
0x1c1: {  	[tilespmem:s22+$0x8000] =	vst v2;
	v2 =	vadd.f32 v5, v4;
	v4 =	vld [tilespmem:s22+$0x40]  }
0x1c2: {  	v5 =	vld [tilespmem:s22+$0x50]  }
0x1c3: {  	[tilespmem:s22+$0x8010] =	vst v2;
	v2 =	vld [tilespmem:s22+$0x4050];
	v1 =	vadd.f32 v1, v6  }
0x1c4: {  	v6 =	vld [tilespmem:s22+$0x60]  }
0x1c5: {  	[tilespmem:s22+$0x8020] =	vst v1;
	v0 =	vadd.f32 v0, v7;
	v1 =	vld [tilespmem:s22+$0x4060]  }
0x1c6: {  	v7 =	vld [tilespmem:s22+$0x3B0]  }
0x1c7: {  	[tilespmem:s22+$0x8030] =	vst v0;
	v0 =	vadd.f32 v4, v3;
	v3 =	vld [tilespmem:s22+$0x4070]  }
0x1c8: {  	v4 =	vld [tilespmem:s22+$0x70]  }
0x1c9: {  	[tilespmem:s22+$0x8040] =	vst v0;
	v0 =	vadd.f32 v5, v2;
	v2 =	vld [tilespmem:s22+$0x4080]  }
0x1ca: {  	v5 =	vld [tilespmem:s22+$0x80]  }
0x1cb: {  	[tilespmem:s22+$0x8050] =	vst v0;
	v0 =	vadd.f32 v6, v1;
	v1 =	vld [tilespmem:s22+$0x4090]  }
0x1cc: {  	v6 =	vld [tilespmem:s22+$0x90]  }
0x1cd: {  	[tilespmem:s22+$0x8060] =	vst v0;
	v0 =	vadd.f32 v4, v3;
	v3 =	vld [tilespmem:s22+$0x40A0]  }
0x1ce: {  	v4 =	vld [tilespmem:s22+$0xA0]  }
0x1cf: {  	[tilespmem:s22+$0x8070] =	vst v0;
	v0 =	vadd.f32 v5, v2;
	v2 =	vld [tilespmem:s22+$0x40B0]  }
0x1d0: {  	v5 =	vld [tilespmem:s22+$0xB0]  }
0x1d1: {  	[tilespmem:s22+$0x8080] =	vst v0;
	v0 =	vadd.f32 v6, v1;
	v1 =	vld [tilespmem:s22+$0x40C0]  }
0x1d2: {  	v6 =	vld [tilespmem:s22+$0xC0]  }
0x1d3: {  	[tilespmem:s22+$0x8090] =	vst v0;
	v0 =	vadd.f32 v4, v3;
	v3 =	vld [tilespmem:s22+$0x40D0]  }
0x1d4: {  	v4 =	vld [tilespmem:s22+$0xD0]  }
0x1d5: {  	[tilespmem:s22+$0x80A0] =	vst v0;
	v0 =	vadd.f32 v5, v2;
	v2 =	vld [tilespmem:s22+$0x40E0]  }
0x1d6: {  	v5 =	vld [tilespmem:s22+$0xE0]  }
0x1d7: {  	[tilespmem:s22+$0x80B0] =	vst v0;
	v0 =	vadd.f32 v6, v1;
	v1 =	vld [tilespmem:s22+$0x40F0]  }
0x1d8: {  	v6 =	vld [tilespmem:s22+$0xF0]  }
0x1d9: {  	[tilespmem:s22+$0x80C0] =	vst v0;
	v0 =	vadd.f32 v4, v3;
	v3 =	vld [tilespmem:s22+$0x4100]  }
0x1da: {  	v4 =	vld [tilespmem:s22+$0x100]  }
0x1db: {  	[tilespmem:s22+$0x80D0] =	vst v0;
	v0 =	vadd.f32 v5, v2;
	v2 =	vld [tilespmem:s22+$0x4110]  }
0x1dc: {  	v5 =	vld [tilespmem:s22+$0x110]  }
0x1dd: {  	[tilespmem:s22+$0x80E0] =	vst v0;
	v0 =	vadd.f32 v6, v1;
	v1 =	vld [tilespmem:s22+$0x4120]  }
0x1de: {  	v6 =	vld [tilespmem:s22+$0x120]  }
0x1df: {  	[tilespmem:s22+$0x80F0] =	vst v0;
	v0 =	vadd.f32 v4, v3;
	v3 =	vld [tilespmem:s22+$0x4130]  }
0x1e0: {  	v4 =	vld [tilespmem:s22+$0x130]  }
0x1e1: {  	[tilespmem:s22+$0x8100] =	vst v0;
	v0 =	vadd.f32 v5, v2;
	v2 =	vld [tilespmem:s22+$0x4140]  }
0x1e2: {  	v5 =	vld [tilespmem:s22+$0x140]  }
0x1e3: {  	[tilespmem:s22+$0x8110] =	vst v0;
	v0 =	vadd.f32 v6, v1;
	v1 =	vld [tilespmem:s22+$0x4150]  }
0x1e4: {  	v6 =	vld [tilespmem:s22+$0x150]  }
0x1e5: {  	[tilespmem:s22+$0x8120] =	vst v0;
	v0 =	vadd.f32 v4, v3;
	v3 =	vld [tilespmem:s22+$0x4160]  }
0x1e6: {  	v4 =	vld [tilespmem:s22+$0x160]  }
0x1e7: {  	[tilespmem:s22+$0x8130] =	vst v0;
	v0 =	vadd.f32 v5, v2;
	v2 =	vld [tilespmem:s22+$0x4170]  }
0x1e8: {  	v5 =	vld [tilespmem:s22+$0x170]  }
0x1e9: {  	[tilespmem:s22+$0x8140] =	vst v0;
	v0 =	vadd.f32 v6, v1;
	v1 =	vld [tilespmem:s22+$0x4180]  }
0x1ea: {  	v6 =	vld [tilespmem:s22+$0x180]  }
0x1eb: {  	[tilespmem:s22+$0x8150] =	vst v0;
	v0 =	vadd.f32 v4, v3;
	v3 =	vld [tilespmem:s22+$0x4190]  }
0x1ec: {  	v4 =	vld [tilespmem:s22+$0x190]  }
0x1ed: {  	[tilespmem:s22+$0x8160] =	vst v0;
	v0 =	vadd.f32 v5, v2;
	v2 =	vld [tilespmem:s22+$0x41A0]  }
0x1ee: {  	v5 =	vld [tilespmem:s22+$0x1A0]  }
0x1ef: {  	[tilespmem:s22+$0x8170] =	vst v0;
	v0 =	vadd.f32 v6, v1;
	v1 =	vld [tilespmem:s22+$0x41B0]  }
0x1f0: {  	v6 =	vld [tilespmem:s22+$0x1B0]  }
0x1f1: {  	[tilespmem:s22+$0x8180] =	vst v0;
	v0 =	vadd.f32 v4, v3;
	v3 =	vld [tilespmem:s22+$0x41C0]  }
0x1f2: {  	v4 =	vld [tilespmem:s22+$0x1C0]  }
0x1f3: {  	[tilespmem:s22+$0x8190] =	vst v0;
	v0 =	vadd.f32 v5, v2;
	v2 =	vld [tilespmem:s22+$0x41D0]  }
0x1f4: {  	v5 =	vld [tilespmem:s22+$0x1D0]  }
0x1f5: {  	[tilespmem:s22+$0x81A0] =	vst v0;
	v0 =	vadd.f32 v6, v1;
	v1 =	vld [tilespmem:s22+$0x41E0]  }
0x1f6: {  	v6 =	vld [tilespmem:s22+$0x1E0]  }
0x1f7: {  	[tilespmem:s22+$0x81B0] =	vst v0;
	v0 =	vadd.f32 v4, v3;
	v3 =	vld [tilespmem:s22+$0x41F0]  }
0x1f8: {  	v4 =	vld [tilespmem:s22+$0x1F0]  }
0x1f9: {  	[tilespmem:s22+$0x81C0] =	vst v0;
	v0 =	vadd.f32 v5, v2;
	v2 =	vld [tilespmem:s22+$0x4200]  }
0x1fa: {  	v5 =	vld [tilespmem:s22+$0x200]  }
0x1fb: {  	[tilespmem:s22+$0x81D0] =	vst v0;
	v0 =	vadd.f32 v6, v1;
	v1 =	vld [tilespmem:s22+$0x4210]  }
0x1fc: {  	v6 =	vld [tilespmem:s22+$0x210]  }
0x1fd: {  	[tilespmem:s22+$0x81E0] =	vst v0;
	v0 =	vadd.f32 v4, v3;
	v3 =	vld [tilespmem:s22+$0x4220]  }
0x1fe: {  	v4 =	vld [tilespmem:s22+$0x220]  }
0x1ff: {  	[tilespmem:s22+$0x81F0] =	vst v0;
	v0 =	vadd.f32 v5, v2;
	v2 =	vld [tilespmem:s22+$0x4230]  }
0x200: {  	v5 =	vld [tilespmem:s22+$0x230]  }
0x201: {  	[tilespmem:s22+$0x8200] =	vst v0;
	v0 =	vadd.f32 v6, v1;
	v1 =	vld [tilespmem:s22+$0x4240]  }
0x202: {  	v6 =	vld [tilespmem:s22+$0x240]  }
0x203: {  	[tilespmem:s22+$0x8210] =	vst v0;
	v0 =	vadd.f32 v4, v3;
	v3 =	vld [tilespmem:s22+$0x4250]  }
0x204: {  	v4 =	vld [tilespmem:s22+$0x250]  }
0x205: {  	[tilespmem:s22+$0x8220] =	vst v0;
	v0 =	vadd.f32 v5, v2;
	v2 =	vld [tilespmem:s22+$0x4260]  }
0x206: {  	v5 =	vld [tilespmem:s22+$0x260]  }
0x207: {  	[tilespmem:s22+$0x8230] =	vst v0;
	v0 =	vadd.f32 v6, v1;
	v1 =	vld [tilespmem:s22+$0x4270]  }
0x208: {  	v6 =	vld [tilespmem:s22+$0x270]  }
0x209: {  	[tilespmem:s22+$0x8240] =	vst v0;
	v0 =	vadd.f32 v4, v3;
	v3 =	vld [tilespmem:s22+$0x4280]  }
0x20a: {  	v4 =	vld [tilespmem:s22+$0x280]  }
0x20b: {  	[tilespmem:s22+$0x8250] =	vst v0;
	v0 =	vadd.f32 v5, v2;
	v2 =	vld [tilespmem:s22+$0x4290]  }
0x20c: {  	v5 =	vld [tilespmem:s22+$0x290]  }
0x20d: {  	[tilespmem:s22+$0x8260] =	vst v0;
	v0 =	vadd.f32 v6, v1;
	v1 =	vld [tilespmem:s22+$0x42A0]  }
0x20e: {  	v6 =	vld [tilespmem:s22+$0x2A0]  }
0x20f: {  	[tilespmem:s22+$0x8270] =	vst v0;
	v0 =	vadd.f32 v4, v3;
	v3 =	vld [tilespmem:s22+$0x42B0]  }
0x210: {  	v4 =	vld [tilespmem:s22+$0x2B0]  }
0x211: {  	[tilespmem:s22+$0x8280] =	vst v0;
	v0 =	vadd.f32 v5, v2;
	v2 =	vld [tilespmem:s22+$0x42C0]  }
0x212: {  	v5 =	vld [tilespmem:s22+$0x2C0]  }
0x213: {  	[tilespmem:s22+$0x8290] =	vst v0;
	v0 =	vadd.f32 v6, v1;
	v1 =	vld [tilespmem:s22+$0x42D0]  }
0x214: {  	v6 =	vld [tilespmem:s22+$0x2D0]  }
0x215: {  	[tilespmem:s22+$0x82A0] =	vst v0;
	v0 =	vadd.f32 v4, v3;
	v3 =	vld [tilespmem:s22+$0x42E0]  }
0x216: {  	v4 =	vld [tilespmem:s22+$0x2E0]  }
0x217: {  	[tilespmem:s22+$0x82B0] =	vst v0;
	v0 =	vadd.f32 v5, v2;
	v2 =	vld [tilespmem:s22+$0x42F0]  }
0x218: {  	v5 =	vld [tilespmem:s22+$0x2F0]  }
0x219: {  	[tilespmem:s22+$0x82C0] =	vst v0;
	v0 =	vadd.f32 v6, v1;
	v1 =	vld [tilespmem:s22+$0x4300]  }
0x21a: {  	v6 =	vld [tilespmem:s22+$0x300]  }
0x21b: {  	[tilespmem:s22+$0x82D0] =	vst v0;
	v0 =	vadd.f32 v4, v3;
	v3 =	vld [tilespmem:s22+$0x4310]  }
0x21c: {  	v4 =	vld [tilespmem:s22+$0x310]  }
0x21d: {  	[tilespmem:s22+$0x82E0] =	vst v0;
	v0 =	vadd.f32 v5, v2;
	v2 =	vld [tilespmem:s22+$0x4320]  }
0x21e: {  	v5 =	vld [tilespmem:s22+$0x320]  }
0x21f: {  	[tilespmem:s22+$0x82F0] =	vst v0;
	v0 =	vadd.f32 v6, v1;
	v1 =	vld [tilespmem:s22+$0x4330]  }
0x220: {  	v6 =	vld [tilespmem:s22+$0x330]  }
0x221: {  	[tilespmem:s22+$0x8300] =	vst v0;
	v0 =	vadd.f32 v4, v3;
	v3 =	vld [tilespmem:s22+$0x4340]  }
0x222: {  	v4 =	vld [tilespmem:s22+$0x340]  }
0x223: {  	[tilespmem:s22+$0x8310] =	vst v0;
	v0 =	vadd.f32 v5, v2;
	v2 =	vld [tilespmem:s22+$0x4350]  }
0x224: {  	v5 =	vld [tilespmem:s22+$0x350]  }
0x225: {  	[tilespmem:s22+$0x8320] =	vst v0;
	v0 =	vadd.f32 v6, v1;
	v1 =	vld [tilespmem:s22+$0x4360]  }
0x226: {  	v6 =	vld [tilespmem:s22+$0x360]  }
0x227: {  	[tilespmem:s22+$0x8330] =	vst v0;
	v0 =	vadd.f32 v4, v3;
	v3 =	vld [tilespmem:s22+$0x4370]  }
0x228: {  	v4 =	vld [tilespmem:s22+$0x370]  }
0x229: {  	[tilespmem:s22+$0x8340] =	vst v0;
	v0 =	vadd.f32 v5, v2;
	v2 =	vld [tilespmem:s22+$0x4380]  }
0x22a: {  	v5 =	vld [tilespmem:s22+$0x380]  }
0x22b: {  	[tilespmem:s22+$0x8350] =	vst v0;
	v0 =	vadd.f32 v6, v1;
	v1 =	vld [tilespmem:s22+$0x4390]  }
0x22c: {  	v6 =	vld [tilespmem:s22+$0x390]  }
0x22d: {  	[tilespmem:s22+$0x8360] =	vst v0;
	v0 =	vadd.f32 v4, v3;
	v3 =	vld [tilespmem:s22+$0x43A0]  }
0x22e: {  	v4 =	vld [tilespmem:s22+$0x3A0]  }
0x22f: {  	[tilespmem:s22+$0x8370] =	vst v0;
	v0 =	vadd.f32 v5, v2;
	v5 =	vld [tilespmem:s22+$0x43B0]  }
0x230: {  	v8 =	vld [tilespmem:s22+$0x3C0]  }
0x231: {  	[tilespmem:s22+$0x8380] =	vst v0;
	v0 =	vadd.f32 v6, v1;
	v6 =	vld [tilespmem:s22+$0x43C0]  }
0x232: {  	v2 =	vld [tilespmem:s22+$0x43D0]  }
0x233: {  	[tilespmem:s22+$0x8390] =	vst v0;
	v0 =	vadd.f32 v4, v3;
	v3 =	vld [tilespmem:s22+$0x3D0]  }
0x234: {  	v4 =	vld [tilespmem:s22+$0x3E0];
	v5 =	vadd.f32 v7, v5  }
0x235: {  	s24 =	simm.s32 $0x400;
	[tilespmem:s22+$0x83A0] =	vst v0;
	v0 =	vld [tilespmem:s22+$0x43E0]  }
0x236: {  	s23 =	simm.s32 $0x2000;
	v1 =	vld [tilespmem:s24+$0x43F0];
	[tilespmem:s22+$0x83B0] =	vst v5;
	v5 =	vadd.f32 v8, v6  }
.LBB2_5:
0x237: {  	p1 =	sne.s32 s23, $0x7000;
	v6 =	vld [tilespmem:s24+$0x3F0]  }
0x238: {  	v7 =	vld [tilespmem:s24+$0x4000];
	[tilespmem:s22+$0x83C0] =	vst v5;
	v2 =	vadd.f32 v3, v2  }
0x239: {  	v3 =	vld [tilespmem:s24+$0x0]  }
0x23a: {  	v5 =	vld [tilespmem:s24+$0x4010];
	[tilespmem:s22+$0x83D0] =	vst v2;
	v0 =	vadd.f32 v4, v0  }
0x23b: {  	v2 =	vld [tilespmem:s24+$0x10]  }
0x23c: {  	v4 =	vld [tilespmem:s24+$0x4020];
	v1 =	vadd.f32 v6, v1;
	[tilespmem:s22+$0x83E0] =	vst v0;
	s22 =	smov.u32 s24  }
0x23d: {  	v0 =	vld [tilespmem:s22+$0x20]  }
0x23e: {  	v3 =	vadd.f32 v3, v7;
	v6 =	vld [tilespmem:s22+$0x4030];
	[tilespmem:s22+$0x83F0] =	vst v1  }
0x23f: {  	v1 =	vld [tilespmem:s22+$0x30]  }
0x240: {  	[tilespmem:s22+$0x8000] =	vst v3;
	v2 =	vadd.f32 v2, v5;
	v3 =	vld [tilespmem:s22+$0x4040]  }
0x241: {  	v5 =	vld [tilespmem:s22+$0x40]  }
0x242: {  	[tilespmem:s22+$0x8010] =	vst v2;
	v0 =	vadd.f32 v0, v4;
	v2 =	vld [tilespmem:s22+$0x4050]  }
0x243: {  	v4 =	vld [tilespmem:s22+$0x50]  }
0x244: {  	[tilespmem:s22+$0x8020] =	vst v0;
	v0 =	vadd.f32 v1, v6;
	v1 =	vld [tilespmem:s22+$0x4060]  }
0x245: {  	v6 =	vld [tilespmem:s22+$0x60]  }
0x246: {  	[tilespmem:s22+$0x8030] =	vst v0;
	v0 =	vadd.f32 v5, v3;
	v3 =	vld [tilespmem:s22+$0x4070]  }
0x247: {  	v5 =	vld [tilespmem:s22+$0x70]  }
0x248: {  	[tilespmem:s22+$0x8040] =	vst v0;
	v0 =	vadd.f32 v4, v2;
	v2 =	vld [tilespmem:s22+$0x4080]  }
0x249: {  	v4 =	vld [tilespmem:s22+$0x80]  }
0x24a: {  	[tilespmem:s22+$0x8050] =	vst v0;
	v0 =	vadd.f32 v6, v1;
	v1 =	vld [tilespmem:s22+$0x4090]  }
0x24b: {  	v6 =	vld [tilespmem:s22+$0x90]  }
0x24c: {  	[tilespmem:s22+$0x8060] =	vst v0;
	v0 =	vadd.f32 v5, v3;
	v3 =	vld [tilespmem:s22+$0x40A0]  }
0x24d: {  	v5 =	vld [tilespmem:s22+$0xA0]  }
0x24e: {  	[tilespmem:s22+$0x8070] =	vst v0;
	v0 =	vadd.f32 v4, v2;
	v2 =	vld [tilespmem:s22+$0x40B0]  }
0x24f: {  	v4 =	vld [tilespmem:s22+$0xB0]  }
0x250: {  	[tilespmem:s22+$0x8080] =	vst v0;
	v0 =	vadd.f32 v6, v1;
	v1 =	vld [tilespmem:s22+$0x40C0]  }
0x251: {  	v6 =	vld [tilespmem:s22+$0xC0]  }
0x252: {  	[tilespmem:s22+$0x8090] =	vst v0;
	v0 =	vadd.f32 v5, v3;
	v3 =	vld [tilespmem:s22+$0x40D0]  }
0x253: {  	v5 =	vld [tilespmem:s22+$0xD0]  }
0x254: {  	[tilespmem:s22+$0x80A0] =	vst v0;
	v0 =	vadd.f32 v4, v2;
	v2 =	vld [tilespmem:s22+$0x40E0]  }
0x255: {  	v4 =	vld [tilespmem:s22+$0xE0]  }
0x256: {  	[tilespmem:s22+$0x80B0] =	vst v0;
	v0 =	vadd.f32 v6, v1;
	v1 =	vld [tilespmem:s22+$0x40F0]  }
0x257: {  	v6 =	vld [tilespmem:s22+$0xF0]  }
0x258: {  	[tilespmem:s22+$0x80C0] =	vst v0;
	v0 =	vadd.f32 v5, v3;
	v3 =	vld [tilespmem:s22+$0x4100]  }
0x259: {  	v5 =	vld [tilespmem:s22+$0x100]  }
0x25a: {  	[tilespmem:s22+$0x80D0] =	vst v0;
	v0 =	vadd.f32 v4, v2;
	v2 =	vld [tilespmem:s22+$0x4110]  }
0x25b: {  	v4 =	vld [tilespmem:s22+$0x110]  }
0x25c: {  	[tilespmem:s22+$0x80E0] =	vst v0;
	v0 =	vadd.f32 v6, v1;
	v1 =	vld [tilespmem:s22+$0x4120]  }
0x25d: {  	v6 =	vld [tilespmem:s22+$0x120]  }
0x25e: {  	[tilespmem:s22+$0x80F0] =	vst v0;
	v0 =	vadd.f32 v5, v3;
	v3 =	vld [tilespmem:s22+$0x4130]  }
0x25f: {  	v5 =	vld [tilespmem:s22+$0x130]  }
0x260: {  	[tilespmem:s22+$0x8100] =	vst v0;
	v0 =	vadd.f32 v4, v2;
	v2 =	vld [tilespmem:s22+$0x4140]  }
0x261: {  	v4 =	vld [tilespmem:s22+$0x140]  }
0x262: {  	[tilespmem:s22+$0x8110] =	vst v0;
	v0 =	vadd.f32 v6, v1;
	v1 =	vld [tilespmem:s22+$0x4150]  }
0x263: {  	v6 =	vld [tilespmem:s22+$0x150]  }
0x264: {  	[tilespmem:s22+$0x8120] =	vst v0;
	v0 =	vadd.f32 v5, v3;
	v3 =	vld [tilespmem:s22+$0x4160]  }
0x265: {  	v5 =	vld [tilespmem:s22+$0x160]  }
0x266: {  	[tilespmem:s22+$0x8130] =	vst v0;
	v0 =	vadd.f32 v4, v2;
	v2 =	vld [tilespmem:s22+$0x4170]  }
0x267: {  	v4 =	vld [tilespmem:s22+$0x170]  }
0x268: {  	[tilespmem:s22+$0x8140] =	vst v0;
	v0 =	vadd.f32 v6, v1;
	v1 =	vld [tilespmem:s22+$0x4180]  }
0x269: {  	v6 =	vld [tilespmem:s22+$0x180]  }
0x26a: {  	[tilespmem:s22+$0x8150] =	vst v0;
	v0 =	vadd.f32 v5, v3;
	v3 =	vld [tilespmem:s22+$0x4190]  }
0x26b: {  	v5 =	vld [tilespmem:s22+$0x190]  }
0x26c: {  	[tilespmem:s22+$0x8160] =	vst v0;
	v0 =	vadd.f32 v4, v2;
	v2 =	vld [tilespmem:s22+$0x41A0]  }
0x26d: {  	v4 =	vld [tilespmem:s22+$0x1A0]  }
0x26e: {  	[tilespmem:s22+$0x8170] =	vst v0;
	v0 =	vadd.f32 v6, v1;
	v1 =	vld [tilespmem:s22+$0x41B0]  }
0x26f: {  	v6 =	vld [tilespmem:s22+$0x1B0]  }
0x270: {  	[tilespmem:s22+$0x8180] =	vst v0;
	v0 =	vadd.f32 v5, v3;
	v3 =	vld [tilespmem:s22+$0x41C0]  }
0x271: {  	v5 =	vld [tilespmem:s22+$0x1C0]  }
0x272: {  	[tilespmem:s22+$0x8190] =	vst v0;
	v0 =	vadd.f32 v4, v2;
	v2 =	vld [tilespmem:s22+$0x41D0]  }
0x273: {  	v4 =	vld [tilespmem:s22+$0x1D0]  }
0x274: {  	[tilespmem:s22+$0x81A0] =	vst v0;
	v0 =	vadd.f32 v6, v1;
	v1 =	vld [tilespmem:s22+$0x41E0]  }
0x275: {  	v6 =	vld [tilespmem:s22+$0x1E0]  }
0x276: {  	[tilespmem:s22+$0x81B0] =	vst v0;
	v0 =	vadd.f32 v5, v3;
	v3 =	vld [tilespmem:s22+$0x41F0]  }
0x277: {  	v5 =	vld [tilespmem:s22+$0x1F0]  }
0x278: {  	[tilespmem:s22+$0x81C0] =	vst v0;
	v0 =	vadd.f32 v4, v2;
	v2 =	vld [tilespmem:s22+$0x4200]  }
0x279: {  	v4 =	vld [tilespmem:s22+$0x200]  }
0x27a: {  	[tilespmem:s22+$0x81D0] =	vst v0;
	v0 =	vadd.f32 v6, v1;
	v1 =	vld [tilespmem:s22+$0x4210]  }
0x27b: {  	v6 =	vld [tilespmem:s22+$0x210]  }
0x27c: {  	[tilespmem:s22+$0x81E0] =	vst v0;
	v0 =	vadd.f32 v5, v3;
	v3 =	vld [tilespmem:s22+$0x4220]  }
0x27d: {  	v5 =	vld [tilespmem:s22+$0x220]  }
0x27e: {  	[tilespmem:s22+$0x81F0] =	vst v0;
	v0 =	vadd.f32 v4, v2;
	v2 =	vld [tilespmem:s22+$0x4230]  }
0x27f: {  	v4 =	vld [tilespmem:s22+$0x230]  }
0x280: {  	[tilespmem:s22+$0x8200] =	vst v0;
	v0 =	vadd.f32 v6, v1;
	v1 =	vld [tilespmem:s22+$0x4240]  }
0x281: {  	v6 =	vld [tilespmem:s22+$0x240]  }
0x282: {  	[tilespmem:s22+$0x8210] =	vst v0;
	v0 =	vadd.f32 v5, v3;
	v3 =	vld [tilespmem:s22+$0x4250]  }
0x283: {  	v5 =	vld [tilespmem:s22+$0x250]  }
0x284: {  	[tilespmem:s22+$0x8220] =	vst v0;
	v0 =	vadd.f32 v4, v2;
	v2 =	vld [tilespmem:s22+$0x4260]  }
0x285: {  	v4 =	vld [tilespmem:s22+$0x260]  }
0x286: {  	[tilespmem:s22+$0x8230] =	vst v0;
	v0 =	vadd.f32 v6, v1;
	v1 =	vld [tilespmem:s22+$0x4270]  }
0x287: {  	v6 =	vld [tilespmem:s22+$0x270]  }
0x288: {  	[tilespmem:s22+$0x8240] =	vst v0;
	v0 =	vadd.f32 v5, v3;
	v3 =	vld [tilespmem:s22+$0x4280]  }
0x289: {  	v5 =	vld [tilespmem:s22+$0x280]  }
0x28a: {  	[tilespmem:s22+$0x8250] =	vst v0;
	v0 =	vadd.f32 v4, v2;
	v2 =	vld [tilespmem:s22+$0x4290]  }
0x28b: {  	v4 =	vld [tilespmem:s22+$0x290]  }
0x28c: {  	[tilespmem:s22+$0x8260] =	vst v0;
	v0 =	vadd.f32 v6, v1;
	v1 =	vld [tilespmem:s22+$0x42A0]  }
0x28d: {  	v6 =	vld [tilespmem:s22+$0x2A0]  }
0x28e: {  	[tilespmem:s22+$0x8270] =	vst v0;
	v0 =	vadd.f32 v5, v3;
	v3 =	vld [tilespmem:s22+$0x42B0]  }
0x28f: {  	v5 =	vld [tilespmem:s22+$0x2B0]  }
0x290: {  	[tilespmem:s22+$0x8280] =	vst v0;
	v0 =	vadd.f32 v4, v2;
	v2 =	vld [tilespmem:s22+$0x42C0]  }
0x291: {  	v4 =	vld [tilespmem:s22+$0x2C0]  }
0x292: {  	[tilespmem:s22+$0x8290] =	vst v0;
	v0 =	vadd.f32 v6, v1;
	v1 =	vld [tilespmem:s22+$0x42D0]  }
0x293: {  	v6 =	vld [tilespmem:s22+$0x2D0]  }
0x294: {  	[tilespmem:s22+$0x82A0] =	vst v0;
	v0 =	vadd.f32 v5, v3;
	v3 =	vld [tilespmem:s22+$0x42E0]  }
0x295: {  	v5 =	vld [tilespmem:s22+$0x2E0]  }
0x296: {  	[tilespmem:s22+$0x82B0] =	vst v0;
	v0 =	vadd.f32 v4, v2;
	v2 =	vld [tilespmem:s22+$0x42F0]  }
0x297: {  	v4 =	vld [tilespmem:s22+$0x2F0]  }
0x298: {  	[tilespmem:s22+$0x82C0] =	vst v0;
	v0 =	vadd.f32 v6, v1;
	v1 =	vld [tilespmem:s22+$0x4300]  }
0x299: {  	v6 =	vld [tilespmem:s22+$0x300]  }
0x29a: {  	[tilespmem:s22+$0x82D0] =	vst v0;
	v0 =	vadd.f32 v5, v3;
	v3 =	vld [tilespmem:s22+$0x4310]  }
0x29b: {  	v5 =	vld [tilespmem:s22+$0x310]  }
0x29c: {  	[tilespmem:s22+$0x82E0] =	vst v0;
	v0 =	vadd.f32 v4, v2;
	v2 =	vld [tilespmem:s22+$0x4320]  }
0x29d: {  	v4 =	vld [tilespmem:s22+$0x320]  }
0x29e: {  	[tilespmem:s22+$0x82F0] =	vst v0;
	v0 =	vadd.f32 v6, v1;
	v1 =	vld [tilespmem:s22+$0x4330]  }
0x29f: {  	v6 =	vld [tilespmem:s22+$0x330]  }
0x2a0: {  	[tilespmem:s22+$0x8300] =	vst v0;
	v0 =	vadd.f32 v5, v3;
	v3 =	vld [tilespmem:s22+$0x4340]  }
0x2a1: {  	v5 =	vld [tilespmem:s22+$0x340]  }
0x2a2: {  	[tilespmem:s22+$0x8310] =	vst v0;
	v0 =	vadd.f32 v4, v2;
	v2 =	vld [tilespmem:s22+$0x4350]  }
0x2a3: {  	v4 =	vld [tilespmem:s22+$0x350]  }
0x2a4: {  	[tilespmem:s22+$0x8320] =	vst v0;
	v0 =	vadd.f32 v6, v1;
	v1 =	vld [tilespmem:s22+$0x4360]  }
0x2a5: {  	v6 =	vld [tilespmem:s22+$0x360]  }
0x2a6: {  	[tilespmem:s22+$0x8330] =	vst v0;
	v0 =	vadd.f32 v5, v3;
	v3 =	vld [tilespmem:s22+$0x4370]  }
0x2a7: {  	v5 =	vld [tilespmem:s22+$0x370]  }
0x2a8: {  	[tilespmem:s22+$0x8340] =	vst v0;
	v0 =	vadd.f32 v4, v2;
	v2 =	vld [tilespmem:s22+$0x4380]  }
0x2a9: {  	v4 =	vld [tilespmem:s22+$0x380]  }
0x2aa: {  	[tilespmem:s22+$0x8350] =	vst v0;
	v0 =	vadd.f32 v6, v1;
	v1 =	vld [tilespmem:s22+$0x4390]  }
0x2ab: {  	v6 =	vld [tilespmem:s22+$0x390]  }
0x2ac: {  	[tilespmem:s22+$0x8360] =	vst v0;
	v0 =	vadd.f32 v5, v3;
	v3 =	vld [tilespmem:s22+$0x43A0]  }
0x2ad: {  	v5 =	vld [tilespmem:s22+$0x3A0]  }
0x2ae: {  	[tilespmem:s22+$0x8370] =	vst v0;
	v0 =	vadd.f32 v4, v2;
	v4 =	vld [tilespmem:s22+$0x43B0]  }
0x2af: {  	v7 =	vld [tilespmem:s22+$0x3B0]  }
0x2b0: {  	[tilespmem:s22+$0x8380] =	vst v0;
	v0 =	vadd.f32 v6, v1;
	v6 =	vld [tilespmem:s22+$0x43C0]  }
0x2b1: {  	v8 =	vld [tilespmem:s22+$0x3C0]  }
.Ltmp3:
0x2b2: {  	[tilespmem:s22+$0x8390] =	vst v0;
	v0 =	vadd.f32 v5, v3;
	v2 =	vld [tilespmem:s22+$0x43D0];
	(pc) =	sbr.rel @p1 .LBB2_5-.Ltmp3, $4  }
0x2b3: {  	v3 =	vld [tilespmem:s22+$0x3D0]  }
0x2b4: {  	[tilespmem:s22+$0x83A0] =	vst v0;
	v5 =	vadd.f32 v7, v4;
	v0 =	vld [tilespmem:s22+$0x43E0]  }
0x2b5: {  	s24 =	sshra.s32 s23, $0x2;
	v4 =	vld [tilespmem:s22+$0x3E0]  }
0x2b6: {  	s23 =	sadd.s32 $0x1000, s23;
	v1 =	vld [tilespmem:s24+$0x43F0];
	[tilespmem:s22+$0x83B0] =	vst v5;
	v5 =	vadd.f32 v8, v6  }
0x2b7: {  	v6 =	vld [tilespmem:s24+$0x3F0]  }
0x2b8: {  	v7 =	vld [tilespmem:s24+$0x4000];
	[tilespmem:s22+$0x83C0] =	vst v5;
	v2 =	vadd.f32 v3, v2  }
0x2b9: {  	v50 =	vld [tilespmem:s24+$0x0]  }
0x2ba: {  	v5 =	vld [tilespmem:s24+$0x4010];
	[tilespmem:s22+$0x83D0] =	vst v2;
	v0 =	vadd.f32 v4, v0  }
0x2bb: {  	v2 =	vld [tilespmem:s24+$0x10]  }
0x2bc: {  	v51 =	vld [tilespmem:s24+$0x4020];
	[tilespmem:s22+$0x83E0] =	vst v0  }
0x2bd: {  	v53 =	vld [tilespmem:s24+$0x20]  }
0x2be: {  	v54 =	vld [tilespmem:s24+$0x4030]  }
0x2bf: {  	v55 =	vld [tilespmem:s24+$0x30]  }
0x2c0: {  	v56 =	vld [tilespmem:s24+$0x4040]  }
0x2c1: {  	v57 =	vld [tilespmem:s24+$0x40]  }
0x2c2: {  	v58 =	vld [tilespmem:s24+$0x4050]  }
0x2c3: {  	v59 =	vld [tilespmem:s24+$0x50]  }
0x2c4: {  	v60 =	vld [tilespmem:s24+$0x4060]  }
0x2c5: {  	v61 =	vld [tilespmem:s24+$0x60]  }
0x2c6: {  	v63 =	vld [tilespmem:s24+$0x4070]  }
0x2c7: {  	v9 =	vld [tilespmem:s24+$0x70]  }
0x2c8: {  	v11 =	vld [tilespmem:s24+$0x4080]  }
0x2c9: {  	v12 =	vld [tilespmem:s24+$0x80]  }
0x2ca: {  	v14 =	vld [tilespmem:s24+$0x4090]  }
0x2cb: {  	v15 =	vld [tilespmem:s24+$0x90]  }
0x2cc: {  	v17 =	vld [tilespmem:s24+$0x40A0]  }
0x2cd: {  	v18 =	vld [tilespmem:s24+$0xA0]  }
0x2ce: {  	v20 =	vld [tilespmem:s24+$0x40B0]  }
0x2cf: {  	v21 =	vld [tilespmem:s24+$0xB0]  }
0x2d0: {  	v23 =	vld [tilespmem:s24+$0x40C0]  }
0x2d1: {  	v24 =	vld [tilespmem:s24+$0xC0]  }
0x2d2: {  	v26 =	vld [tilespmem:s24+$0x40D0]  }
0x2d3: {  	v27 =	vld [tilespmem:s24+$0xD0]  }
0x2d4: {  	v29 =	vld [tilespmem:s24+$0x40E0]  }
0x2d5: {  	v30 =	vld [tilespmem:s24+$0xE0]  }
0x2d6: {  	v32 =	vld [tilespmem:s24+$0x40F0]  }
0x2d7: {  	v33 =	vld [tilespmem:s24+$0xF0]  }
0x2d8: {  	v35 =	vld [tilespmem:s24+$0x4100]  }
0x2d9: {  	v36 =	vld [tilespmem:s24+$0x100]  }
0x2da: {  	v38 =	vld [tilespmem:s24+$0x4110]  }
0x2db: {  	v39 =	vld [tilespmem:s24+$0x110]  }
0x2dc: {  	v41 =	vld [tilespmem:s24+$0x4120]  }
0x2dd: {  	v42 =	vld [tilespmem:s24+$0x120]  }
0x2de: {  	v44 =	vld [tilespmem:s24+$0x4130]  }
0x2df: {  	v45 =	vld [tilespmem:s24+$0x130]  }
0x2e0: {  	v47 =	vld [tilespmem:s24+$0x4140]  }
0x2e1: {  	v48 =	vld [tilespmem:s24+$0x140]  }
0x2e2: {  	v3 =	vadd.f32 v50, v7;
	v50 =	vld [tilespmem:s24+$0x4150]  }
0x2e3: {  	v52 =	vadd.f32 v6, v1;
	v1 =	vadd.f32 v53, v51;
	v51 =	vld [tilespmem:s24+$0x150]  }
0x2e4: {  	v53 =	vld [tilespmem:s24+$0x4160]  }
0x2e5: {  	v0 =	vadd.f32 v55, v54;
	v54 =	vld [tilespmem:s24+$0x160]  }
0x2e6: {  	v62 =	vadd.f32 v57, v56;
	v56 =	vld [tilespmem:s24+$0x4170]  }
0x2e7: {  	v57 =	vld [tilespmem:s24+$0x170]  }
0x2e8: {  	v10 =	vadd.f32 v59, v58;
	v59 =	vld [tilespmem:s24+$0x4180]  }
0x2e9: {  	v13 =	vadd.f32 v61, v60;
	v60 =	vld [tilespmem:s24+$0x180]  }
0x2ea: {  	v16 =	vadd.f32 v9, v63;
	v63 =	vld [tilespmem:s24+$0x190]  }
0x2eb: {  	v9 =	vld [tilespmem:s24+$0x41A0]  }
0x2ec: {  	v19 =	vadd.f32 v12, v11;
	v12 =	vld [tilespmem:s24+$0x41B0]  }
0x2ed: {  	v22 =	vadd.f32 v15, v14;
	v15 =	vld [tilespmem:s24+$0x41C0]  }
0x2ee: {  	v25 =	vadd.f32 v18, v17;
	v18 =	vld [tilespmem:s24+$0x41D0]  }
0x2ef: {  	v28 =	vadd.f32 v21, v20;
	v21 =	vld [tilespmem:s24+$0x41E0]  }
0x2f0: {  	v31 =	vadd.f32 v24, v23;
	v24 =	vld [tilespmem:s24+$0x41F0]  }
0x2f1: {  	v34 =	vadd.f32 v27, v26;
	v27 =	vld [tilespmem:s24+$0x4200]  }
0x2f2: {  	v37 =	vadd.f32 v30, v29;
	v30 =	vld [tilespmem:s24+$0x4210]  }
0x2f3: {  	v40 =	vadd.f32 v33, v32;
	v33 =	vld [tilespmem:s24+$0x4220]  }
0x2f4: {  	v43 =	vadd.f32 v36, v35;
	v36 =	vld [tilespmem:s24+$0x4230]  }
0x2f5: {  	v46 =	vadd.f32 v39, v38;
	v39 =	vld [tilespmem:s24+$0x4240]  }
0x2f6: {  	v49 =	vadd.f32 v42, v41;
	v42 =	vld [tilespmem:s24+$0x4250]  }
0x2f7: {  	[tilespmem:s24+$0x83F0] =	vst v52;
	v52 =	vadd.f32 v45, v44;
	v45 =	vld [tilespmem:s24+$0x4260]  }
0x2f8: {  	v55 =	vadd.f32 v48, v47;
	v48 =	vld [tilespmem:s24+$0x4270]  }
0x2f9: {  	[tilespmem:s24+$0x8040] =	vst v62;
	v62 =	vld [tilespmem:s24+$0x4190]  }
0x2fa: {  	[tilespmem:s24+$0x8050] =	vst v10;
	v10 =	vld [tilespmem:s24+$0x1A0]  }
0x2fb: {  	[tilespmem:s24+$0x8060] =	vst v13;
	v13 =	vld [tilespmem:s24+$0x1B0]  }
0x2fc: {  	[tilespmem:s24+$0x8070] =	vst v16;
	v16 =	vld [tilespmem:s24+$0x1C0]  }
0x2fd: {  	[tilespmem:s24+$0x8080] =	vst v19;
	v19 =	vld [tilespmem:s24+$0x1D0]  }
0x2fe: {  	[tilespmem:s24+$0x8090] =	vst v22;
	v22 =	vld [tilespmem:s24+$0x1E0]  }
0x2ff: {  	[tilespmem:s24+$0x80A0] =	vst v25;
	v25 =	vld [tilespmem:s24+$0x1F0]  }
0x300: {  	[tilespmem:s24+$0x80B0] =	vst v28;
	v28 =	vld [tilespmem:s24+$0x200]  }
0x301: {  	[tilespmem:s24+$0x80C0] =	vst v31;
	v31 =	vld [tilespmem:s24+$0x210]  }
0x302: {  	[tilespmem:s24+$0x80D0] =	vst v34;
	v34 =	vld [tilespmem:s24+$0x220]  }
0x303: {  	[tilespmem:s24+$0x80E0] =	vst v37;
	v37 =	vld [tilespmem:s24+$0x230]  }
0x304: {  	[tilespmem:s24+$0x80F0] =	vst v40;
	v40 =	vld [tilespmem:s24+$0x240]  }
0x305: {  	[tilespmem:s24+$0x8100] =	vst v43;
	v43 =	vld [tilespmem:s24+$0x250]  }
0x306: {  	[tilespmem:s24+$0x8110] =	vst v46;
	v46 =	vld [tilespmem:s24+$0x260]  }
0x307: {  	[tilespmem:s24+$0x8120] =	vst v49;
	v49 =	vld [tilespmem:s24+$0x270]  }
0x308: {  	[tilespmem:s24+$0x8130] =	vst v52;
	v52 =	vld [tilespmem:s24+$0x280]  }
0x309: {  	[tilespmem:s24+$0x8140] =	vst v55;
	v55 =	vld [tilespmem:s24+$0x290]  }
0x30a: {  	v58 =	vadd.f32 v51, v50;
	v51 =	vld [tilespmem:s24+$0x4280]  }
0x30b: {  	v61 =	vadd.f32 v54, v53;
	v54 =	vld [tilespmem:s24+$0x4290]  }
0x30c: {  	v8 =	vadd.f32 v57, v56;
	v57 =	vld [tilespmem:s24+$0x42A0]  }
0x30d: {  	v11 =	vadd.f32 v60, v59;
	v60 =	vld [tilespmem:s24+$0x42B0]  }
0x30e: {  	[tilespmem:s24+$0x8150] =	vst v58;
	v58 =	vld [tilespmem:s24+$0x2A0]  }
0x30f: {  	[tilespmem:s24+$0x8160] =	vst v61;
	v61 =	vld [tilespmem:s24+$0x2B0]  }
0x310: {  	v14 =	vadd.f32 v63, v62;
	v63 =	vld [tilespmem:s24+$0x42C0]  }
0x311: {  	[tilespmem:s24+$0x8000] =	vst v3;
	v2 =	vadd.f32 v2, v5;
	v17 =	vadd.f32 v10, v9;
	v9 =	vld [tilespmem:s24+$0x2C0]  }
0x312: {  	[tilespmem:s24+$0x8180] =	vst v11;
	v11 =	vld [tilespmem:s24+$0x42D0]  }
0x313: {  	[tilespmem:s24+$0x8010] =	vst v2;
	v20 =	vadd.f32 v13, v12;
	v12 =	vld [tilespmem:s24+$0x2D0]  }
0x314: {  	[tilespmem:s24+$0x8020] =	vst v1;
	v23 =	vadd.f32 v16, v15;
	v15 =	vld [tilespmem:s24+$0x2E0]  }
0x315: {  	[tilespmem:s24+$0x8030] =	vst v0;
	v26 =	vadd.f32 v19, v18;
	v18 =	vld [tilespmem:s24+$0x2F0]  }
0x316: {  	[tilespmem:s24+$0x8170] =	vst v8;
	v29 =	vadd.f32 v22, v21;
	v21 =	vld [tilespmem:s24+$0x300]  }
0x317: {  	v32 =	vadd.f32 v25, v24;
	v24 =	vld [tilespmem:s24+$0x310];
	[tilespmem:s24+$0x8190] =	vst v14  }
0x318: {  	v35 =	vadd.f32 v28, v27;
	v27 =	vld [tilespmem:s24+$0x320];
	[tilespmem:s24+$0x81A0] =	vst v17  }
0x319: {  	v38 =	vadd.f32 v31, v30;
	v30 =	vld [tilespmem:s24+$0x330];
	[tilespmem:s24+$0x81B0] =	vst v20  }
0x31a: {  	v41 =	vadd.f32 v34, v33;
	v33 =	vld [tilespmem:s24+$0x340];
	[tilespmem:s24+$0x81C0] =	vst v23  }
0x31b: {  	v44 =	vadd.f32 v37, v36;
	v36 =	vld [tilespmem:s24+$0x350];
	[tilespmem:s24+$0x81D0] =	vst v26  }
0x31c: {  	v47 =	vadd.f32 v40, v39;
	v39 =	vld [tilespmem:s24+$0x360];
	[tilespmem:s24+$0x81E0] =	vst v29  }
0x31d: {  	v50 =	vadd.f32 v43, v42;
	v42 =	vld [tilespmem:s24+$0x370];
	[tilespmem:s24+$0x81F0] =	vst v32  }
0x31e: {  	v53 =	vadd.f32 v46, v45;
	v45 =	vld [tilespmem:s24+$0x380];
	[tilespmem:s24+$0x8200] =	vst v35  }
0x31f: {  	v56 =	vadd.f32 v49, v48;
	v48 =	vld [tilespmem:s24+$0x390];
	[tilespmem:s24+$0x8210] =	vst v38  }
0x320: {  	[tilespmem:s24+$0x8220] =	vst v41;
	v14 =	vld [tilespmem:s24+$0x42E0]  }
0x321: {  	[tilespmem:s24+$0x8230] =	vst v44;
	v17 =	vld [tilespmem:s24+$0x42F0]  }
0x322: {  	[tilespmem:s24+$0x8240] =	vst v47;
	v20 =	vld [tilespmem:s24+$0x4300]  }
0x323: {  	[tilespmem:s24+$0x8250] =	vst v50;
	v23 =	vld [tilespmem:s24+$0x4310]  }
0x324: {  	[tilespmem:s24+$0x8260] =	vst v53;
	v26 =	vld [tilespmem:s24+$0x4320];
	v59 =	vadd.f32 v52, v51  }
0x325: {  	[tilespmem:s24+$0x8270] =	vst v56;
	v29 =	vld [tilespmem:s24+$0x4330];
	v62 =	vadd.f32 v55, v54  }
0x326: {  	v32 =	vld [tilespmem:s24+$0x4340];
	[tilespmem:s24+$0x8280] =	vst v59;
	v10 =	vadd.f32 v58, v57  }
0x327: {  	v35 =	vld [tilespmem:s24+$0x4350];
	[tilespmem:s24+$0x8290] =	vst v62;
	v13 =	vadd.f32 v61, v60  }
0x328: {  	v38 =	vld [tilespmem:s24+$0x4360];
	v16 =	vadd.f32 v9, v63;
	[tilespmem:s24+$0x82A0] =	vst v10  }
0x329: {  	v41 =	vld [tilespmem:s24+$0x4370];
	v19 =	vadd.f32 v12, v11;
	[tilespmem:s24+$0x82B0] =	vst v13  }
0x32a: {  	v44 =	vld [tilespmem:s24+$0x4380];
	[tilespmem:s24+$0x82C0] =	vst v16;
	v22 =	vadd.f32 v15, v14  }
0x32b: {  	v47 =	vld [tilespmem:s24+$0x4390];
	[tilespmem:s24+$0x82D0] =	vst v19;
	v25 =	vadd.f32 v18, v17  }
0x32c: {  	v50 =	vld [tilespmem:s24+$0x43A0];
	v28 =	vadd.f32 v21, v20;
	[tilespmem:s24+$0x82E0] =	vst v22  }
0x32d: {  	v53 =	vld [tilespmem:s24+$0x43B0];
	v31 =	vadd.f32 v24, v23;
	[tilespmem:s24+$0x82F0] =	vst v25  }
0x32e: {  	v56 =	vld [tilespmem:s24+$0x43C0];
	v34 =	vadd.f32 v27, v26;
	[tilespmem:s24+$0x8300] =	vst v28  }
0x32f: {  	v51 =	vld [tilespmem:s24+$0x3A0];
	v37 =	vadd.f32 v30, v29;
	[tilespmem:s24+$0x8310] =	vst v31  }
0x330: {  	v54 =	vld [tilespmem:s24+$0x3B0];
	v40 =	vadd.f32 v33, v32;
	[tilespmem:s24+$0x8320] =	vst v34  }
0x331: {  	v57 =	vld [tilespmem:s24+$0x3C0];
	v43 =	vadd.f32 v36, v35;
	[tilespmem:s24+$0x8330] =	vst v37  }
0x332: {  	v59 =	vld [tilespmem:s24+$0x43D0];
	v46 =	vadd.f32 v39, v38;
	[tilespmem:s24+$0x8340] =	vst v40  }
0x333: {  	v60 =	vld [tilespmem:s24+$0x3D0];
	v49 =	vadd.f32 v42, v41;
	[tilespmem:s24+$0x8350] =	vst v43  }
0x334: {  	v61 =	vld [tilespmem:s24+$0x43E0];
	v52 =	vadd.f32 v45, v44;
	[tilespmem:s24+$0x8360] =	vst v46  }
0x335: {  	v62 =	vld [tilespmem:s24+$0x3E0];
	v55 =	vadd.f32 v48, v47;
	[tilespmem:s24+$0x8370] =	vst v49  }
0x336: {  	v58 =	vadd.f32 v51, v50;
	[tilespmem:s24+$0x8380] =	vst v52  }
0x337: {  	v2 =	vadd.f32 v54, v53;
	[tilespmem:s24+$0x8390] =	vst v55  }
0x338: {  	[tilespmem:s24+$0x83A0] =	vst v58;
	v1 =	vadd.f32 v57, v56  }
.Ltmp4:
0x339: {  	[tilespmem:s24+$0x83B0] =	vst v2;
	v63 =	vadd.f32 v60, v59;
	(pc) =	sbr.rel @p0 .LBB2_8-.Ltmp4, $4  }
0x33a: {  	v0 =	vadd.f32 v62, v61;
	[tilespmem:s24+$0x83C0] =	vst v1  }
0x33b: {  	[tilespmem:s24+$0x83D0] =	vst v63  }
0x33c: {  	s21 =	sadd.s32 s21, s9;
	[tilespmem:s24+$0x83E0] =	vst v0  }
0x33d: {  	[hbm4b:s21+s4] =	stream.linear.scatter [tilespmem:s16], [sflag:$0x4], $0x2000, $0x38;
	[tilespmem:$0xA000] =	vst v63  }
0x33e: {  	s20 =	sadd.s32 $0x3, s20  }
0x33f: {  	s21 =	sshll.u32 s20, $0x17;
	s20 =	sshrl.u32 s20, $0x2  }
.Ltmp5:
0x340: {  	s21 =	sor.u32 s11, s21;
	s22 =	sshll.u32 s20, $0x19;
	(pc) =	sbr.rel .LBB2_2-.Ltmp5, $4  }
0x341: {  	s20 =	sshll.u32 s20, $0xD;
	s21 =	ssub.s32 s21, s22  }
0x342: {  	s20 =	sadd.s32 s20, s21  }
0x343: {  	p0 =	por $0x1, $0x1;
	s20 =	sshrl.u32 s20, $0x3  }
0x344: {  	p1 =	por $0x0, $0x0;
	s21 =	simm.s32 $0x1;
	s20 =	sadd.s32 s1, s20  }
.LBB2_9:
0x345: {  	_ =	sfence.sel $0x180000  }
0x346: {  	[bflag:$0x0] =	sbarrier.arrive $0xFFFF  }
0x347: {  	p0 =	sne.s32 s2, $0x0;
	_ =	strace $0x90000047  }
0x348: {  	s0 =	sadd.s32 @!p0 $0x100000, s0;
	[bflag:$0x2] =	sbarrier.arrive $0xFFFF  }
0x349: {  	[sflag:s0] =	ssyncadd.tile.s32 @!p0 $0x1;
	_ =	shalt  }
.Lfunc_end2:
_tile_overlayer_lowered:
.L_overlay_start_2:
0x34a: {  	(tag) =	ssettag $0x2  }
0x34b: {  	s0 =	rddreg [dreg:$0x0];
	s2 =	stileid.u32  }
0x34c: {  	s1 =	rddreg [dreg:$0x1];
	p0 =	sne.s32 s2, $0x0  }
0x34d: {  	s3 =	rddreg [dreg:$0x2];
	[bflag:$0x3] =	sbarrier.arrive $0xFFFF;
	s2 =	simm.s32 @!p0 $0x1C05  }
0x34e: {  	[timem:s3], [sflag:s2] =	dma.local @!p0 [hbm:s0], s1  }
0x34f: {  	s0 =	simm.s32 @!p0 $0x5  }
0x350: {  	_ =	swait.ge @!p0 [sflag:s0], s1  }
0x351: {  	s1 =	ssub.s32 @!p0 $0x0, s1;
	[sflag:s0] =	ssyncset.done @!p0 $0x0  }
0x352: {  	[sflag:s0] =	ssyncadd.s32 @!p0 s1  }
0x353: {  	[bflag:$0x3] =	sbarrier.arrive $0xFFFF  }
0x354: {  	_ =	shalt  }

</sc_bundles>
